<compile_context>
chip_gen: v7x
topology: tpu7x:2x2x1
jax: 0.10.2.dev20260603
libtpu: 0.0.44.dev20260713+nightly
codegen_flags: <defaults>
</compile_context>

<pallas_src>
import functools

import jax
import jax.numpy as jnp
from jax import lax
from jax.experimental import pallas as pl
from jax.experimental.pallas import tpu as pltpu
from jax.experimental.pallas import tpu_sc as plsc

_N = 9984
_E = 319488
_B = 78
_F = 128
_H = 256
_CH = 128
_NCH = _E // _CH
_NSC = 2
_NT = 16
_DCH = _NCH // (_NSC * _NT)
_SL = _N // _NT

_CC = 104
_ET = _E // _NT
_CT = _ET // _CC
_CG = 6
_CNG = _CT // _CG

_mesh = plsc.VectorSubcoreMesh(core_axis_name="c", subcore_axis_name="s")


_DDRAIN = 8


@functools.partial(
    pl.kernel,
    out_type=jax.ShapeDtypeStruct((_NSC * _N, _F), jnp.float32),
    mesh=_mesh,
    scratch_types=[
        pltpu.VMEM((_DCH, _CH), jnp.int32),
        pltpu.VMEM((_CH, _F), jnp.float32),
        pltpu.VMEM_SHARED((_N, _F), jnp.float32),
        pltpu.SemaphoreType.DMA,
    ],
)
def _deg_sc(dstr_hbm, ones_hbm, zeros_hbm, out_hbm, idx_v, ones_v, acc, ssem):
    c = lax.axis_index("c")
    s = lax.axis_index("s")
    w = c * _NT + s
    pltpu.sync_copy(dstr_hbm.at[w], idx_v)
    pltpu.sync_copy(ones_hbm, ones_v)
    pltpu.sync_copy(zeros_hbm.at[pl.ds(s * _SL, _SL)], acc.at[pl.ds(s * _SL, _SL)])
    plsc.subcore_barrier()

    def _drain():
        pltpu.make_async_copy(ones_hbm, ones_v, ssem).wait()

    def body(j, carry):
        pltpu.async_copy(ones_v, acc.at[idx_v.at[j]], ssem, add=True)

        @pl.when(j >= _DDRAIN)
        def _():
            _drain()

        return carry

    lax.fori_loop(0, _DCH, body, 0)
    for _ in range(_DDRAIN):
        _drain()
    plsc.subcore_barrier()
    pltpu.sync_copy(acc.at[pl.ds(s * _SL, _SL)],
                    out_hbm.at[pl.ds(c * _N + s * _SL, _SL)])


@functools.partial(
    pl.kernel,
    out_type=jax.ShapeDtypeStruct((_NSC * _N, _F), jnp.float32),
    mesh=_mesh,
    scratch_types=[
        pltpu.VMEM((3, 2, _CG, _CC), jnp.int32),
        pltpu.VMEM((3, _CC, _F), jnp.float32),
        pltpu.VMEM_SHARED((_N, _F), jnp.float32),
        [pltpu.SemaphoreType.DMA] * 3,
        [pltpu.SemaphoreType.DMA] * 3,
        pltpu.SemaphoreType.DMA,
    ],
)
def _conv_sc(g_hbm, idx_hbm, out_hbm, idx_v, buf, acc, gsems, ssems, isem):
    c = lax.axis_index("c")
    s = lax.axis_index("s")
    pltpu.sync_copy(g_hbm.at[pl.ds(c * _N + s * _SL, _SL)],
                    acc.at[pl.ds(s * _SL, _SL)])
    plsc.subcore_barrier()

    def _gdrain(k):
        pltpu.make_async_copy(g_hbm.at[pl.ds(0, _CC)], buf.at[k % 3],
                              gsems[k % 3]).wait()

    def _sdrain(k):
        pltpu.make_async_copy(g_hbm.at[pl.ds(0, _CC)], buf.at[k % 3],
                              ssems[k % 3]).wait()

    def _idrain():
        pltpu.make_async_copy(idx_hbm.at[c, s, 0], idx_v.at[0], isem).wait()

    def _islot(gi):
        return lax.rem(gi, 3)

    pltpu.sync_copy(idx_hbm.at[c, s, 0], idx_v.at[0])
    pltpu.async_copy(idx_hbm.at[c, s, 1], idx_v.at[1], isem)
    pltpu.async_copy(g_hbm.at[idx_v.at[0, 0, 0]], buf.at[0], gsems[0])
    pltpu.async_copy(g_hbm.at[idx_v.at[0, 0, 1]], buf.at[1], gsems[1])

    def grp(gp, carry):
        @pl.when(gp < _CNG - 1)
        def _():
            _idrain()

        @pl.when(gp < _CNG - 2)
        def _():
            sl2 = _islot(gp + 2)
            pltpu.async_copy(idx_hbm.at[c, s, gp + 2], idx_v.at[sl2], isem)

        sl0 = _islot(gp)
        sl1 = _islot(gp + 1)
        for k in range(_CG):
            _gdrain(k)
            if k == 0:
                @pl.when(gp > 0)
                def _():
                    _sdrain(k - 1)
            else:
                _sdrain(k - 1)
            qrow = (k + 2) % _CG
            qsl = sl1 if k >= _CG - 2 else sl0
            if k >= _CG - 2:
                @pl.when(gp < _CNG - 1)
                def _():
                    pltpu.async_copy(g_hbm.at[idx_v.at[qsl, 0, qrow]],
                                     buf.at[(k + 2) % 3], gsems[(k + 2) % 3])
            else:
                pltpu.async_copy(g_hbm.at[idx_v.at[qsl, 0, qrow]],
                                 buf.at[(k + 2) % 3], gsems[(k + 2) % 3])
            pltpu.async_copy(buf.at[k % 3], acc.at[idx_v.at[sl0, 1, k]],
                             ssems[k % 3], add=True)
        return carry

    lax.fori_loop(0, _CNG, grp, 0)
    _sdrain(_CG - 1)
    plsc.subcore_barrier()
    pltpu.sync_copy(acc.at[pl.ds(s * _SL, _SL)],
                    out_hbm.at[pl.ds(c * _N + s * _SL, _SL)])


def _bn_relu(u):
    m = jnp.mean(u, axis=0)
    v = jnp.mean((u - m) ** 2, axis=0)
    return jnp.maximum((u - m) * lax.rsqrt(v + 1e-5), 0.0)


def _tc0_body(x_ref, t_ref, wt_ref, bt_ref, w1_ref, deg_ref, g_ref, dinv_ref):
    deg = (deg_ref[pl.ds(0, _N), pl.ds(0, 1)]
           + deg_ref[pl.ds(_N, _N), pl.ds(0, 1)] + 1.0)
    dinv = lax.rsqrt(deg)
    dinv_ref[...] = dinv
    z = jnp.dot(t_ref[...], wt_ref[...], preferred_element_type=jnp.float32)
    z = z + bt_ref[...][None, :]
    te = _bn_relu(z)
    ts = jnp.dot(te, w1_ref[_F:, :], preferred_element_type=jnp.float32)
    big = jnp.dot(x_ref[...], w1_ref[:_F, :], preferred_element_type=jnp.float32)
    rep = jnp.broadcast_to(ts[:, None, :], (_B, _F, _H)).reshape(_N, _H)
    g = (big + rep) * dinv
    g_ref[pl.ds(0, _N), :] = g[:, :_F]
    g_ref[pl.ds(_N, _N), :] = g[:, _F:]


def _tc_mid_body(a_ref, dinv_ref, b_ref, w_ref, g_ref):
    dinv = dinv_ref[...]
    u0 = a_ref[pl.ds(0, _N), :] * dinv + b_ref[...][None, :_F]
    u1 = a_ref[pl.ds(_N, _N), :] * dinv + b_ref[...][None, _F:]
    x0 = _bn_relu(u0)
    x1 = _bn_relu(u1)
    g = jnp.dot(x0, w_ref[:_F, :], preferred_element_type=jnp.float32)
    g = g + jnp.dot(x1, w_ref[_F:, :], preferred_element_type=jnp.float32)
    g = g * dinv
    g_ref[pl.ds(0, _N), :] = g[:, :_F]
    g_ref[pl.ds(_N, _N), :] = g[:, _F:]


def _tc_fin_body(a_ref, dinv_ref, b_ref, out_ref):
    dinv = dinv_ref[...]
    u0 = a_ref[pl.ds(0, _N), :] * dinv + b_ref[...][None, :_F]
    u1 = a_ref[pl.ds(_N, _N), :] * dinv + b_ref[...][None, _F:]
    out_ref[:, :_F] = _bn_relu(u0)
    out_ref[:, _F:] = _bn_relu(u1)


_tc0 = pl.pallas_call(
    _tc0_body,
    out_shape=[jax.ShapeDtypeStruct((_NSC * _N, _F), jnp.float32),
               jax.ShapeDtypeStruct((_N, 1), jnp.float32)],
)

_tc_mid = pl.pallas_call(
    _tc_mid_body,
    out_shape=jax.ShapeDtypeStruct((_NSC * _N, _F), jnp.float32),
)

_tc_fin = pl.pallas_call(
    _tc_fin_body,
    out_shape=jax.ShapeDtypeStruct((_N, _H), jnp.float32),
)


def kernel(x, t, edge_index, Wt, bt, W1, b1, W2, b2, W3, b3):
    src = edge_index[0]
    dst = edge_index[1]
    srcp = jnp.concatenate([src, src + _N]).reshape(_NSC, _NT, _CNG, 1, _CG, _CC)
    dstp = jnp.broadcast_to(dst.reshape(1, _NT, _CNG, 1, _CG, _CC),
                            (_NSC, _NT, _CNG, 1, _CG, _CC))
    idxc = jnp.concatenate([srcp, dstp], axis=3)

    dstr_deg = dst.reshape(_NSC * _NT, _DCH, _CH)
    ones128 = jnp.ones((_CH, _F), jnp.float32)
    zeros_tab = jnp.zeros((_N, _F), jnp.float32)
    degf = _deg_sc(dstr_deg, ones128, zeros_tab)
    g, dinv = _tc0(x, t, Wt, bt, W1, degf)
    a = _conv_sc(g, idxc)
    g = _tc_mid(a, dinv, b1, W2)
    a = _conv_sc(g, idxc)
    g = _tc_mid(a, dinv, b2, W3)
    a = _conv_sc(g, idxc)
    return _tc_fin(a, dinv, b3)

# --- scband reference (transcript-rebuilt; emitter-appended) ---
"""Pipeline reference for scband-temporal-gcnblock-7533372637954 (READ-ONLY COPY).

The authoritative reference and input builder live on the scoring server;
editing this copy changes nothing except your own understanding.
"""

import jax, jax.numpy as jnp
import numpy as np

NUM_NODE_FEAT = 128
HIDDEN = 256
TIME_CH = 128
B = 78
N = B * NUM_NODE_FEAT  # 9984 (forward requires N == batch_of_t * num_node_feat)
E = 319488


def _xavier(key, shape):
    bound = float(np.sqrt(6.0 / (shape[0] + shape[1])))
    return jax.random.uniform(key, shape, minval=-bound, maxval=bound, dtype=jnp.float32)


def setup_inputs(seed: int = 0) -> dict:
    key = jax.random.key(seed)
    ks = jax.random.split(key, 12)
    x = jax.random.normal(ks[0], (N, NUM_NODE_FEAT), dtype=jnp.float32)
    t = jax.random.normal(ks[1], (B, TIME_CH), dtype=jnp.float32)
    edge_index = jax.random.randint(ks[2], (2, E), 0, N, dtype=jnp.int32)
    # time_emb Linear(time_channels, num_node_feat) -- xavier weight, zero bias
    Wt = _xavier(ks[3], (TIME_CH, NUM_NODE_FEAT))
    bt = jnp.zeros((NUM_NODE_FEAT,), dtype=jnp.float32)
    # GCNConv weights (PyG stores weight as [in, out] applied as x @ W)
    W1 = _xavier(ks[4], (2 * NUM_NODE_FEAT, HIDDEN))
    b1 = jnp.zeros((HIDDEN,), dtype=jnp.float32)
    W2 = _xavier(ks[5], (HIDDEN, HIDDEN))
    b2 = jnp.zeros((HIDDEN,), dtype=jnp.float32)
    W3 = _xavier(ks[6], (HIDDEN, HIDDEN))
    b3 = jnp.zeros((HIDDEN,), dtype=jnp.float32)
    return {"x": x, "t": t, "edge_index": edge_index,
            "Wt": Wt, "bt": bt, "W1": W1, "b1": b1,
            "W2": W2, "b2": b2, "W3": W3, "b3": b3}


def _batchnorm(h):
    # training-mode BatchNorm1d with affine gamma=1, beta=0 (freshly initialized)
    m = jnp.mean(h, axis=0)
    v = jnp.var(h, axis=0)
    return (h - m) / jnp.sqrt(v + 1e-5)


def _gcn_conv(h, edge_index, W, b, num_nodes):
    # PyG GCNConv: add self-loops, symmetric normalization, x @ W, scatter-add, + bias
    src = edge_index[0]
    dst = edge_index[1]
    loop = jnp.arange(num_nodes, dtype=src.dtype)
    src = jnp.concatenate([src, loop])
    dst = jnp.concatenate([dst, loop])
    deg = jnp.zeros((num_nodes,), dtype=jnp.float32).at[dst].add(1.0)
    dinv = jnp.where(deg > 0, jax.lax.rsqrt(deg), 0.0)
    norm = dinv[src] * dinv[dst]
    hw = h @ W
    msg = hw[src] * norm[:, None]
    out = jnp.zeros((num_nodes, W.shape[1]), dtype=jnp.float32).at[dst].add(msg)
    return out + b


def reference(x, t, edge_index, Wt, bt, W1, b1, W2, b2, W3, b3):
    num_nodes = x.shape[0]
    # t = t.repeat_interleave(num_node_feat, 0)
    t_rep = jnp.repeat(t, NUM_NODE_FEAT, axis=0)
    te = jax.nn.relu(_batchnorm(t_rep @ Wt + bt))  # Dropout is identity in eval/reference
    h = jnp.concatenate([x, te], axis=-1)
    x1 = jax.nn.relu(_batchnorm(_gcn_conv(h, edge_index, W1, b1, num_nodes)))
    x2 = jax.nn.relu(_batchnorm(_gcn_conv(x1, edge_index, W2, b2, num_nodes)))
    x3 = jax.nn.relu(_batchnorm(_gcn_conv(x2, edge_index, W3, b3, num_nodes)))
    # attention = nn.Identity() (use_attention_block=False)
    return x3

if __name__ == "__main__":
    import jax
    _d = setup_inputs()
    print(jax.jit(kernel)(*tuple(_d.values())))

</pallas_src>

<mosaic_0001>
#map = affine_map<(d0, d1) -> (0, 0)>
#map1 = affine_map<(d0, d1) -> (0, 0, 0, 0, 0, 0)>
module attributes {stable_mosaic.version = 14 : i64} {
  func.func @_conv_sc(%arg0: i32, %arg1: i32, %arg2: memref<19968x128xf32, #tpu.memory_space<hbm>>, %arg3: memref<2x16x32x2x6x104xi32, #tpu.memory_space<hbm>>, %arg4: memref<19968x128xf32, #tpu.memory_space<hbm>>, %arg5: memref<3x2x6x104xi32, #tpu.memory_space<vmem>>, %arg6: memref<3x104x128xf32, #tpu.memory_space<vmem>>, %arg7: memref<9984x128xf32, #tpu.memory_space<vmem_shared>>, %arg8: memref<!tpu.dma_semaphore, #tpu.memory_space<semaphore_mem>>, %arg9: memref<!tpu.dma_semaphore, #tpu.memory_space<semaphore_mem>>, %arg10: memref<!tpu.dma_semaphore, #tpu.memory_space<semaphore_mem>>, %arg11: memref<!tpu.dma_semaphore, #tpu.memory_space<semaphore_mem>>, %arg12: memref<!tpu.dma_semaphore, #tpu.memory_space<semaphore_mem>>, %arg13: memref<!tpu.dma_semaphore, #tpu.memory_space<semaphore_mem>>, %arg14: memref<!tpu.dma_semaphore, #tpu.memory_space<semaphore_mem>>) attributes {dimension_semantics = [#tpu.dimension_semantics<core_parallel>, #tpu.dimension_semantics<subcore_parallel>], iteration_bounds = array<i64: 2, 16>, scalar_prefetch = 0 : i64, scratch_operands = 10 : i64, tpu.core_type = #tpu.core_type<sc_vector_subcore>, window_params = [{transform_indices = #map}, {transform_indices = #map1}, {transform_indices = #map}]} {
    %mul3A = arith.constant 9984 : i32
    %mul3A_0 = arith.muli %arg0, %mul3A : i32
    %mul3A_1 = arith.constant 624 : i32
    %mul3A_2 = arith.muli %arg1, %mul3A_1 : i32
    %add3A = arith.addi %mul3A_0, %mul3A_2 : i32
    %mul3A_3 = arith.constant 624 : i32
    %mul3A_4 = arith.muli %arg1, %mul3A_3 : i32
    "tpu.region"() ({
      %run_scoped3A_82 = tpu.sem_alloc : memref<!tpu.dma_semaphore, #tpu.memory_space<semaphore_mem>>
      %dma_start3A_83 = arith.constant 0 : i32
      %dma_start3A_84 = tpu.memref_slice %arg7[%mul3A_4, %dma_start3A_83] : memref<9984x128xf32, #tpu.memory_space<vmem_shared>> -> memref<624x128xf32, #tpu.memory_space<vmem_shared>>
      %dma_start3A_85 = arith.constant 0 : i32
      %dma_start3A_86 = tpu.memref_slice %arg2[%add3A, %dma_start3A_85] : memref<19968x128xf32, #tpu.memory_space<hbm>> -> memref<624x128xf32, #tpu.memory_space<hbm>>
      tpu.enqueue_dma source(%dma_start3A_86 : memref<624x128xf32, #tpu.memory_space<hbm>>) target(%dma_start3A_84 : memref<624x128xf32, #tpu.memory_space<vmem_shared>>) target_semaphore(%run_scoped3A_82 : memref<!tpu.dma_semaphore, #tpu.memory_space<semaphore_mem>>)
      %dma_wait3A_87 = arith.constant 0 : i32
      %dma_wait3A_88 = tpu.memref_slice %arg7[%mul3A_4, %dma_wait3A_87] : memref<9984x128xf32, #tpu.memory_space<vmem_shared>> -> memref<624x128xf32, #tpu.memory_space<vmem_shared>>
      %dma_wait3A_89 = arith.constant 0 : i32
      %dma_wait3A_90 = tpu.memref_slice %arg2[%add3A, %dma_wait3A_89] : memref<19968x128xf32, #tpu.memory_space<hbm>> -> memref<624x128xf32, #tpu.memory_space<hbm>>
      tpu.wait_dma2 semaphore(%run_scoped3A_82 : memref<!tpu.dma_semaphore, #tpu.memory_space<semaphore_mem>>) src(%dma_wait3A_90 : memref<624x128xf32, #tpu.memory_space<hbm>>) dst(%dma_wait3A_88 : memref<624x128xf32, #tpu.memory_space<vmem_shared>>)
      tpu.yield
    }) : () -> ()
    %barrier3A = arith.constant 0 : index
    tpu.barrier barrier_id(%barrier3A)
    %run_scoped3A = arith.constant 0 : i32
    %run_scoped3A_5 = arith.constant 0 : i32
    "tpu.region"() ({
      %run_scoped3A_82 = tpu.sem_alloc : memref<!tpu.dma_semaphore, #tpu.memory_space<semaphore_mem>>
      %dma_start3A_83 = arith.constant 0 : i32
      %dma_start3A_84 = arith.constant 0 : i32
      %dma_start3A_85 = arith.constant 0 : i32
      %dma_start3A_86 = tpu.memref_slice %arg5[%run_scoped3A_5, %dma_start3A_83, %dma_start3A_84, %dma_start3A_85] : memref<3x2x6x104xi32, #tpu.memory_space<vmem>> -> memref<1x2x6x104xi32, #tpu.memory_space<vmem>>
      %dma_start3A_87 = tpu.memref_squeeze %dma_start3A_86 : memref<1x2x6x104xi32, #tpu.memory_space<vmem>> -> memref<2x6x104xi32, #tpu.memory_space<vmem>>
      %dma_start3A_88 = arith.constant 0 : i32
      %dma_start3A_89 = arith.constant 0 : i32
      %dma_start3A_90 = arith.constant 0 : i32
      %dma_start3A_91 = tpu.memref_slice %arg3[%arg0, %arg1, %run_scoped3A, %dma_start3A_88, %dma_start3A_89, %dma_start3A_90] : memref<2x16x32x2x6x104xi32, #tpu.memory_space<hbm>> -> memref<1x1x1x2x6x104xi32, #tpu.memory_space<hbm>>
      %dma_start3A_92 = tpu.memref_squeeze %dma_start3A_91 : memref<1x1x1x2x6x104xi32, #tpu.memory_space<hbm>> -> memref<2x6x104xi32, #tpu.memory_space<hbm>>
      %dma_start3A_93 = arith.constant 0 : i32
      %dma_start3A_94 = arith.constant 0 : i32
      %dma_start3A_95 = arith.constant 0 : i32
      %dma_start3A_96 = tpu.memref_slice %arg5[%run_scoped3A_5, %dma_start3A_93, %dma_start3A_94, %dma_start3A_95] : memref<3x2x6x104xi32, #tpu.memory_space<vmem>> -> memref<1x2x6x104xi32, #tpu.memory_space<vmem>>
      %dma_start3A_97 = tpu.memref_squeeze %dma_start3A_96 : memref<1x2x6x104xi32, #tpu.memory_space<vmem>> -> memref<2x6x104xi32, #tpu.memory_space<vmem>>
      %dma_start3A_98 = arith.constant 0 : i32
      %dma_start3A_99 = arith.constant 0 : i32
      %dma_start3A_100 = arith.constant 0 : i32
      %dma_start3A_101 = tpu.memref_slice %arg3[%arg0, %arg1, %run_scoped3A, %dma_start3A_98, %dma_start3A_99, %dma_start3A_100] : memref<2x16x32x2x6x104xi32, #tpu.memory_space<hbm>> -> memref<1x1x1x2x6x104xi32, #tpu.memory_space<hbm>>
      %dma_start3A_102 = tpu.memref_squeeze %dma_start3A_101 : memref<1x1x1x2x6x104xi32, #tpu.memory_space<hbm>> -> memref<2x6x104xi32, #tpu.memory_space<hbm>>
      tpu.enqueue_dma source(%dma_start3A_102 : memref<2x6x104xi32, #tpu.memory_space<hbm>>) target(%dma_start3A_97 : memref<2x6x104xi32, #tpu.memory_space<vmem>>) target_semaphore(%run_scoped3A_82 : memref<!tpu.dma_semaphore, #tpu.memory_space<semaphore_mem>>)
      %dma_wait3A_103 = arith.constant 0 : i32
      %dma_wait3A_104 = arith.constant 0 : i32
      %dma_wait3A_105 = arith.constant 0 : i32
      %dma_wait3A_106 = tpu.memref_slice %arg5[%run_scoped3A_5, %dma_wait3A_103, %dma_wait3A_104, %dma_wait3A_105] : memref<3x2x6x104xi32, #tpu.memory_space<vmem>> -> memref<1x2x6x104xi32, #tpu.memory_space<vmem>>
      %dma_wait3A_107 = tpu.memref_squeeze %dma_wait3A_106 : memref<1x2x6x104xi32, #tpu.memory_space<vmem>> -> memref<2x6x104xi32, #tpu.memory_space<vmem>>
      %dma_wait3A_108 = arith.constant 0 : i32
      %dma_wait3A_109 = arith.constant 0 : i32
      %dma_wait3A_110 = arith.constant 0 : i32
      %dma_wait3A_111 = tpu.memref_slice %arg3[%arg0, %arg1, %run_scoped3A, %dma_wait3A_108, %dma_wait3A_109, %dma_wait3A_110] : memref<2x16x32x2x6x104xi32, #tpu.memory_space<hbm>> -> memref<1x1x1x2x6x104xi32, #tpu.memory_space<hbm>>
      %dma_wait3A_112 = tpu.memref_squeeze %dma_wait3A_111 : memref<1x1x1x2x6x104xi32, #tpu.memory_space<hbm>> -> memref<2x6x104xi32, #tpu.memory_space<hbm>>
      %dma_wait3A_113 = arith.constant 0 : i32
      %dma_wait3A_114 = arith.constant 0 : i32
      %dma_wait3A_115 = arith.constant 0 : i32
      %dma_wait3A_116 = tpu.memref_slice %arg5[%run_scoped3A_5, %dma_wait3A_113, %dma_wait3A_114, %dma_wait3A_115] : memref<3x2x6x104xi32, #tpu.memory_space<vmem>> -> memref<1x2x6x104xi32, #tpu.memory_space<vmem>>
      %dma_wait3A_117 = tpu.memref_squeeze %dma_wait3A_116 : memref<1x2x6x104xi32, #tpu.memory_space<vmem>> -> memref<2x6x104xi32, #tpu.memory_space<vmem>>
      %dma_wait3A_118 = arith.constant 0 : i32
      %dma_wait3A_119 = arith.constant 0 : i32
      %dma_wait3A_120 = arith.constant 0 : i32
      %dma_wait3A_121 = tpu.memref_slice %arg3[%arg0, %arg1, %run_scoped3A, %dma_wait3A_118, %dma_wait3A_119, %dma_wait3A_120] : memref<2x16x32x2x6x104xi32, #tpu.memory_space<hbm>> -> memref<1x1x1x2x6x104xi32, #tpu.memory_space<hbm>>
      %dma_wait3A_122 = tpu.memref_squeeze %dma_wait3A_121 : memref<1x1x1x2x6x104xi32, #tpu.memory_space<hbm>> -> memref<2x6x104xi32, #tpu.memory_space<hbm>>
      tpu.wait_dma2 semaphore(%run_scoped3A_82 : memref<!tpu.dma_semaphore, #tpu.memory_space<semaphore_mem>>) src(%dma_wait3A_122 : memref<2x6x104xi32, #tpu.memory_space<hbm>>) dst(%dma_wait3A_117 : memref<2x6x104xi32, #tpu.memory_space<vmem>>)
      tpu.yield
    }) : () -> ()
    %dma_start3A = arith.constant 1 : i32
    %dma_start3A_6 = arith.constant 1 : i32
    %dma_start3A_7 = arith.constant 0 : i32
    %dma_start3A_8 = arith.constant 0 : i32
    %dma_start3A_9 = arith.constant 0 : i32
    %dma_start3A_10 = tpu.memref_slice %arg5[%dma_start3A_6, %dma_start3A_7, %dma_start3A_8, %dma_start3A_9] : memref<3x2x6x104xi32, #tpu.memory_space<vmem>> -> memref<1x2x6x104xi32, #tpu.memory_space<vmem>>
    %dma_start3A_11 = tpu.memref_squeeze %dma_start3A_10 : memref<1x2x6x104xi32, #tpu.memory_space<vmem>> -> memref<2x6x104xi32, #tpu.memory_space<vmem>>
    %dma_start3A_12 = arith.constant 0 : i32
    %dma_start3A_13 = arith.constant 0 : i32
    %dma_start3A_14 = arith.constant 0 : i32
    %dma_start3A_15 = tpu.memref_slice %arg3[%arg0, %arg1, %dma_start3A, %dma_start3A_12, %dma_start3A_13, %dma_start3A_14] : memref<2x16x32x2x6x104xi32, #tpu.memory_space<hbm>> -> memref<1x1x1x2x6x104xi32, #tpu.memory_space<hbm>>
    %dma_start3A_16 = tpu.memref_squeeze %dma_start3A_15 : memref<1x1x1x2x6x104xi32, #tpu.memory_space<hbm>> -> memref<2x6x104xi32, #tpu.memory_space<hbm>>
    %dma_start3A_17 = arith.constant 0 : i32
    %dma_start3A_18 = arith.constant 0 : i32
    %dma_start3A_19 = arith.constant 0 : i32
    %dma_start3A_20 = tpu.memref_slice %arg5[%dma_start3A_6, %dma_start3A_17, %dma_start3A_18, %dma_start3A_19] : memref<3x2x6x104xi32, #tpu.memory_space<vmem>> -> memref<1x2x6x104xi32, #tpu.memory_space<vmem>>
    %dma_start3A_21 = tpu.memref_squeeze %dma_start3A_20 : memref<1x2x6x104xi32, #tpu.memory_space<vmem>> -> memref<2x6x104xi32, #tpu.memory_space<vmem>>
    %dma_start3A_22 = arith.constant 0 : i32
    %dma_start3A_23 = arith.constant 0 : i32
    %dma_start3A_24 = arith.constant 0 : i32
    %dma_start3A_25 = tpu.memref_slice %arg3[%arg0, %arg1, %dma_start3A, %dma_start3A_22, %dma_start3A_23, %dma_start3A_24] : memref<2x16x32x2x6x104xi32, #tpu.memory_space<hbm>> -> memref<1x1x1x2x6x104xi32, #tpu.memory_space<hbm>>
    %dma_start3A_26 = tpu.memref_squeeze %dma_start3A_25 : memref<1x1x1x2x6x104xi32, #tpu.memory_space<hbm>> -> memref<2x6x104xi32, #tpu.memory_space<hbm>>
    tpu.enqueue_dma source(%dma_start3A_26 : memref<2x6x104xi32, #tpu.memory_space<hbm>>) target(%dma_start3A_21 : memref<2x6x104xi32, #tpu.memory_space<vmem>>) target_semaphore(%arg14 : memref<!tpu.dma_semaphore, #tpu.memory_space<semaphore_mem>>)
    %dma_start3A_27 = arith.constant 0 : i32
    %dma_start3A_28 = arith.constant 0 : i32
    %dma_start3A_29 = arith.constant 0 : i32
    %dma_start3A_30 = arith.constant 0 : i32
    %dma_start3A_31 = arith.constant 0 : i32
    %dma_start3A_32 = arith.constant 0 : i32
    %dma_start3A_33 = tpu.memref_slice %arg6[%dma_start3A_30, %dma_start3A_31, %dma_start3A_32] : memref<3x104x128xf32, #tpu.memory_space<vmem>> -> memref<1x104x128xf32, #tpu.memory_space<vmem>>
    %dma_start3A_34 = tpu.memref_squeeze %dma_start3A_33 : memref<1x104x128xf32, #tpu.memory_space<vmem>> -> memref<104x128xf32, #tpu.memory_space<vmem>>
    %dma_start3A_35 = arith.constant 0 : i32
    %dma_start3A_36 = tpu.memref_slice %arg5[%dma_start3A_27, %dma_start3A_28, %dma_start3A_29, %dma_start3A_35] : memref<3x2x6x104xi32, #tpu.memory_space<vmem>> -> memref<1x1x1x104xi32, #tpu.memory_space<vmem>>
    %dma_start3A_37 = tpu.memref_squeeze %dma_start3A_36 : memref<1x1x1x104xi32, #tpu.memory_space<vmem>> -> memref<104xi32, #tpu.memory_space<vmem>>
    %dma_start3A_38 = arith.constant 0 : i32
    %dma_start3A_39 = arith.constant 0 : i32
    %dma_start3A_40 = tpu.memref_slice %arg2[%dma_start3A_38, %dma_start3A_39] : memref<19968x128xf32, #tpu.memory_space<hbm>> -> memref<19968x128xf32, #tpu.memory_space<hbm>>
    tpu.enqueue_indirect_dma source(%dma_start3A_40 : memref<19968x128xf32, #tpu.memory_space<hbm>>) target(%dma_start3A_34 : memref<104x128xf32, #tpu.memory_space<vmem>>) offsets(%dma_start3A_37 : memref<104xi32, #tpu.memory_space<vmem>>) semaphore(%arg8 : memref<!tpu.dma_semaphore, #tpu.memory_space<semaphore_mem>>)
    %dma_start3A_41 = arith.constant 0 : i32
    %dma_start3A_42 = arith.constant 0 : i32
    %dma_start3A_43 = arith.constant 1 : i32
    %dma_start3A_44 = arith.constant 1 : i32
    %dma_start3A_45 = arith.constant 0 : i32
    %dma_start3A_46 = arith.constant 0 : i32
    %dma_start3A_47 = tpu.memref_slice %arg6[%dma_start3A_44, %dma_start3A_45, %dma_start3A_46] : memref<3x104x128xf32, #tpu.memory_space<vmem>> -> memref<1x104x128xf32, #tpu.memory_space<vmem>>
    %dma_start3A_48 = tpu.memref_squeeze %dma_start3A_47 : memref<1x104x128xf32, #tpu.memory_space<vmem>> -> memref<104x128xf32, #tpu.memory_space<vmem>>
    %dma_start3A_49 = arith.constant 0 : i32
    %dma_start3A_50 = tpu.memref_slice %arg5[%dma_start3A_41, %dma_start3A_42, %dma_start3A_43, %dma_start3A_49] : memref<3x2x6x104xi32, #tpu.memory_space<vmem>> -> memref<1x1x1x104xi32, #tpu.memory_space<vmem>>
    %dma_start3A_51 = tpu.memref_squeeze %dma_start3A_50 : memref<1x1x1x104xi32, #tpu.memory_space<vmem>> -> memref<104xi32, #tpu.memory_space<vmem>>
    %dma_start3A_52 = arith.constant 0 : i32
    %dma_start3A_53 = arith.constant 0 : i32
    %dma_start3A_54 = tpu.memref_slice %arg2[%dma_start3A_52, %dma_start3A_53] : memref<19968x128xf32, #tpu.memory_space<hbm>> -> memref<19968x128xf32, #tpu.memory_space<hbm>>
    tpu.enqueue_indirect_dma source(%dma_start3A_54 : memref<19968x128xf32, #tpu.memory_space<hbm>>) target(%dma_start3A_48 : memref<104x128xf32, #tpu.memory_space<vmem>>) offsets(%dma_start3A_51 : memref<104xi32, #tpu.memory_space<vmem>>) semaphore(%arg9 : memref<!tpu.dma_semaphore, #tpu.memory_space<semaphore_mem>>)
    %scan3A = arith.constant 0 : i32
    %scan3A_55 = arith.constant 0 : i32
    %scan3A_56 = arith.constant 32 : i32
    %scan3A_57 = arith.addi %scan3A_55, %scan3A_56 : i32
    %scan3A_58 = arith.constant 1 : i32
    scf.for %scan3A_82 = %scan3A_55 to %scan3A_57 step %scan3A_58  : i32 {
      %lt3A = arith.constant 31 : i32
      %lt3A_83 = arith.cmpi slt, %scan3A_82, %lt3A : i32
      %convert_element_type3A = arith.extui %lt3A_83 : i1 to i32
      %cond3A = arith.constant 0 : i32
      %cond3A_84 = arith.cmpi ne, %convert_element_type3A, %cond3A : i32
      scf.if %cond3A_84 {
        %dma_wait3A_404 = arith.constant 0 : i32
        %dma_wait3A_405 = arith.constant 0 : i32
        %dma_wait3A_406 = arith.constant 0 : i32
        %dma_wait3A_407 = arith.constant 0 : i32
        %dma_wait3A_408 = arith.constant 0 : i32
        %dma_wait3A_409 = tpu.memref_slice %arg5[%dma_wait3A_405, %dma_wait3A_406, %dma_wait3A_407, %dma_wait3A_408] : memref<3x2x6x104xi32, #tpu.memory_space<vmem>> -> memref<1x2x6x104xi32, #tpu.memory_space<vmem>>
        %dma_wait3A_410 = tpu.memref_squeeze %dma_wait3A_409 : memref<1x2x6x104xi32, #tpu.memory_space<vmem>> -> memref<2x6x104xi32, #tpu.memory_space<vmem>>
        %dma_wait3A_411 = arith.constant 0 : i32
        %dma_wait3A_412 = arith.constant 0 : i32
        %dma_wait3A_413 = arith.constant 0 : i32
        %dma_wait3A_414 = tpu.memref_slice %arg3[%arg0, %arg1, %dma_wait3A_404, %dma_wait3A_411, %dma_wait3A_412, %dma_wait3A_413] : memref<2x16x32x2x6x104xi32, #tpu.memory_space<hbm>> -> memref<1x1x1x2x6x104xi32, #tpu.memory_space<hbm>>
        %dma_wait3A_415 = tpu.memref_squeeze %dma_wait3A_414 : memref<1x1x1x2x6x104xi32, #tpu.memory_space<hbm>> -> memref<2x6x104xi32, #tpu.memory_space<hbm>>
        %dma_wait3A_416 = arith.constant 0 : i32
        %dma_wait3A_417 = arith.constant 0 : i32
        %dma_wait3A_418 = arith.constant 0 : i32
        %dma_wait3A_419 = tpu.memref_slice %arg5[%dma_wait3A_405, %dma_wait3A_416, %dma_wait3A_417, %dma_wait3A_418] : memref<3x2x6x104xi32, #tpu.memory_space<vmem>> -> memref<1x2x6x104xi32, #tpu.memory_space<vmem>>
        %dma_wait3A_420 = tpu.memref_squeeze %dma_wait3A_419 : memref<1x2x6x104xi32, #tpu.memory_space<vmem>> -> memref<2x6x104xi32, #tpu.memory_space<vmem>>
        %dma_wait3A_421 = arith.constant 0 : i32
        %dma_wait3A_422 = arith.constant 0 : i32
        %dma_wait3A_423 = arith.constant 0 : i32
        %dma_wait3A_424 = tpu.memref_slice %arg3[%arg0, %arg1, %dma_wait3A_404, %dma_wait3A_421, %dma_wait3A_422, %dma_wait3A_423] : memref<2x16x32x2x6x104xi32, #tpu.memory_space<hbm>> -> memref<1x1x1x2x6x104xi32, #tpu.memory_space<hbm>>
        %dma_wait3A_425 = tpu.memref_squeeze %dma_wait3A_424 : memref<1x1x1x2x6x104xi32, #tpu.memory_space<hbm>> -> memref<2x6x104xi32, #tpu.memory_space<hbm>>
        tpu.wait_dma2 semaphore(%arg14 : memref<!tpu.dma_semaphore, #tpu.memory_space<semaphore_mem>>) src(%dma_wait3A_425 : memref<2x6x104xi32, #tpu.memory_space<hbm>>) dst(%dma_wait3A_420 : memref<2x6x104xi32, #tpu.memory_space<vmem>>)
      } else {
      }
      %lt3A_85 = arith.constant 30 : i32
      %lt3A_86 = arith.cmpi slt, %scan3A_82, %lt3A_85 : i32
      %convert_element_type3A_87 = arith.extui %lt3A_86 : i1 to i32
      %cond3A_88 = arith.constant 0 : i32
      %cond3A_89 = arith.cmpi ne, %convert_element_type3A_87, %cond3A_88 : i32
      scf.if %cond3A_89 {
        %add3A_404 = arith.constant 2 : i32
        %add3A_405 = arith.addi %scan3A_82, %add3A_404 : i32
        %rem3A_406 = arith.constant 3 : i32
        %rem3A_407 = arith.remsi %add3A_405, %rem3A_406 : i32
        %add3A_408 = arith.constant 2 : i32
        %add3A_409 = arith.addi %scan3A_82, %add3A_408 : i32
        %dma_start3A_410 = arith.constant 0 : i32
        %dma_start3A_411 = arith.constant 0 : i32
        %dma_start3A_412 = arith.constant 0 : i32
        %dma_start3A_413 = tpu.memref_slice %arg5[%rem3A_407, %dma_start3A_410, %dma_start3A_411, %dma_start3A_412] : memref<3x2x6x104xi32, #tpu.memory_space<vmem>> -> memref<1x2x6x104xi32, #tpu.memory_space<vmem>>
        %dma_start3A_414 = tpu.memref_squeeze %dma_start3A_413 : memref<1x2x6x104xi32, #tpu.memory_space<vmem>> -> memref<2x6x104xi32, #tpu.memory_space<vmem>>
        %dma_start3A_415 = arith.constant 0 : i32
        %dma_start3A_416 = arith.constant 0 : i32
        %dma_start3A_417 = arith.constant 0 : i32
        %dma_start3A_418 = tpu.memref_slice %arg3[%arg0, %arg1, %add3A_409, %dma_start3A_415, %dma_start3A_416, %dma_start3A_417] : memref<2x16x32x2x6x104xi32, #tpu.memory_space<hbm>> -> memref<1x1x1x2x6x104xi32, #tpu.memory_space<hbm>>
        %dma_start3A_419 = tpu.memref_squeeze %dma_start3A_418 : memref<1x1x1x2x6x104xi32, #tpu.memory_space<hbm>> -> memref<2x6x104xi32, #tpu.memory_space<hbm>>
        %dma_start3A_420 = arith.constant 0 : i32
        %dma_start3A_421 = arith.constant 0 : i32
        %dma_start3A_422 = arith.constant 0 : i32
        %dma_start3A_423 = tpu.memref_slice %arg5[%rem3A_407, %dma_start3A_420, %dma_start3A_421, %dma_start3A_422] : memref<3x2x6x104xi32, #tpu.memory_space<vmem>> -> memref<1x2x6x104xi32, #tpu.memory_space<vmem>>
        %dma_start3A_424 = tpu.memref_squeeze %dma_start3A_423 : memref<1x2x6x104xi32, #tpu.memory_space<vmem>> -> memref<2x6x104xi32, #tpu.memory_space<vmem>>
        %dma_start3A_425 = arith.constant 0 : i32
        %dma_start3A_426 = arith.constant 0 : i32
        %dma_start3A_427 = arith.constant 0 : i32
        %dma_start3A_428 = tpu.memref_slice %arg3[%arg0, %arg1, %add3A_409, %dma_start3A_425, %dma_start3A_426, %dma_start3A_427] : memref<2x16x32x2x6x104xi32, #tpu.memory_space<hbm>> -> memref<1x1x1x2x6x104xi32, #tpu.memory_space<hbm>>
        %dma_start3A_429 = tpu.memref_squeeze %dma_start3A_428 : memref<1x1x1x2x6x104xi32, #tpu.memory_space<hbm>> -> memref<2x6x104xi32, #tpu.memory_space<hbm>>
        tpu.enqueue_dma source(%dma_start3A_429 : memref<2x6x104xi32, #tpu.memory_space<hbm>>) target(%dma_start3A_424 : memref<2x6x104xi32, #tpu.memory_space<vmem>>) target_semaphore(%arg14 : memref<!tpu.dma_semaphore, #tpu.memory_space<semaphore_mem>>)
      } else {
      }
      %rem3A = arith.constant 3 : i32
      %rem3A_90 = arith.remsi %scan3A_82, %rem3A : i32
      %add3A_91 = arith.constant 1 : i32
      %add3A_92 = arith.addi %scan3A_82, %add3A_91 : i32
      %rem3A_93 = arith.constant 3 : i32
      %rem3A_94 = arith.remsi %add3A_92, %rem3A_93 : i32
      %dma_wait3A_95 = arith.constant 0 : i32
      %dma_wait3A_96 = arith.constant 0 : i32
      %dma_wait3A_97 = arith.constant 0 : i32
      %dma_wait3A_98 = tpu.memref_slice %arg6[%dma_wait3A_95, %dma_wait3A_96, %dma_wait3A_97] : memref<3x104x128xf32, #tpu.memory_space<vmem>> -> memref<1x104x128xf32, #tpu.memory_space<vmem>>
      %dma_wait3A_99 = tpu.memref_squeeze %dma_wait3A_98 : memref<1x104x128xf32, #tpu.memory_space<vmem>> -> memref<104x128xf32, #tpu.memory_space<vmem>>
      %dma_wait3A_100 = arith.constant 0 : i32
      %dma_wait3A_101 = arith.constant 0 : i32
      %dma_wait3A_102 = tpu.memref_slice %arg2[%dma_wait3A_100, %dma_wait3A_101] : memref<19968x128xf32, #tpu.memory_space<hbm>> -> memref<104x128xf32, #tpu.memory_space<hbm>>
      %dma_wait3A_103 = arith.constant 0 : i32
      %dma_wait3A_104 = arith.constant 0 : i32
      %dma_wait3A_105 = tpu.memref_slice %arg6[%dma_wait3A_95, %dma_wait3A_103, %dma_wait3A_104] : memref<3x104x128xf32, #tpu.memory_space<vmem>> -> memref<1x104x128xf32, #tpu.memory_space<vmem>>
      %dma_wait3A_106 = tpu.memref_squeeze %dma_wait3A_105 : memref<1x104x128xf32, #tpu.memory_space<vmem>> -> memref<104x128xf32, #tpu.memory_space<vmem>>
      %dma_wait3A_107 = arith.constant 0 : i32
      %dma_wait3A_108 = arith.constant 0 : i32
      %dma_wait3A_109 = tpu.memref_slice %arg2[%dma_wait3A_107, %dma_wait3A_108] : memref<19968x128xf32, #tpu.memory_space<hbm>> -> memref<104x128xf32, #tpu.memory_space<hbm>>
      tpu.wait_dma2 semaphore(%arg8 : memref<!tpu.dma_semaphore, #tpu.memory_space<semaphore_mem>>) src(%dma_wait3A_109 : memref<104x128xf32, #tpu.memory_space<hbm>>) dst(%dma_wait3A_106 : memref<104x128xf32, #tpu.memory_space<vmem>>)
      %gt3A = arith.constant 0 : i32
      %gt3A_110 = arith.cmpi sgt, %scan3A_82, %gt3A : i32
      %convert_element_type3A_111 = arith.extui %gt3A_110 : i1 to i32
      %cond3A_112 = arith.constant 0 : i32
      %cond3A_113 = arith.cmpi ne, %convert_element_type3A_111, %cond3A_112 : i32
      scf.if %cond3A_113 {
        %dma_wait3A_404 = arith.constant 2 : i32
        %dma_wait3A_405 = arith.constant 0 : i32
        %dma_wait3A_406 = arith.constant 0 : i32
        %dma_wait3A_407 = tpu.memref_slice %arg6[%dma_wait3A_404, %dma_wait3A_405, %dma_wait3A_406] : memref<3x104x128xf32, #tpu.memory_space<vmem>> -> memref<1x104x128xf32, #tpu.memory_space<vmem>>
        %dma_wait3A_408 = tpu.memref_squeeze %dma_wait3A_407 : memref<1x104x128xf32, #tpu.memory_space<vmem>> -> memref<104x128xf32, #tpu.memory_space<vmem>>
        %dma_wait3A_409 = arith.constant 0 : i32
        %dma_wait3A_410 = arith.constant 0 : i32
        %dma_wait3A_411 = tpu.memref_slice %arg2[%dma_wait3A_409, %dma_wait3A_410] : memref<19968x128xf32, #tpu.memory_space<hbm>> -> memref<104x128xf32, #tpu.memory_space<hbm>>
        %dma_wait3A_412 = arith.constant 0 : i32
        %dma_wait3A_413 = arith.constant 0 : i32
        %dma_wait3A_414 = tpu.memref_slice %arg6[%dma_wait3A_404, %dma_wait3A_412, %dma_wait3A_413] : memref<3x104x128xf32, #tpu.memory_space<vmem>> -> memref<1x104x128xf32, #tpu.memory_space<vmem>>
        %dma_wait3A_415 = tpu.memref_squeeze %dma_wait3A_414 : memref<1x104x128xf32, #tpu.memory_space<vmem>> -> memref<104x128xf32, #tpu.memory_space<vmem>>
        %dma_wait3A_416 = arith.constant 0 : i32
        %dma_wait3A_417 = arith.constant 0 : i32
        %dma_wait3A_418 = tpu.memref_slice %arg2[%dma_wait3A_416, %dma_wait3A_417] : memref<19968x128xf32, #tpu.memory_space<hbm>> -> memref<104x128xf32, #tpu.memory_space<hbm>>
        tpu.wait_dma2 semaphore(%arg13 : memref<!tpu.dma_semaphore, #tpu.memory_space<semaphore_mem>>) src(%dma_wait3A_418 : memref<104x128xf32, #tpu.memory_space<hbm>>) dst(%dma_wait3A_415 : memref<104x128xf32, #tpu.memory_space<vmem>>)
      } else {
      }
      %dma_start3A_114 = arith.constant 0 : i32
      %dma_start3A_115 = arith.constant 2 : i32
      %dma_start3A_116 = arith.constant 2 : i32
      %dma_start3A_117 = arith.constant 0 : i32
      %dma_start3A_118 = arith.constant 0 : i32
      %dma_start3A_119 = tpu.memref_slice %arg6[%dma_start3A_116, %dma_start3A_117, %dma_start3A_118] : memref<3x104x128xf32, #tpu.memory_space<vmem>> -> memref<1x104x128xf32, #tpu.memory_space<vmem>>
      %dma_start3A_120 = tpu.memref_squeeze %dma_start3A_119 : memref<1x104x128xf32, #tpu.memory_space<vmem>> -> memref<104x128xf32, #tpu.memory_space<vmem>>
      %dma_start3A_121 = arith.constant 0 : i32
      %dma_start3A_122 = tpu.memref_slice %arg5[%rem3A_90, %dma_start3A_114, %dma_start3A_115, %dma_start3A_121] : memref<3x2x6x104xi32, #tpu.memory_space<vmem>> -> memref<1x1x1x104xi32, #tpu.memory_space<vmem>>
      %dma_start3A_123 = tpu.memref_squeeze %dma_start3A_122 : memref<1x1x1x104xi32, #tpu.memory_space<vmem>> -> memref<104xi32, #tpu.memory_space<vmem>>
      %dma_start3A_124 = arith.constant 0 : i32
      %dma_start3A_125 = arith.constant 0 : i32
      %dma_start3A_126 = tpu.memref_slice %arg2[%dma_start3A_124, %dma_start3A_125] : memref<19968x128xf32, #tpu.memory_space<hbm>> -> memref<19968x128xf32, #tpu.memory_space<hbm>>
      tpu.enqueue_indirect_dma source(%dma_start3A_126 : memref<19968x128xf32, #tpu.memory_space<hbm>>) target(%dma_start3A_120 : memref<104x128xf32, #tpu.memory_space<vmem>>) offsets(%dma_start3A_123 : memref<104xi32, #tpu.memory_space<vmem>>) semaphore(%arg10 : memref<!tpu.dma_semaphore, #tpu.memory_space<semaphore_mem>>)
      %dma_start3A_127 = arith.constant 0 : i32
      %dma_start3A_128 = arith.constant 1 : i32
      %dma_start3A_129 = arith.constant 0 : i32
      %dma_start3A_130 = arith.constant 0 : i32
      %dma_start3A_131 = arith.constant 0 : i32
      %dma_start3A_132 = tpu.memref_slice %arg6[%dma_start3A_127, %dma_start3A_130, %dma_start3A_131] : memref<3x104x128xf32, #tpu.memory_space<vmem>> -> memref<1x104x128xf32, #tpu.memory_space<vmem>>
      %dma_start3A_133 = tpu.memref_squeeze %dma_start3A_132 : memref<1x104x128xf32, #tpu.memory_space<vmem>> -> memref<104x128xf32, #tpu.memory_space<vmem>>
      %dma_start3A_134 = arith.constant 0 : i32
      %dma_start3A_135 = tpu.memref_slice %arg5[%rem3A_90, %dma_start3A_128, %dma_start3A_129, %dma_start3A_134] : memref<3x2x6x104xi32, #tpu.memory_space<vmem>> -> memref<1x1x1x104xi32, #tpu.memory_space<vmem>>
      %dma_start3A_136 = tpu.memref_squeeze %dma_start3A_135 : memref<1x1x1x104xi32, #tpu.memory_space<vmem>> -> memref<104xi32, #tpu.memory_space<vmem>>
      %dma_start3A_137 = arith.constant 0 : i32
      %dma_start3A_138 = arith.constant 0 : i32
      %dma_start3A_139 = tpu.memref_slice %arg7[%dma_start3A_137, %dma_start3A_138] : memref<9984x128xf32, #tpu.memory_space<vmem_shared>> -> memref<9984x128xf32, #tpu.memory_space<vmem_shared>>
      tpu.enqueue_indirect_dma source(%dma_start3A_133 : memref<104x128xf32, #tpu.memory_space<vmem>>) target(%dma_start3A_139 : memref<9984x128xf32, #tpu.memory_space<vmem_shared>>) offsets(%dma_start3A_136 : memref<104xi32, #tpu.memory_space<vmem>>) semaphore(%arg11 : memref<!tpu.dma_semaphore, #tpu.memory_space<semaphore_mem>>) {add = true}
      %dma_wait3A_140 = arith.constant 1 : i32
      %dma_wait3A_141 = arith.constant 0 : i32
      %dma_wait3A_142 = arith.constant 0 : i32
      %dma_wait3A_143 = tpu.memref_slice %arg6[%dma_wait3A_140, %dma_wait3A_141, %dma_wait3A_142] : memref<3x104x128xf32, #tpu.memory_space<vmem>> -> memref<1x104x128xf32, #tpu.memory_space<vmem>>
      %dma_wait3A_144 = tpu.memref_squeeze %dma_wait3A_143 : memref<1x104x128xf32, #tpu.memory_space<vmem>> -> memref<104x128xf32, #tpu.memory_space<vmem>>
      %dma_wait3A_145 = arith.constant 0 : i32
      %dma_wait3A_146 = arith.constant 0 : i32
      %dma_wait3A_147 = tpu.memref_slice %arg2[%dma_wait3A_145, %dma_wait3A_146] : memref<19968x128xf32, #tpu.memory_space<hbm>> -> memref<104x128xf32, #tpu.memory_space<hbm>>
      %dma_wait3A_148 = arith.constant 0 : i32
      %dma_wait3A_149 = arith.constant 0 : i32
      %dma_wait3A_150 = tpu.memref_slice %arg6[%dma_wait3A_140, %dma_wait3A_148, %dma_wait3A_149] : memref<3x104x128xf32, #tpu.memory_space<vmem>> -> memref<1x104x128xf32, #tpu.memory_space<vmem>>
      %dma_wait3A_151 = tpu.memref_squeeze %dma_wait3A_150 : memref<1x104x128xf32, #tpu.memory_space<vmem>> -> memref<104x128xf32, #tpu.memory_space<vmem>>
      %dma_wait3A_152 = arith.constant 0 : i32
      %dma_wait3A_153 = arith.constant 0 : i32
      %dma_wait3A_154 = tpu.memref_slice %arg2[%dma_wait3A_152, %dma_wait3A_153] : memref<19968x128xf32, #tpu.memory_space<hbm>> -> memref<104x128xf32, #tpu.memory_space<hbm>>
      tpu.wait_dma2 semaphore(%arg9 : memref<!tpu.dma_semaphore, #tpu.memory_space<semaphore_mem>>) src(%dma_wait3A_154 : memref<104x128xf32, #tpu.memory_space<hbm>>) dst(%dma_wait3A_151 : memref<104x128xf32, #tpu.memory_space<vmem>>)
      %dma_wait3A_155 = arith.constant 0 : i32
      %dma_wait3A_156 = arith.constant 0 : i32
      %dma_wait3A_157 = arith.constant 0 : i32
      %dma_wait3A_158 = tpu.memref_slice %arg6[%dma_wait3A_155, %dma_wait3A_156, %dma_wait3A_157] : memref<3x104x128xf32, #tpu.memory_space<vmem>> -> memref<1x104x128xf32, #tpu.memory_space<vmem>>
      %dma_wait3A_159 = tpu.memref_squeeze %dma_wait3A_158 : memref<1x104x128xf32, #tpu.memory_space<vmem>> -> memref<104x128xf32, #tpu.memory_space<vmem>>
      %dma_wait3A_160 = arith.constant 0 : i32
      %dma_wait3A_161 = arith.constant 0 : i32
      %dma_wait3A_162 = tpu.memref_slice %arg2[%dma_wait3A_160, %dma_wait3A_161] : memref<19968x128xf32, #tpu.memory_space<hbm>> -> memref<104x128xf32, #tpu.memory_space<hbm>>
      %dma_wait3A_163 = arith.constant 0 : i32
      %dma_wait3A_164 = arith.constant 0 : i32
      %dma_wait3A_165 = tpu.memref_slice %arg6[%dma_wait3A_155, %dma_wait3A_163, %dma_wait3A_164] : memref<3x104x128xf32, #tpu.memory_space<vmem>> -> memref<1x104x128xf32, #tpu.memory_space<vmem>>
      %dma_wait3A_166 = tpu.memref_squeeze %dma_wait3A_165 : memref<1x104x128xf32, #tpu.memory_space<vmem>> -> memref<104x128xf32, #tpu.memory_space<vmem>>
      %dma_wait3A_167 = arith.constant 0 : i32
      %dma_wait3A_168 = arith.constant 0 : i32
      %dma_wait3A_169 = tpu.memref_slice %arg2[%dma_wait3A_167, %dma_wait3A_168] : memref<19968x128xf32, #tpu.memory_space<hbm>> -> memref<104x128xf32, #tpu.memory_space<hbm>>
      tpu.wait_dma2 semaphore(%arg11 : memref<!tpu.dma_semaphore, #tpu.memory_space<semaphore_mem>>) src(%dma_wait3A_169 : memref<104x128xf32, #tpu.memory_space<hbm>>) dst(%dma_wait3A_166 : memref<104x128xf32, #tpu.memory_space<vmem>>)
      %dma_start3A_170 = arith.constant 0 : i32
      %dma_start3A_171 = arith.constant 3 : i32
      %dma_start3A_172 = arith.constant 0 : i32
      %dma_start3A_173 = arith.constant 0 : i32
      %dma_start3A_174 = arith.constant 0 : i32
      %dma_start3A_175 = tpu.memref_slice %arg6[%dma_start3A_172, %dma_start3A_173, %dma_start3A_174] : memref<3x104x128xf32, #tpu.memory_space<vmem>> -> memref<1x104x128xf32, #tpu.memory_space<vmem>>
      %dma_start3A_176 = tpu.memref_squeeze %dma_start3A_175 : memref<1x104x128xf32, #tpu.memory_space<vmem>> -> memref<104x128xf32, #tpu.memory_space<vmem>>
      %dma_start3A_177 = arith.constant 0 : i32
      %dma_start3A_178 = tpu.memref_slice %arg5[%rem3A_90, %dma_start3A_170, %dma_start3A_171, %dma_start3A_177] : memref<3x2x6x104xi32, #tpu.memory_space<vmem>> -> memref<1x1x1x104xi32, #tpu.memory_space<vmem>>
      %dma_start3A_179 = tpu.memref_squeeze %dma_start3A_178 : memref<1x1x1x104xi32, #tpu.memory_space<vmem>> -> memref<104xi32, #tpu.memory_space<vmem>>
      %dma_start3A_180 = arith.constant 0 : i32
      %dma_start3A_181 = arith.constant 0 : i32
      %dma_start3A_182 = tpu.memref_slice %arg2[%dma_start3A_180, %dma_start3A_181] : memref<19968x128xf32, #tpu.memory_space<hbm>> -> memref<19968x128xf32, #tpu.memory_space<hbm>>
      tpu.enqueue_indirect_dma source(%dma_start3A_182 : memref<19968x128xf32, #tpu.memory_space<hbm>>) target(%dma_start3A_176 : memref<104x128xf32, #tpu.memory_space<vmem>>) offsets(%dma_start3A_179 : memref<104xi32, #tpu.memory_space<vmem>>) semaphore(%arg8 : memref<!tpu.dma_semaphore, #tpu.memory_space<semaphore_mem>>)
      %dma_start3A_183 = arith.constant 1 : i32
      %dma_start3A_184 = arith.constant 1 : i32
      %dma_start3A_185 = arith.constant 1 : i32
      %dma_start3A_186 = arith.constant 0 : i32
      %dma_start3A_187 = arith.constant 0 : i32
      %dma_start3A_188 = tpu.memref_slice %arg6[%dma_start3A_183, %dma_start3A_186, %dma_start3A_187] : memref<3x104x128xf32, #tpu.memory_space<vmem>> -> memref<1x104x128xf32, #tpu.memory_space<vmem>>
      %dma_start3A_189 = tpu.memref_squeeze %dma_start3A_188 : memref<1x104x128xf32, #tpu.memory_space<vmem>> -> memref<104x128xf32, #tpu.memory_space<vmem>>
      %dma_start3A_190 = arith.constant 0 : i32
      %dma_start3A_191 = tpu.memref_slice %arg5[%rem3A_90, %dma_start3A_184, %dma_start3A_185, %dma_start3A_190] : memref<3x2x6x104xi32, #tpu.memory_space<vmem>> -> memref<1x1x1x104xi32, #tpu.memory_space<vmem>>
      %dma_start3A_192 = tpu.memref_squeeze %dma_start3A_191 : memref<1x1x1x104xi32, #tpu.memory_space<vmem>> -> memref<104xi32, #tpu.memory_space<vmem>>
      %dma_start3A_193 = arith.constant 0 : i32
      %dma_start3A_194 = arith.constant 0 : i32
      %dma_start3A_195 = tpu.memref_slice %arg7[%dma_start3A_193, %dma_start3A_194] : memref<9984x128xf32, #tpu.memory_space<vmem_shared>> -> memref<9984x128xf32, #tpu.memory_space<vmem_shared>>
      tpu.enqueue_indirect_dma source(%dma_start3A_189 : memref<104x128xf32, #tpu.memory_space<vmem>>) target(%dma_start3A_195 : memref<9984x128xf32, #tpu.memory_space<vmem_shared>>) offsets(%dma_start3A_192 : memref<104xi32, #tpu.memory_space<vmem>>) semaphore(%arg12 : memref<!tpu.dma_semaphore, #tpu.memory_space<semaphore_mem>>) {add = true}
      %dma_wait3A_196 = arith.constant 2 : i32
      %dma_wait3A_197 = arith.constant 0 : i32
      %dma_wait3A_198 = arith.constant 0 : i32
      %dma_wait3A_199 = tpu.memref_slice %arg6[%dma_wait3A_196, %dma_wait3A_197, %dma_wait3A_198] : memref<3x104x128xf32, #tpu.memory_space<vmem>> -> memref<1x104x128xf32, #tpu.memory_space<vmem>>
      %dma_wait3A_200 = tpu.memref_squeeze %dma_wait3A_199 : memref<1x104x128xf32, #tpu.memory_space<vmem>> -> memref<104x128xf32, #tpu.memory_space<vmem>>
      %dma_wait3A_201 = arith.constant 0 : i32
      %dma_wait3A_202 = arith.constant 0 : i32
      %dma_wait3A_203 = tpu.memref_slice %arg2[%dma_wait3A_201, %dma_wait3A_202] : memref<19968x128xf32, #tpu.memory_space<hbm>> -> memref<104x128xf32, #tpu.memory_space<hbm>>
      %dma_wait3A_204 = arith.constant 0 : i32
      %dma_wait3A_205 = arith.constant 0 : i32
      %dma_wait3A_206 = tpu.memref_slice %arg6[%dma_wait3A_196, %dma_wait3A_204, %dma_wait3A_205] : memref<3x104x128xf32, #tpu.memory_space<vmem>> -> memref<1x104x128xf32, #tpu.memory_space<vmem>>
      %dma_wait3A_207 = tpu.memref_squeeze %dma_wait3A_206 : memref<1x104x128xf32, #tpu.memory_space<vmem>> -> memref<104x128xf32, #tpu.memory_space<vmem>>
      %dma_wait3A_208 = arith.constant 0 : i32
      %dma_wait3A_209 = arith.constant 0 : i32
      %dma_wait3A_210 = tpu.memref_slice %arg2[%dma_wait3A_208, %dma_wait3A_209] : memref<19968x128xf32, #tpu.memory_space<hbm>> -> memref<104x128xf32, #tpu.memory_space<hbm>>
      tpu.wait_dma2 semaphore(%arg10 : memref<!tpu.dma_semaphore, #tpu.memory_space<semaphore_mem>>) src(%dma_wait3A_210 : memref<104x128xf32, #tpu.memory_space<hbm>>) dst(%dma_wait3A_207 : memref<104x128xf32, #tpu.memory_space<vmem>>)
      %dma_wait3A_211 = arith.constant 1 : i32
      %dma_wait3A_212 = arith.constant 0 : i32
      %dma_wait3A_213 = arith.constant 0 : i32
      %dma_wait3A_214 = tpu.memref_slice %arg6[%dma_wait3A_211, %dma_wait3A_212, %dma_wait3A_213] : memref<3x104x128xf32, #tpu.memory_space<vmem>> -> memref<1x104x128xf32, #tpu.memory_space<vmem>>
      %dma_wait3A_215 = tpu.memref_squeeze %dma_wait3A_214 : memref<1x104x128xf32, #tpu.memory_space<vmem>> -> memref<104x128xf32, #tpu.memory_space<vmem>>
      %dma_wait3A_216 = arith.constant 0 : i32
      %dma_wait3A_217 = arith.constant 0 : i32
      %dma_wait3A_218 = tpu.memref_slice %arg2[%dma_wait3A_216, %dma_wait3A_217] : memref<19968x128xf32, #tpu.memory_space<hbm>> -> memref<104x128xf32, #tpu.memory_space<hbm>>
      %dma_wait3A_219 = arith.constant 0 : i32
      %dma_wait3A_220 = arith.constant 0 : i32
      %dma_wait3A_221 = tpu.memref_slice %arg6[%dma_wait3A_211, %dma_wait3A_219, %dma_wait3A_220] : memref<3x104x128xf32, #tpu.memory_space<vmem>> -> memref<1x104x128xf32, #tpu.memory_space<vmem>>
      %dma_wait3A_222 = tpu.memref_squeeze %dma_wait3A_221 : memref<1x104x128xf32, #tpu.memory_space<vmem>> -> memref<104x128xf32, #tpu.memory_space<vmem>>
      %dma_wait3A_223 = arith.constant 0 : i32
      %dma_wait3A_224 = arith.constant 0 : i32
      %dma_wait3A_225 = tpu.memref_slice %arg2[%dma_wait3A_223, %dma_wait3A_224] : memref<19968x128xf32, #tpu.memory_space<hbm>> -> memref<104x128xf32, #tpu.memory_space<hbm>>
      tpu.wait_dma2 semaphore(%arg12 : memref<!tpu.dma_semaphore, #tpu.memory_space<semaphore_mem>>) src(%dma_wait3A_225 : memref<104x128xf32, #tpu.memory_space<hbm>>) dst(%dma_wait3A_222 : memref<104x128xf32, #tpu.memory_space<vmem>>)
      %dma_start3A_226 = arith.constant 0 : i32
      %dma_start3A_227 = arith.constant 4 : i32
      %dma_start3A_228 = arith.constant 1 : i32
      %dma_start3A_229 = arith.constant 0 : i32
      %dma_start3A_230 = arith.constant 0 : i32
      %dma_start3A_231 = tpu.memref_slice %arg6[%dma_start3A_228, %dma_start3A_229, %dma_start3A_230] : memref<3x104x128xf32, #tpu.memory_space<vmem>> -> memref<1x104x128xf32, #tpu.memory_space<vmem>>
      %dma_start3A_232 = tpu.memref_squeeze %dma_start3A_231 : memref<1x104x128xf32, #tpu.memory_space<vmem>> -> memref<104x128xf32, #tpu.memory_space<vmem>>
      %dma_start3A_233 = arith.constant 0 : i32
      %dma_start3A_234 = tpu.memref_slice %arg5[%rem3A_90, %dma_start3A_226, %dma_start3A_227, %dma_start3A_233] : memref<3x2x6x104xi32, #tpu.memory_space<vmem>> -> memref<1x1x1x104xi32, #tpu.memory_space<vmem>>
      %dma_start3A_235 = tpu.memref_squeeze %dma_start3A_234 : memref<1x1x1x104xi32, #tpu.memory_space<vmem>> -> memref<104xi32, #tpu.memory_space<vmem>>
      %dma_start3A_236 = arith.constant 0 : i32
      %dma_start3A_237 = arith.constant 0 : i32
      %dma_start3A_238 = tpu.memref_slice %arg2[%dma_start3A_236, %dma_start3A_237] : memref<19968x128xf32, #tpu.memory_space<hbm>> -> memref<19968x128xf32, #tpu.memory_space<hbm>>
      tpu.enqueue_indirect_dma source(%dma_start3A_238 : memref<19968x128xf32, #tpu.memory_space<hbm>>) target(%dma_start3A_232 : memref<104x128xf32, #tpu.memory_space<vmem>>) offsets(%dma_start3A_235 : memref<104xi32, #tpu.memory_space<vmem>>) semaphore(%arg9 : memref<!tpu.dma_semaphore, #tpu.memory_space<semaphore_mem>>)
      %dma_start3A_239 = arith.constant 2 : i32
      %dma_start3A_240 = arith.constant 1 : i32
      %dma_start3A_241 = arith.constant 2 : i32
      %dma_start3A_242 = arith.constant 0 : i32
      %dma_start3A_243 = arith.constant 0 : i32
      %dma_start3A_244 = tpu.memref_slice %arg6[%dma_start3A_239, %dma_start3A_242, %dma_start3A_243] : memref<3x104x128xf32, #tpu.memory_space<vmem>> -> memref<1x104x128xf32, #tpu.memory_space<vmem>>
      %dma_start3A_245 = tpu.memref_squeeze %dma_start3A_244 : memref<1x104x128xf32, #tpu.memory_space<vmem>> -> memref<104x128xf32, #tpu.memory_space<vmem>>
      %dma_start3A_246 = arith.constant 0 : i32
      %dma_start3A_247 = tpu.memref_slice %arg5[%rem3A_90, %dma_start3A_240, %dma_start3A_241, %dma_start3A_246] : memref<3x2x6x104xi32, #tpu.memory_space<vmem>> -> memref<1x1x1x104xi32, #tpu.memory_space<vmem>>
      %dma_start3A_248 = tpu.memref_squeeze %dma_start3A_247 : memref<1x1x1x104xi32, #tpu.memory_space<vmem>> -> memref<104xi32, #tpu.memory_space<vmem>>
      %dma_start3A_249 = arith.constant 0 : i32
      %dma_start3A_250 = arith.constant 0 : i32
      %dma_start3A_251 = tpu.memref_slice %arg7[%dma_start3A_249, %dma_start3A_250] : memref<9984x128xf32, #tpu.memory_space<vmem_shared>> -> memref<9984x128xf32, #tpu.memory_space<vmem_shared>>
      tpu.enqueue_indirect_dma source(%dma_start3A_245 : memref<104x128xf32, #tpu.memory_space<vmem>>) target(%dma_start3A_251 : memref<9984x128xf32, #tpu.memory_space<vmem_shared>>) offsets(%dma_start3A_248 : memref<104xi32, #tpu.memory_space<vmem>>) semaphore(%arg13 : memref<!tpu.dma_semaphore, #tpu.memory_space<semaphore_mem>>) {add = true}
      %dma_wait3A_252 = arith.constant 0 : i32
      %dma_wait3A_253 = arith.constant 0 : i32
      %dma_wait3A_254 = arith.constant 0 : i32
      %dma_wait3A_255 = tpu.memref_slice %arg6[%dma_wait3A_252, %dma_wait3A_253, %dma_wait3A_254] : memref<3x104x128xf32, #tpu.memory_space<vmem>> -> memref<1x104x128xf32, #tpu.memory_space<vmem>>
      %dma_wait3A_256 = tpu.memref_squeeze %dma_wait3A_255 : memref<1x104x128xf32, #tpu.memory_space<vmem>> -> memref<104x128xf32, #tpu.memory_space<vmem>>
      %dma_wait3A_257 = arith.constant 0 : i32
      %dma_wait3A_258 = arith.constant 0 : i32
      %dma_wait3A_259 = tpu.memref_slice %arg2[%dma_wait3A_257, %dma_wait3A_258] : memref<19968x128xf32, #tpu.memory_space<hbm>> -> memref<104x128xf32, #tpu.memory_space<hbm>>
      %dma_wait3A_260 = arith.constant 0 : i32
      %dma_wait3A_261 = arith.constant 0 : i32
      %dma_wait3A_262 = tpu.memref_slice %arg6[%dma_wait3A_252, %dma_wait3A_260, %dma_wait3A_261] : memref<3x104x128xf32, #tpu.memory_space<vmem>> -> memref<1x104x128xf32, #tpu.memory_space<vmem>>
      %dma_wait3A_263 = tpu.memref_squeeze %dma_wait3A_262 : memref<1x104x128xf32, #tpu.memory_space<vmem>> -> memref<104x128xf32, #tpu.memory_space<vmem>>
      %dma_wait3A_264 = arith.constant 0 : i32
      %dma_wait3A_265 = arith.constant 0 : i32
      %dma_wait3A_266 = tpu.memref_slice %arg2[%dma_wait3A_264, %dma_wait3A_265] : memref<19968x128xf32, #tpu.memory_space<hbm>> -> memref<104x128xf32, #tpu.memory_space<hbm>>
      tpu.wait_dma2 semaphore(%arg8 : memref<!tpu.dma_semaphore, #tpu.memory_space<semaphore_mem>>) src(%dma_wait3A_266 : memref<104x128xf32, #tpu.memory_space<hbm>>) dst(%dma_wait3A_263 : memref<104x128xf32, #tpu.memory_space<vmem>>)
      %dma_wait3A_267 = arith.constant 2 : i32
      %dma_wait3A_268 = arith.constant 0 : i32
      %dma_wait3A_269 = arith.constant 0 : i32
      %dma_wait3A_270 = tpu.memref_slice %arg6[%dma_wait3A_267, %dma_wait3A_268, %dma_wait3A_269] : memref<3x104x128xf32, #tpu.memory_space<vmem>> -> memref<1x104x128xf32, #tpu.memory_space<vmem>>
      %dma_wait3A_271 = tpu.memref_squeeze %dma_wait3A_270 : memref<1x104x128xf32, #tpu.memory_space<vmem>> -> memref<104x128xf32, #tpu.memory_space<vmem>>
      %dma_wait3A_272 = arith.constant 0 : i32
      %dma_wait3A_273 = arith.constant 0 : i32
      %dma_wait3A_274 = tpu.memref_slice %arg2[%dma_wait3A_272, %dma_wait3A_273] : memref<19968x128xf32, #tpu.memory_space<hbm>> -> memref<104x128xf32, #tpu.memory_space<hbm>>
      %dma_wait3A_275 = arith.constant 0 : i32
      %dma_wait3A_276 = arith.constant 0 : i32
      %dma_wait3A_277 = tpu.memref_slice %arg6[%dma_wait3A_267, %dma_wait3A_275, %dma_wait3A_276] : memref<3x104x128xf32, #tpu.memory_space<vmem>> -> memref<1x104x128xf32, #tpu.memory_space<vmem>>
      %dma_wait3A_278 = tpu.memref_squeeze %dma_wait3A_277 : memref<1x104x128xf32, #tpu.memory_space<vmem>> -> memref<104x128xf32, #tpu.memory_space<vmem>>
      %dma_wait3A_279 = arith.constant 0 : i32
      %dma_wait3A_280 = arith.constant 0 : i32
      %dma_wait3A_281 = tpu.memref_slice %arg2[%dma_wait3A_279, %dma_wait3A_280] : memref<19968x128xf32, #tpu.memory_space<hbm>> -> memref<104x128xf32, #tpu.memory_space<hbm>>
      tpu.wait_dma2 semaphore(%arg13 : memref<!tpu.dma_semaphore, #tpu.memory_space<semaphore_mem>>) src(%dma_wait3A_281 : memref<104x128xf32, #tpu.memory_space<hbm>>) dst(%dma_wait3A_278 : memref<104x128xf32, #tpu.memory_space<vmem>>)
      %dma_start3A_282 = arith.constant 0 : i32
      %dma_start3A_283 = arith.constant 5 : i32
      %dma_start3A_284 = arith.constant 2 : i32
      %dma_start3A_285 = arith.constant 0 : i32
      %dma_start3A_286 = arith.constant 0 : i32
      %dma_start3A_287 = tpu.memref_slice %arg6[%dma_start3A_284, %dma_start3A_285, %dma_start3A_286] : memref<3x104x128xf32, #tpu.memory_space<vmem>> -> memref<1x104x128xf32, #tpu.memory_space<vmem>>
      %dma_start3A_288 = tpu.memref_squeeze %dma_start3A_287 : memref<1x104x128xf32, #tpu.memory_space<vmem>> -> memref<104x128xf32, #tpu.memory_space<vmem>>
      %dma_start3A_289 = arith.constant 0 : i32
      %dma_start3A_290 = tpu.memref_slice %arg5[%rem3A_90, %dma_start3A_282, %dma_start3A_283, %dma_start3A_289] : memref<3x2x6x104xi32, #tpu.memory_space<vmem>> -> memref<1x1x1x104xi32, #tpu.memory_space<vmem>>
      %dma_start3A_291 = tpu.memref_squeeze %dma_start3A_290 : memref<1x1x1x104xi32, #tpu.memory_space<vmem>> -> memref<104xi32, #tpu.memory_space<vmem>>
      %dma_start3A_292 = arith.constant 0 : i32
      %dma_start3A_293 = arith.constant 0 : i32
      %dma_start3A_294 = tpu.memref_slice %arg2[%dma_start3A_292, %dma_start3A_293] : memref<19968x128xf32, #tpu.memory_space<hbm>> -> memref<19968x128xf32, #tpu.memory_space<hbm>>
      tpu.enqueue_indirect_dma source(%dma_start3A_294 : memref<19968x128xf32, #tpu.memory_space<hbm>>) target(%dma_start3A_288 : memref<104x128xf32, #tpu.memory_space<vmem>>) offsets(%dma_start3A_291 : memref<104xi32, #tpu.memory_space<vmem>>) semaphore(%arg10 : memref<!tpu.dma_semaphore, #tpu.memory_space<semaphore_mem>>)
      %dma_start3A_295 = arith.constant 0 : i32
      %dma_start3A_296 = arith.constant 1 : i32
      %dma_start3A_297 = arith.constant 3 : i32
      %dma_start3A_298 = arith.constant 0 : i32
      %dma_start3A_299 = arith.constant 0 : i32
      %dma_start3A_300 = tpu.memref_slice %arg6[%dma_start3A_295, %dma_start3A_298, %dma_start3A_299] : memref<3x104x128xf32, #tpu.memory_space<vmem>> -> memref<1x104x128xf32, #tpu.memory_space<vmem>>
      %dma_start3A_301 = tpu.memref_squeeze %dma_start3A_300 : memref<1x104x128xf32, #tpu.memory_space<vmem>> -> memref<104x128xf32, #tpu.memory_space<vmem>>
      %dma_start3A_302 = arith.constant 0 : i32
      %dma_start3A_303 = tpu.memref_slice %arg5[%rem3A_90, %dma_start3A_296, %dma_start3A_297, %dma_start3A_302] : memref<3x2x6x104xi32, #tpu.memory_space<vmem>> -> memref<1x1x1x104xi32, #tpu.memory_space<vmem>>
      %dma_start3A_304 = tpu.memref_squeeze %dma_start3A_303 : memref<1x1x1x104xi32, #tpu.memory_space<vmem>> -> memref<104xi32, #tpu.memory_space<vmem>>
      %dma_start3A_305 = arith.constant 0 : i32
      %dma_start3A_306 = arith.constant 0 : i32
      %dma_start3A_307 = tpu.memref_slice %arg7[%dma_start3A_305, %dma_start3A_306] : memref<9984x128xf32, #tpu.memory_space<vmem_shared>> -> memref<9984x128xf32, #tpu.memory_space<vmem_shared>>
      tpu.enqueue_indirect_dma source(%dma_start3A_301 : memref<104x128xf32, #tpu.memory_space<vmem>>) target(%dma_start3A_307 : memref<9984x128xf32, #tpu.memory_space<vmem_shared>>) offsets(%dma_start3A_304 : memref<104xi32, #tpu.memory_space<vmem>>) semaphore(%arg11 : memref<!tpu.dma_semaphore, #tpu.memory_space<semaphore_mem>>) {add = true}
      %dma_wait3A_308 = arith.constant 1 : i32
      %dma_wait3A_309 = arith.constant 0 : i32
      %dma_wait3A_310 = arith.constant 0 : i32
      %dma_wait3A_311 = tpu.memref_slice %arg6[%dma_wait3A_308, %dma_wait3A_309, %dma_wait3A_310] : memref<3x104x128xf32, #tpu.memory_space<vmem>> -> memref<1x104x128xf32, #tpu.memory_space<vmem>>
      %dma_wait3A_312 = tpu.memref_squeeze %dma_wait3A_311 : memref<1x104x128xf32, #tpu.memory_space<vmem>> -> memref<104x128xf32, #tpu.memory_space<vmem>>
      %dma_wait3A_313 = arith.constant 0 : i32
      %dma_wait3A_314 = arith.constant 0 : i32
      %dma_wait3A_315 = tpu.memref_slice %arg2[%dma_wait3A_313, %dma_wait3A_314] : memref<19968x128xf32, #tpu.memory_space<hbm>> -> memref<104x128xf32, #tpu.memory_space<hbm>>
      %dma_wait3A_316 = arith.constant 0 : i32
      %dma_wait3A_317 = arith.constant 0 : i32
      %dma_wait3A_318 = tpu.memref_slice %arg6[%dma_wait3A_308, %dma_wait3A_316, %dma_wait3A_317] : memref<3x104x128xf32, #tpu.memory_space<vmem>> -> memref<1x104x128xf32, #tpu.memory_space<vmem>>
      %dma_wait3A_319 = tpu.memref_squeeze %dma_wait3A_318 : memref<1x104x128xf32, #tpu.memory_space<vmem>> -> memref<104x128xf32, #tpu.memory_space<vmem>>
      %dma_wait3A_320 = arith.constant 0 : i32
      %dma_wait3A_321 = arith.constant 0 : i32
      %dma_wait3A_322 = tpu.memref_slice %arg2[%dma_wait3A_320, %dma_wait3A_321] : memref<19968x128xf32, #tpu.memory_space<hbm>> -> memref<104x128xf32, #tpu.memory_space<hbm>>
      tpu.wait_dma2 semaphore(%arg9 : memref<!tpu.dma_semaphore, #tpu.memory_space<semaphore_mem>>) src(%dma_wait3A_322 : memref<104x128xf32, #tpu.memory_space<hbm>>) dst(%dma_wait3A_319 : memref<104x128xf32, #tpu.memory_space<vmem>>)
      %dma_wait3A_323 = arith.constant 0 : i32
      %dma_wait3A_324 = arith.constant 0 : i32
      %dma_wait3A_325 = arith.constant 0 : i32
      %dma_wait3A_326 = tpu.memref_slice %arg6[%dma_wait3A_323, %dma_wait3A_324, %dma_wait3A_325] : memref<3x104x128xf32, #tpu.memory_space<vmem>> -> memref<1x104x128xf32, #tpu.memory_space<vmem>>
      %dma_wait3A_327 = tpu.memref_squeeze %dma_wait3A_326 : memref<1x104x128xf32, #tpu.memory_space<vmem>> -> memref<104x128xf32, #tpu.memory_space<vmem>>
      %dma_wait3A_328 = arith.constant 0 : i32
      %dma_wait3A_329 = arith.constant 0 : i32
      %dma_wait3A_330 = tpu.memref_slice %arg2[%dma_wait3A_328, %dma_wait3A_329] : memref<19968x128xf32, #tpu.memory_space<hbm>> -> memref<104x128xf32, #tpu.memory_space<hbm>>
      %dma_wait3A_331 = arith.constant 0 : i32
      %dma_wait3A_332 = arith.constant 0 : i32
      %dma_wait3A_333 = tpu.memref_slice %arg6[%dma_wait3A_323, %dma_wait3A_331, %dma_wait3A_332] : memref<3x104x128xf32, #tpu.memory_space<vmem>> -> memref<1x104x128xf32, #tpu.memory_space<vmem>>
      %dma_wait3A_334 = tpu.memref_squeeze %dma_wait3A_333 : memref<1x104x128xf32, #tpu.memory_space<vmem>> -> memref<104x128xf32, #tpu.memory_space<vmem>>
      %dma_wait3A_335 = arith.constant 0 : i32
      %dma_wait3A_336 = arith.constant 0 : i32
      %dma_wait3A_337 = tpu.memref_slice %arg2[%dma_wait3A_335, %dma_wait3A_336] : memref<19968x128xf32, #tpu.memory_space<hbm>> -> memref<104x128xf32, #tpu.memory_space<hbm>>
      tpu.wait_dma2 semaphore(%arg11 : memref<!tpu.dma_semaphore, #tpu.memory_space<semaphore_mem>>) src(%dma_wait3A_337 : memref<104x128xf32, #tpu.memory_space<hbm>>) dst(%dma_wait3A_334 : memref<104x128xf32, #tpu.memory_space<vmem>>)
      %lt3A_338 = arith.constant 31 : i32
      %lt3A_339 = arith.cmpi slt, %scan3A_82, %lt3A_338 : i32
      %convert_element_type3A_340 = arith.extui %lt3A_339 : i1 to i32
      %cond3A_341 = arith.constant 0 : i32
      %cond3A_342 = arith.cmpi ne, %convert_element_type3A_340, %cond3A_341 : i32
      scf.if %cond3A_342 {
        %dma_start3A_404 = arith.constant 0 : i32
        %dma_start3A_405 = arith.constant 0 : i32
        %dma_start3A_406 = arith.constant 0 : i32
        %dma_start3A_407 = arith.constant 0 : i32
        %dma_start3A_408 = arith.constant 0 : i32
        %dma_start3A_409 = tpu.memref_slice %arg6[%dma_start3A_406, %dma_start3A_407, %dma_start3A_408] : memref<3x104x128xf32, #tpu.memory_space<vmem>> -> memref<1x104x128xf32, #tpu.memory_space<vmem>>
        %dma_start3A_410 = tpu.memref_squeeze %dma_start3A_409 : memref<1x104x128xf32, #tpu.memory_space<vmem>> -> memref<104x128xf32, #tpu.memory_space<vmem>>
        %dma_start3A_411 = arith.constant 0 : i32
        %dma_start3A_412 = tpu.memref_slice %arg5[%rem3A_94, %dma_start3A_404, %dma_start3A_405, %dma_start3A_411] : memref<3x2x6x104xi32, #tpu.memory_space<vmem>> -> memref<1x1x1x104xi32, #tpu.memory_space<vmem>>
        %dma_start3A_413 = tpu.memref_squeeze %dma_start3A_412 : memref<1x1x1x104xi32, #tpu.memory_space<vmem>> -> memref<104xi32, #tpu.memory_space<vmem>>
        %dma_start3A_414 = arith.constant 0 : i32
        %dma_start3A_415 = arith.constant 0 : i32
        %dma_start3A_416 = tpu.memref_slice %arg2[%dma_start3A_414, %dma_start3A_415] : memref<19968x128xf32, #tpu.memory_space<hbm>> -> memref<19968x128xf32, #tpu.memory_space<hbm>>
        tpu.enqueue_indirect_dma source(%dma_start3A_416 : memref<19968x128xf32, #tpu.memory_space<hbm>>) target(%dma_start3A_410 : memref<104x128xf32, #tpu.memory_space<vmem>>) offsets(%dma_start3A_413 : memref<104xi32, #tpu.memory_space<vmem>>) semaphore(%arg8 : memref<!tpu.dma_semaphore, #tpu.memory_space<semaphore_mem>>)
      } else {
      }
      %dma_start3A_343 = arith.constant 1 : i32
      %dma_start3A_344 = arith.constant 1 : i32
      %dma_start3A_345 = arith.constant 4 : i32
      %dma_start3A_346 = arith.constant 0 : i32
      %dma_start3A_347 = arith.constant 0 : i32
      %dma_start3A_348 = tpu.memref_slice %arg6[%dma_start3A_343, %dma_start3A_346, %dma_start3A_347] : memref<3x104x128xf32, #tpu.memory_space<vmem>> -> memref<1x104x128xf32, #tpu.memory_space<vmem>>
      %dma_start3A_349 = tpu.memref_squeeze %dma_start3A_348 : memref<1x104x128xf32, #tpu.memory_space<vmem>> -> memref<104x128xf32, #tpu.memory_space<vmem>>
      %dma_start3A_350 = arith.constant 0 : i32
      %dma_start3A_351 = tpu.memref_slice %arg5[%rem3A_90, %dma_start3A_344, %dma_start3A_345, %dma_start3A_350] : memref<3x2x6x104xi32, #tpu.memory_space<vmem>> -> memref<1x1x1x104xi32, #tpu.memory_space<vmem>>
      %dma_start3A_352 = tpu.memref_squeeze %dma_start3A_351 : memref<1x1x1x104xi32, #tpu.memory_space<vmem>> -> memref<104xi32, #tpu.memory_space<vmem>>
      %dma_start3A_353 = arith.constant 0 : i32
      %dma_start3A_354 = arith.constant 0 : i32
      %dma_start3A_355 = tpu.memref_slice %arg7[%dma_start3A_353, %dma_start3A_354] : memref<9984x128xf32, #tpu.memory_space<vmem_shared>> -> memref<9984x128xf32, #tpu.memory_space<vmem_shared>>
      tpu.enqueue_indirect_dma source(%dma_start3A_349 : memref<104x128xf32, #tpu.memory_space<vmem>>) target(%dma_start3A_355 : memref<9984x128xf32, #tpu.memory_space<vmem_shared>>) offsets(%dma_start3A_352 : memref<104xi32, #tpu.memory_space<vmem>>) semaphore(%arg12 : memref<!tpu.dma_semaphore, #tpu.memory_space<semaphore_mem>>) {add = true}
      %dma_wait3A_356 = arith.constant 2 : i32
      %dma_wait3A_357 = arith.constant 0 : i32
      %dma_wait3A_358 = arith.constant 0 : i32
      %dma_wait3A_359 = tpu.memref_slice %arg6[%dma_wait3A_356, %dma_wait3A_357, %dma_wait3A_358] : memref<3x104x128xf32, #tpu.memory_space<vmem>> -> memref<1x104x128xf32, #tpu.memory_space<vmem>>
      %dma_wait3A_360 = tpu.memref_squeeze %dma_wait3A_359 : memref<1x104x128xf32, #tpu.memory_space<vmem>> -> memref<104x128xf32, #tpu.memory_space<vmem>>
      %dma_wait3A_361 = arith.constant 0 : i32
      %dma_wait3A_362 = arith.constant 0 : i32
      %dma_wait3A_363 = tpu.memref_slice %arg2[%dma_wait3A_361, %dma_wait3A_362] : memref<19968x128xf32, #tpu.memory_space<hbm>> -> memref<104x128xf32, #tpu.memory_space<hbm>>
      %dma_wait3A_364 = arith.constant 0 : i32
      %dma_wait3A_365 = arith.constant 0 : i32
      %dma_wait3A_366 = tpu.memref_slice %arg6[%dma_wait3A_356, %dma_wait3A_364, %dma_wait3A_365] : memref<3x104x128xf32, #tpu.memory_space<vmem>> -> memref<1x104x128xf32, #tpu.memory_space<vmem>>
      %dma_wait3A_367 = tpu.memref_squeeze %dma_wait3A_366 : memref<1x104x128xf32, #tpu.memory_space<vmem>> -> memref<104x128xf32, #tpu.memory_space<vmem>>
      %dma_wait3A_368 = arith.constant 0 : i32
      %dma_wait3A_369 = arith.constant 0 : i32
      %dma_wait3A_370 = tpu.memref_slice %arg2[%dma_wait3A_368, %dma_wait3A_369] : memref<19968x128xf32, #tpu.memory_space<hbm>> -> memref<104x128xf32, #tpu.memory_space<hbm>>
      tpu.wait_dma2 semaphore(%arg10 : memref<!tpu.dma_semaphore, #tpu.memory_space<semaphore_mem>>) src(%dma_wait3A_370 : memref<104x128xf32, #tpu.memory_space<hbm>>) dst(%dma_wait3A_367 : memref<104x128xf32, #tpu.memory_space<vmem>>)
      %dma_wait3A_371 = arith.constant 1 : i32
      %dma_wait3A_372 = arith.constant 0 : i32
      %dma_wait3A_373 = arith.constant 0 : i32
      %dma_wait3A_374 = tpu.memref_slice %arg6[%dma_wait3A_371, %dma_wait3A_372, %dma_wait3A_373] : memref<3x104x128xf32, #tpu.memory_space<vmem>> -> memref<1x104x128xf32, #tpu.memory_space<vmem>>
      %dma_wait3A_375 = tpu.memref_squeeze %dma_wait3A_374 : memref<1x104x128xf32, #tpu.memory_space<vmem>> -> memref<104x128xf32, #tpu.memory_space<vmem>>
      %dma_wait3A_376 = arith.constant 0 : i32
      %dma_wait3A_377 = arith.constant 0 : i32
      %dma_wait3A_378 = tpu.memref_slice %arg2[%dma_wait3A_376, %dma_wait3A_377] : memref<19968x128xf32, #tpu.memory_space<hbm>> -> memref<104x128xf32, #tpu.memory_space<hbm>>
      %dma_wait3A_379 = arith.constant 0 : i32
      %dma_wait3A_380 = arith.constant 0 : i32
      %dma_wait3A_381 = tpu.memref_slice %arg6[%dma_wait3A_371, %dma_wait3A_379, %dma_wait3A_380] : memref<3x104x128xf32, #tpu.memory_space<vmem>> -> memref<1x104x128xf32, #tpu.memory_space<vmem>>
      %dma_wait3A_382 = tpu.memref_squeeze %dma_wait3A_381 : memref<1x104x128xf32, #tpu.memory_space<vmem>> -> memref<104x128xf32, #tpu.memory_space<vmem>>
      %dma_wait3A_383 = arith.constant 0 : i32
      %dma_wait3A_384 = arith.constant 0 : i32
      %dma_wait3A_385 = tpu.memref_slice %arg2[%dma_wait3A_383, %dma_wait3A_384] : memref<19968x128xf32, #tpu.memory_space<hbm>> -> memref<104x128xf32, #tpu.memory_space<hbm>>
      tpu.wait_dma2 semaphore(%arg12 : memref<!tpu.dma_semaphore, #tpu.memory_space<semaphore_mem>>) src(%dma_wait3A_385 : memref<104x128xf32, #tpu.memory_space<hbm>>) dst(%dma_wait3A_382 : memref<104x128xf32, #tpu.memory_space<vmem>>)
      %lt3A_386 = arith.constant 31 : i32
      %lt3A_387 = arith.cmpi slt, %scan3A_82, %lt3A_386 : i32
      %convert_element_type3A_388 = arith.extui %lt3A_387 : i1 to i32
      %cond3A_389 = arith.constant 0 : i32
      %cond3A_390 = arith.cmpi ne, %convert_element_type3A_388, %cond3A_389 : i32
      scf.if %cond3A_390 {
        %dma_start3A_404 = arith.constant 0 : i32
        %dma_start3A_405 = arith.constant 1 : i32
        %dma_start3A_406 = arith.constant 1 : i32
        %dma_start3A_407 = arith.constant 0 : i32
        %dma_start3A_408 = arith.constant 0 : i32
        %dma_start3A_409 = tpu.memref_slice %arg6[%dma_start3A_406, %dma_start3A_407, %dma_start3A_408] : memref<3x104x128xf32, #tpu.memory_space<vmem>> -> memref<1x104x128xf32, #tpu.memory_space<vmem>>
        %dma_start3A_410 = tpu.memref_squeeze %dma_start3A_409 : memref<1x104x128xf32, #tpu.memory_space<vmem>> -> memref<104x128xf32, #tpu.memory_space<vmem>>
        %dma_start3A_411 = arith.constant 0 : i32
        %dma_start3A_412 = tpu.memref_slice %arg5[%rem3A_94, %dma_start3A_404, %dma_start3A_405, %dma_start3A_411] : memref<3x2x6x104xi32, #tpu.memory_space<vmem>> -> memref<1x1x1x104xi32, #tpu.memory_space<vmem>>
        %dma_start3A_413 = tpu.memref_squeeze %dma_start3A_412 : memref<1x1x1x104xi32, #tpu.memory_space<vmem>> -> memref<104xi32, #tpu.memory_space<vmem>>
        %dma_start3A_414 = arith.constant 0 : i32
        %dma_start3A_415 = arith.constant 0 : i32
        %dma_start3A_416 = tpu.memref_slice %arg2[%dma_start3A_414, %dma_start3A_415] : memref<19968x128xf32, #tpu.memory_space<hbm>> -> memref<19968x128xf32, #tpu.memory_space<hbm>>
        tpu.enqueue_indirect_dma source(%dma_start3A_416 : memref<19968x128xf32, #tpu.memory_space<hbm>>) target(%dma_start3A_410 : memref<104x128xf32, #tpu.memory_space<vmem>>) offsets(%dma_start3A_413 : memref<104xi32, #tpu.memory_space<vmem>>) semaphore(%arg9 : memref<!tpu.dma_semaphore, #tpu.memory_space<semaphore_mem>>)
      } else {
      }
      %dma_start3A_391 = arith.constant 2 : i32
      %dma_start3A_392 = arith.constant 1 : i32
      %dma_start3A_393 = arith.constant 5 : i32
      %dma_start3A_394 = arith.constant 0 : i32
      %dma_start3A_395 = arith.constant 0 : i32
      %dma_start3A_396 = tpu.memref_slice %arg6[%dma_start3A_391, %dma_start3A_394, %dma_start3A_395] : memref<3x104x128xf32, #tpu.memory_space<vmem>> -> memref<1x104x128xf32, #tpu.memory_space<vmem>>
      %dma_start3A_397 = tpu.memref_squeeze %dma_start3A_396 : memref<1x104x128xf32, #tpu.memory_space<vmem>> -> memref<104x128xf32, #tpu.memory_space<vmem>>
      %dma_start3A_398 = arith.constant 0 : i32
      %dma_start3A_399 = tpu.memref_slice %arg5[%rem3A_90, %dma_start3A_392, %dma_start3A_393, %dma_start3A_398] : memref<3x2x6x104xi32, #tpu.memory_space<vmem>> -> memref<1x1x1x104xi32, #tpu.memory_space<vmem>>
      %dma_start3A_400 = tpu.memref_squeeze %dma_start3A_399 : memref<1x1x1x104xi32, #tpu.memory_space<vmem>> -> memref<104xi32, #tpu.memory_space<vmem>>
      %dma_start3A_401 = arith.constant 0 : i32
      %dma_start3A_402 = arith.constant 0 : i32
      %dma_start3A_403 = tpu.memref_slice %arg7[%dma_start3A_401, %dma_start3A_402] : memref<9984x128xf32, #tpu.memory_space<vmem_shared>> -> memref<9984x128xf32, #tpu.memory_space<vmem_shared>>
      tpu.enqueue_indirect_dma source(%dma_start3A_397 : memref<104x128xf32, #tpu.memory_space<vmem>>) target(%dma_start3A_403 : memref<9984x128xf32, #tpu.memory_space<vmem_shared>>) offsets(%dma_start3A_400 : memref<104xi32, #tpu.memory_space<vmem>>) semaphore(%arg13 : memref<!tpu.dma_semaphore, #tpu.memory_space<semaphore_mem>>) {add = true}
    }
    %scan3A_59 = arith.constant 32 : i32
    %dma_wait3A = arith.constant 2 : i32
    %dma_wait3A_60 = arith.constant 0 : i32
    %dma_wait3A_61 = arith.constant 0 : i32
    %dma_wait3A_62 = tpu.memref_slice %arg6[%dma_wait3A, %dma_wait3A_60, %dma_wait3A_61] : memref<3x104x128xf32, #tpu.memory_space<vmem>> -> memref<1x104x128xf32, #tpu.memory_space<vmem>>
    %dma_wait3A_63 = tpu.memref_squeeze %dma_wait3A_62 : memref<1x104x128xf32, #tpu.memory_space<vmem>> -> memref<104x128xf32, #tpu.memory_space<vmem>>
    %dma_wait3A_64 = arith.constant 0 : i32
    %dma_wait3A_65 = arith.constant 0 : i32
    %dma_wait3A_66 = tpu.memref_slice %arg2[%dma_wait3A_64, %dma_wait3A_65] : memref<19968x128xf32, #tpu.memory_space<hbm>> -> memref<104x128xf32, #tpu.memory_space<hbm>>
    %dma_wait3A_67 = arith.constant 0 : i32
    %dma_wait3A_68 = arith.constant 0 : i32
    %dma_wait3A_69 = tpu.memref_slice %arg6[%dma_wait3A, %dma_wait3A_67, %dma_wait3A_68] : memref<3x104x128xf32, #tpu.memory_space<vmem>> -> memref<1x104x128xf32, #tpu.memory_space<vmem>>
    %dma_wait3A_70 = tpu.memref_squeeze %dma_wait3A_69 : memref<1x104x128xf32, #tpu.memory_space<vmem>> -> memref<104x128xf32, #tpu.memory_space<vmem>>
    %dma_wait3A_71 = arith.constant 0 : i32
    %dma_wait3A_72 = arith.constant 0 : i32
    %dma_wait3A_73 = tpu.memref_slice %arg2[%dma_wait3A_71, %dma_wait3A_72] : memref<19968x128xf32, #tpu.memory_space<hbm>> -> memref<104x128xf32, #tpu.memory_space<hbm>>
    tpu.wait_dma2 semaphore(%arg13 : memref<!tpu.dma_semaphore, #tpu.memory_space<semaphore_mem>>) src(%dma_wait3A_73 : memref<104x128xf32, #tpu.memory_space<hbm>>) dst(%dma_wait3A_70 : memref<104x128xf32, #tpu.memory_space<vmem>>)
    %barrier3A_74 = arith.constant 0 : index
    tpu.barrier barrier_id(%barrier3A_74)
    %mul3A_75 = arith.constant 624 : i32
    %mul3A_76 = arith.muli %arg1, %mul3A_75 : i32
    %mul3A_77 = arith.constant 9984 : i32
    %mul3A_78 = arith.muli %arg0, %mul3A_77 : i32
    %mul3A_79 = arith.constant 624 : i32
    %mul3A_80 = arith.muli %arg1, %mul3A_79 : i32
    %add3A_81 = arith.addi %mul3A_78, %mul3A_80 : i32
    "tpu.region"() ({
      %run_scoped3A_82 = tpu.sem_alloc : memref<!tpu.dma_semaphore, #tpu.memory_space<semaphore_mem>>
      %dma_start3A_83 = arith.constant 0 : i32
      %dma_start3A_84 = tpu.memref_slice %arg4[%add3A_81, %dma_start3A_83] : memref<19968x128xf32, #tpu.memory_space<hbm>> -> memref<624x128xf32, #tpu.memory_space<hbm>>
      %dma_start3A_85 = arith.constant 0 : i32
      %dma_start3A_86 = tpu.memref_slice %arg7[%mul3A_76, %dma_start3A_85] : memref<9984x128xf32, #tpu.memory_space<vmem_shared>> -> memref<624x128xf32, #tpu.memory_space<vmem_shared>>
      tpu.enqueue_dma source(%dma_start3A_86 : memref<624x128xf32, #tpu.memory_space<vmem_shared>>) target(%dma_start3A_84 : memref<624x128xf32, #tpu.memory_space<hbm>>) target_semaphore(%run_scoped3A_82 : memref<!tpu.dma_semaphore, #tpu.memory_space<semaphore_mem>>)
      %dma_wait3A_87 = arith.constant 0 : i32
      %dma_wait3A_88 = tpu.memref_slice %arg4[%add3A_81, %dma_wait3A_87] : memref<19968x128xf32, #tpu.memory_space<hbm>> -> memref<624x128xf32, #tpu.memory_space<hbm>>
      %dma_wait3A_89 = arith.constant 0 : i32
      %dma_wait3A_90 = tpu.memref_slice %arg7[%mul3A_76, %dma_wait3A_89] : memref<9984x128xf32, #tpu.memory_space<vmem_shared>> -> memref<624x128xf32, #tpu.memory_space<vmem_shared>>
      tpu.wait_dma2 semaphore(%run_scoped3A_82 : memref<!tpu.dma_semaphore, #tpu.memory_space<semaphore_mem>>) src(%dma_wait3A_90 : memref<624x128xf32, #tpu.memory_space<vmem_shared>>) dst(%dma_wait3A_88 : memref<624x128xf32, #tpu.memory_space<hbm>>)
      tpu.yield
    }) : () -> ()
    return
  }
}

#map = affine_map<(d0, d1) -> (0, 0, 0)>
#map1 = affine_map<(d0, d1) -> (0, 0)>
module attributes {stable_mosaic.version = 14 : i64} {
  func.func @_deg_sc(%arg0: i32, %arg1: i32, %arg2: memref<32x78x128xi32, #tpu.memory_space<hbm>>, %arg3: memref<128x128xf32, #tpu.memory_space<hbm>>, %arg4: memref<9984x128xf32, #tpu.memory_space<hbm>>, %arg5: memref<19968x128xf32, #tpu.memory_space<hbm>>, %arg6: memref<78x128xi32, #tpu.memory_space<vmem>>, %arg7: memref<128x128xf32, #tpu.memory_space<vmem>>, %arg8: memref<9984x128xf32, #tpu.memory_space<vmem_shared>>, %arg9: memref<!tpu.dma_semaphore, #tpu.memory_space<semaphore_mem>>) attributes {dimension_semantics = [#tpu.dimension_semantics<core_parallel>, #tpu.dimension_semantics<subcore_parallel>], iteration_bounds = array<i64: 2, 16>, scalar_prefetch = 0 : i64, scratch_operands = 4 : i64, tpu.core_type = #tpu.core_type<sc_vector_subcore>, window_params = [{transform_indices = #map}, {transform_indices = #map1}, {transform_indices = #map1}, {transform_indices = #map1}]} {
    %mul3A = arith.constant 16 : i32
    %mul3A_0 = arith.muli %arg0, %mul3A : i32
    %add3A = arith.addi %mul3A_0, %arg1 : i32
    "tpu.region"() ({
      %run_scoped3A = tpu.sem_alloc : memref<!tpu.dma_semaphore, #tpu.memory_space<semaphore_mem>>
      %dma_start3A = arith.constant 0 : i32
      %dma_start3A_18 = arith.constant 0 : i32
      %dma_start3A_19 = tpu.memref_slice %arg2[%add3A, %dma_start3A, %dma_start3A_18] : memref<32x78x128xi32, #tpu.memory_space<hbm>> -> memref<1x78x128xi32, #tpu.memory_space<hbm>>
      %dma_start3A_20 = tpu.memref_squeeze %dma_start3A_19 : memref<1x78x128xi32, #tpu.memory_space<hbm>> -> memref<78x128xi32, #tpu.memory_space<hbm>>
      %dma_start3A_21 = arith.constant 0 : i32
      %dma_start3A_22 = arith.constant 0 : i32
      %dma_start3A_23 = tpu.memref_slice %arg2[%add3A, %dma_start3A_21, %dma_start3A_22] : memref<32x78x128xi32, #tpu.memory_space<hbm>> -> memref<1x78x128xi32, #tpu.memory_space<hbm>>
      %dma_start3A_24 = tpu.memref_squeeze %dma_start3A_23 : memref<1x78x128xi32, #tpu.memory_space<hbm>> -> memref<78x128xi32, #tpu.memory_space<hbm>>
      tpu.enqueue_dma source(%dma_start3A_24 : memref<78x128xi32, #tpu.memory_space<hbm>>) target(%arg6 : memref<78x128xi32, #tpu.memory_space<vmem>>) target_semaphore(%run_scoped3A : memref<!tpu.dma_semaphore, #tpu.memory_space<semaphore_mem>>)
      %dma_wait3A = arith.constant 0 : i32
      %dma_wait3A_25 = arith.constant 0 : i32
      %dma_wait3A_26 = tpu.memref_slice %arg2[%add3A, %dma_wait3A, %dma_wait3A_25] : memref<32x78x128xi32, #tpu.memory_space<hbm>> -> memref<1x78x128xi32, #tpu.memory_space<hbm>>
      %dma_wait3A_27 = tpu.memref_squeeze %dma_wait3A_26 : memref<1x78x128xi32, #tpu.memory_space<hbm>> -> memref<78x128xi32, #tpu.memory_space<hbm>>
      %dma_wait3A_28 = arith.constant 0 : i32
      %dma_wait3A_29 = arith.constant 0 : i32
      %dma_wait3A_30 = tpu.memref_slice %arg2[%add3A, %dma_wait3A_28, %dma_wait3A_29] : memref<32x78x128xi32, #tpu.memory_space<hbm>> -> memref<1x78x128xi32, #tpu.memory_space<hbm>>
      %dma_wait3A_31 = tpu.memref_squeeze %dma_wait3A_30 : memref<1x78x128xi32, #tpu.memory_space<hbm>> -> memref<78x128xi32, #tpu.memory_space<hbm>>
      tpu.wait_dma2 semaphore(%run_scoped3A : memref<!tpu.dma_semaphore, #tpu.memory_space<semaphore_mem>>) src(%dma_wait3A_31 : memref<78x128xi32, #tpu.memory_space<hbm>>) dst(%arg6 : memref<78x128xi32, #tpu.memory_space<vmem>>)
      tpu.yield
    }) : () -> ()
    "tpu.region"() ({
      %run_scoped3A = tpu.sem_alloc : memref<!tpu.dma_semaphore, #tpu.memory_space<semaphore_mem>>
      tpu.enqueue_dma source(%arg3 : memref<128x128xf32, #tpu.memory_space<hbm>>) target(%arg7 : memref<128x128xf32, #tpu.memory_space<vmem>>) target_semaphore(%run_scoped3A : memref<!tpu.dma_semaphore, #tpu.memory_space<semaphore_mem>>)
      tpu.wait_dma2 semaphore(%run_scoped3A : memref<!tpu.dma_semaphore, #tpu.memory_space<semaphore_mem>>) src(%arg3 : memref<128x128xf32, #tpu.memory_space<hbm>>) dst(%arg7 : memref<128x128xf32, #tpu.memory_space<vmem>>)
      tpu.yield
    }) : () -> ()
    %mul3A_1 = arith.constant 624 : i32
    %mul3A_2 = arith.muli %arg1, %mul3A_1 : i32
    %mul3A_3 = arith.constant 624 : i32
    %mul3A_4 = arith.muli %arg1, %mul3A_3 : i32
    "tpu.region"() ({
      %run_scoped3A = tpu.sem_alloc : memref<!tpu.dma_semaphore, #tpu.memory_space<semaphore_mem>>
      %dma_start3A = arith.constant 0 : i32
      %dma_start3A_18 = tpu.memref_slice %arg8[%mul3A_4, %dma_start3A] : memref<9984x128xf32, #tpu.memory_space<vmem_shared>> -> memref<624x128xf32, #tpu.memory_space<vmem_shared>>
      %dma_start3A_19 = arith.constant 0 : i32
      %dma_start3A_20 = tpu.memref_slice %arg4[%mul3A_2, %dma_start3A_19] : memref<9984x128xf32, #tpu.memory_space<hbm>> -> memref<624x128xf32, #tpu.memory_space<hbm>>
      tpu.enqueue_dma source(%dma_start3A_20 : memref<624x128xf32, #tpu.memory_space<hbm>>) target(%dma_start3A_18 : memref<624x128xf32, #tpu.memory_space<vmem_shared>>) target_semaphore(%run_scoped3A : memref<!tpu.dma_semaphore, #tpu.memory_space<semaphore_mem>>)
      %dma_wait3A = arith.constant 0 : i32
      %dma_wait3A_21 = tpu.memref_slice %arg8[%mul3A_4, %dma_wait3A] : memref<9984x128xf32, #tpu.memory_space<vmem_shared>> -> memref<624x128xf32, #tpu.memory_space<vmem_shared>>
      %dma_wait3A_22 = arith.constant 0 : i32
      %dma_wait3A_23 = tpu.memref_slice %arg4[%mul3A_2, %dma_wait3A_22] : memref<9984x128xf32, #tpu.memory_space<hbm>> -> memref<624x128xf32, #tpu.memory_space<hbm>>
      tpu.wait_dma2 semaphore(%run_scoped3A : memref<!tpu.dma_semaphore, #tpu.memory_space<semaphore_mem>>) src(%dma_wait3A_23 : memref<624x128xf32, #tpu.memory_space<hbm>>) dst(%dma_wait3A_21 : memref<624x128xf32, #tpu.memory_space<vmem_shared>>)
      tpu.yield
    }) : () -> ()
    %barrier3A = arith.constant 0 : index
    tpu.barrier barrier_id(%barrier3A)
    %scan3A = arith.constant 0 : i32
    %scan3A_5 = arith.constant 0 : i32
    %scan3A_6 = arith.constant 78 : i32
    %scan3A_7 = arith.addi %scan3A_5, %scan3A_6 : i32
    %scan3A_8 = arith.constant 1 : i32
    scf.for %scan3A_18 = %scan3A_5 to %scan3A_7 step %scan3A_8  : i32 {
      %dma_start3A = arith.constant 0 : i32
      %dma_start3A_19 = tpu.memref_slice %arg6[%scan3A_18, %dma_start3A] : memref<78x128xi32, #tpu.memory_space<vmem>> -> memref<1x128xi32, #tpu.memory_space<vmem>>
      %dma_start3A_20 = tpu.memref_squeeze %dma_start3A_19 : memref<1x128xi32, #tpu.memory_space<vmem>> -> memref<128xi32, #tpu.memory_space<vmem>>
      %dma_start3A_21 = arith.constant 0 : i32
      %dma_start3A_22 = arith.constant 0 : i32
      %dma_start3A_23 = tpu.memref_slice %arg8[%dma_start3A_21, %dma_start3A_22] : memref<9984x128xf32, #tpu.memory_space<vmem_shared>> -> memref<9984x128xf32, #tpu.memory_space<vmem_shared>>
      tpu.enqueue_indirect_dma source(%arg7 : memref<128x128xf32, #tpu.memory_space<vmem>>) target(%dma_start3A_23 : memref<9984x128xf32, #tpu.memory_space<vmem_shared>>) offsets(%dma_start3A_20 : memref<128xi32, #tpu.memory_space<vmem>>) semaphore(%arg9 : memref<!tpu.dma_semaphore, #tpu.memory_space<semaphore_mem>>) {add = true}
      %ge3A = arith.constant 8 : i32
      %ge3A_24 = arith.cmpi sge, %scan3A_18, %ge3A : i32
      %convert_element_type3A = arith.extui %ge3A_24 : i1 to i32
      %cond3A = arith.constant 0 : i32
      %cond3A_25 = arith.cmpi ne, %convert_element_type3A, %cond3A : i32
      scf.if %cond3A_25 {
        tpu.wait_dma2 semaphore(%arg9 : memref<!tpu.dma_semaphore, #tpu.memory_space<semaphore_mem>>) src(%arg3 : memref<128x128xf32, #tpu.memory_space<hbm>>) dst(%arg7 : memref<128x128xf32, #tpu.memory_space<vmem>>)
      } else {
      }
    }
    %scan3A_9 = arith.constant 78 : i32
    tpu.wait_dma2 semaphore(%arg9 : memref<!tpu.dma_semaphore, #tpu.memory_space<semaphore_mem>>) src(%arg3 : memref<128x128xf32, #tpu.memory_space<hbm>>) dst(%arg7 : memref<128x128xf32, #tpu.memory_space<vmem>>)
    tpu.wait_dma2 semaphore(%arg9 : memref<!tpu.dma_semaphore, #tpu.memory_space<semaphore_mem>>) src(%arg3 : memref<128x128xf32, #tpu.memory_space<hbm>>) dst(%arg7 : memref<128x128xf32, #tpu.memory_space<vmem>>)
    tpu.wait_dma2 semaphore(%arg9 : memref<!tpu.dma_semaphore, #tpu.memory_space<semaphore_mem>>) src(%arg3 : memref<128x128xf32, #tpu.memory_space<hbm>>) dst(%arg7 : memref<128x128xf32, #tpu.memory_space<vmem>>)
    tpu.wait_dma2 semaphore(%arg9 : memref<!tpu.dma_semaphore, #tpu.memory_space<semaphore_mem>>) src(%arg3 : memref<128x128xf32, #tpu.memory_space<hbm>>) dst(%arg7 : memref<128x128xf32, #tpu.memory_space<vmem>>)
    tpu.wait_dma2 semaphore(%arg9 : memref<!tpu.dma_semaphore, #tpu.memory_space<semaphore_mem>>) src(%arg3 : memref<128x128xf32, #tpu.memory_space<hbm>>) dst(%arg7 : memref<128x128xf32, #tpu.memory_space<vmem>>)
    tpu.wait_dma2 semaphore(%arg9 : memref<!tpu.dma_semaphore, #tpu.memory_space<semaphore_mem>>) src(%arg3 : memref<128x128xf32, #tpu.memory_space<hbm>>) dst(%arg7 : memref<128x128xf32, #tpu.memory_space<vmem>>)
    tpu.wait_dma2 semaphore(%arg9 : memref<!tpu.dma_semaphore, #tpu.memory_space<semaphore_mem>>) src(%arg3 : memref<128x128xf32, #tpu.memory_space<hbm>>) dst(%arg7 : memref<128x128xf32, #tpu.memory_space<vmem>>)
    tpu.wait_dma2 semaphore(%arg9 : memref<!tpu.dma_semaphore, #tpu.memory_space<semaphore_mem>>) src(%arg3 : memref<128x128xf32, #tpu.memory_space<hbm>>) dst(%arg7 : memref<128x128xf32, #tpu.memory_space<vmem>>)
    %barrier3A_10 = arith.constant 0 : index
    tpu.barrier barrier_id(%barrier3A_10)
    %mul3A_11 = arith.constant 624 : i32
    %mul3A_12 = arith.muli %arg1, %mul3A_11 : i32
    %mul3A_13 = arith.constant 9984 : i32
    %mul3A_14 = arith.muli %arg0, %mul3A_13 : i32
    %mul3A_15 = arith.constant 624 : i32
    %mul3A_16 = arith.muli %arg1, %mul3A_15 : i32
    %add3A_17 = arith.addi %mul3A_14, %mul3A_16 : i32
    "tpu.region"() ({
      %run_scoped3A = tpu.sem_alloc : memref<!tpu.dma_semaphore, #tpu.memory_space<semaphore_mem>>
      %dma_start3A = arith.constant 0 : i32
      %dma_start3A_18 = tpu.memref_slice %arg5[%add3A_17, %dma_start3A] : memref<19968x128xf32, #tpu.memory_space<hbm>> -> memref<624x128xf32, #tpu.memory_space<hbm>>
      %dma_start3A_19 = arith.constant 0 : i32
      %dma_start3A_20 = tpu.memref_slice %arg8[%mul3A_12, %dma_start3A_19] : memref<9984x128xf32, #tpu.memory_space<vmem_shared>> -> memref<624x128xf32, #tpu.memory_space<vmem_shared>>
      tpu.enqueue_dma source(%dma_start3A_20 : memref<624x128xf32, #tpu.memory_space<vmem_shared>>) target(%dma_start3A_18 : memref<624x128xf32, #tpu.memory_space<hbm>>) target_semaphore(%run_scoped3A : memref<!tpu.dma_semaphore, #tpu.memory_space<semaphore_mem>>)
      %dma_wait3A = arith.constant 0 : i32
      %dma_wait3A_21 = tpu.memref_slice %arg5[%add3A_17, %dma_wait3A] : memref<19968x128xf32, #tpu.memory_space<hbm>> -> memref<624x128xf32, #tpu.memory_space<hbm>>
      %dma_wait3A_22 = arith.constant 0 : i32
      %dma_wait3A_23 = tpu.memref_slice %arg8[%mul3A_12, %dma_wait3A_22] : memref<9984x128xf32, #tpu.memory_space<vmem_shared>> -> memref<624x128xf32, #tpu.memory_space<vmem_shared>>
      tpu.wait_dma2 semaphore(%run_scoped3A : memref<!tpu.dma_semaphore, #tpu.memory_space<semaphore_mem>>) src(%dma_wait3A_23 : memref<624x128xf32, #tpu.memory_space<vmem_shared>>) dst(%dma_wait3A_21 : memref<624x128xf32, #tpu.memory_space<hbm>>)
      tpu.yield
    }) : () -> ()
    return
  }
}

#map = affine_map<(d0, d1) -> (0, 0)>
#map1 = affine_map<(d0, d1) -> (0, 0, 0, 0, 0, 0)>
module attributes {stable_mosaic.version = 14 : i64} {
  func.func @_conv_sc(%arg0: i32, %arg1: i32, %arg2: memref<19968x128xf32, #tpu.memory_space<hbm>>, %arg3: memref<2x16x32x2x6x104xi32, #tpu.memory_space<hbm>>, %arg4: memref<19968x128xf32, #tpu.memory_space<hbm>>, %arg5: memref<3x2x6x104xi32, #tpu.memory_space<vmem>>, %arg6: memref<3x104x128xf32, #tpu.memory_space<vmem>>, %arg7: memref<9984x128xf32, #tpu.memory_space<vmem_shared>>, %arg8: memref<!tpu.dma_semaphore, #tpu.memory_space<semaphore_mem>>, %arg9: memref<!tpu.dma_semaphore, #tpu.memory_space<semaphore_mem>>, %arg10: memref<!tpu.dma_semaphore, #tpu.memory_space<semaphore_mem>>, %arg11: memref<!tpu.dma_semaphore, #tpu.memory_space<semaphore_mem>>, %arg12: memref<!tpu.dma_semaphore, #tpu.memory_space<semaphore_mem>>, %arg13: memref<!tpu.dma_semaphore, #tpu.memory_space<semaphore_mem>>, %arg14: memref<!tpu.dma_semaphore, #tpu.memory_space<semaphore_mem>>) attributes {dimension_semantics = [#tpu.dimension_semantics<core_parallel>, #tpu.dimension_semantics<subcore_parallel>], iteration_bounds = array<i64: 2, 16>, scalar_prefetch = 0 : i64, scratch_operands = 10 : i64, tpu.core_type = #tpu.core_type<sc_vector_subcore>, window_params = [{transform_indices = #map}, {transform_indices = #map1}, {transform_indices = #map}]} {
    %mul3A = arith.constant 9984 : i32
    %mul3A_0 = arith.muli %arg0, %mul3A : i32
    %mul3A_1 = arith.constant 624 : i32
    %mul3A_2 = arith.muli %arg1, %mul3A_1 : i32
    %add3A = arith.addi %mul3A_0, %mul3A_2 : i32
    %mul3A_3 = arith.constant 624 : i32
    %mul3A_4 = arith.muli %arg1, %mul3A_3 : i32
    "tpu.region"() ({
      %run_scoped3A_82 = tpu.sem_alloc : memref<!tpu.dma_semaphore, #tpu.memory_space<semaphore_mem>>
      %dma_start3A_83 = arith.constant 0 : i32
      %dma_start3A_84 = tpu.memref_slice %arg7[%mul3A_4, %dma_start3A_83] : memref<9984x128xf32, #tpu.memory_space<vmem_shared>> -> memref<624x128xf32, #tpu.memory_space<vmem_shared>>
      %dma_start3A_85 = arith.constant 0 : i32
      %dma_start3A_86 = tpu.memref_slice %arg2[%add3A, %dma_start3A_85] : memref<19968x128xf32, #tpu.memory_space<hbm>> -> memref<624x128xf32, #tpu.memory_space<hbm>>
      tpu.enqueue_dma source(%dma_start3A_86 : memref<624x128xf32, #tpu.memory_space<hbm>>) target(%dma_start3A_84 : memref<624x128xf32, #tpu.memory_space<vmem_shared>>) target_semaphore(%run_scoped3A_82 : memref<!tpu.dma_semaphore, #tpu.memory_space<semaphore_mem>>)
      %dma_wait3A_87 = arith.constant 0 : i32
      %dma_wait3A_88 = tpu.memref_slice %arg7[%mul3A_4, %dma_wait3A_87] : memref<9984x128xf32, #tpu.memory_space<vmem_shared>> -> memref<624x128xf32, #tpu.memory_space<vmem_shared>>
      %dma_wait3A_89 = arith.constant 0 : i32
      %dma_wait3A_90 = tpu.memref_slice %arg2[%add3A, %dma_wait3A_89] : memref<19968x128xf32, #tpu.memory_space<hbm>> -> memref<624x128xf32, #tpu.memory_space<hbm>>
      tpu.wait_dma2 semaphore(%run_scoped3A_82 : memref<!tpu.dma_semaphore, #tpu.memory_space<semaphore_mem>>) src(%dma_wait3A_90 : memref<624x128xf32, #tpu.memory_space<hbm>>) dst(%dma_wait3A_88 : memref<624x128xf32, #tpu.memory_space<vmem_shared>>)
      tpu.yield
    }) : () -> ()
    %barrier3A = arith.constant 0 : index
    tpu.barrier barrier_id(%barrier3A)
    %run_scoped3A = arith.constant 0 : i32
    %run_scoped3A_5 = arith.constant 0 : i32
    "tpu.region"() ({
      %run_scoped3A_82 = tpu.sem_alloc : memref<!tpu.dma_semaphore, #tpu.memory_space<semaphore_mem>>
      %dma_start3A_83 = arith.constant 0 : i32
      %dma_start3A_84 = arith.constant 0 : i32
      %dma_start3A_85 = arith.constant 0 : i32
      %dma_start3A_86 = tpu.memref_slice %arg5[%run_scoped3A_5, %dma_start3A_83, %dma_start3A_84, %dma_start3A_85] : memref<3x2x6x104xi32, #tpu.memory_space<vmem>> -> memref<1x2x6x104xi32, #tpu.memory_space<vmem>>
      %dma_start3A_87 = tpu.memref_squeeze %dma_start3A_86 : memref<1x2x6x104xi32, #tpu.memory_space<vmem>> -> memref<2x6x104xi32, #tpu.memory_space<vmem>>
      %dma_start3A_88 = arith.constant 0 : i32
      %dma_start3A_89 = arith.constant 0 : i32
      %dma_start3A_90 = arith.constant 0 : i32
      %dma_start3A_91 = tpu.memref_slice %arg3[%arg0, %arg1, %run_scoped3A, %dma_start3A_88, %dma_start3A_89, %dma_start3A_90] : memref<2x16x32x2x6x104xi32, #tpu.memory_space<hbm>> -> memref<1x1x1x2x6x104xi32, #tpu.memory_space<hbm>>
      %dma_start3A_92 = tpu.memref_squeeze %dma_start3A_91 : memref<1x1x1x2x6x104xi32, #tpu.memory_space<hbm>> -> memref<2x6x104xi32, #tpu.memory_space<hbm>>
      %dma_start3A_93 = arith.constant 0 : i32
      %dma_start3A_94 = arith.constant 0 : i32
      %dma_start3A_95 = arith.constant 0 : i32
      %dma_start3A_96 = tpu.memref_slice %arg5[%run_scoped3A_5, %dma_start3A_93, %dma_start3A_94, %dma_start3A_95] : memref<3x2x6x104xi32, #tpu.memory_space<vmem>> -> memref<1x2x6x104xi32, #tpu.memory_space<vmem>>
      %dma_start3A_97 = tpu.memref_squeeze %dma_start3A_96 : memref<1x2x6x104xi32, #tpu.memory_space<vmem>> -> memref<2x6x104xi32, #tpu.memory_space<vmem>>
      %dma_start3A_98 = arith.constant 0 : i32
      %dma_start3A_99 = arith.constant 0 : i32
      %dma_start3A_100 = arith.constant 0 : i32
      %dma_start3A_101 = tpu.memref_slice %arg3[%arg0, %arg1, %run_scoped3A, %dma_start3A_98, %dma_start3A_99, %dma_start3A_100] : memref<2x16x32x2x6x104xi32, #tpu.memory_space<hbm>> -> memref<1x1x1x2x6x104xi32, #tpu.memory_space<hbm>>
      %dma_start3A_102 = tpu.memref_squeeze %dma_start3A_101 : memref<1x1x1x2x6x104xi32, #tpu.memory_space<hbm>> -> memref<2x6x104xi32, #tpu.memory_space<hbm>>
      tpu.enqueue_dma source(%dma_start3A_102 : memref<2x6x104xi32, #tpu.memory_space<hbm>>) target(%dma_start3A_97 : memref<2x6x104xi32, #tpu.memory_space<vmem>>) target_semaphore(%run_scoped3A_82 : memref<!tpu.dma_semaphore, #tpu.memory_space<semaphore_mem>>)
      %dma_wait3A_103 = arith.constant 0 : i32
      %dma_wait3A_104 = arith.constant 0 : i32
      %dma_wait3A_105 = arith.constant 0 : i32
      %dma_wait3A_106 = tpu.memref_slice %arg5[%run_scoped3A_5, %dma_wait3A_103, %dma_wait3A_104, %dma_wait3A_105] : memref<3x2x6x104xi32, #tpu.memory_space<vmem>> -> memref<1x2x6x104xi32, #tpu.memory_space<vmem>>
      %dma_wait3A_107 = tpu.memref_squeeze %dma_wait3A_106 : memref<1x2x6x104xi32, #tpu.memory_space<vmem>> -> memref<2x6x104xi32, #tpu.memory_space<vmem>>
      %dma_wait3A_108 = arith.constant 0 : i32
      %dma_wait3A_109 = arith.constant 0 : i32
      %dma_wait3A_110 = arith.constant 0 : i32
      %dma_wait3A_111 = tpu.memref_slice %arg3[%arg0, %arg1, %run_scoped3A, %dma_wait3A_108, %dma_wait3A_109, %dma_wait3A_110] : memref<2x16x32x2x6x104xi32, #tpu.memory_space<hbm>> -> memref<1x1x1x2x6x104xi32, #tpu.memory_space<hbm>>
      %dma_wait3A_112 = tpu.memref_squeeze %dma_wait3A_111 : memref<1x1x1x2x6x104xi32, #tpu.memory_space<hbm>> -> memref<2x6x104xi32, #tpu.memory_space<hbm>>
      %dma_wait3A_113 = arith.constant 0 : i32
      %dma_wait3A_114 = arith.constant 0 : i32
      %dma_wait3A_115 = arith.constant 0 : i32
      %dma_wait3A_116 = tpu.memref_slice %arg5[%run_scoped3A_5, %dma_wait3A_113, %dma_wait3A_114, %dma_wait3A_115] : memref<3x2x6x104xi32, #tpu.memory_space<vmem>> -> memref<1x2x6x104xi32, #tpu.memory_space<vmem>>
      %dma_wait3A_117 = tpu.memref_squeeze %dma_wait3A_116 : memref<1x2x6x104xi32, #tpu.memory_space<vmem>> -> memref<2x6x104xi32, #tpu.memory_space<vmem>>
      %dma_wait3A_118 = arith.constant 0 : i32
      %dma_wait3A_119 = arith.constant 0 : i32
      %dma_wait3A_120 = arith.constant 0 : i32
      %dma_wait3A_121 = tpu.memref_slice %arg3[%arg0, %arg1, %run_scoped3A, %dma_wait3A_118, %dma_wait3A_119, %dma_wait3A_120] : memref<2x16x32x2x6x104xi32, #tpu.memory_space<hbm>> -> memref<1x1x1x2x6x104xi32, #tpu.memory_space<hbm>>
      %dma_wait3A_122 = tpu.memref_squeeze %dma_wait3A_121 : memref<1x1x1x2x6x104xi32, #tpu.memory_space<hbm>> -> memref<2x6x104xi32, #tpu.memory_space<hbm>>
      tpu.wait_dma2 semaphore(%run_scoped3A_82 : memref<!tpu.dma_semaphore, #tpu.memory_space<semaphore_mem>>) src(%dma_wait3A_122 : memref<2x6x104xi32, #tpu.memory_space<hbm>>) dst(%dma_wait3A_117 : memref<2x6x104xi32, #tpu.memory_space<vmem>>)
      tpu.yield
    }) : () -> ()
    %dma_start3A = arith.constant 1 : i32
    %dma_start3A_6 = arith.constant 1 : i32
    %dma_start3A_7 = arith.constant 0 : i32
    %dma_start3A_8 = arith.constant 0 : i32
    %dma_start3A_9 = arith.constant 0 : i32
    %dma_start3A_10 = tpu.memref_slice %arg5[%dma_start3A_6, %dma_start3A_7, %dma_start3A_8, %dma_start3A_9] : memref<3x2x6x104xi32, #tpu.memory_space<vmem>> -> memref<1x2x6x104xi32, #tpu.memory_space<vmem>>
    %dma_start3A_11 = tpu.memref_squeeze %dma_start3A_10 : memref<1x2x6x104xi32, #tpu.memory_space<vmem>> -> memref<2x6x104xi32, #tpu.memory_space<vmem>>
    %dma_start3A_12 = arith.constant 0 : i32
    %dma_start3A_13 = arith.constant 0 : i32
    %dma_start3A_14 = arith.constant 0 : i32
    %dma_start3A_15 = tpu.memref_slice %arg3[%arg0, %arg1, %dma_start3A, %dma_start3A_12, %dma_start3A_13, %dma_start3A_14] : memref<2x16x32x2x6x104xi32, #tpu.memory_space<hbm>> -> memref<1x1x1x2x6x104xi32, #tpu.memory_space<hbm>>
    %dma_start3A_16 = tpu.memref_squeeze %dma_start3A_15 : memref<1x1x1x2x6x104xi32, #tpu.memory_space<hbm>> -> memref<2x6x104xi32, #tpu.memory_space<hbm>>
    %dma_start3A_17 = arith.constant 0 : i32
    %dma_start3A_18 = arith.constant 0 : i32
    %dma_start3A_19 = arith.constant 0 : i32
    %dma_start3A_20 = tpu.memref_slice %arg5[%dma_start3A_6, %dma_start3A_17, %dma_start3A_18, %dma_start3A_19] : memref<3x2x6x104xi32, #tpu.memory_space<vmem>> -> memref<1x2x6x104xi32, #tpu.memory_space<vmem>>
    %dma_start3A_21 = tpu.memref_squeeze %dma_start3A_20 : memref<1x2x6x104xi32, #tpu.memory_space<vmem>> -> memref<2x6x104xi32, #tpu.memory_space<vmem>>
    %dma_start3A_22 = arith.constant 0 : i32
    %dma_start3A_23 = arith.constant 0 : i32
    %dma_start3A_24 = arith.constant 0 : i32
    %dma_start3A_25 = tpu.memref_slice %arg3[%arg0, %arg1, %dma_start3A, %dma_start3A_22, %dma_start3A_23, %dma_start3A_24] : memref<2x16x32x2x6x104xi32, #tpu.memory_space<hbm>> -> memref<1x1x1x2x6x104xi32, #tpu.memory_space<hbm>>
    %dma_start3A_26 = tpu.memref_squeeze %dma_start3A_25 : memref<1x1x1x2x6x104xi32, #tpu.memory_space<hbm>> -> memref<2x6x104xi32, #tpu.memory_space<hbm>>
    tpu.enqueue_dma source(%dma_start3A_26 : memref<2x6x104xi32, #tpu.memory_space<hbm>>) target(%dma_start3A_21 : memref<2x6x104xi32, #tpu.memory_space<vmem>>) target_semaphore(%arg14 : memref<!tpu.dma_semaphore, #tpu.memory_space<semaphore_mem>>)
    %dma_start3A_27 = arith.constant 0 : i32
    %dma_start3A_28 = arith.constant 0 : i32
    %dma_start3A_29 = arith.constant 0 : i32
    %dma_start3A_30 = arith.constant 0 : i32
    %dma_start3A_31 = arith.constant 0 : i32
    %dma_start3A_32 = arith.constant 0 : i32
    %dma_start3A_33 = tpu.memref_slice %arg6[%dma_start3A_30, %dma_start3A_31, %dma_start3A_32] : memref<3x104x128xf32, #tpu.memory_space<vmem>> -> memref<1x104x128xf32, #tpu.memory_space<vmem>>
    %dma_start3A_34 = tpu.memref_squeeze %dma_start3A_33 : memref<1x104x128xf32, #tpu.memory_space<vmem>> -> memref<104x128xf32, #tpu.memory_space<vmem>>
    %dma_start3A_35 = arith.constant 0 : i32
    %dma_start3A_36 = tpu.memref_slice %arg5[%dma_start3A_27, %dma_start3A_28, %dma_start3A_29, %dma_start3A_35] : memref<3x2x6x104xi32, #tpu.memory_space<vmem>> -> memref<1x1x1x104xi32, #tpu.memory_space<vmem>>
    %dma_start3A_37 = tpu.memref_squeeze %dma_start3A_36 : memref<1x1x1x104xi32, #tpu.memory_space<vmem>> -> memref<104xi32, #tpu.memory_space<vmem>>
    %dma_start3A_38 = arith.constant 0 : i32
    %dma_start3A_39 = arith.constant 0 : i32
    %dma_start3A_40 = tpu.memref_slice %arg2[%dma_start3A_38, %dma_start3A_39] : memref<19968x128xf32, #tpu.memory_space<hbm>> -> memref<19968x128xf32, #tpu.memory_space<hbm>>
    tpu.enqueue_indirect_dma source(%dma_start3A_40 : memref<19968x128xf32, #tpu.memory_space<hbm>>) target(%dma_start3A_34 : memref<104x128xf32, #tpu.memory_space<vmem>>) offsets(%dma_start3A_37 : memref<104xi32, #tpu.memory_space<vmem>>) semaphore(%arg8 : memref<!tpu.dma_semaphore, #tpu.memory_space<semaphore_mem>>)
    %dma_start3A_41 = arith.constant 0 : i32
    %dma_start3A_42 = arith.constant 0 : i32
    %dma_start3A_43 = arith.constant 1 : i32
    %dma_start3A_44 = arith.constant 1 : i32
    %dma_start3A_45 = arith.constant 0 : i32
    %dma_start3A_46 = arith.constant 0 : i32
    %dma_start3A_47 = tpu.memref_slice %arg6[%dma_start3A_44, %dma_start3A_45, %dma_start3A_46] : memref<3x104x128xf32, #tpu.memory_space<vmem>> -> memref<1x104x128xf32, #tpu.memory_space<vmem>>
    %dma_start3A_48 = tpu.memref_squeeze %dma_start3A_47 : memref<1x104x128xf32, #tpu.memory_space<vmem>> -> memref<104x128xf32, #tpu.memory_space<vmem>>
    %dma_start3A_49 = arith.constant 0 : i32
    %dma_start3A_50 = tpu.memref_slice %arg5[%dma_start3A_41, %dma_start3A_42, %dma_start3A_43, %dma_start3A_49] : memref<3x2x6x104xi32, #tpu.memory_space<vmem>> -> memref<1x1x1x104xi32, #tpu.memory_space<vmem>>
    %dma_start3A_51 = tpu.memref_squeeze %dma_start3A_50 : memref<1x1x1x104xi32, #tpu.memory_space<vmem>> -> memref<104xi32, #tpu.memory_space<vmem>>
    %dma_start3A_52 = arith.constant 0 : i32
    %dma_start3A_53 = arith.constant 0 : i32
    %dma_start3A_54 = tpu.memref_slice %arg2[%dma_start3A_52, %dma_start3A_53] : memref<19968x128xf32, #tpu.memory_space<hbm>> -> memref<19968x128xf32, #tpu.memory_space<hbm>>
    tpu.enqueue_indirect_dma source(%dma_start3A_54 : memref<19968x128xf32, #tpu.memory_space<hbm>>) target(%dma_start3A_48 : memref<104x128xf32, #tpu.memory_space<vmem>>) offsets(%dma_start3A_51 : memref<104xi32, #tpu.memory_space<vmem>>) semaphore(%arg9 : memref<!tpu.dma_semaphore, #tpu.memory_space<semaphore_mem>>)
    %scan3A = arith.constant 0 : i32
    %scan3A_55 = arith.constant 0 : i32
    %scan3A_56 = arith.constant 32 : i32
    %scan3A_57 = arith.addi %scan3A_55, %scan3A_56 : i32
    %scan3A_58 = arith.constant 1 : i32
    scf.for %scan3A_82 = %scan3A_55 to %scan3A_57 step %scan3A_58  : i32 {
      %lt3A = arith.constant 31 : i32
      %lt3A_83 = arith.cmpi slt, %scan3A_82, %lt3A : i32
      %convert_element_type3A = arith.extui %lt3A_83 : i1 to i32
      %cond3A = arith.constant 0 : i32
      %cond3A_84 = arith.cmpi ne, %convert_element_type3A, %cond3A : i32
      scf.if %cond3A_84 {
        %dma_wait3A_404 = arith.constant 0 : i32
        %dma_wait3A_405 = arith.constant 0 : i32
        %dma_wait3A_406 = arith.constant 0 : i32
        %dma_wait3A_407 = arith.constant 0 : i32
        %dma_wait3A_408 = arith.constant 0 : i32
        %dma_wait3A_409 = tpu.memref_slice %arg5[%dma_wait3A_405, %dma_wait3A_406, %dma_wait3A_407, %dma_wait3A_408] : memref<3x2x6x104xi32, #tpu.memory_space<vmem>> -> memref<1x2x6x104xi32, #tpu.memory_space<vmem>>
        %dma_wait3A_410 = tpu.memref_squeeze %dma_wait3A_409 : memref<1x2x6x104xi32, #tpu.memory_space<vmem>> -> memref<2x6x104xi32, #tpu.memory_space<vmem>>
        %dma_wait3A_411 = arith.constant 0 : i32
        %dma_wait3A_412 = arith.constant 0 : i32
        %dma_wait3A_413 = arith.constant 0 : i32
        %dma_wait3A_414 = tpu.memref_slice %arg3[%arg0, %arg1, %dma_wait3A_404, %dma_wait3A_411, %dma_wait3A_412, %dma_wait3A_413] : memref<2x16x32x2x6x104xi32, #tpu.memory_space<hbm>> -> memref<1x1x1x2x6x104xi32, #tpu.memory_space<hbm>>
        %dma_wait3A_415 = tpu.memref_squeeze %dma_wait3A_414 : memref<1x1x1x2x6x104xi32, #tpu.memory_space<hbm>> -> memref<2x6x104xi32, #tpu.memory_space<hbm>>
        %dma_wait3A_416 = arith.constant 0 : i32
        %dma_wait3A_417 = arith.constant 0 : i32
        %dma_wait3A_418 = arith.constant 0 : i32
        %dma_wait3A_419 = tpu.memref_slice %arg5[%dma_wait3A_405, %dma_wait3A_416, %dma_wait3A_417, %dma_wait3A_418] : memref<3x2x6x104xi32, #tpu.memory_space<vmem>> -> memref<1x2x6x104xi32, #tpu.memory_space<vmem>>
        %dma_wait3A_420 = tpu.memref_squeeze %dma_wait3A_419 : memref<1x2x6x104xi32, #tpu.memory_space<vmem>> -> memref<2x6x104xi32, #tpu.memory_space<vmem>>
        %dma_wait3A_421 = arith.constant 0 : i32
        %dma_wait3A_422 = arith.constant 0 : i32
        %dma_wait3A_423 = arith.constant 0 : i32
        %dma_wait3A_424 = tpu.memref_slice %arg3[%arg0, %arg1, %dma_wait3A_404, %dma_wait3A_421, %dma_wait3A_422, %dma_wait3A_423] : memref<2x16x32x2x6x104xi32, #tpu.memory_space<hbm>> -> memref<1x1x1x2x6x104xi32, #tpu.memory_space<hbm>>
        %dma_wait3A_425 = tpu.memref_squeeze %dma_wait3A_424 : memref<1x1x1x2x6x104xi32, #tpu.memory_space<hbm>> -> memref<2x6x104xi32, #tpu.memory_space<hbm>>
        tpu.wait_dma2 semaphore(%arg14 : memref<!tpu.dma_semaphore, #tpu.memory_space<semaphore_mem>>) src(%dma_wait3A_425 : memref<2x6x104xi32, #tpu.memory_space<hbm>>) dst(%dma_wait3A_420 : memref<2x6x104xi32, #tpu.memory_space<vmem>>)
      } else {
      }
      %lt3A_85 = arith.constant 30 : i32
      %lt3A_86 = arith.cmpi slt, %scan3A_82, %lt3A_85 : i32
      %convert_element_type3A_87 = arith.extui %lt3A_86 : i1 to i32
      %cond3A_88 = arith.constant 0 : i32
      %cond3A_89 = arith.cmpi ne, %convert_element_type3A_87, %cond3A_88 : i32
      scf.if %cond3A_89 {
        %add3A_404 = arith.constant 2 : i32
        %add3A_405 = arith.addi %scan3A_82, %add3A_404 : i32
        %rem3A_406 = arith.constant 3 : i32
        %rem3A_407 = arith.remsi %add3A_405, %rem3A_406 : i32
        %add3A_408 = arith.constant 2 : i32
        %add3A_409 = arith.addi %scan3A_82, %add3A_408 : i32
        %dma_start3A_410 = arith.constant 0 : i32
        %dma_start3A_411 = arith.constant 0 : i32
        %dma_start3A_412 = arith.constant 0 : i32
        %dma_start3A_413 = tpu.memref_slice %arg5[%rem3A_407, %dma_start3A_410, %dma_start3A_411, %dma_start3A_412] : memref<3x2x6x104xi32, #tpu.memory_space<vmem>> -> memref<1x2x6x104xi32, #tpu.memory_space<vmem>>
        %dma_start3A_414 = tpu.memref_squeeze %dma_start3A_413 : memref<1x2x6x104xi32, #tpu.memory_space<vmem>> -> memref<2x6x104xi32, #tpu.memory_space<vmem>>
        %dma_start3A_415 = arith.constant 0 : i32
        %dma_start3A_416 = arith.constant 0 : i32
        %dma_start3A_417 = arith.constant 0 : i32
        %dma_start3A_418 = tpu.memref_slice %arg3[%arg0, %arg1, %add3A_409, %dma_start3A_415, %dma_start3A_416, %dma_start3A_417] : memref<2x16x32x2x6x104xi32, #tpu.memory_space<hbm>> -> memref<1x1x1x2x6x104xi32, #tpu.memory_space<hbm>>
        %dma_start3A_419 = tpu.memref_squeeze %dma_start3A_418 : memref<1x1x1x2x6x104xi32, #tpu.memory_space<hbm>> -> memref<2x6x104xi32, #tpu.memory_space<hbm>>
        %dma_start3A_420 = arith.constant 0 : i32
        %dma_start3A_421 = arith.constant 0 : i32
        %dma_start3A_422 = arith.constant 0 : i32
        %dma_start3A_423 = tpu.memref_slice %arg5[%rem3A_407, %dma_start3A_420, %dma_start3A_421, %dma_start3A_422] : memref<3x2x6x104xi32, #tpu.memory_space<vmem>> -> memref<1x2x6x104xi32, #tpu.memory_space<vmem>>
        %dma_start3A_424 = tpu.memref_squeeze %dma_start3A_423 : memref<1x2x6x104xi32, #tpu.memory_space<vmem>> -> memref<2x6x104xi32, #tpu.memory_space<vmem>>
        %dma_start3A_425 = arith.constant 0 : i32
        %dma_start3A_426 = arith.constant 0 : i32
        %dma_start3A_427 = arith.constant 0 : i32
        %dma_start3A_428 = tpu.memref_slice %arg3[%arg0, %arg1, %add3A_409, %dma_start3A_425, %dma_start3A_426, %dma_start3A_427] : memref<2x16x32x2x6x104xi32, #tpu.memory_space<hbm>> -> memref<1x1x1x2x6x104xi32, #tpu.memory_space<hbm>>
        %dma_start3A_429 = tpu.memref_squeeze %dma_start3A_428 : memref<1x1x1x2x6x104xi32, #tpu.memory_space<hbm>> -> memref<2x6x104xi32, #tpu.memory_space<hbm>>
        tpu.enqueue_dma source(%dma_start3A_429 : memref<2x6x104xi32, #tpu.memory_space<hbm>>) target(%dma_start3A_424 : memref<2x6x104xi32, #tpu.memory_space<vmem>>) target_semaphore(%arg14 : memref<!tpu.dma_semaphore, #tpu.memory_space<semaphore_mem>>)
      } else {
      }
      %rem3A = arith.constant 3 : i32
      %rem3A_90 = arith.remsi %scan3A_82, %rem3A : i32
      %add3A_91 = arith.constant 1 : i32
      %add3A_92 = arith.addi %scan3A_82, %add3A_91 : i32
      %rem3A_93 = arith.constant 3 : i32
      %rem3A_94 = arith.remsi %add3A_92, %rem3A_93 : i32
      %dma_wait3A_95 = arith.constant 0 : i32
      %dma_wait3A_96 = arith.constant 0 : i32
      %dma_wait3A_97 = arith.constant 0 : i32
      %dma_wait3A_98 = tpu.memref_slice %arg6[%dma_wait3A_95, %dma_wait3A_96, %dma_wait3A_97] : memref<3x104x128xf32, #tpu.memory_space<vmem>> -> memref<1x104x128xf32, #tpu.memory_space<vmem>>
      %dma_wait3A_99 = tpu.memref_squeeze %dma_wait3A_98 : memref<1x104x128xf32, #tpu.memory_space<vmem>> -> memref<104x128xf32, #tpu.memory_space<vmem>>
      %dma_wait3A_100 = arith.constant 0 : i32
      %dma_wait3A_101 = arith.constant 0 : i32
      %dma_wait3A_102 = tpu.memref_slice %arg2[%dma_wait3A_100, %dma_wait3A_101] : memref<19968x128xf32, #tpu.memory_space<hbm>> -> memref<104x128xf32, #tpu.memory_space<hbm>>
      %dma_wait3A_103 = arith.constant 0 : i32
      %dma_wait3A_104 = arith.constant 0 : i32
      %dma_wait3A_105 = tpu.memref_slice %arg6[%dma_wait3A_95, %dma_wait3A_103, %dma_wait3A_104] : memref<3x104x128xf32, #tpu.memory_space<vmem>> -> memref<1x104x128xf32, #tpu.memory_space<vmem>>
      %dma_wait3A_106 = tpu.memref_squeeze %dma_wait3A_105 : memref<1x104x128xf32, #tpu.memory_space<vmem>> -> memref<104x128xf32, #tpu.memory_space<vmem>>
      %dma_wait3A_107 = arith.constant 0 : i32
      %dma_wait3A_108 = arith.constant 0 : i32
      %dma_wait3A_109 = tpu.memref_slice %arg2[%dma_wait3A_107, %dma_wait3A_108] : memref<19968x128xf32, #tpu.memory_space<hbm>> -> memref<104x128xf32, #tpu.memory_space<hbm>>
      tpu.wait_dma2 semaphore(%arg8 : memref<!tpu.dma_semaphore, #tpu.memory_space<semaphore_mem>>) src(%dma_wait3A_109 : memref<104x128xf32, #tpu.memory_space<hbm>>) dst(%dma_wait3A_106 : memref<104x128xf32, #tpu.memory_space<vmem>>)
      %gt3A = arith.constant 0 : i32
      %gt3A_110 = arith.cmpi sgt, %scan3A_82, %gt3A : i32
      %convert_element_type3A_111 = arith.extui %gt3A_110 : i1 to i32
      %cond3A_112 = arith.constant 0 : i32
      %cond3A_113 = arith.cmpi ne, %convert_element_type3A_111, %cond3A_112 : i32
      scf.if %cond3A_113 {
        %dma_wait3A_404 = arith.constant 2 : i32
        %dma_wait3A_405 = arith.constant 0 : i32
        %dma_wait3A_406 = arith.constant 0 : i32
        %dma_wait3A_407 = tpu.memref_slice %arg6[%dma_wait3A_404, %dma_wait3A_405, %dma_wait3A_406] : memref<3x104x128xf32, #tpu.memory_space<vmem>> -> memref<1x104x128xf32, #tpu.memory_space<vmem>>
        %dma_wait3A_408 = tpu.memref_squeeze %dma_wait3A_407 : memref<1x104x128xf32, #tpu.memory_space<vmem>> -> memref<104x128xf32, #tpu.memory_space<vmem>>
        %dma_wait3A_409 = arith.constant 0 : i32
        %dma_wait3A_410 = arith.constant 0 : i32
        %dma_wait3A_411 = tpu.memref_slice %arg2[%dma_wait3A_409, %dma_wait3A_410] : memref<19968x128xf32, #tpu.memory_space<hbm>> -> memref<104x128xf32, #tpu.memory_space<hbm>>
        %dma_wait3A_412 = arith.constant 0 : i32
        %dma_wait3A_413 = arith.constant 0 : i32
        %dma_wait3A_414 = tpu.memref_slice %arg6[%dma_wait3A_404, %dma_wait3A_412, %dma_wait3A_413] : memref<3x104x128xf32, #tpu.memory_space<vmem>> -> memref<1x104x128xf32, #tpu.memory_space<vmem>>
        %dma_wait3A_415 = tpu.memref_squeeze %dma_wait3A_414 : memref<1x104x128xf32, #tpu.memory_space<vmem>> -> memref<104x128xf32, #tpu.memory_space<vmem>>
        %dma_wait3A_416 = arith.constant 0 : i32
        %dma_wait3A_417 = arith.constant 0 : i32
        %dma_wait3A_418 = tpu.memref_slice %arg2[%dma_wait3A_416, %dma_wait3A_417] : memref<19968x128xf32, #tpu.memory_space<hbm>> -> memref<104x128xf32, #tpu.memory_space<hbm>>
        tpu.wait_dma2 semaphore(%arg13 : memref<!tpu.dma_semaphore, #tpu.memory_space<semaphore_mem>>) src(%dma_wait3A_418 : memref<104x128xf32, #tpu.memory_space<hbm>>) dst(%dma_wait3A_415 : memref<104x128xf32, #tpu.memory_space<vmem>>)
      } else {
      }
      %dma_start3A_114 = arith.constant 0 : i32
      %dma_start3A_115 = arith.constant 2 : i32
      %dma_start3A_116 = arith.constant 2 : i32
      %dma_start3A_117 = arith.constant 0 : i32
      %dma_start3A_118 = arith.constant 0 : i32
      %dma_start3A_119 = tpu.memref_slice %arg6[%dma_start3A_116, %dma_start3A_117, %dma_start3A_118] : memref<3x104x128xf32, #tpu.memory_space<vmem>> -> memref<1x104x128xf32, #tpu.memory_space<vmem>>
      %dma_start3A_120 = tpu.memref_squeeze %dma_start3A_119 : memref<1x104x128xf32, #tpu.memory_space<vmem>> -> memref<104x128xf32, #tpu.memory_space<vmem>>
      %dma_start3A_121 = arith.constant 0 : i32
      %dma_start3A_122 = tpu.memref_slice %arg5[%rem3A_90, %dma_start3A_114, %dma_start3A_115, %dma_start3A_121] : memref<3x2x6x104xi32, #tpu.memory_space<vmem>> -> memref<1x1x1x104xi32, #tpu.memory_space<vmem>>
      %dma_start3A_123 = tpu.memref_squeeze %dma_start3A_122 : memref<1x1x1x104xi32, #tpu.memory_space<vmem>> -> memref<104xi32, #tpu.memory_space<vmem>>
      %dma_start3A_124 = arith.constant 0 : i32
      %dma_start3A_125 = arith.constant 0 : i32
      %dma_start3A_126 = tpu.memref_slice %arg2[%dma_start3A_124, %dma_start3A_125] : memref<19968x128xf32, #tpu.memory_space<hbm>> -> memref<19968x128xf32, #tpu.memory_space<hbm>>
      tpu.enqueue_indirect_dma source(%dma_start3A_126 : memref<19968x128xf32, #tpu.memory_space<hbm>>) target(%dma_start3A_120 : memref<104x128xf32, #tpu.memory_space<vmem>>) offsets(%dma_start3A_123 : memref<104xi32, #tpu.memory_space<vmem>>) semaphore(%arg10 : memref<!tpu.dma_semaphore, #tpu.memory_space<semaphore_mem>>)
      %dma_start3A_127 = arith.constant 0 : i32
      %dma_start3A_128 = arith.constant 1 : i32
      %dma_start3A_129 = arith.constant 0 : i32
      %dma_start3A_130 = arith.constant 0 : i32
      %dma_start3A_131 = arith.constant 0 : i32
      %dma_start3A_132 = tpu.memref_slice %arg6[%dma_start3A_127, %dma_start3A_130, %dma_start3A_131] : memref<3x104x128xf32, #tpu.memory_space<vmem>> -> memref<1x104x128xf32, #tpu.memory_space<vmem>>
      %dma_start3A_133 = tpu.memref_squeeze %dma_start3A_132 : memref<1x104x128xf32, #tpu.memory_space<vmem>> -> memref<104x128xf32, #tpu.memory_space<vmem>>
      %dma_start3A_134 = arith.constant 0 : i32
      %dma_start3A_135 = tpu.memref_slice %arg5[%rem3A_90, %dma_start3A_128, %dma_start3A_129, %dma_start3A_134] : memref<3x2x6x104xi32, #tpu.memory_space<vmem>> -> memref<1x1x1x104xi32, #tpu.memory_space<vmem>>
      %dma_start3A_136 = tpu.memref_squeeze %dma_start3A_135 : memref<1x1x1x104xi32, #tpu.memory_space<vmem>> -> memref<104xi32, #tpu.memory_space<vmem>>
      %dma_start3A_137 = arith.constant 0 : i32
      %dma_start3A_138 = arith.constant 0 : i32
      %dma_start3A_139 = tpu.memref_slice %arg7[%dma_start3A_137, %dma_start3A_138] : memref<9984x128xf32, #tpu.memory_space<vmem_shared>> -> memref<9984x128xf32, #tpu.memory_space<vmem_shared>>
      tpu.enqueue_indirect_dma source(%dma_start3A_133 : memref<104x128xf32, #tpu.memory_space<vmem>>) target(%dma_start3A_139 : memref<9984x128xf32, #tpu.memory_space<vmem_shared>>) offsets(%dma_start3A_136 : memref<104xi32, #tpu.memory_space<vmem>>) semaphore(%arg11 : memref<!tpu.dma_semaphore, #tpu.memory_space<semaphore_mem>>) {add = true}
      %dma_wait3A_140 = arith.constant 1 : i32
      %dma_wait3A_141 = arith.constant 0 : i32
      %dma_wait3A_142 = arith.constant 0 : i32
      %dma_wait3A_143 = tpu.memref_slice %arg6[%dma_wait3A_140, %dma_wait3A_141, %dma_wait3A_142] : memref<3x104x128xf32, #tpu.memory_space<vmem>> -> memref<1x104x128xf32, #tpu.memory_space<vmem>>
      %dma_wait3A_144 = tpu.memref_squeeze %dma_wait3A_143 : memref<1x104x128xf32, #tpu.memory_space<vmem>> -> memref<104x128xf32, #tpu.memory_space<vmem>>
      %dma_wait3A_145 = arith.constant 0 : i32
      %dma_wait3A_146 = arith.constant 0 : i32
      %dma_wait3A_147 = tpu.memref_slice %arg2[%dma_wait3A_145, %dma_wait3A_146] : memref<19968x128xf32, #tpu.memory_space<hbm>> -> memref<104x128xf32, #tpu.memory_space<hbm>>
      %dma_wait3A_148 = arith.constant 0 : i32
      %dma_wait3A_149 = arith.constant 0 : i32
      %dma_wait3A_150 = tpu.memref_slice %arg6[%dma_wait3A_140, %dma_wait3A_148, %dma_wait3A_149] : memref<3x104x128xf32, #tpu.memory_space<vmem>> -> memref<1x104x128xf32, #tpu.memory_space<vmem>>
      %dma_wait3A_151 = tpu.memref_squeeze %dma_wait3A_150 : memref<1x104x128xf32, #tpu.memory_space<vmem>> -> memref<104x128xf32, #tpu.memory_space<vmem>>
      %dma_wait3A_152 = arith.constant 0 : i32
      %dma_wait3A_153 = arith.constant 0 : i32
      %dma_wait3A_154 = tpu.memref_slice %arg2[%dma_wait3A_152, %dma_wait3A_153] : memref<19968x128xf32, #tpu.memory_space<hbm>> -> memref<104x128xf32, #tpu.memory_space<hbm>>
      tpu.wait_dma2 semaphore(%arg9 : memref<!tpu.dma_semaphore, #tpu.memory_space<semaphore_mem>>) src(%dma_wait3A_154 : memref<104x128xf32, #tpu.memory_space<hbm>>) dst(%dma_wait3A_151 : memref<104x128xf32, #tpu.memory_space<vmem>>)
      %dma_wait3A_155 = arith.constant 0 : i32
      %dma_wait3A_156 = arith.constant 0 : i32
      %dma_wait3A_157 = arith.constant 0 : i32
      %dma_wait3A_158 = tpu.memref_slice %arg6[%dma_wait3A_155, %dma_wait3A_156, %dma_wait3A_157] : memref<3x104x128xf32, #tpu.memory_space<vmem>> -> memref<1x104x128xf32, #tpu.memory_space<vmem>>
      %dma_wait3A_159 = tpu.memref_squeeze %dma_wait3A_158 : memref<1x104x128xf32, #tpu.memory_space<vmem>> -> memref<104x128xf32, #tpu.memory_space<vmem>>
      %dma_wait3A_160 = arith.constant 0 : i32
      %dma_wait3A_161 = arith.constant 0 : i32
      %dma_wait3A_162 = tpu.memref_slice %arg2[%dma_wait3A_160, %dma_wait3A_161] : memref<19968x128xf32, #tpu.memory_space<hbm>> -> memref<104x128xf32, #tpu.memory_space<hbm>>
      %dma_wait3A_163 = arith.constant 0 : i32
      %dma_wait3A_164 = arith.constant 0 : i32
      %dma_wait3A_165 = tpu.memref_slice %arg6[%dma_wait3A_155, %dma_wait3A_163, %dma_wait3A_164] : memref<3x104x128xf32, #tpu.memory_space<vmem>> -> memref<1x104x128xf32, #tpu.memory_space<vmem>>
      %dma_wait3A_166 = tpu.memref_squeeze %dma_wait3A_165 : memref<1x104x128xf32, #tpu.memory_space<vmem>> -> memref<104x128xf32, #tpu.memory_space<vmem>>
      %dma_wait3A_167 = arith.constant 0 : i32
      %dma_wait3A_168 = arith.constant 0 : i32
      %dma_wait3A_169 = tpu.memref_slice %arg2[%dma_wait3A_167, %dma_wait3A_168] : memref<19968x128xf32, #tpu.memory_space<hbm>> -> memref<104x128xf32, #tpu.memory_space<hbm>>
      tpu.wait_dma2 semaphore(%arg11 : memref<!tpu.dma_semaphore, #tpu.memory_space<semaphore_mem>>) src(%dma_wait3A_169 : memref<104x128xf32, #tpu.memory_space<hbm>>) dst(%dma_wait3A_166 : memref<104x128xf32, #tpu.memory_space<vmem>>)
      %dma_start3A_170 = arith.constant 0 : i32
      %dma_start3A_171 = arith.constant 3 : i32
      %dma_start3A_172 = arith.constant 0 : i32
      %dma_start3A_173 = arith.constant 0 : i32
      %dma_start3A_174 = arith.constant 0 : i32
      %dma_start3A_175 = tpu.memref_slice %arg6[%dma_start3A_172, %dma_start3A_173, %dma_start3A_174] : memref<3x104x128xf32, #tpu.memory_space<vmem>> -> memref<1x104x128xf32, #tpu.memory_space<vmem>>
      %dma_start3A_176 = tpu.memref_squeeze %dma_start3A_175 : memref<1x104x128xf32, #tpu.memory_space<vmem>> -> memref<104x128xf32, #tpu.memory_space<vmem>>
      %dma_start3A_177 = arith.constant 0 : i32
      %dma_start3A_178 = tpu.memref_slice %arg5[%rem3A_90, %dma_start3A_170, %dma_start3A_171, %dma_start3A_177] : memref<3x2x6x104xi32, #tpu.memory_space<vmem>> -> memref<1x1x1x104xi32, #tpu.memory_space<vmem>>
      %dma_start3A_179 = tpu.memref_squeeze %dma_start3A_178 : memref<1x1x1x104xi32, #tpu.memory_space<vmem>> -> memref<104xi32, #tpu.memory_space<vmem>>
      %dma_start3A_180 = arith.constant 0 : i32
      %dma_start3A_181 = arith.constant 0 : i32
      %dma_start3A_182 = tpu.memref_slice %arg2[%dma_start3A_180, %dma_start3A_181] : memref<19968x128xf32, #tpu.memory_space<hbm>> -> memref<19968x128xf32, #tpu.memory_space<hbm>>
      tpu.enqueue_indirect_dma source(%dma_start3A_182 : memref<19968x128xf32, #tpu.memory_space<hbm>>) target(%dma_start3A_176 : memref<104x128xf32, #tpu.memory_space<vmem>>) offsets(%dma_start3A_179 : memref<104xi32, #tpu.memory_space<vmem>>) semaphore(%arg8 : memref<!tpu.dma_semaphore, #tpu.memory_space<semaphore_mem>>)
      %dma_start3A_183 = arith.constant 1 : i32
      %dma_start3A_184 = arith.constant 1 : i32
      %dma_start3A_185 = arith.constant 1 : i32
      %dma_start3A_186 = arith.constant 0 : i32
      %dma_start3A_187 = arith.constant 0 : i32
      %dma_start3A_188 = tpu.memref_slice %arg6[%dma_start3A_183, %dma_start3A_186, %dma_start3A_187] : memref<3x104x128xf32, #tpu.memory_space<vmem>> -> memref<1x104x128xf32, #tpu.memory_space<vmem>>
      %dma_start3A_189 = tpu.memref_squeeze %dma_start3A_188 : memref<1x104x128xf32, #tpu.memory_space<vmem>> -> memref<104x128xf32, #tpu.memory_space<vmem>>
      %dma_start3A_190 = arith.constant 0 : i32
      %dma_start3A_191 = tpu.memref_slice %arg5[%rem3A_90, %dma_start3A_184, %dma_start3A_185, %dma_start3A_190] : memref<3x2x6x104xi32, #tpu.memory_space<vmem>> -> memref<1x1x1x104xi32, #tpu.memory_space<vmem>>
      %dma_start3A_192 = tpu.memref_squeeze %dma_start3A_191 : memref<1x1x1x104xi32, #tpu.memory_space<vmem>> -> memref<104xi32, #tpu.memory_space<vmem>>
      %dma_start3A_193 = arith.constant 0 : i32
      %dma_start3A_194 = arith.constant 0 : i32
      %dma_start3A_195 = tpu.memref_slice %arg7[%dma_start3A_193, %dma_start3A_194] : memref<9984x128xf32, #tpu.memory_space<vmem_shared>> -> memref<9984x128xf32, #tpu.memory_space<vmem_shared>>
      tpu.enqueue_indirect_dma source(%dma_start3A_189 : memref<104x128xf32, #tpu.memory_space<vmem>>) target(%dma_start3A_195 : memref<9984x128xf32, #tpu.memory_space<vmem_shared>>) offsets(%dma_start3A_192 : memref<104xi32, #tpu.memory_space<vmem>>) semaphore(%arg12 : memref<!tpu.dma_semaphore, #tpu.memory_space<semaphore_mem>>) {add = true}
      %dma_wait3A_196 = arith.constant 2 : i32
      %dma_wait3A_197 = arith.constant 0 : i32
      %dma_wait3A_198 = arith.constant 0 : i32
      %dma_wait3A_199 = tpu.memref_slice %arg6[%dma_wait3A_196, %dma_wait3A_197, %dma_wait3A_198] : memref<3x104x128xf32, #tpu.memory_space<vmem>> -> memref<1x104x128xf32, #tpu.memory_space<vmem>>
      %dma_wait3A_200 = tpu.memref_squeeze %dma_wait3A_199 : memref<1x104x128xf32, #tpu.memory_space<vmem>> -> memref<104x128xf32, #tpu.memory_space<vmem>>
      %dma_wait3A_201 = arith.constant 0 : i32
      %dma_wait3A_202 = arith.constant 0 : i32
      %dma_wait3A_203 = tpu.memref_slice %arg2[%dma_wait3A_201, %dma_wait3A_202] : memref<19968x128xf32, #tpu.memory_space<hbm>> -> memref<104x128xf32, #tpu.memory_space<hbm>>
      %dma_wait3A_204 = arith.constant 0 : i32
      %dma_wait3A_205 = arith.constant 0 : i32
      %dma_wait3A_206 = tpu.memref_slice %arg6[%dma_wait3A_196, %dma_wait3A_204, %dma_wait3A_205] : memref<3x104x128xf32, #tpu.memory_space<vmem>> -> memref<1x104x128xf32, #tpu.memory_space<vmem>>
      %dma_wait3A_207 = tpu.memref_squeeze %dma_wait3A_206 : memref<1x104x128xf32, #tpu.memory_space<vmem>> -> memref<104x128xf32, #tpu.memory_space<vmem>>
      %dma_wait3A_208 = arith.constant 0 : i32
      %dma_wait3A_209 = arith.constant 0 : i32
      %dma_wait3A_210 = tpu.memref_slice %arg2[%dma_wait3A_208, %dma_wait3A_209] : memref<19968x128xf32, #tpu.memory_space<hbm>> -> memref<104x128xf32, #tpu.memory_space<hbm>>
      tpu.wait_dma2 semaphore(%arg10 : memref<!tpu.dma_semaphore, #tpu.memory_space<semaphore_mem>>) src(%dma_wait3A_210 : memref<104x128xf32, #tpu.memory_space<hbm>>) dst(%dma_wait3A_207 : memref<104x128xf32, #tpu.memory_space<vmem>>)
      %dma_wait3A_211 = arith.constant 1 : i32
      %dma_wait3A_212 = arith.constant 0 : i32
      %dma_wait3A_213 = arith.constant 0 : i32
      %dma_wait3A_214 = tpu.memref_slice %arg6[%dma_wait3A_211, %dma_wait3A_212, %dma_wait3A_213] : memref<3x104x128xf32, #tpu.memory_space<vmem>> -> memref<1x104x128xf32, #tpu.memory_space<vmem>>
      %dma_wait3A_215 = tpu.memref_squeeze %dma_wait3A_214 : memref<1x104x128xf32, #tpu.memory_space<vmem>> -> memref<104x128xf32, #tpu.memory_space<vmem>>
      %dma_wait3A_216 = arith.constant 0 : i32
      %dma_wait3A_217 = arith.constant 0 : i32
      %dma_wait3A_218 = tpu.memref_slice %arg2[%dma_wait3A_216, %dma_wait3A_217] : memref<19968x128xf32, #tpu.memory_space<hbm>> -> memref<104x128xf32, #tpu.memory_space<hbm>>
      %dma_wait3A_219 = arith.constant 0 : i32
      %dma_wait3A_220 = arith.constant 0 : i32
      %dma_wait3A_221 = tpu.memref_slice %arg6[%dma_wait3A_211, %dma_wait3A_219, %dma_wait3A_220] : memref<3x104x128xf32, #tpu.memory_space<vmem>> -> memref<1x104x128xf32, #tpu.memory_space<vmem>>
      %dma_wait3A_222 = tpu.memref_squeeze %dma_wait3A_221 : memref<1x104x128xf32, #tpu.memory_space<vmem>> -> memref<104x128xf32, #tpu.memory_space<vmem>>
      %dma_wait3A_223 = arith.constant 0 : i32
      %dma_wait3A_224 = arith.constant 0 : i32
      %dma_wait3A_225 = tpu.memref_slice %arg2[%dma_wait3A_223, %dma_wait3A_224] : memref<19968x128xf32, #tpu.memory_space<hbm>> -> memref<104x128xf32, #tpu.memory_space<hbm>>
      tpu.wait_dma2 semaphore(%arg12 : memref<!tpu.dma_semaphore, #tpu.memory_space<semaphore_mem>>) src(%dma_wait3A_225 : memref<104x128xf32, #tpu.memory_space<hbm>>) dst(%dma_wait3A_222 : memref<104x128xf32, #tpu.memory_space<vmem>>)
      %dma_start3A_226 = arith.constant 0 : i32
      %dma_start3A_227 = arith.constant 4 : i32
      %dma_start3A_228 = arith.constant 1 : i32
      %dma_start3A_229 = arith.constant 0 : i32
      %dma_start3A_230 = arith.constant 0 : i32
      %dma_start3A_231 = tpu.memref_slice %arg6[%dma_start3A_228, %dma_start3A_229, %dma_start3A_230] : memref<3x104x128xf32, #tpu.memory_space<vmem>> -> memref<1x104x128xf32, #tpu.memory_space<vmem>>
      %dma_start3A_232 = tpu.memref_squeeze %dma_start3A_231 : memref<1x104x128xf32, #tpu.memory_space<vmem>> -> memref<104x128xf32, #tpu.memory_space<vmem>>
      %dma_start3A_233 = arith.constant 0 : i32
      %dma_start3A_234 = tpu.memref_slice %arg5[%rem3A_90, %dma_start3A_226, %dma_start3A_227, %dma_start3A_233] : memref<3x2x6x104xi32, #tpu.memory_space<vmem>> -> memref<1x1x1x104xi32, #tpu.memory_space<vmem>>
      %dma_start3A_235 = tpu.memref_squeeze %dma_start3A_234 : memref<1x1x1x104xi32, #tpu.memory_space<vmem>> -> memref<104xi32, #tpu.memory_space<vmem>>
      %dma_start3A_236 = arith.constant 0 : i32
      %dma_start3A_237 = arith.constant 0 : i32
      %dma_start3A_238 = tpu.memref_slice %arg2[%dma_start3A_236, %dma_start3A_237] : memref<19968x128xf32, #tpu.memory_space<hbm>> -> memref<19968x128xf32, #tpu.memory_space<hbm>>
      tpu.enqueue_indirect_dma source(%dma_start3A_238 : memref<19968x128xf32, #tpu.memory_space<hbm>>) target(%dma_start3A_232 : memref<104x128xf32, #tpu.memory_space<vmem>>) offsets(%dma_start3A_235 : memref<104xi32, #tpu.memory_space<vmem>>) semaphore(%arg9 : memref<!tpu.dma_semaphore, #tpu.memory_space<semaphore_mem>>)
      %dma_start3A_239 = arith.constant 2 : i32
      %dma_start3A_240 = arith.constant 1 : i32
      %dma_start3A_241 = arith.constant 2 : i32
      %dma_start3A_242 = arith.constant 0 : i32
      %dma_start3A_243 = arith.constant 0 : i32
      %dma_start3A_244 = tpu.memref_slice %arg6[%dma_start3A_239, %dma_start3A_242, %dma_start3A_243] : memref<3x104x128xf32, #tpu.memory_space<vmem>> -> memref<1x104x128xf32, #tpu.memory_space<vmem>>
      %dma_start3A_245 = tpu.memref_squeeze %dma_start3A_244 : memref<1x104x128xf32, #tpu.memory_space<vmem>> -> memref<104x128xf32, #tpu.memory_space<vmem>>
      %dma_start3A_246 = arith.constant 0 : i32
      %dma_start3A_247 = tpu.memref_slice %arg5[%rem3A_90, %dma_start3A_240, %dma_start3A_241, %dma_start3A_246] : memref<3x2x6x104xi32, #tpu.memory_space<vmem>> -> memref<1x1x1x104xi32, #tpu.memory_space<vmem>>
      %dma_start3A_248 = tpu.memref_squeeze %dma_start3A_247 : memref<1x1x1x104xi32, #tpu.memory_space<vmem>> -> memref<104xi32, #tpu.memory_space<vmem>>
      %dma_start3A_249 = arith.constant 0 : i32
      %dma_start3A_250 = arith.constant 0 : i32
      %dma_start3A_251 = tpu.memref_slice %arg7[%dma_start3A_249, %dma_start3A_250] : memref<9984x128xf32, #tpu.memory_space<vmem_shared>> -> memref<9984x128xf32, #tpu.memory_space<vmem_shared>>
      tpu.enqueue_indirect_dma source(%dma_start3A_245 : memref<104x128xf32, #tpu.memory_space<vmem>>) target(%dma_start3A_251 : memref<9984x128xf32, #tpu.memory_space<vmem_shared>>) offsets(%dma_start3A_248 : memref<104xi32, #tpu.memory_space<vmem>>) semaphore(%arg13 : memref<!tpu.dma_semaphore, #tpu.memory_space<semaphore_mem>>) {add = true}
      %dma_wait3A_252 = arith.constant 0 : i32
      %dma_wait3A_253 = arith.constant 0 : i32
      %dma_wait3A_254 = arith.constant 0 : i32
      %dma_wait3A_255 = tpu.memref_slice %arg6[%dma_wait3A_252, %dma_wait3A_253, %dma_wait3A_254] : memref<3x104x128xf32, #tpu.memory_space<vmem>> -> memref<1x104x128xf32, #tpu.memory_space<vmem>>
      %dma_wait3A_256 = tpu.memref_squeeze %dma_wait3A_255 : memref<1x104x128xf32, #tpu.memory_space<vmem>> -> memref<104x128xf32, #tpu.memory_space<vmem>>
      %dma_wait3A_257 = arith.constant 0 : i32
      %dma_wait3A_258 = arith.constant 0 : i32
      %dma_wait3A_259 = tpu.memref_slice %arg2[%dma_wait3A_257, %dma_wait3A_258] : memref<19968x128xf32, #tpu.memory_space<hbm>> -> memref<104x128xf32, #tpu.memory_space<hbm>>
      %dma_wait3A_260 = arith.constant 0 : i32
      %dma_wait3A_261 = arith.constant 0 : i32
      %dma_wait3A_262 = tpu.memref_slice %arg6[%dma_wait3A_252, %dma_wait3A_260, %dma_wait3A_261] : memref<3x104x128xf32, #tpu.memory_space<vmem>> -> memref<1x104x128xf32, #tpu.memory_space<vmem>>
      %dma_wait3A_263 = tpu.memref_squeeze %dma_wait3A_262 : memref<1x104x128xf32, #tpu.memory_space<vmem>> -> memref<104x128xf32, #tpu.memory_space<vmem>>
      %dma_wait3A_264 = arith.constant 0 : i32
      %dma_wait3A_265 = arith.constant 0 : i32
      %dma_wait3A_266 = tpu.memref_slice %arg2[%dma_wait3A_264, %dma_wait3A_265] : memref<19968x128xf32, #tpu.memory_space<hbm>> -> memref<104x128xf32, #tpu.memory_space<hbm>>
      tpu.wait_dma2 semaphore(%arg8 : memref<!tpu.dma_semaphore, #tpu.memory_space<semaphore_mem>>) src(%dma_wait3A_266 : memref<104x128xf32, #tpu.memory_space<hbm>>) dst(%dma_wait3A_263 : memref<104x128xf32, #tpu.memory_space<vmem>>)
      %dma_wait3A_267 = arith.constant 2 : i32
      %dma_wait3A_268 = arith.constant 0 : i32
      %dma_wait3A_269 = arith.constant 0 : i32
      %dma_wait3A_270 = tpu.memref_slice %arg6[%dma_wait3A_267, %dma_wait3A_268, %dma_wait3A_269] : memref<3x104x128xf32, #tpu.memory_space<vmem>> -> memref<1x104x128xf32, #tpu.memory_space<vmem>>
      %dma_wait3A_271 = tpu.memref_squeeze %dma_wait3A_270 : memref<1x104x128xf32, #tpu.memory_space<vmem>> -> memref<104x128xf32, #tpu.memory_space<vmem>>
      %dma_wait3A_272 = arith.constant 0 : i32
      %dma_wait3A_273 = arith.constant 0 : i32
      %dma_wait3A_274 = tpu.memref_slice %arg2[%dma_wait3A_272, %dma_wait3A_273] : memref<19968x128xf32, #tpu.memory_space<hbm>> -> memref<104x128xf32, #tpu.memory_space<hbm>>
      %dma_wait3A_275 = arith.constant 0 : i32
      %dma_wait3A_276 = arith.constant 0 : i32
      %dma_wait3A_277 = tpu.memref_slice %arg6[%dma_wait3A_267, %dma_wait3A_275, %dma_wait3A_276] : memref<3x104x128xf32, #tpu.memory_space<vmem>> -> memref<1x104x128xf32, #tpu.memory_space<vmem>>
      %dma_wait3A_278 = tpu.memref_squeeze %dma_wait3A_277 : memref<1x104x128xf32, #tpu.memory_space<vmem>> -> memref<104x128xf32, #tpu.memory_space<vmem>>
      %dma_wait3A_279 = arith.constant 0 : i32
      %dma_wait3A_280 = arith.constant 0 : i32
      %dma_wait3A_281 = tpu.memref_slice %arg2[%dma_wait3A_279, %dma_wait3A_280] : memref<19968x128xf32, #tpu.memory_space<hbm>> -> memref<104x128xf32, #tpu.memory_space<hbm>>
      tpu.wait_dma2 semaphore(%arg13 : memref<!tpu.dma_semaphore, #tpu.memory_space<semaphore_mem>>) src(%dma_wait3A_281 : memref<104x128xf32, #tpu.memory_space<hbm>>) dst(%dma_wait3A_278 : memref<104x128xf32, #tpu.memory_space<vmem>>)
      %dma_start3A_282 = arith.constant 0 : i32
      %dma_start3A_283 = arith.constant 5 : i32
      %dma_start3A_284 = arith.constant 2 : i32
      %dma_start3A_285 = arith.constant 0 : i32
      %dma_start3A_286 = arith.constant 0 : i32
      %dma_start3A_287 = tpu.memref_slice %arg6[%dma_start3A_284, %dma_start3A_285, %dma_start3A_286] : memref<3x104x128xf32, #tpu.memory_space<vmem>> -> memref<1x104x128xf32, #tpu.memory_space<vmem>>
      %dma_start3A_288 = tpu.memref_squeeze %dma_start3A_287 : memref<1x104x128xf32, #tpu.memory_space<vmem>> -> memref<104x128xf32, #tpu.memory_space<vmem>>
      %dma_start3A_289 = arith.constant 0 : i32
      %dma_start3A_290 = tpu.memref_slice %arg5[%rem3A_90, %dma_start3A_282, %dma_start3A_283, %dma_start3A_289] : memref<3x2x6x104xi32, #tpu.memory_space<vmem>> -> memref<1x1x1x104xi32, #tpu.memory_space<vmem>>
      %dma_start3A_291 = tpu.memref_squeeze %dma_start3A_290 : memref<1x1x1x104xi32, #tpu.memory_space<vmem>> -> memref<104xi32, #tpu.memory_space<vmem>>
      %dma_start3A_292 = arith.constant 0 : i32
      %dma_start3A_293 = arith.constant 0 : i32
      %dma_start3A_294 = tpu.memref_slice %arg2[%dma_start3A_292, %dma_start3A_293] : memref<19968x128xf32, #tpu.memory_space<hbm>> -> memref<19968x128xf32, #tpu.memory_space<hbm>>
      tpu.enqueue_indirect_dma source(%dma_start3A_294 : memref<19968x128xf32, #tpu.memory_space<hbm>>) target(%dma_start3A_288 : memref<104x128xf32, #tpu.memory_space<vmem>>) offsets(%dma_start3A_291 : memref<104xi32, #tpu.memory_space<vmem>>) semaphore(%arg10 : memref<!tpu.dma_semaphore, #tpu.memory_space<semaphore_mem>>)
      %dma_start3A_295 = arith.constant 0 : i32
      %dma_start3A_296 = arith.constant 1 : i32
      %dma_start3A_297 = arith.constant 3 : i32
      %dma_start3A_298 = arith.constant 0 : i32
      %dma_start3A_299 = arith.constant 0 : i32
      %dma_start3A_300 = tpu.memref_slice %arg6[%dma_start3A_295, %dma_start3A_298, %dma_start3A_299] : memref<3x104x128xf32, #tpu.memory_space<vmem>> -> memref<1x104x128xf32, #tpu.memory_space<vmem>>
      %dma_start3A_301 = tpu.memref_squeeze %dma_start3A_300 : memref<1x104x128xf32, #tpu.memory_space<vmem>> -> memref<104x128xf32, #tpu.memory_space<vmem>>
      %dma_start3A_302 = arith.constant 0 : i32
      %dma_start3A_303 = tpu.memref_slice %arg5[%rem3A_90, %dma_start3A_296, %dma_start3A_297, %dma_start3A_302] : memref<3x2x6x104xi32, #tpu.memory_space<vmem>> -> memref<1x1x1x104xi32, #tpu.memory_space<vmem>>
      %dma_start3A_304 = tpu.memref_squeeze %dma_start3A_303 : memref<1x1x1x104xi32, #tpu.memory_space<vmem>> -> memref<104xi32, #tpu.memory_space<vmem>>
      %dma_start3A_305 = arith.constant 0 : i32
      %dma_start3A_306 = arith.constant 0 : i32
      %dma_start3A_307 = tpu.memref_slice %arg7[%dma_start3A_305, %dma_start3A_306] : memref<9984x128xf32, #tpu.memory_space<vmem_shared>> -> memref<9984x128xf32, #tpu.memory_space<vmem_shared>>
      tpu.enqueue_indirect_dma source(%dma_start3A_301 : memref<104x128xf32, #tpu.memory_space<vmem>>) target(%dma_start3A_307 : memref<9984x128xf32, #tpu.memory_space<vmem_shared>>) offsets(%dma_start3A_304 : memref<104xi32, #tpu.memory_space<vmem>>) semaphore(%arg11 : memref<!tpu.dma_semaphore, #tpu.memory_space<semaphore_mem>>) {add = true}
      %dma_wait3A_308 = arith.constant 1 : i32
      %dma_wait3A_309 = arith.constant 0 : i32
      %dma_wait3A_310 = arith.constant 0 : i32
      %dma_wait3A_311 = tpu.memref_slice %arg6[%dma_wait3A_308, %dma_wait3A_309, %dma_wait3A_310] : memref<3x104x128xf32, #tpu.memory_space<vmem>> -> memref<1x104x128xf32, #tpu.memory_space<vmem>>
      %dma_wait3A_312 = tpu.memref_squeeze %dma_wait3A_311 : memref<1x104x128xf32, #tpu.memory_space<vmem>> -> memref<104x128xf32, #tpu.memory_space<vmem>>
      %dma_wait3A_313 = arith.constant 0 : i32
      %dma_wait3A_314 = arith.constant 0 : i32
      %dma_wait3A_315 = tpu.memref_slice %arg2[%dma_wait3A_313, %dma_wait3A_314] : memref<19968x128xf32, #tpu.memory_space<hbm>> -> memref<104x128xf32, #tpu.memory_space<hbm>>
      %dma_wait3A_316 = arith.constant 0 : i32
      %dma_wait3A_317 = arith.constant 0 : i32
      %dma_wait3A_318 = tpu.memref_slice %arg6[%dma_wait3A_308, %dma_wait3A_316, %dma_wait3A_317] : memref<3x104x128xf32, #tpu.memory_space<vmem>> -> memref<1x104x128xf32, #tpu.memory_space<vmem>>
      %dma_wait3A_319 = tpu.memref_squeeze %dma_wait3A_318 : memref<1x104x128xf32, #tpu.memory_space<vmem>> -> memref<104x128xf32, #tpu.memory_space<vmem>>
      %dma_wait3A_320 = arith.constant 0 : i32
      %dma_wait3A_321 = arith.constant 0 : i32
      %dma_wait3A_322 = tpu.memref_slice %arg2[%dma_wait3A_320, %dma_wait3A_321] : memref<19968x128xf32, #tpu.memory_space<hbm>> -> memref<104x128xf32, #tpu.memory_space<hbm>>
      tpu.wait_dma2 semaphore(%arg9 : memref<!tpu.dma_semaphore, #tpu.memory_space<semaphore_mem>>) src(%dma_wait3A_322 : memref<104x128xf32, #tpu.memory_space<hbm>>) dst(%dma_wait3A_319 : memref<104x128xf32, #tpu.memory_space<vmem>>)
      %dma_wait3A_323 = arith.constant 0 : i32
      %dma_wait3A_324 = arith.constant 0 : i32
      %dma_wait3A_325 = arith.constant 0 : i32
      %dma_wait3A_326 = tpu.memref_slice %arg6[%dma_wait3A_323, %dma_wait3A_324, %dma_wait3A_325] : memref<3x104x128xf32, #tpu.memory_space<vmem>> -> memref<1x104x128xf32, #tpu.memory_space<vmem>>
      %dma_wait3A_327 = tpu.memref_squeeze %dma_wait3A_326 : memref<1x104x128xf32, #tpu.memory_space<vmem>> -> memref<104x128xf32, #tpu.memory_space<vmem>>
      %dma_wait3A_328 = arith.constant 0 : i32
      %dma_wait3A_329 = arith.constant 0 : i32
      %dma_wait3A_330 = tpu.memref_slice %arg2[%dma_wait3A_328, %dma_wait3A_329] : memref<19968x128xf32, #tpu.memory_space<hbm>> -> memref<104x128xf32, #tpu.memory_space<hbm>>
      %dma_wait3A_331 = arith.constant 0 : i32
      %dma_wait3A_332 = arith.constant 0 : i32
      %dma_wait3A_333 = tpu.memref_slice %arg6[%dma_wait3A_323, %dma_wait3A_331, %dma_wait3A_332] : memref<3x104x128xf32, #tpu.memory_space<vmem>> -> memref<1x104x128xf32, #tpu.memory_space<vmem>>
      %dma_wait3A_334 = tpu.memref_squeeze %dma_wait3A_333 : memref<1x104x128xf32, #tpu.memory_space<vmem>> -> memref<104x128xf32, #tpu.memory_space<vmem>>
      %dma_wait3A_335 = arith.constant 0 : i32
      %dma_wait3A_336 = arith.constant 0 : i32
      %dma_wait3A_337 = tpu.memref_slice %arg2[%dma_wait3A_335, %dma_wait3A_336] : memref<19968x128xf32, #tpu.memory_space<hbm>> -> memref<104x128xf32, #tpu.memory_space<hbm>>
      tpu.wait_dma2 semaphore(%arg11 : memref<!tpu.dma_semaphore, #tpu.memory_space<semaphore_mem>>) src(%dma_wait3A_337 : memref<104x128xf32, #tpu.memory_space<hbm>>) dst(%dma_wait3A_334 : memref<104x128xf32, #tpu.memory_space<vmem>>)
      %lt3A_338 = arith.constant 31 : i32
      %lt3A_339 = arith.cmpi slt, %scan3A_82, %lt3A_338 : i32
      %convert_element_type3A_340 = arith.extui %lt3A_339 : i1 to i32
      %cond3A_341 = arith.constant 0 : i32
      %cond3A_342 = arith.cmpi ne, %convert_element_type3A_340, %cond3A_341 : i32
      scf.if %cond3A_342 {
        %dma_start3A_404 = arith.constant 0 : i32
        %dma_start3A_405 = arith.constant 0 : i32
        %dma_start3A_406 = arith.constant 0 : i32
        %dma_start3A_407 = arith.constant 0 : i32
        %dma_start3A_408 = arith.constant 0 : i32
        %dma_start3A_409 = tpu.memref_slice %arg6[%dma_start3A_406, %dma_start3A_407, %dma_start3A_408] : memref<3x104x128xf32, #tpu.memory_space<vmem>> -> memref<1x104x128xf32, #tpu.memory_space<vmem>>
        %dma_start3A_410 = tpu.memref_squeeze %dma_start3A_409 : memref<1x104x128xf32, #tpu.memory_space<vmem>> -> memref<104x128xf32, #tpu.memory_space<vmem>>
        %dma_start3A_411 = arith.constant 0 : i32
        %dma_start3A_412 = tpu.memref_slice %arg5[%rem3A_94, %dma_start3A_404, %dma_start3A_405, %dma_start3A_411] : memref<3x2x6x104xi32, #tpu.memory_space<vmem>> -> memref<1x1x1x104xi32, #tpu.memory_space<vmem>>
        %dma_start3A_413 = tpu.memref_squeeze %dma_start3A_412 : memref<1x1x1x104xi32, #tpu.memory_space<vmem>> -> memref<104xi32, #tpu.memory_space<vmem>>
        %dma_start3A_414 = arith.constant 0 : i32
        %dma_start3A_415 = arith.constant 0 : i32
        %dma_start3A_416 = tpu.memref_slice %arg2[%dma_start3A_414, %dma_start3A_415] : memref<19968x128xf32, #tpu.memory_space<hbm>> -> memref<19968x128xf32, #tpu.memory_space<hbm>>
        tpu.enqueue_indirect_dma source(%dma_start3A_416 : memref<19968x128xf32, #tpu.memory_space<hbm>>) target(%dma_start3A_410 : memref<104x128xf32, #tpu.memory_space<vmem>>) offsets(%dma_start3A_413 : memref<104xi32, #tpu.memory_space<vmem>>) semaphore(%arg8 : memref<!tpu.dma_semaphore, #tpu.memory_space<semaphore_mem>>)
      } else {
      }
      %dma_start3A_343 = arith.constant 1 : i32
      %dma_start3A_344 = arith.constant 1 : i32
      %dma_start3A_345 = arith.constant 4 : i32
      %dma_start3A_346 = arith.constant 0 : i32
      %dma_start3A_347 = arith.constant 0 : i32
      %dma_start3A_348 = tpu.memref_slice %arg6[%dma_start3A_343, %dma_start3A_346, %dma_start3A_347] : memref<3x104x128xf32, #tpu.memory_space<vmem>> -> memref<1x104x128xf32, #tpu.memory_space<vmem>>
      %dma_start3A_349 = tpu.memref_squeeze %dma_start3A_348 : memref<1x104x128xf32, #tpu.memory_space<vmem>> -> memref<104x128xf32, #tpu.memory_space<vmem>>
      %dma_start3A_350 = arith.constant 0 : i32
      %dma_start3A_351 = tpu.memref_slice %arg5[%rem3A_90, %dma_start3A_344, %dma_start3A_345, %dma_start3A_350] : memref<3x2x6x104xi32, #tpu.memory_space<vmem>> -> memref<1x1x1x104xi32, #tpu.memory_space<vmem>>
      %dma_start3A_352 = tpu.memref_squeeze %dma_start3A_351 : memref<1x1x1x104xi32, #tpu.memory_space<vmem>> -> memref<104xi32, #tpu.memory_space<vmem>>
      %dma_start3A_353 = arith.constant 0 : i32
      %dma_start3A_354 = arith.constant 0 : i32
      %dma_start3A_355 = tpu.memref_slice %arg7[%dma_start3A_353, %dma_start3A_354] : memref<9984x128xf32, #tpu.memory_space<vmem_shared>> -> memref<9984x128xf32, #tpu.memory_space<vmem_shared>>
      tpu.enqueue_indirect_dma source(%dma_start3A_349 : memref<104x128xf32, #tpu.memory_space<vmem>>) target(%dma_start3A_355 : memref<9984x128xf32, #tpu.memory_space<vmem_shared>>) offsets(%dma_start3A_352 : memref<104xi32, #tpu.memory_space<vmem>>) semaphore(%arg12 : memref<!tpu.dma_semaphore, #tpu.memory_space<semaphore_mem>>) {add = true}
      %dma_wait3A_356 = arith.constant 2 : i32
      %dma_wait3A_357 = arith.constant 0 : i32
      %dma_wait3A_358 = arith.constant 0 : i32
      %dma_wait3A_359 = tpu.memref_slice %arg6[%dma_wait3A_356, %dma_wait3A_357, %dma_wait3A_358] : memref<3x104x128xf32, #tpu.memory_space<vmem>> -> memref<1x104x128xf32, #tpu.memory_space<vmem>>
      %dma_wait3A_360 = tpu.memref_squeeze %dma_wait3A_359 : memref<1x104x128xf32, #tpu.memory_space<vmem>> -> memref<104x128xf32, #tpu.memory_space<vmem>>
      %dma_wait3A_361 = arith.constant 0 : i32
      %dma_wait3A_362 = arith.constant 0 : i32
      %dma_wait3A_363 = tpu.memref_slice %arg2[%dma_wait3A_361, %dma_wait3A_362] : memref<19968x128xf32, #tpu.memory_space<hbm>> -> memref<104x128xf32, #tpu.memory_space<hbm>>
      %dma_wait3A_364 = arith.constant 0 : i32
      %dma_wait3A_365 = arith.constant 0 : i32
      %dma_wait3A_366 = tpu.memref_slice %arg6[%dma_wait3A_356, %dma_wait3A_364, %dma_wait3A_365] : memref<3x104x128xf32, #tpu.memory_space<vmem>> -> memref<1x104x128xf32, #tpu.memory_space<vmem>>
      %dma_wait3A_367 = tpu.memref_squeeze %dma_wait3A_366 : memref<1x104x128xf32, #tpu.memory_space<vmem>> -> memref<104x128xf32, #tpu.memory_space<vmem>>
      %dma_wait3A_368 = arith.constant 0 : i32
      %dma_wait3A_369 = arith.constant 0 : i32
      %dma_wait3A_370 = tpu.memref_slice %arg2[%dma_wait3A_368, %dma_wait3A_369] : memref<19968x128xf32, #tpu.memory_space<hbm>> -> memref<104x128xf32, #tpu.memory_space<hbm>>
      tpu.wait_dma2 semaphore(%arg10 : memref<!tpu.dma_semaphore, #tpu.memory_space<semaphore_mem>>) src(%dma_wait3A_370 : memref<104x128xf32, #tpu.memory_space<hbm>>) dst(%dma_wait3A_367 : memref<104x128xf32, #tpu.memory_space<vmem>>)
      %dma_wait3A_371 = arith.constant 1 : i32
      %dma_wait3A_372 = arith.constant 0 : i32
      %dma_wait3A_373 = arith.constant 0 : i32
      %dma_wait3A_374 = tpu.memref_slice %arg6[%dma_wait3A_371, %dma_wait3A_372, %dma_wait3A_373] : memref<3x104x128xf32, #tpu.memory_space<vmem>> -> memref<1x104x128xf32, #tpu.memory_space<vmem>>
      %dma_wait3A_375 = tpu.memref_squeeze %dma_wait3A_374 : memref<1x104x128xf32, #tpu.memory_space<vmem>> -> memref<104x128xf32, #tpu.memory_space<vmem>>
      %dma_wait3A_376 = arith.constant 0 : i32
      %dma_wait3A_377 = arith.constant 0 : i32
      %dma_wait3A_378 = tpu.memref_slice %arg2[%dma_wait3A_376, %dma_wait3A_377] : memref<19968x128xf32, #tpu.memory_space<hbm>> -> memref<104x128xf32, #tpu.memory_space<hbm>>
      %dma_wait3A_379 = arith.constant 0 : i32
      %dma_wait3A_380 = arith.constant 0 : i32
      %dma_wait3A_381 = tpu.memref_slice %arg6[%dma_wait3A_371, %dma_wait3A_379, %dma_wait3A_380] : memref<3x104x128xf32, #tpu.memory_space<vmem>> -> memref<1x104x128xf32, #tpu.memory_space<vmem>>
      %dma_wait3A_382 = tpu.memref_squeeze %dma_wait3A_381 : memref<1x104x128xf32, #tpu.memory_space<vmem>> -> memref<104x128xf32, #tpu.memory_space<vmem>>
      %dma_wait3A_383 = arith.constant 0 : i32
      %dma_wait3A_384 = arith.constant 0 : i32
      %dma_wait3A_385 = tpu.memref_slice %arg2[%dma_wait3A_383, %dma_wait3A_384] : memref<19968x128xf32, #tpu.memory_space<hbm>> -> memref<104x128xf32, #tpu.memory_space<hbm>>
      tpu.wait_dma2 semaphore(%arg12 : memref<!tpu.dma_semaphore, #tpu.memory_space<semaphore_mem>>) src(%dma_wait3A_385 : memref<104x128xf32, #tpu.memory_space<hbm>>) dst(%dma_wait3A_382 : memref<104x128xf32, #tpu.memory_space<vmem>>)
      %lt3A_386 = arith.constant 31 : i32
      %lt3A_387 = arith.cmpi slt, %scan3A_82, %lt3A_386 : i32
      %convert_element_type3A_388 = arith.extui %lt3A_387 : i1 to i32
      %cond3A_389 = arith.constant 0 : i32
      %cond3A_390 = arith.cmpi ne, %convert_element_type3A_388, %cond3A_389 : i32
      scf.if %cond3A_390 {
        %dma_start3A_404 = arith.constant 0 : i32
        %dma_start3A_405 = arith.constant 1 : i32
        %dma_start3A_406 = arith.constant 1 : i32
        %dma_start3A_407 = arith.constant 0 : i32
        %dma_start3A_408 = arith.constant 0 : i32
        %dma_start3A_409 = tpu.memref_slice %arg6[%dma_start3A_406, %dma_start3A_407, %dma_start3A_408] : memref<3x104x128xf32, #tpu.memory_space<vmem>> -> memref<1x104x128xf32, #tpu.memory_space<vmem>>
        %dma_start3A_410 = tpu.memref_squeeze %dma_start3A_409 : memref<1x104x128xf32, #tpu.memory_space<vmem>> -> memref<104x128xf32, #tpu.memory_space<vmem>>
        %dma_start3A_411 = arith.constant 0 : i32
        %dma_start3A_412 = tpu.memref_slice %arg5[%rem3A_94, %dma_start3A_404, %dma_start3A_405, %dma_start3A_411] : memref<3x2x6x104xi32, #tpu.memory_space<vmem>> -> memref<1x1x1x104xi32, #tpu.memory_space<vmem>>
        %dma_start3A_413 = tpu.memref_squeeze %dma_start3A_412 : memref<1x1x1x104xi32, #tpu.memory_space<vmem>> -> memref<104xi32, #tpu.memory_space<vmem>>
        %dma_start3A_414 = arith.constant 0 : i32
        %dma_start3A_415 = arith.constant 0 : i32
        %dma_start3A_416 = tpu.memref_slice %arg2[%dma_start3A_414, %dma_start3A_415] : memref<19968x128xf32, #tpu.memory_space<hbm>> -> memref<19968x128xf32, #tpu.memory_space<hbm>>
        tpu.enqueue_indirect_dma source(%dma_start3A_416 : memref<19968x128xf32, #tpu.memory_space<hbm>>) target(%dma_start3A_410 : memref<104x128xf32, #tpu.memory_space<vmem>>) offsets(%dma_start3A_413 : memref<104xi32, #tpu.memory_space<vmem>>) semaphore(%arg9 : memref<!tpu.dma_semaphore, #tpu.memory_space<semaphore_mem>>)
      } else {
      }
      %dma_start3A_391 = arith.constant 2 : i32
      %dma_start3A_392 = arith.constant 1 : i32
      %dma_start3A_393 = arith.constant 5 : i32
      %dma_start3A_394 = arith.constant 0 : i32
      %dma_start3A_395 = arith.constant 0 : i32
      %dma_start3A_396 = tpu.memref_slice %arg6[%dma_start3A_391, %dma_start3A_394, %dma_start3A_395] : memref<3x104x128xf32, #tpu.memory_space<vmem>> -> memref<1x104x128xf32, #tpu.memory_space<vmem>>
      %dma_start3A_397 = tpu.memref_squeeze %dma_start3A_396 : memref<1x104x128xf32, #tpu.memory_space<vmem>> -> memref<104x128xf32, #tpu.memory_space<vmem>>
      %dma_start3A_398 = arith.constant 0 : i32
      %dma_start3A_399 = tpu.memref_slice %arg5[%rem3A_90, %dma_start3A_392, %dma_start3A_393, %dma_start3A_398] : memref<3x2x6x104xi32, #tpu.memory_space<vmem>> -> memref<1x1x1x104xi32, #tpu.memory_space<vmem>>
      %dma_start3A_400 = tpu.memref_squeeze %dma_start3A_399 : memref<1x1x1x104xi32, #tpu.memory_space<vmem>> -> memref<104xi32, #tpu.memory_space<vmem>>
      %dma_start3A_401 = arith.constant 0 : i32
      %dma_start3A_402 = arith.constant 0 : i32
      %dma_start3A_403 = tpu.memref_slice %arg7[%dma_start3A_401, %dma_start3A_402] : memref<9984x128xf32, #tpu.memory_space<vmem_shared>> -> memref<9984x128xf32, #tpu.memory_space<vmem_shared>>
      tpu.enqueue_indirect_dma source(%dma_start3A_397 : memref<104x128xf32, #tpu.memory_space<vmem>>) target(%dma_start3A_403 : memref<9984x128xf32, #tpu.memory_space<vmem_shared>>) offsets(%dma_start3A_400 : memref<104xi32, #tpu.memory_space<vmem>>) semaphore(%arg13 : memref<!tpu.dma_semaphore, #tpu.memory_space<semaphore_mem>>) {add = true}
    }
    %scan3A_59 = arith.constant 32 : i32
    %dma_wait3A = arith.constant 2 : i32
    %dma_wait3A_60 = arith.constant 0 : i32
    %dma_wait3A_61 = arith.constant 0 : i32
    %dma_wait3A_62 = tpu.memref_slice %arg6[%dma_wait3A, %dma_wait3A_60, %dma_wait3A_61] : memref<3x104x128xf32, #tpu.memory_space<vmem>> -> memref<1x104x128xf32, #tpu.memory_space<vmem>>
    %dma_wait3A_63 = tpu.memref_squeeze %dma_wait3A_62 : memref<1x104x128xf32, #tpu.memory_space<vmem>> -> memref<104x128xf32, #tpu.memory_space<vmem>>
    %dma_wait3A_64 = arith.constant 0 : i32
    %dma_wait3A_65 = arith.constant 0 : i32
    %dma_wait3A_66 = tpu.memref_slice %arg2[%dma_wait3A_64, %dma_wait3A_65] : memref<19968x128xf32, #tpu.memory_space<hbm>> -> memref<104x128xf32, #tpu.memory_space<hbm>>
    %dma_wait3A_67 = arith.constant 0 : i32
    %dma_wait3A_68 = arith.constant 0 : i32
    %dma_wait3A_69 = tpu.memref_slice %arg6[%dma_wait3A, %dma_wait3A_67, %dma_wait3A_68] : memref<3x104x128xf32, #tpu.memory_space<vmem>> -> memref<1x104x128xf32, #tpu.memory_space<vmem>>
    %dma_wait3A_70 = tpu.memref_squeeze %dma_wait3A_69 : memref<1x104x128xf32, #tpu.memory_space<vmem>> -> memref<104x128xf32, #tpu.memory_space<vmem>>
    %dma_wait3A_71 = arith.constant 0 : i32
    %dma_wait3A_72 = arith.constant 0 : i32
    %dma_wait3A_73 = tpu.memref_slice %arg2[%dma_wait3A_71, %dma_wait3A_72] : memref<19968x128xf32, #tpu.memory_space<hbm>> -> memref<104x128xf32, #tpu.memory_space<hbm>>
    tpu.wait_dma2 semaphore(%arg13 : memref<!tpu.dma_semaphore, #tpu.memory_space<semaphore_mem>>) src(%dma_wait3A_73 : memref<104x128xf32, #tpu.memory_space<hbm>>) dst(%dma_wait3A_70 : memref<104x128xf32, #tpu.memory_space<vmem>>)
    %barrier3A_74 = arith.constant 0 : index
    tpu.barrier barrier_id(%barrier3A_74)
    %mul3A_75 = arith.constant 624 : i32
    %mul3A_76 = arith.muli %arg1, %mul3A_75 : i32
    %mul3A_77 = arith.constant 9984 : i32
    %mul3A_78 = arith.muli %arg0, %mul3A_77 : i32
    %mul3A_79 = arith.constant 624 : i32
    %mul3A_80 = arith.muli %arg1, %mul3A_79 : i32
    %add3A_81 = arith.addi %mul3A_78, %mul3A_80 : i32
    "tpu.region"() ({
      %run_scoped3A_82 = tpu.sem_alloc : memref<!tpu.dma_semaphore, #tpu.memory_space<semaphore_mem>>
      %dma_start3A_83 = arith.constant 0 : i32
      %dma_start3A_84 = tpu.memref_slice %arg4[%add3A_81, %dma_start3A_83] : memref<19968x128xf32, #tpu.memory_space<hbm>> -> memref<624x128xf32, #tpu.memory_space<hbm>>
      %dma_start3A_85 = arith.constant 0 : i32
      %dma_start3A_86 = tpu.memref_slice %arg7[%mul3A_76, %dma_start3A_85] : memref<9984x128xf32, #tpu.memory_space<vmem_shared>> -> memref<624x128xf32, #tpu.memory_space<vmem_shared>>
      tpu.enqueue_dma source(%dma_start3A_86 : memref<624x128xf32, #tpu.memory_space<vmem_shared>>) target(%dma_start3A_84 : memref<624x128xf32, #tpu.memory_space<hbm>>) target_semaphore(%run_scoped3A_82 : memref<!tpu.dma_semaphore, #tpu.memory_space<semaphore_mem>>)
      %dma_wait3A_87 = arith.constant 0 : i32
      %dma_wait3A_88 = tpu.memref_slice %arg4[%add3A_81, %dma_wait3A_87] : memref<19968x128xf32, #tpu.memory_space<hbm>> -> memref<624x128xf32, #tpu.memory_space<hbm>>
      %dma_wait3A_89 = arith.constant 0 : i32
      %dma_wait3A_90 = tpu.memref_slice %arg7[%mul3A_76, %dma_wait3A_89] : memref<9984x128xf32, #tpu.memory_space<vmem_shared>> -> memref<624x128xf32, #tpu.memory_space<vmem_shared>>
      tpu.wait_dma2 semaphore(%run_scoped3A_82 : memref<!tpu.dma_semaphore, #tpu.memory_space<semaphore_mem>>) src(%dma_wait3A_90 : memref<624x128xf32, #tpu.memory_space<vmem_shared>>) dst(%dma_wait3A_88 : memref<624x128xf32, #tpu.memory_space<hbm>>)
      tpu.yield
    }) : () -> ()
    return
  }
}

#map = affine_map<(d0, d1) -> (0, 0)>
#map1 = affine_map<(d0, d1) -> (0, 0, 0, 0, 0, 0)>
module attributes {stable_mosaic.version = 14 : i64} {
  func.func @_conv_sc(%arg0: i32, %arg1: i32, %arg2: memref<19968x128xf32, #tpu.memory_space<hbm>>, %arg3: memref<2x16x32x2x6x104xi32, #tpu.memory_space<hbm>>, %arg4: memref<19968x128xf32, #tpu.memory_space<hbm>>, %arg5: memref<3x2x6x104xi32, #tpu.memory_space<vmem>>, %arg6: memref<3x104x128xf32, #tpu.memory_space<vmem>>, %arg7: memref<9984x128xf32, #tpu.memory_space<vmem_shared>>, %arg8: memref<!tpu.dma_semaphore, #tpu.memory_space<semaphore_mem>>, %arg9: memref<!tpu.dma_semaphore, #tpu.memory_space<semaphore_mem>>, %arg10: memref<!tpu.dma_semaphore, #tpu.memory_space<semaphore_mem>>, %arg11: memref<!tpu.dma_semaphore, #tpu.memory_space<semaphore_mem>>, %arg12: memref<!tpu.dma_semaphore, #tpu.memory_space<semaphore_mem>>, %arg13: memref<!tpu.dma_semaphore, #tpu.memory_space<semaphore_mem>>, %arg14: memref<!tpu.dma_semaphore, #tpu.memory_space<semaphore_mem>>) attributes {dimension_semantics = [#tpu.dimension_semantics<core_parallel>, #tpu.dimension_semantics<subcore_parallel>], iteration_bounds = array<i64: 2, 16>, scalar_prefetch = 0 : i64, scratch_operands = 10 : i64, tpu.core_type = #tpu.core_type<sc_vector_subcore>, window_params = [{transform_indices = #map}, {transform_indices = #map1}, {transform_indices = #map}]} {
    %mul3A = arith.constant 9984 : i32
    %mul3A_0 = arith.muli %arg0, %mul3A : i32
    %mul3A_1 = arith.constant 624 : i32
    %mul3A_2 = arith.muli %arg1, %mul3A_1 : i32
    %add3A = arith.addi %mul3A_0, %mul3A_2 : i32
    %mul3A_3 = arith.constant 624 : i32
    %mul3A_4 = arith.muli %arg1, %mul3A_3 : i32
    "tpu.region"() ({
      %run_scoped3A_82 = tpu.sem_alloc : memref<!tpu.dma_semaphore, #tpu.memory_space<semaphore_mem>>
      %dma_start3A_83 = arith.constant 0 : i32
      %dma_start3A_84 = tpu.memref_slice %arg7[%mul3A_4, %dma_start3A_83] : memref<9984x128xf32, #tpu.memory_space<vmem_shared>> -> memref<624x128xf32, #tpu.memory_space<vmem_shared>>
      %dma_start3A_85 = arith.constant 0 : i32
      %dma_start3A_86 = tpu.memref_slice %arg2[%add3A, %dma_start3A_85] : memref<19968x128xf32, #tpu.memory_space<hbm>> -> memref<624x128xf32, #tpu.memory_space<hbm>>
      tpu.enqueue_dma source(%dma_start3A_86 : memref<624x128xf32, #tpu.memory_space<hbm>>) target(%dma_start3A_84 : memref<624x128xf32, #tpu.memory_space<vmem_shared>>) target_semaphore(%run_scoped3A_82 : memref<!tpu.dma_semaphore, #tpu.memory_space<semaphore_mem>>)
      %dma_wait3A_87 = arith.constant 0 : i32
      %dma_wait3A_88 = tpu.memref_slice %arg7[%mul3A_4, %dma_wait3A_87] : memref<9984x128xf32, #tpu.memory_space<vmem_shared>> -> memref<624x128xf32, #tpu.memory_space<vmem_shared>>
      %dma_wait3A_89 = arith.constant 0 : i32
      %dma_wait3A_90 = tpu.memref_slice %arg2[%add3A, %dma_wait3A_89] : memref<19968x128xf32, #tpu.memory_space<hbm>> -> memref<624x128xf32, #tpu.memory_space<hbm>>
      tpu.wait_dma2 semaphore(%run_scoped3A_82 : memref<!tpu.dma_semaphore, #tpu.memory_space<semaphore_mem>>) src(%dma_wait3A_90 : memref<624x128xf32, #tpu.memory_space<hbm>>) dst(%dma_wait3A_88 : memref<624x128xf32, #tpu.memory_space<vmem_shared>>)
      tpu.yield
    }) : () -> ()
    %barrier3A = arith.constant 0 : index
    tpu.barrier barrier_id(%barrier3A)
    %run_scoped3A = arith.constant 0 : i32
    %run_scoped3A_5 = arith.constant 0 : i32
    "tpu.region"() ({
      %run_scoped3A_82 = tpu.sem_alloc : memref<!tpu.dma_semaphore, #tpu.memory_space<semaphore_mem>>
      %dma_start3A_83 = arith.constant 0 : i32
      %dma_start3A_84 = arith.constant 0 : i32
      %dma_start3A_85 = arith.constant 0 : i32
      %dma_start3A_86 = tpu.memref_slice %arg5[%run_scoped3A_5, %dma_start3A_83, %dma_start3A_84, %dma_start3A_85] : memref<3x2x6x104xi32, #tpu.memory_space<vmem>> -> memref<1x2x6x104xi32, #tpu.memory_space<vmem>>
      %dma_start3A_87 = tpu.memref_squeeze %dma_start3A_86 : memref<1x2x6x104xi32, #tpu.memory_space<vmem>> -> memref<2x6x104xi32, #tpu.memory_space<vmem>>
      %dma_start3A_88 = arith.constant 0 : i32
      %dma_start3A_89 = arith.constant 0 : i32
      %dma_start3A_90 = arith.constant 0 : i32
      %dma_start3A_91 = tpu.memref_slice %arg3[%arg0, %arg1, %run_scoped3A, %dma_start3A_88, %dma_start3A_89, %dma_start3A_90] : memref<2x16x32x2x6x104xi32, #tpu.memory_space<hbm>> -> memref<1x1x1x2x6x104xi32, #tpu.memory_space<hbm>>
      %dma_start3A_92 = tpu.memref_squeeze %dma_start3A_91 : memref<1x1x1x2x6x104xi32, #tpu.memory_space<hbm>> -> memref<2x6x104xi32, #tpu.memory_space<hbm>>
      %dma_start3A_93 = arith.constant 0 : i32
      %dma_start3A_94 = arith.constant 0 : i32
      %dma_start3A_95 = arith.constant 0 : i32
      %dma_start3A_96 = tpu.memref_slice %arg5[%run_scoped3A_5, %dma_start3A_93, %dma_start3A_94, %dma_start3A_95] : memref<3x2x6x104xi32, #tpu.memory_space<vmem>> -> memref<1x2x6x104xi32, #tpu.memory_space<vmem>>
      %dma_start3A_97 = tpu.memref_squeeze %dma_start3A_96 : memref<1x2x6x104xi32, #tpu.memory_space<vmem>> -> memref<2x6x104xi32, #tpu.memory_space<vmem>>
      %dma_start3A_98 = arith.constant 0 : i32
      %dma_start3A_99 = arith.constant 0 : i32
      %dma_start3A_100 = arith.constant 0 : i32
      %dma_start3A_101 = tpu.memref_slice %arg3[%arg0, %arg1, %run_scoped3A, %dma_start3A_98, %dma_start3A_99, %dma_start3A_100] : memref<2x16x32x2x6x104xi32, #tpu.memory_space<hbm>> -> memref<1x1x1x2x6x104xi32, #tpu.memory_space<hbm>>
      %dma_start3A_102 = tpu.memref_squeeze %dma_start3A_101 : memref<1x1x1x2x6x104xi32, #tpu.memory_space<hbm>> -> memref<2x6x104xi32, #tpu.memory_space<hbm>>
      tpu.enqueue_dma source(%dma_start3A_102 : memref<2x6x104xi32, #tpu.memory_space<hbm>>) target(%dma_start3A_97 : memref<2x6x104xi32, #tpu.memory_space<vmem>>) target_semaphore(%run_scoped3A_82 : memref<!tpu.dma_semaphore, #tpu.memory_space<semaphore_mem>>)
      %dma_wait3A_103 = arith.constant 0 : i32
      %dma_wait3A_104 = arith.constant 0 : i32
      %dma_wait3A_105 = arith.constant 0 : i32
      %dma_wait3A_106 = tpu.memref_slice %arg5[%run_scoped3A_5, %dma_wait3A_103, %dma_wait3A_104, %dma_wait3A_105] : memref<3x2x6x104xi32, #tpu.memory_space<vmem>> -> memref<1x2x6x104xi32, #tpu.memory_space<vmem>>
      %dma_wait3A_107 = tpu.memref_squeeze %dma_wait3A_106 : memref<1x2x6x104xi32, #tpu.memory_space<vmem>> -> memref<2x6x104xi32, #tpu.memory_space<vmem>>
      %dma_wait3A_108 = arith.constant 0 : i32
      %dma_wait3A_109 = arith.constant 0 : i32
      %dma_wait3A_110 = arith.constant 0 : i32
      %dma_wait3A_111 = tpu.memref_slice %arg3[%arg0, %arg1, %run_scoped3A, %dma_wait3A_108, %dma_wait3A_109, %dma_wait3A_110] : memref<2x16x32x2x6x104xi32, #tpu.memory_space<hbm>> -> memref<1x1x1x2x6x104xi32, #tpu.memory_space<hbm>>
      %dma_wait3A_112 = tpu.memref_squeeze %dma_wait3A_111 : memref<1x1x1x2x6x104xi32, #tpu.memory_space<hbm>> -> memref<2x6x104xi32, #tpu.memory_space<hbm>>
      %dma_wait3A_113 = arith.constant 0 : i32
      %dma_wait3A_114 = arith.constant 0 : i32
      %dma_wait3A_115 = arith.constant 0 : i32
      %dma_wait3A_116 = tpu.memref_slice %arg5[%run_scoped3A_5, %dma_wait3A_113, %dma_wait3A_114, %dma_wait3A_115] : memref<3x2x6x104xi32, #tpu.memory_space<vmem>> -> memref<1x2x6x104xi32, #tpu.memory_space<vmem>>
      %dma_wait3A_117 = tpu.memref_squeeze %dma_wait3A_116 : memref<1x2x6x104xi32, #tpu.memory_space<vmem>> -> memref<2x6x104xi32, #tpu.memory_space<vmem>>
      %dma_wait3A_118 = arith.constant 0 : i32
      %dma_wait3A_119 = arith.constant 0 : i32
      %dma_wait3A_120 = arith.constant 0 : i32
      %dma_wait3A_121 = tpu.memref_slice %arg3[%arg0, %arg1, %run_scoped3A, %dma_wait3A_118, %dma_wait3A_119, %dma_wait3A_120] : memref<2x16x32x2x6x104xi32, #tpu.memory_space<hbm>> -> memref<1x1x1x2x6x104xi32, #tpu.memory_space<hbm>>
      %dma_wait3A_122 = tpu.memref_squeeze %dma_wait3A_121 : memref<1x1x1x2x6x104xi32, #tpu.memory_space<hbm>> -> memref<2x6x104xi32, #tpu.memory_space<hbm>>
      tpu.wait_dma2 semaphore(%run_scoped3A_82 : memref<!tpu.dma_semaphore, #tpu.memory_space<semaphore_mem>>) src(%dma_wait3A_122 : memref<2x6x104xi32, #tpu.memory_space<hbm>>) dst(%dma_wait3A_117 : memref<2x6x104xi32, #tpu.memory_space<vmem>>)
      tpu.yield
    }) : () -> ()
    %dma_start3A = arith.constant 1 : i32
    %dma_start3A_6 = arith.constant 1 : i32
    %dma_start3A_7 = arith.constant 0 : i32
    %dma_start3A_8 = arith.constant 0 : i32
    %dma_start3A_9 = arith.constant 0 : i32
    %dma_start3A_10 = tpu.memref_slice %arg5[%dma_start3A_6, %dma_start3A_7, %dma_start3A_8, %dma_start3A_9] : memref<3x2x6x104xi32, #tpu.memory_space<vmem>> -> memref<1x2x6x104xi32, #tpu.memory_space<vmem>>
    %dma_start3A_11 = tpu.memref_squeeze %dma_start3A_10 : memref<1x2x6x104xi32, #tpu.memory_space<vmem>> -> memref<2x6x104xi32, #tpu.memory_space<vmem>>
    %dma_start3A_12 = arith.constant 0 : i32
    %dma_start3A_13 = arith.constant 0 : i32
    %dma_start3A_14 = arith.constant 0 : i32
    %dma_start3A_15 = tpu.memref_slice %arg3[%arg0, %arg1, %dma_start3A, %dma_start3A_12, %dma_start3A_13, %dma_start3A_14] : memref<2x16x32x2x6x104xi32, #tpu.memory_space<hbm>> -> memref<1x1x1x2x6x104xi32, #tpu.memory_space<hbm>>
    %dma_start3A_16 = tpu.memref_squeeze %dma_start3A_15 : memref<1x1x1x2x6x104xi32, #tpu.memory_space<hbm>> -> memref<2x6x104xi32, #tpu.memory_space<hbm>>
    %dma_start3A_17 = arith.constant 0 : i32
    %dma_start3A_18 = arith.constant 0 : i32
    %dma_start3A_19 = arith.constant 0 : i32
    %dma_start3A_20 = tpu.memref_slice %arg5[%dma_start3A_6, %dma_start3A_17, %dma_start3A_18, %dma_start3A_19] : memref<3x2x6x104xi32, #tpu.memory_space<vmem>> -> memref<1x2x6x104xi32, #tpu.memory_space<vmem>>
    %dma_start3A_21 = tpu.memref_squeeze %dma_start3A_20 : memref<1x2x6x104xi32, #tpu.memory_space<vmem>> -> memref<2x6x104xi32, #tpu.memory_space<vmem>>
    %dma_start3A_22 = arith.constant 0 : i32
    %dma_start3A_23 = arith.constant 0 : i32
    %dma_start3A_24 = arith.constant 0 : i32
    %dma_start3A_25 = tpu.memref_slice %arg3[%arg0, %arg1, %dma_start3A, %dma_start3A_22, %dma_start3A_23, %dma_start3A_24] : memref<2x16x32x2x6x104xi32, #tpu.memory_space<hbm>> -> memref<1x1x1x2x6x104xi32, #tpu.memory_space<hbm>>
    %dma_start3A_26 = tpu.memref_squeeze %dma_start3A_25 : memref<1x1x1x2x6x104xi32, #tpu.memory_space<hbm>> -> memref<2x6x104xi32, #tpu.memory_space<hbm>>
    tpu.enqueue_dma source(%dma_start3A_26 : memref<2x6x104xi32, #tpu.memory_space<hbm>>) target(%dma_start3A_21 : memref<2x6x104xi32, #tpu.memory_space<vmem>>) target_semaphore(%arg14 : memref<!tpu.dma_semaphore, #tpu.memory_space<semaphore_mem>>)
    %dma_start3A_27 = arith.constant 0 : i32
    %dma_start3A_28 = arith.constant 0 : i32
    %dma_start3A_29 = arith.constant 0 : i32
    %dma_start3A_30 = arith.constant 0 : i32
    %dma_start3A_31 = arith.constant 0 : i32
    %dma_start3A_32 = arith.constant 0 : i32
    %dma_start3A_33 = tpu.memref_slice %arg6[%dma_start3A_30, %dma_start3A_31, %dma_start3A_32] : memref<3x104x128xf32, #tpu.memory_space<vmem>> -> memref<1x104x128xf32, #tpu.memory_space<vmem>>
    %dma_start3A_34 = tpu.memref_squeeze %dma_start3A_33 : memref<1x104x128xf32, #tpu.memory_space<vmem>> -> memref<104x128xf32, #tpu.memory_space<vmem>>
    %dma_start3A_35 = arith.constant 0 : i32
    %dma_start3A_36 = tpu.memref_slice %arg5[%dma_start3A_27, %dma_start3A_28, %dma_start3A_29, %dma_start3A_35] : memref<3x2x6x104xi32, #tpu.memory_space<vmem>> -> memref<1x1x1x104xi32, #tpu.memory_space<vmem>>
    %dma_start3A_37 = tpu.memref_squeeze %dma_start3A_36 : memref<1x1x1x104xi32, #tpu.memory_space<vmem>> -> memref<104xi32, #tpu.memory_space<vmem>>
    %dma_start3A_38 = arith.constant 0 : i32
    %dma_start3A_39 = arith.constant 0 : i32
    %dma_start3A_40 = tpu.memref_slice %arg2[%dma_start3A_38, %dma_start3A_39] : memref<19968x128xf32, #tpu.memory_space<hbm>> -> memref<19968x128xf32, #tpu.memory_space<hbm>>
    tpu.enqueue_indirect_dma source(%dma_start3A_40 : memref<19968x128xf32, #tpu.memory_space<hbm>>) target(%dma_start3A_34 : memref<104x128xf32, #tpu.memory_space<vmem>>) offsets(%dma_start3A_37 : memref<104xi32, #tpu.memory_space<vmem>>) semaphore(%arg8 : memref<!tpu.dma_semaphore, #tpu.memory_space<semaphore_mem>>)
    %dma_start3A_41 = arith.constant 0 : i32
    %dma_start3A_42 = arith.constant 0 : i32
    %dma_start3A_43 = arith.constant 1 : i32
    %dma_start3A_44 = arith.constant 1 : i32
    %dma_start3A_45 = arith.constant 0 : i32
    %dma_start3A_46 = arith.constant 0 : i32
    %dma_start3A_47 = tpu.memref_slice %arg6[%dma_start3A_44, %dma_start3A_45, %dma_start3A_46] : memref<3x104x128xf32, #tpu.memory_space<vmem>> -> memref<1x104x128xf32, #tpu.memory_space<vmem>>
    %dma_start3A_48 = tpu.memref_squeeze %dma_start3A_47 : memref<1x104x128xf32, #tpu.memory_space<vmem>> -> memref<104x128xf32, #tpu.memory_space<vmem>>
    %dma_start3A_49 = arith.constant 0 : i32
    %dma_start3A_50 = tpu.memref_slice %arg5[%dma_start3A_41, %dma_start3A_42, %dma_start3A_43, %dma_start3A_49] : memref<3x2x6x104xi32, #tpu.memory_space<vmem>> -> memref<1x1x1x104xi32, #tpu.memory_space<vmem>>
    %dma_start3A_51 = tpu.memref_squeeze %dma_start3A_50 : memref<1x1x1x104xi32, #tpu.memory_space<vmem>> -> memref<104xi32, #tpu.memory_space<vmem>>
    %dma_start3A_52 = arith.constant 0 : i32
    %dma_start3A_53 = arith.constant 0 : i32
    %dma_start3A_54 = tpu.memref_slice %arg2[%dma_start3A_52, %dma_start3A_53] : memref<19968x128xf32, #tpu.memory_space<hbm>> -> memref<19968x128xf32, #tpu.memory_space<hbm>>
    tpu.enqueue_indirect_dma source(%dma_start3A_54 : memref<19968x128xf32, #tpu.memory_space<hbm>>) target(%dma_start3A_48 : memref<104x128xf32, #tpu.memory_space<vmem>>) offsets(%dma_start3A_51 : memref<104xi32, #tpu.memory_space<vmem>>) semaphore(%arg9 : memref<!tpu.dma_semaphore, #tpu.memory_space<semaphore_mem>>)
    %scan3A = arith.constant 0 : i32
    %scan3A_55 = arith.constant 0 : i32
    %scan3A_56 = arith.constant 32 : i32
    %scan3A_57 = arith.addi %scan3A_55, %scan3A_56 : i32
    %scan3A_58 = arith.constant 1 : i32
    scf.for %scan3A_82 = %scan3A_55 to %scan3A_57 step %scan3A_58  : i32 {
      %lt3A = arith.constant 31 : i32
      %lt3A_83 = arith.cmpi slt, %scan3A_82, %lt3A : i32
      %convert_element_type3A = arith.extui %lt3A_83 : i1 to i32
      %cond3A = arith.constant 0 : i32
      %cond3A_84 = arith.cmpi ne, %convert_element_type3A, %cond3A : i32
      scf.if %cond3A_84 {
        %dma_wait3A_404 = arith.constant 0 : i32
        %dma_wait3A_405 = arith.constant 0 : i32
        %dma_wait3A_406 = arith.constant 0 : i32
        %dma_wait3A_407 = arith.constant 0 : i32
        %dma_wait3A_408 = arith.constant 0 : i32
        %dma_wait3A_409 = tpu.memref_slice %arg5[%dma_wait3A_405, %dma_wait3A_406, %dma_wait3A_407, %dma_wait3A_408] : memref<3x2x6x104xi32, #tpu.memory_space<vmem>> -> memref<1x2x6x104xi32, #tpu.memory_space<vmem>>
        %dma_wait3A_410 = tpu.memref_squeeze %dma_wait3A_409 : memref<1x2x6x104xi32, #tpu.memory_space<vmem>> -> memref<2x6x104xi32, #tpu.memory_space<vmem>>
        %dma_wait3A_411 = arith.constant 0 : i32
        %dma_wait3A_412 = arith.constant 0 : i32
        %dma_wait3A_413 = arith.constant 0 : i32
        %dma_wait3A_414 = tpu.memref_slice %arg3[%arg0, %arg1, %dma_wait3A_404, %dma_wait3A_411, %dma_wait3A_412, %dma_wait3A_413] : memref<2x16x32x2x6x104xi32, #tpu.memory_space<hbm>> -> memref<1x1x1x2x6x104xi32, #tpu.memory_space<hbm>>
        %dma_wait3A_415 = tpu.memref_squeeze %dma_wait3A_414 : memref<1x1x1x2x6x104xi32, #tpu.memory_space<hbm>> -> memref<2x6x104xi32, #tpu.memory_space<hbm>>
        %dma_wait3A_416 = arith.constant 0 : i32
        %dma_wait3A_417 = arith.constant 0 : i32
        %dma_wait3A_418 = arith.constant 0 : i32
        %dma_wait3A_419 = tpu.memref_slice %arg5[%dma_wait3A_405, %dma_wait3A_416, %dma_wait3A_417, %dma_wait3A_418] : memref<3x2x6x104xi32, #tpu.memory_space<vmem>> -> memref<1x2x6x104xi32, #tpu.memory_space<vmem>>
        %dma_wait3A_420 = tpu.memref_squeeze %dma_wait3A_419 : memref<1x2x6x104xi32, #tpu.memory_space<vmem>> -> memref<2x6x104xi32, #tpu.memory_space<vmem>>
        %dma_wait3A_421 = arith.constant 0 : i32
        %dma_wait3A_422 = arith.constant 0 : i32
        %dma_wait3A_423 = arith.constant 0 : i32
        %dma_wait3A_424 = tpu.memref_slice %arg3[%arg0, %arg1, %dma_wait3A_404, %dma_wait3A_421, %dma_wait3A_422, %dma_wait3A_423] : memref<2x16x32x2x6x104xi32, #tpu.memory_space<hbm>> -> memref<1x1x1x2x6x104xi32, #tpu.memory_space<hbm>>
        %dma_wait3A_425 = tpu.memref_squeeze %dma_wait3A_424 : memref<1x1x1x2x6x104xi32, #tpu.memory_space<hbm>> -> memref<2x6x104xi32, #tpu.memory_space<hbm>>
        tpu.wait_dma2 semaphore(%arg14 : memref<!tpu.dma_semaphore, #tpu.memory_space<semaphore_mem>>) src(%dma_wait3A_425 : memref<2x6x104xi32, #tpu.memory_space<hbm>>) dst(%dma_wait3A_420 : memref<2x6x104xi32, #tpu.memory_space<vmem>>)
      } else {
      }
      %lt3A_85 = arith.constant 30 : i32
      %lt3A_86 = arith.cmpi slt, %scan3A_82, %lt3A_85 : i32
      %convert_element_type3A_87 = arith.extui %lt3A_86 : i1 to i32
      %cond3A_88 = arith.constant 0 : i32
      %cond3A_89 = arith.cmpi ne, %convert_element_type3A_87, %cond3A_88 : i32
      scf.if %cond3A_89 {
        %add3A_404 = arith.constant 2 : i32
        %add3A_405 = arith.addi %scan3A_82, %add3A_404 : i32
        %rem3A_406 = arith.constant 3 : i32
        %rem3A_407 = arith.remsi %add3A_405, %rem3A_406 : i32
        %add3A_408 = arith.constant 2 : i32
        %add3A_409 = arith.addi %scan3A_82, %add3A_408 : i32
        %dma_start3A_410 = arith.constant 0 : i32
        %dma_start3A_411 = arith.constant 0 : i32
        %dma_start3A_412 = arith.constant 0 : i32
        %dma_start3A_413 = tpu.memref_slice %arg5[%rem3A_407, %dma_start3A_410, %dma_start3A_411, %dma_start3A_412] : memref<3x2x6x104xi32, #tpu.memory_space<vmem>> -> memref<1x2x6x104xi32, #tpu.memory_space<vmem>>
        %dma_start3A_414 = tpu.memref_squeeze %dma_start3A_413 : memref<1x2x6x104xi32, #tpu.memory_space<vmem>> -> memref<2x6x104xi32, #tpu.memory_space<vmem>>
        %dma_start3A_415 = arith.constant 0 : i32
        %dma_start3A_416 = arith.constant 0 : i32
        %dma_start3A_417 = arith.constant 0 : i32
        %dma_start3A_418 = tpu.memref_slice %arg3[%arg0, %arg1, %add3A_409, %dma_start3A_415, %dma_start3A_416, %dma_start3A_417] : memref<2x16x32x2x6x104xi32, #tpu.memory_space<hbm>> -> memref<1x1x1x2x6x104xi32, #tpu.memory_space<hbm>>
        %dma_start3A_419 = tpu.memref_squeeze %dma_start3A_418 : memref<1x1x1x2x6x104xi32, #tpu.memory_space<hbm>> -> memref<2x6x104xi32, #tpu.memory_space<hbm>>
        %dma_start3A_420 = arith.constant 0 : i32
        %dma_start3A_421 = arith.constant 0 : i32
        %dma_start3A_422 = arith.constant 0 : i32
        %dma_start3A_423 = tpu.memref_slice %arg5[%rem3A_407, %dma_start3A_420, %dma_start3A_421, %dma_start3A_422] : memref<3x2x6x104xi32, #tpu.memory_space<vmem>> -> memref<1x2x6x104xi32, #tpu.memory_space<vmem>>
        %dma_start3A_424 = tpu.memref_squeeze %dma_start3A_423 : memref<1x2x6x104xi32, #tpu.memory_space<vmem>> -> memref<2x6x104xi32, #tpu.memory_space<vmem>>
        %dma_start3A_425 = arith.constant 0 : i32
        %dma_start3A_426 = arith.constant 0 : i32
        %dma_start3A_427 = arith.constant 0 : i32
        %dma_start3A_428 = tpu.memref_slice %arg3[%arg0, %arg1, %add3A_409, %dma_start3A_425, %dma_start3A_426, %dma_start3A_427] : memref<2x16x32x2x6x104xi32, #tpu.memory_space<hbm>> -> memref<1x1x1x2x6x104xi32, #tpu.memory_space<hbm>>
        %dma_start3A_429 = tpu.memref_squeeze %dma_start3A_428 : memref<1x1x1x2x6x104xi32, #tpu.memory_space<hbm>> -> memref<2x6x104xi32, #tpu.memory_space<hbm>>
        tpu.enqueue_dma source(%dma_start3A_429 : memref<2x6x104xi32, #tpu.memory_space<hbm>>) target(%dma_start3A_424 : memref<2x6x104xi32, #tpu.memory_space<vmem>>) target_semaphore(%arg14 : memref<!tpu.dma_semaphore, #tpu.memory_space<semaphore_mem>>)
      } else {
      }
      %rem3A = arith.constant 3 : i32
      %rem3A_90 = arith.remsi %scan3A_82, %rem3A : i32
      %add3A_91 = arith.constant 1 : i32
      %add3A_92 = arith.addi %scan3A_82, %add3A_91 : i32
      %rem3A_93 = arith.constant 3 : i32
      %rem3A_94 = arith.remsi %add3A_92, %rem3A_93 : i32
      %dma_wait3A_95 = arith.constant 0 : i32
      %dma_wait3A_96 = arith.constant 0 : i32
      %dma_wait3A_97 = arith.constant 0 : i32
      %dma_wait3A_98 = tpu.memref_slice %arg6[%dma_wait3A_95, %dma_wait3A_96, %dma_wait3A_97] : memref<3x104x128xf32, #tpu.memory_space<vmem>> -> memref<1x104x128xf32, #tpu.memory_space<vmem>>
      %dma_wait3A_99 = tpu.memref_squeeze %dma_wait3A_98 : memref<1x104x128xf32, #tpu.memory_space<vmem>> -> memref<104x128xf32, #tpu.memory_space<vmem>>
      %dma_wait3A_100 = arith.constant 0 : i32
      %dma_wait3A_101 = arith.constant 0 : i32
      %dma_wait3A_102 = tpu.memref_slice %arg2[%dma_wait3A_100, %dma_wait3A_101] : memref<19968x128xf32, #tpu.memory_space<hbm>> -> memref<104x128xf32, #tpu.memory_space<hbm>>
      %dma_wait3A_103 = arith.constant 0 : i32
      %dma_wait3A_104 = arith.constant 0 : i32
      %dma_wait3A_105 = tpu.memref_slice %arg6[%dma_wait3A_95, %dma_wait3A_103, %dma_wait3A_104] : memref<3x104x128xf32, #tpu.memory_space<vmem>> -> memref<1x104x128xf32, #tpu.memory_space<vmem>>
      %dma_wait3A_106 = tpu.memref_squeeze %dma_wait3A_105 : memref<1x104x128xf32, #tpu.memory_space<vmem>> -> memref<104x128xf32, #tpu.memory_space<vmem>>
      %dma_wait3A_107 = arith.constant 0 : i32
      %dma_wait3A_108 = arith.constant 0 : i32
      %dma_wait3A_109 = tpu.memref_slice %arg2[%dma_wait3A_107, %dma_wait3A_108] : memref<19968x128xf32, #tpu.memory_space<hbm>> -> memref<104x128xf32, #tpu.memory_space<hbm>>
      tpu.wait_dma2 semaphore(%arg8 : memref<!tpu.dma_semaphore, #tpu.memory_space<semaphore_mem>>) src(%dma_wait3A_109 : memref<104x128xf32, #tpu.memory_space<hbm>>) dst(%dma_wait3A_106 : memref<104x128xf32, #tpu.memory_space<vmem>>)
      %gt3A = arith.constant 0 : i32
      %gt3A_110 = arith.cmpi sgt, %scan3A_82, %gt3A : i32
      %convert_element_type3A_111 = arith.extui %gt3A_110 : i1 to i32
      %cond3A_112 = arith.constant 0 : i32
      %cond3A_113 = arith.cmpi ne, %convert_element_type3A_111, %cond3A_112 : i32
      scf.if %cond3A_113 {
        %dma_wait3A_404 = arith.constant 2 : i32
        %dma_wait3A_405 = arith.constant 0 : i32
        %dma_wait3A_406 = arith.constant 0 : i32
        %dma_wait3A_407 = tpu.memref_slice %arg6[%dma_wait3A_404, %dma_wait3A_405, %dma_wait3A_406] : memref<3x104x128xf32, #tpu.memory_space<vmem>> -> memref<1x104x128xf32, #tpu.memory_space<vmem>>
        %dma_wait3A_408 = tpu.memref_squeeze %dma_wait3A_407 : memref<1x104x128xf32, #tpu.memory_space<vmem>> -> memref<104x128xf32, #tpu.memory_space<vmem>>
        %dma_wait3A_409 = arith.constant 0 : i32
        %dma_wait3A_410 = arith.constant 0 : i32
        %dma_wait3A_411 = tpu.memref_slice %arg2[%dma_wait3A_409, %dma_wait3A_410] : memref<19968x128xf32, #tpu.memory_space<hbm>> -> memref<104x128xf32, #tpu.memory_space<hbm>>
        %dma_wait3A_412 = arith.constant 0 : i32
        %dma_wait3A_413 = arith.constant 0 : i32
        %dma_wait3A_414 = tpu.memref_slice %arg6[%dma_wait3A_404, %dma_wait3A_412, %dma_wait3A_413] : memref<3x104x128xf32, #tpu.memory_space<vmem>> -> memref<1x104x128xf32, #tpu.memory_space<vmem>>
        %dma_wait3A_415 = tpu.memref_squeeze %dma_wait3A_414 : memref<1x104x128xf32, #tpu.memory_space<vmem>> -> memref<104x128xf32, #tpu.memory_space<vmem>>
        %dma_wait3A_416 = arith.constant 0 : i32
        %dma_wait3A_417 = arith.constant 0 : i32
        %dma_wait3A_418 = tpu.memref_slice %arg2[%dma_wait3A_416, %dma_wait3A_417] : memref<19968x128xf32, #tpu.memory_space<hbm>> -> memref<104x128xf32, #tpu.memory_space<hbm>>
        tpu.wait_dma2 semaphore(%arg13 : memref<!tpu.dma_semaphore, #tpu.memory_space<semaphore_mem>>) src(%dma_wait3A_418 : memref<104x128xf32, #tpu.memory_space<hbm>>) dst(%dma_wait3A_415 : memref<104x128xf32, #tpu.memory_space<vmem>>)
      } else {
      }
      %dma_start3A_114 = arith.constant 0 : i32
      %dma_start3A_115 = arith.constant 2 : i32
      %dma_start3A_116 = arith.constant 2 : i32
      %dma_start3A_117 = arith.constant 0 : i32
      %dma_start3A_118 = arith.constant 0 : i32
      %dma_start3A_119 = tpu.memref_slice %arg6[%dma_start3A_116, %dma_start3A_117, %dma_start3A_118] : memref<3x104x128xf32, #tpu.memory_space<vmem>> -> memref<1x104x128xf32, #tpu.memory_space<vmem>>
      %dma_start3A_120 = tpu.memref_squeeze %dma_start3A_119 : memref<1x104x128xf32, #tpu.memory_space<vmem>> -> memref<104x128xf32, #tpu.memory_space<vmem>>
      %dma_start3A_121 = arith.constant 0 : i32
      %dma_start3A_122 = tpu.memref_slice %arg5[%rem3A_90, %dma_start3A_114, %dma_start3A_115, %dma_start3A_121] : memref<3x2x6x104xi32, #tpu.memory_space<vmem>> -> memref<1x1x1x104xi32, #tpu.memory_space<vmem>>
      %dma_start3A_123 = tpu.memref_squeeze %dma_start3A_122 : memref<1x1x1x104xi32, #tpu.memory_space<vmem>> -> memref<104xi32, #tpu.memory_space<vmem>>
      %dma_start3A_124 = arith.constant 0 : i32
      %dma_start3A_125 = arith.constant 0 : i32
      %dma_start3A_126 = tpu.memref_slice %arg2[%dma_start3A_124, %dma_start3A_125] : memref<19968x128xf32, #tpu.memory_space<hbm>> -> memref<19968x128xf32, #tpu.memory_space<hbm>>
      tpu.enqueue_indirect_dma source(%dma_start3A_126 : memref<19968x128xf32, #tpu.memory_space<hbm>>) target(%dma_start3A_120 : memref<104x128xf32, #tpu.memory_space<vmem>>) offsets(%dma_start3A_123 : memref<104xi32, #tpu.memory_space<vmem>>) semaphore(%arg10 : memref<!tpu.dma_semaphore, #tpu.memory_space<semaphore_mem>>)
      %dma_start3A_127 = arith.constant 0 : i32
      %dma_start3A_128 = arith.constant 1 : i32
      %dma_start3A_129 = arith.constant 0 : i32
      %dma_start3A_130 = arith.constant 0 : i32
      %dma_start3A_131 = arith.constant 0 : i32
      %dma_start3A_132 = tpu.memref_slice %arg6[%dma_start3A_127, %dma_start3A_130, %dma_start3A_131] : memref<3x104x128xf32, #tpu.memory_space<vmem>> -> memref<1x104x128xf32, #tpu.memory_space<vmem>>
      %dma_start3A_133 = tpu.memref_squeeze %dma_start3A_132 : memref<1x104x128xf32, #tpu.memory_space<vmem>> -> memref<104x128xf32, #tpu.memory_space<vmem>>
      %dma_start3A_134 = arith.constant 0 : i32
      %dma_start3A_135 = tpu.memref_slice %arg5[%rem3A_90, %dma_start3A_128, %dma_start3A_129, %dma_start3A_134] : memref<3x2x6x104xi32, #tpu.memory_space<vmem>> -> memref<1x1x1x104xi32, #tpu.memory_space<vmem>>
      %dma_start3A_136 = tpu.memref_squeeze %dma_start3A_135 : memref<1x1x1x104xi32, #tpu.memory_space<vmem>> -> memref<104xi32, #tpu.memory_space<vmem>>
      %dma_start3A_137 = arith.constant 0 : i32
      %dma_start3A_138 = arith.constant 0 : i32
      %dma_start3A_139 = tpu.memref_slice %arg7[%dma_start3A_137, %dma_start3A_138] : memref<9984x128xf32, #tpu.memory_space<vmem_shared>> -> memref<9984x128xf32, #tpu.memory_space<vmem_shared>>
      tpu.enqueue_indirect_dma source(%dma_start3A_133 : memref<104x128xf32, #tpu.memory_space<vmem>>) target(%dma_start3A_139 : memref<9984x128xf32, #tpu.memory_space<vmem_shared>>) offsets(%dma_start3A_136 : memref<104xi32, #tpu.memory_space<vmem>>) semaphore(%arg11 : memref<!tpu.dma_semaphore, #tpu.memory_space<semaphore_mem>>) {add = true}
      %dma_wait3A_140 = arith.constant 1 : i32
      %dma_wait3A_141 = arith.constant 0 : i32
      %dma_wait3A_142 = arith.constant 0 : i32
      %dma_wait3A_143 = tpu.memref_slice %arg6[%dma_wait3A_140, %dma_wait3A_141, %dma_wait3A_142] : memref<3x104x128xf32, #tpu.memory_space<vmem>> -> memref<1x104x128xf32, #tpu.memory_space<vmem>>
      %dma_wait3A_144 = tpu.memref_squeeze %dma_wait3A_143 : memref<1x104x128xf32, #tpu.memory_space<vmem>> -> memref<104x128xf32, #tpu.memory_space<vmem>>
      %dma_wait3A_145 = arith.constant 0 : i32
      %dma_wait3A_146 = arith.constant 0 : i32
      %dma_wait3A_147 = tpu.memref_slice %arg2[%dma_wait3A_145, %dma_wait3A_146] : memref<19968x128xf32, #tpu.memory_space<hbm>> -> memref<104x128xf32, #tpu.memory_space<hbm>>
      %dma_wait3A_148 = arith.constant 0 : i32
      %dma_wait3A_149 = arith.constant 0 : i32
      %dma_wait3A_150 = tpu.memref_slice %arg6[%dma_wait3A_140, %dma_wait3A_148, %dma_wait3A_149] : memref<3x104x128xf32, #tpu.memory_space<vmem>> -> memref<1x104x128xf32, #tpu.memory_space<vmem>>
      %dma_wait3A_151 = tpu.memref_squeeze %dma_wait3A_150 : memref<1x104x128xf32, #tpu.memory_space<vmem>> -> memref<104x128xf32, #tpu.memory_space<vmem>>
      %dma_wait3A_152 = arith.constant 0 : i32
      %dma_wait3A_153 = arith.constant 0 : i32
      %dma_wait3A_154 = tpu.memref_slice %arg2[%dma_wait3A_152, %dma_wait3A_153] : memref<19968x128xf32, #tpu.memory_space<hbm>> -> memref<104x128xf32, #tpu.memory_space<hbm>>
      tpu.wait_dma2 semaphore(%arg9 : memref<!tpu.dma_semaphore, #tpu.memory_space<semaphore_mem>>) src(%dma_wait3A_154 : memref<104x128xf32, #tpu.memory_space<hbm>>) dst(%dma_wait3A_151 : memref<104x128xf32, #tpu.memory_space<vmem>>)
      %dma_wait3A_155 = arith.constant 0 : i32
      %dma_wait3A_156 = arith.constant 0 : i32
      %dma_wait3A_157 = arith.constant 0 : i32
      %dma_wait3A_158 = tpu.memref_slice %arg6[%dma_wait3A_155, %dma_wait3A_156, %dma_wait3A_157] : memref<3x104x128xf32, #tpu.memory_space<vmem>> -> memref<1x104x128xf32, #tpu.memory_space<vmem>>
      %dma_wait3A_159 = tpu.memref_squeeze %dma_wait3A_158 : memref<1x104x128xf32, #tpu.memory_space<vmem>> -> memref<104x128xf32, #tpu.memory_space<vmem>>
      %dma_wait3A_160 = arith.constant 0 : i32
      %dma_wait3A_161 = arith.constant 0 : i32
      %dma_wait3A_162 = tpu.memref_slice %arg2[%dma_wait3A_160, %dma_wait3A_161] : memref<19968x128xf32, #tpu.memory_space<hbm>> -> memref<104x128xf32, #tpu.memory_space<hbm>>
      %dma_wait3A_163 = arith.constant 0 : i32
      %dma_wait3A_164 = arith.constant 0 : i32
      %dma_wait3A_165 = tpu.memref_slice %arg6[%dma_wait3A_155, %dma_wait3A_163, %dma_wait3A_164] : memref<3x104x128xf32, #tpu.memory_space<vmem>> -> memref<1x104x128xf32, #tpu.memory_space<vmem>>
      %dma_wait3A_166 = tpu.memref_squeeze %dma_wait3A_165 : memref<1x104x128xf32, #tpu.memory_space<vmem>> -> memref<104x128xf32, #tpu.memory_space<vmem>>
      %dma_wait3A_167 = arith.constant 0 : i32
      %dma_wait3A_168 = arith.constant 0 : i32
      %dma_wait3A_169 = tpu.memref_slice %arg2[%dma_wait3A_167, %dma_wait3A_168] : memref<19968x128xf32, #tpu.memory_space<hbm>> -> memref<104x128xf32, #tpu.memory_space<hbm>>
      tpu.wait_dma2 semaphore(%arg11 : memref<!tpu.dma_semaphore, #tpu.memory_space<semaphore_mem>>) src(%dma_wait3A_169 : memref<104x128xf32, #tpu.memory_space<hbm>>) dst(%dma_wait3A_166 : memref<104x128xf32, #tpu.memory_space<vmem>>)
      %dma_start3A_170 = arith.constant 0 : i32
      %dma_start3A_171 = arith.constant 3 : i32
      %dma_start3A_172 = arith.constant 0 : i32
      %dma_start3A_173 = arith.constant 0 : i32
      %dma_start3A_174 = arith.constant 0 : i32
      %dma_start3A_175 = tpu.memref_slice %arg6[%dma_start3A_172, %dma_start3A_173, %dma_start3A_174] : memref<3x104x128xf32, #tpu.memory_space<vmem>> -> memref<1x104x128xf32, #tpu.memory_space<vmem>>
      %dma_start3A_176 = tpu.memref_squeeze %dma_start3A_175 : memref<1x104x128xf32, #tpu.memory_space<vmem>> -> memref<104x128xf32, #tpu.memory_space<vmem>>
      %dma_start3A_177 = arith.constant 0 : i32
      %dma_start3A_178 = tpu.memref_slice %arg5[%rem3A_90, %dma_start3A_170, %dma_start3A_171, %dma_start3A_177] : memref<3x2x6x104xi32, #tpu.memory_space<vmem>> -> memref<1x1x1x104xi32, #tpu.memory_space<vmem>>
      %dma_start3A_179 = tpu.memref_squeeze %dma_start3A_178 : memref<1x1x1x104xi32, #tpu.memory_space<vmem>> -> memref<104xi32, #tpu.memory_space<vmem>>
      %dma_start3A_180 = arith.constant 0 : i32
      %dma_start3A_181 = arith.constant 0 : i32
      %dma_start3A_182 = tpu.memref_slice %arg2[%dma_start3A_180, %dma_start3A_181] : memref<19968x128xf32, #tpu.memory_space<hbm>> -> memref<19968x128xf32, #tpu.memory_space<hbm>>
      tpu.enqueue_indirect_dma source(%dma_start3A_182 : memref<19968x128xf32, #tpu.memory_space<hbm>>) target(%dma_start3A_176 : memref<104x128xf32, #tpu.memory_space<vmem>>) offsets(%dma_start3A_179 : memref<104xi32, #tpu.memory_space<vmem>>) semaphore(%arg8 : memref<!tpu.dma_semaphore, #tpu.memory_space<semaphore_mem>>)
      %dma_start3A_183 = arith.constant 1 : i32
      %dma_start3A_184 = arith.constant 1 : i32
      %dma_start3A_185 = arith.constant 1 : i32
      %dma_start3A_186 = arith.constant 0 : i32
      %dma_start3A_187 = arith.constant 0 : i32
      %dma_start3A_188 = tpu.memref_slice %arg6[%dma_start3A_183, %dma_start3A_186, %dma_start3A_187] : memref<3x104x128xf32, #tpu.memory_space<vmem>> -> memref<1x104x128xf32, #tpu.memory_space<vmem>>
      %dma_start3A_189 = tpu.memref_squeeze %dma_start3A_188 : memref<1x104x128xf32, #tpu.memory_space<vmem>> -> memref<104x128xf32, #tpu.memory_space<vmem>>
      %dma_start3A_190 = arith.constant 0 : i32
      %dma_start3A_191 = tpu.memref_slice %arg5[%rem3A_90, %dma_start3A_184, %dma_start3A_185, %dma_start3A_190] : memref<3x2x6x104xi32, #tpu.memory_space<vmem>> -> memref<1x1x1x104xi32, #tpu.memory_space<vmem>>
      %dma_start3A_192 = tpu.memref_squeeze %dma_start3A_191 : memref<1x1x1x104xi32, #tpu.memory_space<vmem>> -> memref<104xi32, #tpu.memory_space<vmem>>
      %dma_start3A_193 = arith.constant 0 : i32
      %dma_start3A_194 = arith.constant 0 : i32
      %dma_start3A_195 = tpu.memref_slice %arg7[%dma_start3A_193, %dma_start3A_194] : memref<9984x128xf32, #tpu.memory_space<vmem_shared>> -> memref<9984x128xf32, #tpu.memory_space<vmem_shared>>
      tpu.enqueue_indirect_dma source(%dma_start3A_189 : memref<104x128xf32, #tpu.memory_space<vmem>>) target(%dma_start3A_195 : memref<9984x128xf32, #tpu.memory_space<vmem_shared>>) offsets(%dma_start3A_192 : memref<104xi32, #tpu.memory_space<vmem>>) semaphore(%arg12 : memref<!tpu.dma_semaphore, #tpu.memory_space<semaphore_mem>>) {add = true}
      %dma_wait3A_196 = arith.constant 2 : i32
      %dma_wait3A_197 = arith.constant 0 : i32
      %dma_wait3A_198 = arith.constant 0 : i32
      %dma_wait3A_199 = tpu.memref_slice %arg6[%dma_wait3A_196, %dma_wait3A_197, %dma_wait3A_198] : memref<3x104x128xf32, #tpu.memory_space<vmem>> -> memref<1x104x128xf32, #tpu.memory_space<vmem>>
      %dma_wait3A_200 = tpu.memref_squeeze %dma_wait3A_199 : memref<1x104x128xf32, #tpu.memory_space<vmem>> -> memref<104x128xf32, #tpu.memory_space<vmem>>
      %dma_wait3A_201 = arith.constant 0 : i32
      %dma_wait3A_202 = arith.constant 0 : i32
      %dma_wait3A_203 = tpu.memref_slice %arg2[%dma_wait3A_201, %dma_wait3A_202] : memref<19968x128xf32, #tpu.memory_space<hbm>> -> memref<104x128xf32, #tpu.memory_space<hbm>>
      %dma_wait3A_204 = arith.constant 0 : i32
      %dma_wait3A_205 = arith.constant 0 : i32
      %dma_wait3A_206 = tpu.memref_slice %arg6[%dma_wait3A_196, %dma_wait3A_204, %dma_wait3A_205] : memref<3x104x128xf32, #tpu.memory_space<vmem>> -> memref<1x104x128xf32, #tpu.memory_space<vmem>>
      %dma_wait3A_207 = tpu.memref_squeeze %dma_wait3A_206 : memref<1x104x128xf32, #tpu.memory_space<vmem>> -> memref<104x128xf32, #tpu.memory_space<vmem>>
      %dma_wait3A_208 = arith.constant 0 : i32
      %dma_wait3A_209 = arith.constant 0 : i32
      %dma_wait3A_210 = tpu.memref_slice %arg2[%dma_wait3A_208, %dma_wait3A_209] : memref<19968x128xf32, #tpu.memory_space<hbm>> -> memref<104x128xf32, #tpu.memory_space<hbm>>
      tpu.wait_dma2 semaphore(%arg10 : memref<!tpu.dma_semaphore, #tpu.memory_space<semaphore_mem>>) src(%dma_wait3A_210 : memref<104x128xf32, #tpu.memory_space<hbm>>) dst(%dma_wait3A_207 : memref<104x128xf32, #tpu.memory_space<vmem>>)
      %dma_wait3A_211 = arith.constant 1 : i32
      %dma_wait3A_212 = arith.constant 0 : i32
      %dma_wait3A_213 = arith.constant 0 : i32
      %dma_wait3A_214 = tpu.memref_slice %arg6[%dma_wait3A_211, %dma_wait3A_212, %dma_wait3A_213] : memref<3x104x128xf32, #tpu.memory_space<vmem>> -> memref<1x104x128xf32, #tpu.memory_space<vmem>>
      %dma_wait3A_215 = tpu.memref_squeeze %dma_wait3A_214 : memref<1x104x128xf32, #tpu.memory_space<vmem>> -> memref<104x128xf32, #tpu.memory_space<vmem>>
      %dma_wait3A_216 = arith.constant 0 : i32
      %dma_wait3A_217 = arith.constant 0 : i32
      %dma_wait3A_218 = tpu.memref_slice %arg2[%dma_wait3A_216, %dma_wait3A_217] : memref<19968x128xf32, #tpu.memory_space<hbm>> -> memref<104x128xf32, #tpu.memory_space<hbm>>
      %dma_wait3A_219 = arith.constant 0 : i32
      %dma_wait3A_220 = arith.constant 0 : i32
      %dma_wait3A_221 = tpu.memref_slice %arg6[%dma_wait3A_211, %dma_wait3A_219, %dma_wait3A_220] : memref<3x104x128xf32, #tpu.memory_space<vmem>> -> memref<1x104x128xf32, #tpu.memory_space<vmem>>
      %dma_wait3A_222 = tpu.memref_squeeze %dma_wait3A_221 : memref<1x104x128xf32, #tpu.memory_space<vmem>> -> memref<104x128xf32, #tpu.memory_space<vmem>>
      %dma_wait3A_223 = arith.constant 0 : i32
      %dma_wait3A_224 = arith.constant 0 : i32
      %dma_wait3A_225 = tpu.memref_slice %arg2[%dma_wait3A_223, %dma_wait3A_224] : memref<19968x128xf32, #tpu.memory_space<hbm>> -> memref<104x128xf32, #tpu.memory_space<hbm>>
      tpu.wait_dma2 semaphore(%arg12 : memref<!tpu.dma_semaphore, #tpu.memory_space<semaphore_mem>>) src(%dma_wait3A_225 : memref<104x128xf32, #tpu.memory_space<hbm>>) dst(%dma_wait3A_222 : memref<104x128xf32, #tpu.memory_space<vmem>>)
      %dma_start3A_226 = arith.constant 0 : i32
      %dma_start3A_227 = arith.constant 4 : i32
      %dma_start3A_228 = arith.constant 1 : i32
      %dma_start3A_229 = arith.constant 0 : i32
      %dma_start3A_230 = arith.constant 0 : i32
      %dma_start3A_231 = tpu.memref_slice %arg6[%dma_start3A_228, %dma_start3A_229, %dma_start3A_230] : memref<3x104x128xf32, #tpu.memory_space<vmem>> -> memref<1x104x128xf32, #tpu.memory_space<vmem>>
      %dma_start3A_232 = tpu.memref_squeeze %dma_start3A_231 : memref<1x104x128xf32, #tpu.memory_space<vmem>> -> memref<104x128xf32, #tpu.memory_space<vmem>>
      %dma_start3A_233 = arith.constant 0 : i32
      %dma_start3A_234 = tpu.memref_slice %arg5[%rem3A_90, %dma_start3A_226, %dma_start3A_227, %dma_start3A_233] : memref<3x2x6x104xi32, #tpu.memory_space<vmem>> -> memref<1x1x1x104xi32, #tpu.memory_space<vmem>>
      %dma_start3A_235 = tpu.memref_squeeze %dma_start3A_234 : memref<1x1x1x104xi32, #tpu.memory_space<vmem>> -> memref<104xi32, #tpu.memory_space<vmem>>
      %dma_start3A_236 = arith.constant 0 : i32
      %dma_start3A_237 = arith.constant 0 : i32
      %dma_start3A_238 = tpu.memref_slice %arg2[%dma_start3A_236, %dma_start3A_237] : memref<19968x128xf32, #tpu.memory_space<hbm>> -> memref<19968x128xf32, #tpu.memory_space<hbm>>
      tpu.enqueue_indirect_dma source(%dma_start3A_238 : memref<19968x128xf32, #tpu.memory_space<hbm>>) target(%dma_start3A_232 : memref<104x128xf32, #tpu.memory_space<vmem>>) offsets(%dma_start3A_235 : memref<104xi32, #tpu.memory_space<vmem>>) semaphore(%arg9 : memref<!tpu.dma_semaphore, #tpu.memory_space<semaphore_mem>>)
      %dma_start3A_239 = arith.constant 2 : i32
      %dma_start3A_240 = arith.constant 1 : i32
      %dma_start3A_241 = arith.constant 2 : i32
      %dma_start3A_242 = arith.constant 0 : i32
      %dma_start3A_243 = arith.constant 0 : i32
      %dma_start3A_244 = tpu.memref_slice %arg6[%dma_start3A_239, %dma_start3A_242, %dma_start3A_243] : memref<3x104x128xf32, #tpu.memory_space<vmem>> -> memref<1x104x128xf32, #tpu.memory_space<vmem>>
      %dma_start3A_245 = tpu.memref_squeeze %dma_start3A_244 : memref<1x104x128xf32, #tpu.memory_space<vmem>> -> memref<104x128xf32, #tpu.memory_space<vmem>>
      %dma_start3A_246 = arith.constant 0 : i32
      %dma_start3A_247 = tpu.memref_slice %arg5[%rem3A_90, %dma_start3A_240, %dma_start3A_241, %dma_start3A_246] : memref<3x2x6x104xi32, #tpu.memory_space<vmem>> -> memref<1x1x1x104xi32, #tpu.memory_space<vmem>>
      %dma_start3A_248 = tpu.memref_squeeze %dma_start3A_247 : memref<1x1x1x104xi32, #tpu.memory_space<vmem>> -> memref<104xi32, #tpu.memory_space<vmem>>
      %dma_start3A_249 = arith.constant 0 : i32
      %dma_start3A_250 = arith.constant 0 : i32
      %dma_start3A_251 = tpu.memref_slice %arg7[%dma_start3A_249, %dma_start3A_250] : memref<9984x128xf32, #tpu.memory_space<vmem_shared>> -> memref<9984x128xf32, #tpu.memory_space<vmem_shared>>
      tpu.enqueue_indirect_dma source(%dma_start3A_245 : memref<104x128xf32, #tpu.memory_space<vmem>>) target(%dma_start3A_251 : memref<9984x128xf32, #tpu.memory_space<vmem_shared>>) offsets(%dma_start3A_248 : memref<104xi32, #tpu.memory_space<vmem>>) semaphore(%arg13 : memref<!tpu.dma_semaphore, #tpu.memory_space<semaphore_mem>>) {add = true}
      %dma_wait3A_252 = arith.constant 0 : i32
      %dma_wait3A_253 = arith.constant 0 : i32
      %dma_wait3A_254 = arith.constant 0 : i32
      %dma_wait3A_255 = tpu.memref_slice %arg6[%dma_wait3A_252, %dma_wait3A_253, %dma_wait3A_254] : memref<3x104x128xf32, #tpu.memory_space<vmem>> -> memref<1x104x128xf32, #tpu.memory_space<vmem>>
      %dma_wait3A_256 = tpu.memref_squeeze %dma_wait3A_255 : memref<1x104x128xf32, #tpu.memory_space<vmem>> -> memref<104x128xf32, #tpu.memory_space<vmem>>
      %dma_wait3A_257 = arith.constant 0 : i32
      %dma_wait3A_258 = arith.constant 0 : i32
      %dma_wait3A_259 = tpu.memref_slice %arg2[%dma_wait3A_257, %dma_wait3A_258] : memref<19968x128xf32, #tpu.memory_space<hbm>> -> memref<104x128xf32, #tpu.memory_space<hbm>>
      %dma_wait3A_260 = arith.constant 0 : i32
      %dma_wait3A_261 = arith.constant 0 : i32
      %dma_wait3A_262 = tpu.memref_slice %arg6[%dma_wait3A_252, %dma_wait3A_260, %dma_wait3A_261] : memref<3x104x128xf32, #tpu.memory_space<vmem>> -> memref<1x104x128xf32, #tpu.memory_space<vmem>>
      %dma_wait3A_263 = tpu.memref_squeeze %dma_wait3A_262 : memref<1x104x128xf32, #tpu.memory_space<vmem>> -> memref<104x128xf32, #tpu.memory_space<vmem>>
      %dma_wait3A_264 = arith.constant 0 : i32
      %dma_wait3A_265 = arith.constant 0 : i32
      %dma_wait3A_266 = tpu.memref_slice %arg2[%dma_wait3A_264, %dma_wait3A_265] : memref<19968x128xf32, #tpu.memory_space<hbm>> -> memref<104x128xf32, #tpu.memory_space<hbm>>
      tpu.wait_dma2 semaphore(%arg8 : memref<!tpu.dma_semaphore, #tpu.memory_space<semaphore_mem>>) src(%dma_wait3A_266 : memref<104x128xf32, #tpu.memory_space<hbm>>) dst(%dma_wait3A_263 : memref<104x128xf32, #tpu.memory_space<vmem>>)
      %dma_wait3A_267 = arith.constant 2 : i32
      %dma_wait3A_268 = arith.constant 0 : i32
      %dma_wait3A_269 = arith.constant 0 : i32
      %dma_wait3A_270 = tpu.memref_slice %arg6[%dma_wait3A_267, %dma_wait3A_268, %dma_wait3A_269] : memref<3x104x128xf32, #tpu.memory_space<vmem>> -> memref<1x104x128xf32, #tpu.memory_space<vmem>>
      %dma_wait3A_271 = tpu.memref_squeeze %dma_wait3A_270 : memref<1x104x128xf32, #tpu.memory_space<vmem>> -> memref<104x128xf32, #tpu.memory_space<vmem>>
      %dma_wait3A_272 = arith.constant 0 : i32
      %dma_wait3A_273 = arith.constant 0 : i32
      %dma_wait3A_274 = tpu.memref_slice %arg2[%dma_wait3A_272, %dma_wait3A_273] : memref<19968x128xf32, #tpu.memory_space<hbm>> -> memref<104x128xf32, #tpu.memory_space<hbm>>
      %dma_wait3A_275 = arith.constant 0 : i32
      %dma_wait3A_276 = arith.constant 0 : i32
      %dma_wait3A_277 = tpu.memref_slice %arg6[%dma_wait3A_267, %dma_wait3A_275, %dma_wait3A_276] : memref<3x104x128xf32, #tpu.memory_space<vmem>> -> memref<1x104x128xf32, #tpu.memory_space<vmem>>
      %dma_wait3A_278 = tpu.memref_squeeze %dma_wait3A_277 : memref<1x104x128xf32, #tpu.memory_space<vmem>> -> memref<104x128xf32, #tpu.memory_space<vmem>>
      %dma_wait3A_279 = arith.constant 0 : i32
      %dma_wait3A_280 = arith.constant 0 : i32
      %dma_wait3A_281 = tpu.memref_slice %arg2[%dma_wait3A_279, %dma_wait3A_280] : memref<19968x128xf32, #tpu.memory_space<hbm>> -> memref<104x128xf32, #tpu.memory_space<hbm>>
      tpu.wait_dma2 semaphore(%arg13 : memref<!tpu.dma_semaphore, #tpu.memory_space<semaphore_mem>>) src(%dma_wait3A_281 : memref<104x128xf32, #tpu.memory_space<hbm>>) dst(%dma_wait3A_278 : memref<104x128xf32, #tpu.memory_space<vmem>>)
      %dma_start3A_282 = arith.constant 0 : i32
      %dma_start3A_283 = arith.constant 5 : i32
      %dma_start3A_284 = arith.constant 2 : i32
      %dma_start3A_285 = arith.constant 0 : i32
      %dma_start3A_286 = arith.constant 0 : i32
      %dma_start3A_287 = tpu.memref_slice %arg6[%dma_start3A_284, %dma_start3A_285, %dma_start3A_286] : memref<3x104x128xf32, #tpu.memory_space<vmem>> -> memref<1x104x128xf32, #tpu.memory_space<vmem>>
      %dma_start3A_288 = tpu.memref_squeeze %dma_start3A_287 : memref<1x104x128xf32, #tpu.memory_space<vmem>> -> memref<104x128xf32, #tpu.memory_space<vmem>>
      %dma_start3A_289 = arith.constant 0 : i32
      %dma_start3A_290 = tpu.memref_slice %arg5[%rem3A_90, %dma_start3A_282, %dma_start3A_283, %dma_start3A_289] : memref<3x2x6x104xi32, #tpu.memory_space<vmem>> -> memref<1x1x1x104xi32, #tpu.memory_space<vmem>>
      %dma_start3A_291 = tpu.memref_squeeze %dma_start3A_290 : memref<1x1x1x104xi32, #tpu.memory_space<vmem>> -> memref<104xi32, #tpu.memory_space<vmem>>
      %dma_start3A_292 = arith.constant 0 : i32
      %dma_start3A_293 = arith.constant 0 : i32
      %dma_start3A_294 = tpu.memref_slice %arg2[%dma_start3A_292, %dma_start3A_293] : memref<19968x128xf32, #tpu.memory_space<hbm>> -> memref<19968x128xf32, #tpu.memory_space<hbm>>
      tpu.enqueue_indirect_dma source(%dma_start3A_294 : memref<19968x128xf32, #tpu.memory_space<hbm>>) target(%dma_start3A_288 : memref<104x128xf32, #tpu.memory_space<vmem>>) offsets(%dma_start3A_291 : memref<104xi32, #tpu.memory_space<vmem>>) semaphore(%arg10 : memref<!tpu.dma_semaphore, #tpu.memory_space<semaphore_mem>>)
      %dma_start3A_295 = arith.constant 0 : i32
      %dma_start3A_296 = arith.constant 1 : i32
      %dma_start3A_297 = arith.constant 3 : i32
      %dma_start3A_298 = arith.constant 0 : i32
      %dma_start3A_299 = arith.constant 0 : i32
      %dma_start3A_300 = tpu.memref_slice %arg6[%dma_start3A_295, %dma_start3A_298, %dma_start3A_299] : memref<3x104x128xf32, #tpu.memory_space<vmem>> -> memref<1x104x128xf32, #tpu.memory_space<vmem>>
      %dma_start3A_301 = tpu.memref_squeeze %dma_start3A_300 : memref<1x104x128xf32, #tpu.memory_space<vmem>> -> memref<104x128xf32, #tpu.memory_space<vmem>>
      %dma_start3A_302 = arith.constant 0 : i32
      %dma_start3A_303 = tpu.memref_slice %arg5[%rem3A_90, %dma_start3A_296, %dma_start3A_297, %dma_start3A_302] : memref<3x2x6x104xi32, #tpu.memory_space<vmem>> -> memref<1x1x1x104xi32, #tpu.memory_space<vmem>>
      %dma_start3A_304 = tpu.memref_squeeze %dma_start3A_303 : memref<1x1x1x104xi32, #tpu.memory_space<vmem>> -> memref<104xi32, #tpu.memory_space<vmem>>
      %dma_start3A_305 = arith.constant 0 : i32
      %dma_start3A_306 = arith.constant 0 : i32
      %dma_start3A_307 = tpu.memref_slice %arg7[%dma_start3A_305, %dma_start3A_306] : memref<9984x128xf32, #tpu.memory_space<vmem_shared>> -> memref<9984x128xf32, #tpu.memory_space<vmem_shared>>
      tpu.enqueue_indirect_dma source(%dma_start3A_301 : memref<104x128xf32, #tpu.memory_space<vmem>>) target(%dma_start3A_307 : memref<9984x128xf32, #tpu.memory_space<vmem_shared>>) offsets(%dma_start3A_304 : memref<104xi32, #tpu.memory_space<vmem>>) semaphore(%arg11 : memref<!tpu.dma_semaphore, #tpu.memory_space<semaphore_mem>>) {add = true}
      %dma_wait3A_308 = arith.constant 1 : i32
      %dma_wait3A_309 = arith.constant 0 : i32
      %dma_wait3A_310 = arith.constant 0 : i32
      %dma_wait3A_311 = tpu.memref_slice %arg6[%dma_wait3A_308, %dma_wait3A_309, %dma_wait3A_310] : memref<3x104x128xf32, #tpu.memory_space<vmem>> -> memref<1x104x128xf32, #tpu.memory_space<vmem>>
      %dma_wait3A_312 = tpu.memref_squeeze %dma_wait3A_311 : memref<1x104x128xf32, #tpu.memory_space<vmem>> -> memref<104x128xf32, #tpu.memory_space<vmem>>
      %dma_wait3A_313 = arith.constant 0 : i32
      %dma_wait3A_314 = arith.constant 0 : i32
      %dma_wait3A_315 = tpu.memref_slice %arg2[%dma_wait3A_313, %dma_wait3A_314] : memref<19968x128xf32, #tpu.memory_space<hbm>> -> memref<104x128xf32, #tpu.memory_space<hbm>>
      %dma_wait3A_316 = arith.constant 0 : i32
      %dma_wait3A_317 = arith.constant 0 : i32
      %dma_wait3A_318 = tpu.memref_slice %arg6[%dma_wait3A_308, %dma_wait3A_316, %dma_wait3A_317] : memref<3x104x128xf32, #tpu.memory_space<vmem>> -> memref<1x104x128xf32, #tpu.memory_space<vmem>>
      %dma_wait3A_319 = tpu.memref_squeeze %dma_wait3A_318 : memref<1x104x128xf32, #tpu.memory_space<vmem>> -> memref<104x128xf32, #tpu.memory_space<vmem>>
      %dma_wait3A_320 = arith.constant 0 : i32
      %dma_wait3A_321 = arith.constant 0 : i32
      %dma_wait3A_322 = tpu.memref_slice %arg2[%dma_wait3A_320, %dma_wait3A_321] : memref<19968x128xf32, #tpu.memory_space<hbm>> -> memref<104x128xf32, #tpu.memory_space<hbm>>
      tpu.wait_dma2 semaphore(%arg9 : memref<!tpu.dma_semaphore, #tpu.memory_space<semaphore_mem>>) src(%dma_wait3A_322 : memref<104x128xf32, #tpu.memory_space<hbm>>) dst(%dma_wait3A_319 : memref<104x128xf32, #tpu.memory_space<vmem>>)
      %dma_wait3A_323 = arith.constant 0 : i32
      %dma_wait3A_324 = arith.constant 0 : i32
      %dma_wait3A_325 = arith.constant 0 : i32
      %dma_wait3A_326 = tpu.memref_slice %arg6[%dma_wait3A_323, %dma_wait3A_324, %dma_wait3A_325] : memref<3x104x128xf32, #tpu.memory_space<vmem>> -> memref<1x104x128xf32, #tpu.memory_space<vmem>>
      %dma_wait3A_327 = tpu.memref_squeeze %dma_wait3A_326 : memref<1x104x128xf32, #tpu.memory_space<vmem>> -> memref<104x128xf32, #tpu.memory_space<vmem>>
      %dma_wait3A_328 = arith.constant 0 : i32
      %dma_wait3A_329 = arith.constant 0 : i32
      %dma_wait3A_330 = tpu.memref_slice %arg2[%dma_wait3A_328, %dma_wait3A_329] : memref<19968x128xf32, #tpu.memory_space<hbm>> -> memref<104x128xf32, #tpu.memory_space<hbm>>
      %dma_wait3A_331 = arith.constant 0 : i32
      %dma_wait3A_332 = arith.constant 0 : i32
      %dma_wait3A_333 = tpu.memref_slice %arg6[%dma_wait3A_323, %dma_wait3A_331, %dma_wait3A_332] : memref<3x104x128xf32, #tpu.memory_space<vmem>> -> memref<1x104x128xf32, #tpu.memory_space<vmem>>
      %dma_wait3A_334 = tpu.memref_squeeze %dma_wait3A_333 : memref<1x104x128xf32, #tpu.memory_space<vmem>> -> memref<104x128xf32, #tpu.memory_space<vmem>>
      %dma_wait3A_335 = arith.constant 0 : i32
      %dma_wait3A_336 = arith.constant 0 : i32
      %dma_wait3A_337 = tpu.memref_slice %arg2[%dma_wait3A_335, %dma_wait3A_336] : memref<19968x128xf32, #tpu.memory_space<hbm>> -> memref<104x128xf32, #tpu.memory_space<hbm>>
      tpu.wait_dma2 semaphore(%arg11 : memref<!tpu.dma_semaphore, #tpu.memory_space<semaphore_mem>>) src(%dma_wait3A_337 : memref<104x128xf32, #tpu.memory_space<hbm>>) dst(%dma_wait3A_334 : memref<104x128xf32, #tpu.memory_space<vmem>>)
      %lt3A_338 = arith.constant 31 : i32
      %lt3A_339 = arith.cmpi slt, %scan3A_82, %lt3A_338 : i32
      %convert_element_type3A_340 = arith.extui %lt3A_339 : i1 to i32
      %cond3A_341 = arith.constant 0 : i32
      %cond3A_342 = arith.cmpi ne, %convert_element_type3A_340, %cond3A_341 : i32
      scf.if %cond3A_342 {
        %dma_start3A_404 = arith.constant 0 : i32
        %dma_start3A_405 = arith.constant 0 : i32
        %dma_start3A_406 = arith.constant 0 : i32
        %dma_start3A_407 = arith.constant 0 : i32
        %dma_start3A_408 = arith.constant 0 : i32
        %dma_start3A_409 = tpu.memref_slice %arg6[%dma_start3A_406, %dma_start3A_407, %dma_start3A_408] : memref<3x104x128xf32, #tpu.memory_space<vmem>> -> memref<1x104x128xf32, #tpu.memory_space<vmem>>
        %dma_start3A_410 = tpu.memref_squeeze %dma_start3A_409 : memref<1x104x128xf32, #tpu.memory_space<vmem>> -> memref<104x128xf32, #tpu.memory_space<vmem>>
        %dma_start3A_411 = arith.constant 0 : i32
        %dma_start3A_412 = tpu.memref_slice %arg5[%rem3A_94, %dma_start3A_404, %dma_start3A_405, %dma_start3A_411] : memref<3x2x6x104xi32, #tpu.memory_space<vmem>> -> memref<1x1x1x104xi32, #tpu.memory_space<vmem>>
        %dma_start3A_413 = tpu.memref_squeeze %dma_start3A_412 : memref<1x1x1x104xi32, #tpu.memory_space<vmem>> -> memref<104xi32, #tpu.memory_space<vmem>>
        %dma_start3A_414 = arith.constant 0 : i32
        %dma_start3A_415 = arith.constant 0 : i32
        %dma_start3A_416 = tpu.memref_slice %arg2[%dma_start3A_414, %dma_start3A_415] : memref<19968x128xf32, #tpu.memory_space<hbm>> -> memref<19968x128xf32, #tpu.memory_space<hbm>>
        tpu.enqueue_indirect_dma source(%dma_start3A_416 : memref<19968x128xf32, #tpu.memory_space<hbm>>) target(%dma_start3A_410 : memref<104x128xf32, #tpu.memory_space<vmem>>) offsets(%dma_start3A_413 : memref<104xi32, #tpu.memory_space<vmem>>) semaphore(%arg8 : memref<!tpu.dma_semaphore, #tpu.memory_space<semaphore_mem>>)
      } else {
      }
      %dma_start3A_343 = arith.constant 1 : i32
      %dma_start3A_344 = arith.constant 1 : i32
      %dma_start3A_345 = arith.constant 4 : i32
      %dma_start3A_346 = arith.constant 0 : i32
      %dma_start3A_347 = arith.constant 0 : i32
      %dma_start3A_348 = tpu.memref_slice %arg6[%dma_start3A_343, %dma_start3A_346, %dma_start3A_347] : memref<3x104x128xf32, #tpu.memory_space<vmem>> -> memref<1x104x128xf32, #tpu.memory_space<vmem>>
      %dma_start3A_349 = tpu.memref_squeeze %dma_start3A_348 : memref<1x104x128xf32, #tpu.memory_space<vmem>> -> memref<104x128xf32, #tpu.memory_space<vmem>>
      %dma_start3A_350 = arith.constant 0 : i32
      %dma_start3A_351 = tpu.memref_slice %arg5[%rem3A_90, %dma_start3A_344, %dma_start3A_345, %dma_start3A_350] : memref<3x2x6x104xi32, #tpu.memory_space<vmem>> -> memref<1x1x1x104xi32, #tpu.memory_space<vmem>>
      %dma_start3A_352 = tpu.memref_squeeze %dma_start3A_351 : memref<1x1x1x104xi32, #tpu.memory_space<vmem>> -> memref<104xi32, #tpu.memory_space<vmem>>
      %dma_start3A_353 = arith.constant 0 : i32
      %dma_start3A_354 = arith.constant 0 : i32
      %dma_start3A_355 = tpu.memref_slice %arg7[%dma_start3A_353, %dma_start3A_354] : memref<9984x128xf32, #tpu.memory_space<vmem_shared>> -> memref<9984x128xf32, #tpu.memory_space<vmem_shared>>
      tpu.enqueue_indirect_dma source(%dma_start3A_349 : memref<104x128xf32, #tpu.memory_space<vmem>>) target(%dma_start3A_355 : memref<9984x128xf32, #tpu.memory_space<vmem_shared>>) offsets(%dma_start3A_352 : memref<104xi32, #tpu.memory_space<vmem>>) semaphore(%arg12 : memref<!tpu.dma_semaphore, #tpu.memory_space<semaphore_mem>>) {add = true}
      %dma_wait3A_356 = arith.constant 2 : i32
      %dma_wait3A_357 = arith.constant 0 : i32
      %dma_wait3A_358 = arith.constant 0 : i32
      %dma_wait3A_359 = tpu.memref_slice %arg6[%dma_wait3A_356, %dma_wait3A_357, %dma_wait3A_358] : memref<3x104x128xf32, #tpu.memory_space<vmem>> -> memref<1x104x128xf32, #tpu.memory_space<vmem>>
      %dma_wait3A_360 = tpu.memref_squeeze %dma_wait3A_359 : memref<1x104x128xf32, #tpu.memory_space<vmem>> -> memref<104x128xf32, #tpu.memory_space<vmem>>
      %dma_wait3A_361 = arith.constant 0 : i32
      %dma_wait3A_362 = arith.constant 0 : i32
      %dma_wait3A_363 = tpu.memref_slice %arg2[%dma_wait3A_361, %dma_wait3A_362] : memref<19968x128xf32, #tpu.memory_space<hbm>> -> memref<104x128xf32, #tpu.memory_space<hbm>>
      %dma_wait3A_364 = arith.constant 0 : i32
      %dma_wait3A_365 = arith.constant 0 : i32
      %dma_wait3A_366 = tpu.memref_slice %arg6[%dma_wait3A_356, %dma_wait3A_364, %dma_wait3A_365] : memref<3x104x128xf32, #tpu.memory_space<vmem>> -> memref<1x104x128xf32, #tpu.memory_space<vmem>>
      %dma_wait3A_367 = tpu.memref_squeeze %dma_wait3A_366 : memref<1x104x128xf32, #tpu.memory_space<vmem>> -> memref<104x128xf32, #tpu.memory_space<vmem>>
      %dma_wait3A_368 = arith.constant 0 : i32
      %dma_wait3A_369 = arith.constant 0 : i32
      %dma_wait3A_370 = tpu.memref_slice %arg2[%dma_wait3A_368, %dma_wait3A_369] : memref<19968x128xf32, #tpu.memory_space<hbm>> -> memref<104x128xf32, #tpu.memory_space<hbm>>
      tpu.wait_dma2 semaphore(%arg10 : memref<!tpu.dma_semaphore, #tpu.memory_space<semaphore_mem>>) src(%dma_wait3A_370 : memref<104x128xf32, #tpu.memory_space<hbm>>) dst(%dma_wait3A_367 : memref<104x128xf32, #tpu.memory_space<vmem>>)
      %dma_wait3A_371 = arith.constant 1 : i32
      %dma_wait3A_372 = arith.constant 0 : i32
      %dma_wait3A_373 = arith.constant 0 : i32
      %dma_wait3A_374 = tpu.memref_slice %arg6[%dma_wait3A_371, %dma_wait3A_372, %dma_wait3A_373] : memref<3x104x128xf32, #tpu.memory_space<vmem>> -> memref<1x104x128xf32, #tpu.memory_space<vmem>>
      %dma_wait3A_375 = tpu.memref_squeeze %dma_wait3A_374 : memref<1x104x128xf32, #tpu.memory_space<vmem>> -> memref<104x128xf32, #tpu.memory_space<vmem>>
      %dma_wait3A_376 = arith.constant 0 : i32
      %dma_wait3A_377 = arith.constant 0 : i32
      %dma_wait3A_378 = tpu.memref_slice %arg2[%dma_wait3A_376, %dma_wait3A_377] : memref<19968x128xf32, #tpu.memory_space<hbm>> -> memref<104x128xf32, #tpu.memory_space<hbm>>
      %dma_wait3A_379 = arith.constant 0 : i32
      %dma_wait3A_380 = arith.constant 0 : i32
      %dma_wait3A_381 = tpu.memref_slice %arg6[%dma_wait3A_371, %dma_wait3A_379, %dma_wait3A_380] : memref<3x104x128xf32, #tpu.memory_space<vmem>> -> memref<1x104x128xf32, #tpu.memory_space<vmem>>
      %dma_wait3A_382 = tpu.memref_squeeze %dma_wait3A_381 : memref<1x104x128xf32, #tpu.memory_space<vmem>> -> memref<104x128xf32, #tpu.memory_space<vmem>>
      %dma_wait3A_383 = arith.constant 0 : i32
      %dma_wait3A_384 = arith.constant 0 : i32
      %dma_wait3A_385 = tpu.memref_slice %arg2[%dma_wait3A_383, %dma_wait3A_384] : memref<19968x128xf32, #tpu.memory_space<hbm>> -> memref<104x128xf32, #tpu.memory_space<hbm>>
      tpu.wait_dma2 semaphore(%arg12 : memref<!tpu.dma_semaphore, #tpu.memory_space<semaphore_mem>>) src(%dma_wait3A_385 : memref<104x128xf32, #tpu.memory_space<hbm>>) dst(%dma_wait3A_382 : memref<104x128xf32, #tpu.memory_space<vmem>>)
      %lt3A_386 = arith.constant 31 : i32
      %lt3A_387 = arith.cmpi slt, %scan3A_82, %lt3A_386 : i32
      %convert_element_type3A_388 = arith.extui %lt3A_387 : i1 to i32
      %cond3A_389 = arith.constant 0 : i32
      %cond3A_390 = arith.cmpi ne, %convert_element_type3A_388, %cond3A_389 : i32
      scf.if %cond3A_390 {
        %dma_start3A_404 = arith.constant 0 : i32
        %dma_start3A_405 = arith.constant 1 : i32
        %dma_start3A_406 = arith.constant 1 : i32
        %dma_start3A_407 = arith.constant 0 : i32
        %dma_start3A_408 = arith.constant 0 : i32
        %dma_start3A_409 = tpu.memref_slice %arg6[%dma_start3A_406, %dma_start3A_407, %dma_start3A_408] : memref<3x104x128xf32, #tpu.memory_space<vmem>> -> memref<1x104x128xf32, #tpu.memory_space<vmem>>
        %dma_start3A_410 = tpu.memref_squeeze %dma_start3A_409 : memref<1x104x128xf32, #tpu.memory_space<vmem>> -> memref<104x128xf32, #tpu.memory_space<vmem>>
        %dma_start3A_411 = arith.constant 0 : i32
        %dma_start3A_412 = tpu.memref_slice %arg5[%rem3A_94, %dma_start3A_404, %dma_start3A_405, %dma_start3A_411] : memref<3x2x6x104xi32, #tpu.memory_space<vmem>> -> memref<1x1x1x104xi32, #tpu.memory_space<vmem>>
        %dma_start3A_413 = tpu.memref_squeeze %dma_start3A_412 : memref<1x1x1x104xi32, #tpu.memory_space<vmem>> -> memref<104xi32, #tpu.memory_space<vmem>>
        %dma_start3A_414 = arith.constant 0 : i32
        %dma_start3A_415 = arith.constant 0 : i32
        %dma_start3A_416 = tpu.memref_slice %arg2[%dma_start3A_414, %dma_start3A_415] : memref<19968x128xf32, #tpu.memory_space<hbm>> -> memref<19968x128xf32, #tpu.memory_space<hbm>>
        tpu.enqueue_indirect_dma source(%dma_start3A_416 : memref<19968x128xf32, #tpu.memory_space<hbm>>) target(%dma_start3A_410 : memref<104x128xf32, #tpu.memory_space<vmem>>) offsets(%dma_start3A_413 : memref<104xi32, #tpu.memory_space<vmem>>) semaphore(%arg9 : memref<!tpu.dma_semaphore, #tpu.memory_space<semaphore_mem>>)
      } else {
      }
      %dma_start3A_391 = arith.constant 2 : i32
      %dma_start3A_392 = arith.constant 1 : i32
      %dma_start3A_393 = arith.constant 5 : i32
      %dma_start3A_394 = arith.constant 0 : i32
      %dma_start3A_395 = arith.constant 0 : i32
      %dma_start3A_396 = tpu.memref_slice %arg6[%dma_start3A_391, %dma_start3A_394, %dma_start3A_395] : memref<3x104x128xf32, #tpu.memory_space<vmem>> -> memref<1x104x128xf32, #tpu.memory_space<vmem>>
      %dma_start3A_397 = tpu.memref_squeeze %dma_start3A_396 : memref<1x104x128xf32, #tpu.memory_space<vmem>> -> memref<104x128xf32, #tpu.memory_space<vmem>>
      %dma_start3A_398 = arith.constant 0 : i32
      %dma_start3A_399 = tpu.memref_slice %arg5[%rem3A_90, %dma_start3A_392, %dma_start3A_393, %dma_start3A_398] : memref<3x2x6x104xi32, #tpu.memory_space<vmem>> -> memref<1x1x1x104xi32, #tpu.memory_space<vmem>>
      %dma_start3A_400 = tpu.memref_squeeze %dma_start3A_399 : memref<1x1x1x104xi32, #tpu.memory_space<vmem>> -> memref<104xi32, #tpu.memory_space<vmem>>
      %dma_start3A_401 = arith.constant 0 : i32
      %dma_start3A_402 = arith.constant 0 : i32
      %dma_start3A_403 = tpu.memref_slice %arg7[%dma_start3A_401, %dma_start3A_402] : memref<9984x128xf32, #tpu.memory_space<vmem_shared>> -> memref<9984x128xf32, #tpu.memory_space<vmem_shared>>
      tpu.enqueue_indirect_dma source(%dma_start3A_397 : memref<104x128xf32, #tpu.memory_space<vmem>>) target(%dma_start3A_403 : memref<9984x128xf32, #tpu.memory_space<vmem_shared>>) offsets(%dma_start3A_400 : memref<104xi32, #tpu.memory_space<vmem>>) semaphore(%arg13 : memref<!tpu.dma_semaphore, #tpu.memory_space<semaphore_mem>>) {add = true}
    }
    %scan3A_59 = arith.constant 32 : i32
    %dma_wait3A = arith.constant 2 : i32
    %dma_wait3A_60 = arith.constant 0 : i32
    %dma_wait3A_61 = arith.constant 0 : i32
    %dma_wait3A_62 = tpu.memref_slice %arg6[%dma_wait3A, %dma_wait3A_60, %dma_wait3A_61] : memref<3x104x128xf32, #tpu.memory_space<vmem>> -> memref<1x104x128xf32, #tpu.memory_space<vmem>>
    %dma_wait3A_63 = tpu.memref_squeeze %dma_wait3A_62 : memref<1x104x128xf32, #tpu.memory_space<vmem>> -> memref<104x128xf32, #tpu.memory_space<vmem>>
    %dma_wait3A_64 = arith.constant 0 : i32
    %dma_wait3A_65 = arith.constant 0 : i32
    %dma_wait3A_66 = tpu.memref_slice %arg2[%dma_wait3A_64, %dma_wait3A_65] : memref<19968x128xf32, #tpu.memory_space<hbm>> -> memref<104x128xf32, #tpu.memory_space<hbm>>
    %dma_wait3A_67 = arith.constant 0 : i32
    %dma_wait3A_68 = arith.constant 0 : i32
    %dma_wait3A_69 = tpu.memref_slice %arg6[%dma_wait3A, %dma_wait3A_67, %dma_wait3A_68] : memref<3x104x128xf32, #tpu.memory_space<vmem>> -> memref<1x104x128xf32, #tpu.memory_space<vmem>>
    %dma_wait3A_70 = tpu.memref_squeeze %dma_wait3A_69 : memref<1x104x128xf32, #tpu.memory_space<vmem>> -> memref<104x128xf32, #tpu.memory_space<vmem>>
    %dma_wait3A_71 = arith.constant 0 : i32
    %dma_wait3A_72 = arith.constant 0 : i32
    %dma_wait3A_73 = tpu.memref_slice %arg2[%dma_wait3A_71, %dma_wait3A_72] : memref<19968x128xf32, #tpu.memory_space<hbm>> -> memref<104x128xf32, #tpu.memory_space<hbm>>
    tpu.wait_dma2 semaphore(%arg13 : memref<!tpu.dma_semaphore, #tpu.memory_space<semaphore_mem>>) src(%dma_wait3A_73 : memref<104x128xf32, #tpu.memory_space<hbm>>) dst(%dma_wait3A_70 : memref<104x128xf32, #tpu.memory_space<vmem>>)
    %barrier3A_74 = arith.constant 0 : index
    tpu.barrier barrier_id(%barrier3A_74)
    %mul3A_75 = arith.constant 624 : i32
    %mul3A_76 = arith.muli %arg1, %mul3A_75 : i32
    %mul3A_77 = arith.constant 9984 : i32
    %mul3A_78 = arith.muli %arg0, %mul3A_77 : i32
    %mul3A_79 = arith.constant 624 : i32
    %mul3A_80 = arith.muli %arg1, %mul3A_79 : i32
    %add3A_81 = arith.addi %mul3A_78, %mul3A_80 : i32
    "tpu.region"() ({
      %run_scoped3A_82 = tpu.sem_alloc : memref<!tpu.dma_semaphore, #tpu.memory_space<semaphore_mem>>
      %dma_start3A_83 = arith.constant 0 : i32
      %dma_start3A_84 = tpu.memref_slice %arg4[%add3A_81, %dma_start3A_83] : memref<19968x128xf32, #tpu.memory_space<hbm>> -> memref<624x128xf32, #tpu.memory_space<hbm>>
      %dma_start3A_85 = arith.constant 0 : i32
      %dma_start3A_86 = tpu.memref_slice %arg7[%mul3A_76, %dma_start3A_85] : memref<9984x128xf32, #tpu.memory_space<vmem_shared>> -> memref<624x128xf32, #tpu.memory_space<vmem_shared>>
      tpu.enqueue_dma source(%dma_start3A_86 : memref<624x128xf32, #tpu.memory_space<vmem_shared>>) target(%dma_start3A_84 : memref<624x128xf32, #tpu.memory_space<hbm>>) target_semaphore(%run_scoped3A_82 : memref<!tpu.dma_semaphore, #tpu.memory_space<semaphore_mem>>)
      %dma_wait3A_87 = arith.constant 0 : i32
      %dma_wait3A_88 = tpu.memref_slice %arg4[%add3A_81, %dma_wait3A_87] : memref<19968x128xf32, #tpu.memory_space<hbm>> -> memref<624x128xf32, #tpu.memory_space<hbm>>
      %dma_wait3A_89 = arith.constant 0 : i32
      %dma_wait3A_90 = tpu.memref_slice %arg7[%mul3A_76, %dma_wait3A_89] : memref<9984x128xf32, #tpu.memory_space<vmem_shared>> -> memref<624x128xf32, #tpu.memory_space<vmem_shared>>
      tpu.wait_dma2 semaphore(%run_scoped3A_82 : memref<!tpu.dma_semaphore, #tpu.memory_space<semaphore_mem>>) src(%dma_wait3A_90 : memref<624x128xf32, #tpu.memory_space<vmem_shared>>) dst(%dma_wait3A_88 : memref<624x128xf32, #tpu.memory_space<hbm>>)
      tpu.yield
    }) : () -> ()
    return
  }
}

module attributes {stable_mosaic.version = 14 : i64} {
  func.func @_tc0_body(%arg0: memref<9984x128xf32, #tpu.memory_space<vmem>>, %arg1: memref<78x128xf32, #tpu.memory_space<vmem>>, %arg2: memref<128x128xf32, #tpu.memory_space<vmem>>, %arg3: memref<128xf32, #tpu.memory_space<vmem>>, %arg4: memref<256x256xf32, #tpu.memory_space<vmem>>, %arg5: memref<19968x128xf32, #tpu.memory_space<vmem>>, %arg6: memref<19968x128xf32, #tpu.memory_space<vmem>>, %arg7: memref<9984x1xf32, #tpu.memory_space<vmem>>) attributes {dimension_semantics = [], scalar_prefetch = 0 : i64, scratch_operands = 0 : i64, tpu.core_type = #tpu.core_type<tc>} {
    %get3A = arith.constant 0 : index
    %get3A_0 = arith.constant 0 : index
    %get3A_1 = vector.load %arg5[%get3A, %get3A_0] : memref<19968x128xf32, #tpu.memory_space<vmem>>, vector<9984x1xf32>
    %get3A_2 = arith.constant 9984 : index
    %get3A_3 = arith.constant 0 : index
    %get3A_4 = vector.load %arg5[%get3A_2, %get3A_3] : memref<19968x128xf32, #tpu.memory_space<vmem>>, vector<9984x1xf32>
    %add3A = arith.addf %get3A_1, %get3A_4 : vector<9984x1xf32>
    %add3A_5 = arith.constant 1.000000e+00 : f32
    %add3A_6 = vector.broadcast %add3A_5 : f32 to vector<9984x1xf32>
    %add3A_7 = arith.addf %add3A, %add3A_6 : vector<9984x1xf32>
    %rsqrt3A = math.rsqrt %add3A_7 : vector<9984x1xf32>
    %swap3A = arith.constant 0 : index
    %swap3A_8 = arith.constant 0 : index
    %swap3A_9 = vector.load %arg7[%swap3A, %swap3A_8] : memref<9984x1xf32, #tpu.memory_space<vmem>>, vector<9984x1xf32>
    tpu.vector_store %arg7[%swap3A, %swap3A_8], %rsqrt3A {strides = array<i32>} : memref<9984x1xf32, #tpu.memory_space<vmem>>, vector<9984x1xf32>,
    %get3A_10 = arith.constant 0 : index
    %get3A_11 = arith.constant 0 : index
    %get3A_12 = vector.load %arg1[%get3A_10, %get3A_11] : memref<78x128xf32, #tpu.memory_space<vmem>>, vector<78x128xf32>
    %get3A_13 = arith.constant 0 : index
    %get3A_14 = arith.constant 0 : index
    %get3A_15 = vector.load %arg2[%get3A_13, %get3A_14] : memref<128x128xf32, #tpu.memory_space<vmem>>, vector<128x128xf32>
    %dot_general3A = arith.constant dense<0.000000e+00> : vector<78x128xf32>
    %dot_general3A_16 = tpu.matmul %get3A_12, %get3A_15, %dot_general3A {dimension_numbers = #tpu.dot_dimension_numbers<[1], [0], [0], [1], [0, 0, 1, 1], [], []>, transpose_lhs_hint = false} : vector<78x128xf32>, vector<128x128xf32>, vector<78x128xf32> -> vector<78x128xf32>
    %get3A_17 = arith.constant 0 : index
    %get3A_18 = vector.load %arg3[%get3A_17] : memref<128xf32, #tpu.memory_space<vmem>>, vector<128xf32>
    %broadcast_in_dim3A = vector.shape_cast %get3A_18 : vector<128xf32> to vector<1x128xf32>
    %add3A_19 = vector.broadcast %broadcast_in_dim3A : vector<1x128xf32> to vector<78x128xf32>
    %add3A_20 = arith.addf %dot_general3A_16, %add3A_19 : vector<78x128xf32>
    %reduce_sum3A = arith.constant dense<0.000000e+00> : vector<128xf32>
    %reduce_sum3A_21 = vector.multi_reduction <add>, %add3A_20, %reduce_sum3A [0] : vector<78x128xf32> to vector<128xf32>
    %div3A = arith.constant 7.800000e+01 : f32
    %div3A_22 = vector.broadcast %div3A : f32 to vector<128xf32>
    %div3A_23 = arith.divf %reduce_sum3A_21, %div3A_22 : vector<128xf32>
    %broadcast_in_dim3A_24 = vector.shape_cast %div3A_23 : vector<128xf32> to vector<1x128xf32>
    %sub3A = vector.broadcast %broadcast_in_dim3A_24 : vector<1x128xf32> to vector<78x128xf32>
    %sub3A_25 = arith.subf %add3A_20, %sub3A : vector<78x128xf32>
    %integer_pow3A = arith.mulf %sub3A_25, %sub3A_25 : vector<78x128xf32>
    %reduce_sum3A_26 = arith.constant dense<0.000000e+00> : vector<128xf32>
    %reduce_sum3A_27 = vector.multi_reduction <add>, %integer_pow3A, %reduce_sum3A_26 [0] : vector<78x128xf32> to vector<128xf32>
    %div3A_28 = arith.constant 7.800000e+01 : f32
    %div3A_29 = vector.broadcast %div3A_28 : f32 to vector<128xf32>
    %div3A_30 = arith.divf %reduce_sum3A_27, %div3A_29 : vector<128xf32>
    %broadcast_in_dim3A_31 = vector.shape_cast %div3A_23 : vector<128xf32> to vector<1x128xf32>
    %sub3A_32 = vector.broadcast %broadcast_in_dim3A_31 : vector<1x128xf32> to vector<78x128xf32>
    %sub3A_33 = arith.subf %add3A_20, %sub3A_32 : vector<78x128xf32>
    %add3A_34 = arith.constant 9.99999974E-6 : f32
    %add3A_35 = vector.broadcast %add3A_34 : f32 to vector<128xf32>
    %add3A_36 = arith.addf %div3A_30, %add3A_35 : vector<128xf32>
    %rsqrt3A_37 = math.rsqrt %add3A_36 : vector<128xf32>
    %broadcast_in_dim3A_38 = vector.shape_cast %rsqrt3A_37 : vector<128xf32> to vector<1x128xf32>
    %mul3A = vector.broadcast %broadcast_in_dim3A_38 : vector<1x128xf32> to vector<78x128xf32>
    %mul3A_39 = arith.mulf %sub3A_33, %mul3A : vector<78x128xf32>
    %max3A = arith.constant 0.000000e+00 : f32
    %max3A_40 = vector.broadcast %max3A : f32 to vector<78x128xf32>
    %max3A_41 = arith.maximumf %mul3A_39, %max3A_40 : vector<78x128xf32>
    %get3A_42 = arith.constant 128 : index
    %get3A_43 = arith.constant 0 : index
    %get3A_44 = vector.load %arg4[%get3A_42, %get3A_43] : memref<256x256xf32, #tpu.memory_space<vmem>>, vector<128x256xf32>
    %dot_general3A_45 = arith.constant dense<0.000000e+00> : vector<78x256xf32>
    %dot_general3A_46 = tpu.matmul %max3A_41, %get3A_44, %dot_general3A_45 {dimension_numbers = #tpu.dot_dimension_numbers<[1], [0], [0], [1], [0, 0, 1, 1], [], []>, transpose_lhs_hint = false} : vector<78x128xf32>, vector<128x256xf32>, vector<78x256xf32> -> vector<78x256xf32>
    %get3A_47 = arith.constant 0 : index
    %get3A_48 = arith.constant 0 : index
    %get3A_49 = vector.load %arg0[%get3A_47, %get3A_48] : memref<9984x128xf32, #tpu.memory_space<vmem>>, vector<9984x128xf32>
    %get3A_50 = arith.constant 0 : index
    %get3A_51 = arith.constant 0 : index
    %get3A_52 = vector.load %arg4[%get3A_50, %get3A_51] : memref<256x256xf32, #tpu.memory_space<vmem>>, vector<128x256xf32>
    %dot_general3A_53 = arith.constant dense<0.000000e+00> : vector<9984x256xf32>
    %dot_general3A_54 = tpu.matmul %get3A_49, %get3A_52, %dot_general3A_53 {dimension_numbers = #tpu.dot_dimension_numbers<[1], [0], [0], [1], [0, 0, 1, 1], [], []>, transpose_lhs_hint = false} : vector<9984x128xf32>, vector<128x256xf32>, vector<9984x256xf32> -> vector<9984x256xf32>
    %broadcast_in_dim3A_55 = vector.shape_cast %dot_general3A_46 : vector<78x256xf32> to vector<78x1x256xf32>
    %broadcast_in_dim3A_56 = vector.shape_cast %broadcast_in_dim3A_55 : vector<78x1x256xf32> to vector<78x1x256xf32>
    %broadcast_in_dim3A_57 = vector.broadcast %broadcast_in_dim3A_56 : vector<78x1x256xf32> to vector<78x128x256xf32>
    %reshape3A = vector.shape_cast %broadcast_in_dim3A_57 : vector<78x128x256xf32> to vector<9984x256xf32>
    %add3A_58 = arith.addf %dot_general3A_54, %reshape3A : vector<9984x256xf32>
    %mul3A_59 = vector.broadcast %rsqrt3A : vector<9984x1xf32> to vector<9984x256xf32>
    %mul3A_60 = arith.mulf %add3A_58, %mul3A_59 : vector<9984x256xf32>
    %slice3A = vector.extract_strided_slice %mul3A_60 {offsets = [0, 0], sizes = [9984, 128], strides = [1, 1]} : vector<9984x256xf32> to vector<9984x128xf32>
    %swap3A_61 = arith.constant 0 : index
    %swap3A_62 = arith.constant 0 : index
    %swap3A_63 = vector.load %arg6[%swap3A_61, %swap3A_62] : memref<19968x128xf32, #tpu.memory_space<vmem>>, vector<9984x128xf32>
    tpu.vector_store %arg6[%swap3A_61, %swap3A_62], %slice3A {strides = array<i32>} : memref<19968x128xf32, #tpu.memory_space<vmem>>, vector<9984x128xf32>,
    %slice3A_64 = vector.extract_strided_slice %mul3A_60 {offsets = [0, 128], sizes = [9984, 128], strides = [1, 1]} : vector<9984x256xf32> to vector<9984x128xf32>
    %swap3A_65 = arith.constant 9984 : index
    %swap3A_66 = arith.constant 0 : index
    %swap3A_67 = vector.load %arg6[%swap3A_65, %swap3A_66] : memref<19968x128xf32, #tpu.memory_space<vmem>>, vector<9984x128xf32>
    tpu.vector_store %arg6[%swap3A_65, %swap3A_66], %slice3A_64 {strides = array<i32>} : memref<19968x128xf32, #tpu.memory_space<vmem>>, vector<9984x128xf32>,
    return
  }
}

module attributes {stable_mosaic.version = 14 : i64} {
  func.func @_tc_mid_body(%arg0: memref<19968x128xf32, #tpu.memory_space<vmem>>, %arg1: memref<9984x1xf32, #tpu.memory_space<vmem>>, %arg2: memref<256xf32, #tpu.memory_space<vmem>>, %arg3: memref<256x256xf32, #tpu.memory_space<vmem>>, %arg4: memref<19968x128xf32, #tpu.memory_space<vmem>>) attributes {dimension_semantics = [], scalar_prefetch = 0 : i64, scratch_operands = 0 : i64, tpu.core_type = #tpu.core_type<tc>} {
    %get3A = arith.constant 0 : index
    %get3A_0 = arith.constant 0 : index
    %get3A_1 = vector.load %arg1[%get3A, %get3A_0] : memref<9984x1xf32, #tpu.memory_space<vmem>>, vector<9984x1xf32>
    %get3A_2 = arith.constant 0 : index
    %get3A_3 = arith.constant 0 : index
    %get3A_4 = vector.load %arg0[%get3A_2, %get3A_3] : memref<19968x128xf32, #tpu.memory_space<vmem>>, vector<9984x128xf32>
    %mul3A = vector.broadcast %get3A_1 : vector<9984x1xf32> to vector<9984x128xf32>
    %mul3A_5 = arith.mulf %get3A_4, %mul3A : vector<9984x128xf32>
    %get3A_6 = arith.constant 0 : index
    %get3A_7 = vector.load %arg2[%get3A_6] : memref<256xf32, #tpu.memory_space<vmem>>, vector<256xf32>
    %slice3A = vector.extract_strided_slice %get3A_7 {offsets = [0], sizes = [128], strides = [1]} : vector<256xf32> to vector<128xf32>
    %broadcast_in_dim3A = vector.shape_cast %slice3A : vector<128xf32> to vector<1x128xf32>
    %add3A = vector.broadcast %broadcast_in_dim3A : vector<1x128xf32> to vector<9984x128xf32>
    %add3A_8 = arith.addf %mul3A_5, %add3A : vector<9984x128xf32>
    %get3A_9 = arith.constant 9984 : index
    %get3A_10 = arith.constant 0 : index
    %get3A_11 = vector.load %arg0[%get3A_9, %get3A_10] : memref<19968x128xf32, #tpu.memory_space<vmem>>, vector<9984x128xf32>
    %mul3A_12 = vector.broadcast %get3A_1 : vector<9984x1xf32> to vector<9984x128xf32>
    %mul3A_13 = arith.mulf %get3A_11, %mul3A_12 : vector<9984x128xf32>
    %get3A_14 = arith.constant 0 : index
    %get3A_15 = vector.load %arg2[%get3A_14] : memref<256xf32, #tpu.memory_space<vmem>>, vector<256xf32>
    %slice3A_16 = vector.extract_strided_slice %get3A_15 {offsets = [128], sizes = [128], strides = [1]} : vector<256xf32> to vector<128xf32>
    %broadcast_in_dim3A_17 = vector.shape_cast %slice3A_16 : vector<128xf32> to vector<1x128xf32>
    %add3A_18 = vector.broadcast %broadcast_in_dim3A_17 : vector<1x128xf32> to vector<9984x128xf32>
    %add3A_19 = arith.addf %mul3A_13, %add3A_18 : vector<9984x128xf32>
    %reduce_sum3A = arith.constant dense<0.000000e+00> : vector<128xf32>
    %reduce_sum3A_20 = vector.multi_reduction <add>, %add3A_8, %reduce_sum3A [0] : vector<9984x128xf32> to vector<128xf32>
    %div3A = arith.constant 9.984000e+03 : f32
    %div3A_21 = vector.broadcast %div3A : f32 to vector<128xf32>
    %div3A_22 = arith.divf %reduce_sum3A_20, %div3A_21 : vector<128xf32>
    %broadcast_in_dim3A_23 = vector.shape_cast %div3A_22 : vector<128xf32> to vector<1x128xf32>
    %sub3A = vector.broadcast %broadcast_in_dim3A_23 : vector<1x128xf32> to vector<9984x128xf32>
    %sub3A_24 = arith.subf %add3A_8, %sub3A : vector<9984x128xf32>
    %integer_pow3A = arith.mulf %sub3A_24, %sub3A_24 : vector<9984x128xf32>
    %reduce_sum3A_25 = arith.constant dense<0.000000e+00> : vector<128xf32>
    %reduce_sum3A_26 = vector.multi_reduction <add>, %integer_pow3A, %reduce_sum3A_25 [0] : vector<9984x128xf32> to vector<128xf32>
    %div3A_27 = arith.constant 9.984000e+03 : f32
    %div3A_28 = vector.broadcast %div3A_27 : f32 to vector<128xf32>
    %div3A_29 = arith.divf %reduce_sum3A_26, %div3A_28 : vector<128xf32>
    %broadcast_in_dim3A_30 = vector.shape_cast %div3A_22 : vector<128xf32> to vector<1x128xf32>
    %sub3A_31 = vector.broadcast %broadcast_in_dim3A_30 : vector<1x128xf32> to vector<9984x128xf32>
    %sub3A_32 = arith.subf %add3A_8, %sub3A_31 : vector<9984x128xf32>
    %add3A_33 = arith.constant 9.99999974E-6 : f32
    %add3A_34 = vector.broadcast %add3A_33 : f32 to vector<128xf32>
    %add3A_35 = arith.addf %div3A_29, %add3A_34 : vector<128xf32>
    %rsqrt3A = math.rsqrt %add3A_35 : vector<128xf32>
    %broadcast_in_dim3A_36 = vector.shape_cast %rsqrt3A : vector<128xf32> to vector<1x128xf32>
    %mul3A_37 = vector.broadcast %broadcast_in_dim3A_36 : vector<1x128xf32> to vector<9984x128xf32>
    %mul3A_38 = arith.mulf %sub3A_32, %mul3A_37 : vector<9984x128xf32>
    %max3A = arith.constant 0.000000e+00 : f32
    %max3A_39 = vector.broadcast %max3A : f32 to vector<9984x128xf32>
    %max3A_40 = arith.maximumf %mul3A_38, %max3A_39 : vector<9984x128xf32>
    %reduce_sum3A_41 = arith.constant dense<0.000000e+00> : vector<128xf32>
    %reduce_sum3A_42 = vector.multi_reduction <add>, %add3A_19, %reduce_sum3A_41 [0] : vector<9984x128xf32> to vector<128xf32>
    %div3A_43 = arith.constant 9.984000e+03 : f32
    %div3A_44 = vector.broadcast %div3A_43 : f32 to vector<128xf32>
    %div3A_45 = arith.divf %reduce_sum3A_42, %div3A_44 : vector<128xf32>
    %broadcast_in_dim3A_46 = vector.shape_cast %div3A_45 : vector<128xf32> to vector<1x128xf32>
    %sub3A_47 = vector.broadcast %broadcast_in_dim3A_46 : vector<1x128xf32> to vector<9984x128xf32>
    %sub3A_48 = arith.subf %add3A_19, %sub3A_47 : vector<9984x128xf32>
    %integer_pow3A_49 = arith.mulf %sub3A_48, %sub3A_48 : vector<9984x128xf32>
    %reduce_sum3A_50 = arith.constant dense<0.000000e+00> : vector<128xf32>
    %reduce_sum3A_51 = vector.multi_reduction <add>, %integer_pow3A_49, %reduce_sum3A_50 [0] : vector<9984x128xf32> to vector<128xf32>
    %div3A_52 = arith.constant 9.984000e+03 : f32
    %div3A_53 = vector.broadcast %div3A_52 : f32 to vector<128xf32>
    %div3A_54 = arith.divf %reduce_sum3A_51, %div3A_53 : vector<128xf32>
    %broadcast_in_dim3A_55 = vector.shape_cast %div3A_45 : vector<128xf32> to vector<1x128xf32>
    %sub3A_56 = vector.broadcast %broadcast_in_dim3A_55 : vector<1x128xf32> to vector<9984x128xf32>
    %sub3A_57 = arith.subf %add3A_19, %sub3A_56 : vector<9984x128xf32>
    %add3A_58 = arith.constant 9.99999974E-6 : f32
    %add3A_59 = vector.broadcast %add3A_58 : f32 to vector<128xf32>
    %add3A_60 = arith.addf %div3A_54, %add3A_59 : vector<128xf32>
    %rsqrt3A_61 = math.rsqrt %add3A_60 : vector<128xf32>
    %broadcast_in_dim3A_62 = vector.shape_cast %rsqrt3A_61 : vector<128xf32> to vector<1x128xf32>
    %mul3A_63 = vector.broadcast %broadcast_in_dim3A_62 : vector<1x128xf32> to vector<9984x128xf32>
    %mul3A_64 = arith.mulf %sub3A_57, %mul3A_63 : vector<9984x128xf32>
    %max3A_65 = arith.constant 0.000000e+00 : f32
    %max3A_66 = vector.broadcast %max3A_65 : f32 to vector<9984x128xf32>
    %max3A_67 = arith.maximumf %mul3A_64, %max3A_66 : vector<9984x128xf32>
    %get3A_68 = arith.constant 0 : index
    %get3A_69 = arith.constant 0 : index
    %get3A_70 = vector.load %arg3[%get3A_68, %get3A_69] : memref<256x256xf32, #tpu.memory_space<vmem>>, vector<128x256xf32>
    %dot_general3A = arith.constant dense<0.000000e+00> : vector<9984x256xf32>
    %dot_general3A_71 = tpu.matmul %max3A_40, %get3A_70, %dot_general3A {dimension_numbers = #tpu.dot_dimension_numbers<[1], [0], [0], [1], [0, 0, 1, 1], [], []>, transpose_lhs_hint = false} : vector<9984x128xf32>, vector<128x256xf32>, vector<9984x256xf32> -> vector<9984x256xf32>
    %get3A_72 = arith.constant 128 : index
    %get3A_73 = arith.constant 0 : index
    %get3A_74 = vector.load %arg3[%get3A_72, %get3A_73] : memref<256x256xf32, #tpu.memory_space<vmem>>, vector<128x256xf32>
    %dot_general3A_75 = arith.constant dense<0.000000e+00> : vector<9984x256xf32>
    %dot_general3A_76 = tpu.matmul %max3A_67, %get3A_74, %dot_general3A_75 {dimension_numbers = #tpu.dot_dimension_numbers<[1], [0], [0], [1], [0, 0, 1, 1], [], []>, transpose_lhs_hint = false} : vector<9984x128xf32>, vector<128x256xf32>, vector<9984x256xf32> -> vector<9984x256xf32>
    %add3A_77 = arith.addf %dot_general3A_71, %dot_general3A_76 : vector<9984x256xf32>
    %mul3A_78 = vector.broadcast %get3A_1 : vector<9984x1xf32> to vector<9984x256xf32>
    %mul3A_79 = arith.mulf %add3A_77, %mul3A_78 : vector<9984x256xf32>
    %slice3A_80 = vector.extract_strided_slice %mul3A_79 {offsets = [0, 0], sizes = [9984, 128], strides = [1, 1]} : vector<9984x256xf32> to vector<9984x128xf32>
    %swap3A = arith.constant 0 : index
    %swap3A_81 = arith.constant 0 : index
    %swap3A_82 = vector.load %arg4[%swap3A, %swap3A_81] : memref<19968x128xf32, #tpu.memory_space<vmem>>, vector<9984x128xf32>
    tpu.vector_store %arg4[%swap3A, %swap3A_81], %slice3A_80 {strides = array<i32>} : memref<19968x128xf32, #tpu.memory_space<vmem>>, vector<9984x128xf32>,
    %slice3A_83 = vector.extract_strided_slice %mul3A_79 {offsets = [0, 128], sizes = [9984, 128], strides = [1, 1]} : vector<9984x256xf32> to vector<9984x128xf32>
    %swap3A_84 = arith.constant 9984 : index
    %swap3A_85 = arith.constant 0 : index
    %swap3A_86 = vector.load %arg4[%swap3A_84, %swap3A_85] : memref<19968x128xf32, #tpu.memory_space<vmem>>, vector<9984x128xf32>
    tpu.vector_store %arg4[%swap3A_84, %swap3A_85], %slice3A_83 {strides = array<i32>} : memref<19968x128xf32, #tpu.memory_space<vmem>>, vector<9984x128xf32>,
    return
  }
}

module attributes {stable_mosaic.version = 14 : i64} {
  func.func @_tc_fin_body(%arg0: memref<19968x128xf32, #tpu.memory_space<vmem>>, %arg1: memref<9984x1xf32, #tpu.memory_space<vmem>>, %arg2: memref<256xf32, #tpu.memory_space<vmem>>, %arg3: memref<9984x256xf32, #tpu.memory_space<vmem>>) attributes {dimension_semantics = [], scalar_prefetch = 0 : i64, scratch_operands = 0 : i64, tpu.core_type = #tpu.core_type<tc>} {
    %get3A = arith.constant 0 : index
    %get3A_0 = arith.constant 0 : index
    %get3A_1 = vector.load %arg1[%get3A, %get3A_0] : memref<9984x1xf32, #tpu.memory_space<vmem>>, vector<9984x1xf32>
    %get3A_2 = arith.constant 0 : index
    %get3A_3 = arith.constant 0 : index
    %get3A_4 = vector.load %arg0[%get3A_2, %get3A_3] : memref<19968x128xf32, #tpu.memory_space<vmem>>, vector<9984x128xf32>
    %mul3A = vector.broadcast %get3A_1 : vector<9984x1xf32> to vector<9984x128xf32>
    %mul3A_5 = arith.mulf %get3A_4, %mul3A : vector<9984x128xf32>
    %get3A_6 = arith.constant 0 : index
    %get3A_7 = vector.load %arg2[%get3A_6] : memref<256xf32, #tpu.memory_space<vmem>>, vector<256xf32>
    %slice3A = vector.extract_strided_slice %get3A_7 {offsets = [0], sizes = [128], strides = [1]} : vector<256xf32> to vector<128xf32>
    %broadcast_in_dim3A = vector.shape_cast %slice3A : vector<128xf32> to vector<1x128xf32>
    %add3A = vector.broadcast %broadcast_in_dim3A : vector<1x128xf32> to vector<9984x128xf32>
    %add3A_8 = arith.addf %mul3A_5, %add3A : vector<9984x128xf32>
    %get3A_9 = arith.constant 9984 : index
    %get3A_10 = arith.constant 0 : index
    %get3A_11 = vector.load %arg0[%get3A_9, %get3A_10] : memref<19968x128xf32, #tpu.memory_space<vmem>>, vector<9984x128xf32>
    %mul3A_12 = vector.broadcast %get3A_1 : vector<9984x1xf32> to vector<9984x128xf32>
    %mul3A_13 = arith.mulf %get3A_11, %mul3A_12 : vector<9984x128xf32>
    %get3A_14 = arith.constant 0 : index
    %get3A_15 = vector.load %arg2[%get3A_14] : memref<256xf32, #tpu.memory_space<vmem>>, vector<256xf32>
    %slice3A_16 = vector.extract_strided_slice %get3A_15 {offsets = [128], sizes = [128], strides = [1]} : vector<256xf32> to vector<128xf32>
    %broadcast_in_dim3A_17 = vector.shape_cast %slice3A_16 : vector<128xf32> to vector<1x128xf32>
    %add3A_18 = vector.broadcast %broadcast_in_dim3A_17 : vector<1x128xf32> to vector<9984x128xf32>
    %add3A_19 = arith.addf %mul3A_13, %add3A_18 : vector<9984x128xf32>
    %reduce_sum3A = arith.constant dense<0.000000e+00> : vector<128xf32>
    %reduce_sum3A_20 = vector.multi_reduction <add>, %add3A_8, %reduce_sum3A [0] : vector<9984x128xf32> to vector<128xf32>
    %div3A = arith.constant 9.984000e+03 : f32
    %div3A_21 = vector.broadcast %div3A : f32 to vector<128xf32>
    %div3A_22 = arith.divf %reduce_sum3A_20, %div3A_21 : vector<128xf32>
    %broadcast_in_dim3A_23 = vector.shape_cast %div3A_22 : vector<128xf32> to vector<1x128xf32>
    %sub3A = vector.broadcast %broadcast_in_dim3A_23 : vector<1x128xf32> to vector<9984x128xf32>
    %sub3A_24 = arith.subf %add3A_8, %sub3A : vector<9984x128xf32>
    %integer_pow3A = arith.mulf %sub3A_24, %sub3A_24 : vector<9984x128xf32>
    %reduce_sum3A_25 = arith.constant dense<0.000000e+00> : vector<128xf32>
    %reduce_sum3A_26 = vector.multi_reduction <add>, %integer_pow3A, %reduce_sum3A_25 [0] : vector<9984x128xf32> to vector<128xf32>
    %div3A_27 = arith.constant 9.984000e+03 : f32
    %div3A_28 = vector.broadcast %div3A_27 : f32 to vector<128xf32>
    %div3A_29 = arith.divf %reduce_sum3A_26, %div3A_28 : vector<128xf32>
    %broadcast_in_dim3A_30 = vector.shape_cast %div3A_22 : vector<128xf32> to vector<1x128xf32>
    %sub3A_31 = vector.broadcast %broadcast_in_dim3A_30 : vector<1x128xf32> to vector<9984x128xf32>
    %sub3A_32 = arith.subf %add3A_8, %sub3A_31 : vector<9984x128xf32>
    %add3A_33 = arith.constant 9.99999974E-6 : f32
    %add3A_34 = vector.broadcast %add3A_33 : f32 to vector<128xf32>
    %add3A_35 = arith.addf %div3A_29, %add3A_34 : vector<128xf32>
    %rsqrt3A = math.rsqrt %add3A_35 : vector<128xf32>
    %broadcast_in_dim3A_36 = vector.shape_cast %rsqrt3A : vector<128xf32> to vector<1x128xf32>
    %mul3A_37 = vector.broadcast %broadcast_in_dim3A_36 : vector<1x128xf32> to vector<9984x128xf32>
    %mul3A_38 = arith.mulf %sub3A_32, %mul3A_37 : vector<9984x128xf32>
    %max3A = arith.constant 0.000000e+00 : f32
    %max3A_39 = vector.broadcast %max3A : f32 to vector<9984x128xf32>
    %max3A_40 = arith.maximumf %mul3A_38, %max3A_39 : vector<9984x128xf32>
    %swap3A = arith.constant 0 : index
    %swap3A_41 = arith.constant 0 : index
    %swap3A_42 = vector.load %arg3[%swap3A, %swap3A_41] : memref<9984x256xf32, #tpu.memory_space<vmem>>, vector<9984x128xf32>
    tpu.vector_store %arg3[%swap3A, %swap3A_41], %max3A_40 {strides = array<i32>} : memref<9984x256xf32, #tpu.memory_space<vmem>>, vector<9984x128xf32>,
    %reduce_sum3A_43 = arith.constant dense<0.000000e+00> : vector<128xf32>
    %reduce_sum3A_44 = vector.multi_reduction <add>, %add3A_19, %reduce_sum3A_43 [0] : vector<9984x128xf32> to vector<128xf32>
    %div3A_45 = arith.constant 9.984000e+03 : f32
    %div3A_46 = vector.broadcast %div3A_45 : f32 to vector<128xf32>
    %div3A_47 = arith.divf %reduce_sum3A_44, %div3A_46 : vector<128xf32>
    %broadcast_in_dim3A_48 = vector.shape_cast %div3A_47 : vector<128xf32> to vector<1x128xf32>
    %sub3A_49 = vector.broadcast %broadcast_in_dim3A_48 : vector<1x128xf32> to vector<9984x128xf32>
    %sub3A_50 = arith.subf %add3A_19, %sub3A_49 : vector<9984x128xf32>
    %integer_pow3A_51 = arith.mulf %sub3A_50, %sub3A_50 : vector<9984x128xf32>
    %reduce_sum3A_52 = arith.constant dense<0.000000e+00> : vector<128xf32>
    %reduce_sum3A_53 = vector.multi_reduction <add>, %integer_pow3A_51, %reduce_sum3A_52 [0] : vector<9984x128xf32> to vector<128xf32>
    %div3A_54 = arith.constant 9.984000e+03 : f32
    %div3A_55 = vector.broadcast %div3A_54 : f32 to vector<128xf32>
    %div3A_56 = arith.divf %reduce_sum3A_53, %div3A_55 : vector<128xf32>
    %broadcast_in_dim3A_57 = vector.shape_cast %div3A_47 : vector<128xf32> to vector<1x128xf32>
    %sub3A_58 = vector.broadcast %broadcast_in_dim3A_57 : vector<1x128xf32> to vector<9984x128xf32>
    %sub3A_59 = arith.subf %add3A_19, %sub3A_58 : vector<9984x128xf32>
    %add3A_60 = arith.constant 9.99999974E-6 : f32
    %add3A_61 = vector.broadcast %add3A_60 : f32 to vector<128xf32>
    %add3A_62 = arith.addf %div3A_56, %add3A_61 : vector<128xf32>
    %rsqrt3A_63 = math.rsqrt %add3A_62 : vector<128xf32>
    %broadcast_in_dim3A_64 = vector.shape_cast %rsqrt3A_63 : vector<128xf32> to vector<1x128xf32>
    %mul3A_65 = vector.broadcast %broadcast_in_dim3A_64 : vector<1x128xf32> to vector<9984x128xf32>
    %mul3A_66 = arith.mulf %sub3A_59, %mul3A_65 : vector<9984x128xf32>
    %max3A_67 = arith.constant 0.000000e+00 : f32
    %max3A_68 = vector.broadcast %max3A_67 : f32 to vector<9984x128xf32>
    %max3A_69 = arith.maximumf %mul3A_66, %max3A_68 : vector<9984x128xf32>
    %swap3A_70 = arith.constant 0 : index
    %swap3A_71 = arith.constant 128 : index
    %swap3A_72 = vector.load %arg3[%swap3A_70, %swap3A_71] : memref<9984x256xf32, #tpu.memory_space<vmem>>, vector<9984x128xf32>
    tpu.vector_store %arg3[%swap3A_70, %swap3A_71], %max3A_69 {strides = array<i32>} : memref<9984x256xf32, #tpu.memory_space<vmem>>, vector<9984x128xf32>,
    return
  }
}

</mosaic_0001>

<sc_bundles>
// kernel: kernel.10.cloned.1.call-start
scs
__scs_entry_jumppad:
0x0: {  	(pc) =	sbr.rel $0x88, $3  }
0x1: {  	(tag) =	ssettag $0x0;
	lr =	simm.s32 $0x1  }
0x2: {  	[smem:$0x3F96] =	sst lr;
	_ =	strace $0xD0000000  }
0x3: {  	_ = 	snop  }
0x4: {  	_ = 	snop  }
0x5: {  	_ = 	snop  }
0x6: {  	_ = 	snop  }
0x7: {  	_ = 	snop  }
__scs_overlays_trampoline_lowered:
0x8: {  	[smem:$0x3FA5] =	sst s0  }
0x9: {  	[smem:$0x3FA6] =	sst s1  }
0xa: {  	[smem:$0x3FA7] =	sst s2  }
0xb: {  	[smem:$0x3FA8] =	sst s3  }
0xc: {  	[smem:$0x3FA9] =	sst s4  }
0xd: {  	[smem:$0x3FAA] =	sst s5  }
0xe: {  	[smem:$0x3FAB] =	sst s6  }
0xf: {  	[smem:$0x3FAC] =	sst s7  }
0x10: {  	[smem:$0x3FAD] =	sst s8  }
0x11: {  	[smem:$0x3FAE] =	sst s9;
	s0 =	simm.s32 @!p0 $0x0  }
0x12: {  	s1 =	sld [smem:$0x3F94];
	s0 =	simm.s32 @p0 $0x1  }
0x13: {  	[smem:$0x3FAF] =	sst s0;
	s0 =	simm.s32 @!p1 $0x0  }
0x14: {  	s2 =	sld [smem:$0x3F93];
	s0 =	simm.s32 @p1 $0x1  }
0x15: {  	[smem:$0x3FB0] =	sst s0;
	s0 =	simm.s32 @!p2 $0x0  }
0x16: {  	s3 =	sld [smem:$0x3FDB];
	s0 =	simm.s32 @p2 $0x1  }
0x17: {  	s4 =	simm.s32 $0x1BF5;
	[smem:$0x3FB2] =	sst s0  }
0x18: {  	s0 =	sld [smem:$0x3F95];
	_ =	swait.ge [sflag:s4], $0x0  }
0x19: {  	s7 =	sld [smem:$0x3F96]  }
0x1a: {  	s8 =	sadd.s32 $0xFFFFE003, lr  }
0x1b: {  	s9 =	sadd.s32 $0xFFFFFEF7, lr;
	s5 =	simm.s32 $0xFFFFFFFF;
	p2 =	slt.u32 s8, $0xFFFFF086  }
0x1c: {  	p1 =	slt.u32 s9, $0xF7A;
	s5 =	simm.s32 @!p2 $0x0  }
0x1d: {  	s5 =	simm.s32 @p1 $0x1;
	p0 =	seq.s32 s7, s2  }
0x1e: {  	s7 =	smul.u32 @!p0 $0xF7A, s2;
	p2 =	seq.s32 @!p0 s5, $0x0  }
0x1f: {  	s9 =	smul.u32 $0xF7A, s1;
	s8 =	simm.s32 @!p0 $0x1BF5;
	p2 =	por !p2, p0  }
0x20: {  	[sflag:s8] =	ssyncset.s32 @!p0 $0xFFFFF086;
	s6 =	sadd.s32 @!p0 s3, s7;
	s7 =	simm.s32 @!p0 $0x108  }
0x21: {  	s3 =	sadd.s32 s3, s9;
	s6 =	sadd.s32 @!p0 $0x88, s6;
	s7 =	simm.s32 @p2 $0x1082  }
0x22: {  	[simem:s7], [sflag:s8] =	dma.local @!p0 [hbm:s6], $0xF7A  }
0x23: {  	s9 =	sor.u32 $0xD0000000, s2;
	s6 =	simm.s32 $0x108;
	_ =	swait.ge @!p0 [sflag:s8], $0x0  }
0x24: {  	s3 =	sadd.s32 $0x88, s3;
	s6 =	simm.s32 @!p1 $0x1082;
	[sflag:s4] =	ssyncset.s32 $0xFFFFF086  }
0x25: {  	[simem:s6], [sflag:s4] =	dma.local [hbm:s3], $0xF7A  }
0x26: {  	[smem:$0x3F96] =	sst s1;
	(tag) =	ssettag s2;
	_ =	strace s9  }
0x27: {  	s1 =	sld [smem:$0x3FA6]  }
0x28: {  	s2 =	sld [smem:$0x3FA7]  }
0x29: {  	s4 =	sld [smem:$0x3FA9]  }
0x2a: {  	p0 =	seq.s32 s5, $0x0;
	s5 =	sld [smem:$0x3FAA]  }
0x2b: {  	s6 =	sld [smem:$0x3FAB]  }
0x2c: {  	s7 =	sld [smem:$0x3FAC]  }
0x2d: {  	s3 =	simm.s32 $0x108;
	s8 =	sld [smem:$0x3FAD]  }
0x2e: {  	s3 =	simm.s32 @!p0 $0x1082;
	s9 =	sld [smem:$0x3FAE]  }
0x2f: {  	lr =	sadd.s32 s0, s3;
	s0 =	sld [smem:$0x3FA5]  }
0x30: {  	s3 =	sld [smem:$0x3FA8]  }
0x31: {  	[smem:$0x3FB1] =	sst s10  }
0x32: {  	s10 =	sld [smem:$0x3FAF];
	_ =	sdelay $0x3  }
0x33: {  	p0 =	seq.s32 s10, $0x1;
	s10 =	sld [smem:$0x3FB1];
	_ =	sdelay $0x3  }
0x34: {  	[smem:$0x3FB1] =	sst s10  }
0x35: {  	s10 =	sld [smem:$0x3FB0];
	_ =	sdelay $0x3  }
0x36: {  	p1 =	seq.s32 s10, $0x1;
	s10 =	sld [smem:$0x3FB1];
	_ =	sdelay $0x3  }
0x37: {  	[smem:$0x3FB1] =	sst s10  }
0x38: {  	s10 =	sld [smem:$0x3FB2]  }
0x39: {  	_ = 	snop;
	(pc) =	sbr.ind lr, $3  }
0x3a: {  	_ = 	snop  }
0x3b: {  	_ = 	snop  }
0x3c: {  	p2 =	seq.s32 s10, $0x1;
	s10 =	sld [smem:$0x3FB1]  }
0x3d: {  	_ =	shalt  }
0x3e: {  	_ =	shalt  }
0x3f: {  	_ =	shalt  }
0x40: {  	_ =	shalt  }
0x41: {  	_ =	shalt  }
0x42: {  	_ =	shalt  }
0x43: {  	_ =	shalt  }
0x44: {  	_ =	shalt  }
0x45: {  	_ =	shalt  }
0x46: {  	_ =	shalt  }
0x47: {  	_ =	shalt  }
0x48: {  	_ =	shalt  }
0x49: {  	_ =	shalt  }
0x4a: {  	_ =	shalt  }
0x4b: {  	_ =	shalt  }
0x4c: {  	_ =	shalt  }
0x4d: {  	_ =	shalt  }
0x4e: {  	_ =	shalt  }
0x4f: {  	_ =	shalt  }
0x50: {  	_ =	shalt  }
0x51: {  	_ =	shalt  }
0x52: {  	_ =	shalt  }
0x53: {  	_ =	shalt  }
0x54: {  	_ =	shalt  }
0x55: {  	_ =	shalt  }
0x56: {  	_ =	shalt  }
0x57: {  	_ =	shalt  }
0x58: {  	_ =	shalt  }
0x59: {  	_ =	shalt  }
0x5a: {  	_ =	shalt  }
0x5b: {  	_ =	shalt  }
0x5c: {  	_ =	shalt  }
0x5d: {  	_ =	shalt  }
0x5e: {  	_ =	shalt  }
0x5f: {  	_ =	shalt  }
0x60: {  	_ =	shalt  }
0x61: {  	_ =	shalt  }
0x62: {  	_ =	shalt  }
0x63: {  	_ =	shalt  }
0x64: {  	_ =	shalt  }
0x65: {  	_ =	shalt  }
0x66: {  	_ =	shalt  }
0x67: {  	_ =	shalt  }
0x68: {  	_ =	shalt  }
0x69: {  	_ =	shalt  }
0x6a: {  	_ =	shalt  }
0x6b: {  	_ =	shalt  }
0x6c: {  	_ =	shalt  }
0x6d: {  	_ =	shalt  }
0x6e: {  	_ =	shalt  }
0x6f: {  	_ =	shalt  }
0x70: {  	_ =	shalt  }
0x71: {  	_ =	shalt  }
0x72: {  	_ =	shalt  }
0x73: {  	_ =	shalt  }
0x74: {  	_ =	shalt  }
0x75: {  	_ =	shalt  }
0x76: {  	_ =	shalt  }
0x77: {  	_ =	shalt  }
0x78: {  	_ =	shalt  }
0x79: {  	_ =	shalt  }
0x7a: {  	_ =	shalt  }
0x7b: {  	_ =	shalt  }
0x7c: {  	_ =	shalt  }
0x7d: {  	_ =	shalt  }
0x7e: {  	_ =	shalt  }
0x7f: {  	_ =	shalt  }
0x80: {  	_ =	shalt  }
0x81: {  	_ =	shalt  }
0x82: {  	_ =	shalt  }
0x83: {  	_ =	shalt  }
0x84: {  	_ =	shalt  }
0x85: {  	_ =	shalt  }
0x86: {  	_ =	shalt  }
0x87: {  	_ =	shalt  }
.Lfunc_end0:
.L_simem_size_0:
called_computation_lowered:
.L_overlay_start_0:
0x88: {  	s2 =	sld [smem:$0x3FD9]  }
0x89: {  	s3 =	sld [smem:$0x3FFE];
	_ =	sdelay $0x1  }
0x8a: {  	s1 =	srdreg.scid  }
0x8b: {  	s0 =	sand.u32 $0x1, s1  }
0x8c: {  	s17 =	sshll.u32 s0, $0xA;
	s2 =	sadd.s32 s3, s2  }
0x8d: {  	s2 =	sadd.s32 s2, s17  }
0x8e: {  	[smem:$0x3FBD] =	sst s2  }
0x8f: {  	_ = 	snop  }
0x90: {  	s2 =	sld [smem:$0x3FD0];
	(tm) =	ssettm $0x1  }
0x91: {  	s18 =	sld [smem:$0x3FFB];
	_ =	sdelay $0x3  }
0x92: {  	_ =	strace s18  }
0x93: {  	s3 =	sld [smem:$0x3FFC];
	_ =	sdelay $0x3  }
0x94: {  	_ =	strace s3  }
0x95: {  	s3 =	sld [smem:$0x3FFD];
	_ =	sdelay $0x3  }
0x96: {  	_ =	strace s3  }
0x97: {  	_ =	strace $0x8FFFFFFF  }
0x98: {  	s19 =	sld [smem:$0x3FDB];
	_ =	sdelay $0x1  }
0x99: {  	s4 =	simm.s32 $_scs_section_size  }
0x9a: {  	s5 =	simm.s32 $_size__tile_overlayer_lowered;
	s6 =	simm.s32 $_tile_overlayer_lowered  }
0x9b: {  	s22 =	simm.s32 $0x1BFF;
	s21 =	sshll.u32 s6, $0x1;
	s3 =	sadd.s32 s4, s19  }
0x9c: {  	s7 =	simm.s32 $0x0;
	s20 =	sshll.u32 s5, $0x1;
	s5 =	sadd.s32 s21, s3  }
0x9d: {  	[timem:s7], [sflag:s22] =	dma.local [hbm:s5], s20  }
0x9e: {  	_ =	swait.ge [sflag:s22], s20  }
0x9f: {  	s4 =	ssub.s32 $0x0, s20;
	[sflag:s22] =	ssyncset.done $0x0  }
0xa0: {  	[sflag:s22] =	ssyncadd.s32 s4;
	_ =	sdelay $0x1  }
0xa1: {  	s23 =	simm.s32 $0x1B8B  }
0xa2: {  	_ =	swait.ge [sflag:s23], $0x1  }
0xa3: {  	[sflag:s23] =	ssyncset.done $0x0  }
0xa4: {  	s25 =	simm.s32 $0x1B8E;
	s24 =	sld [smem:$0x3FFE];
	[sflag:s23] =	ssyncadd.s32 $0xFFFFFFFF  }
0xa5: {  	s26 =	simm.s32 $execute0_lowered;
	[smem:$0x3FD2] =	sst s25  }
0xa6: {  	s5 =	sshll.u32 s26, $0x1;
	_ =	strace $0x80000046;
	[dreg:$0x1] =	wrdreg $0xFFFFFFFF  }
0xa7: {  	s28 =	simm.s32 $_size_execute0_lowered;
	s3 =	sadd.s32 s3, s5;
	[dreg:$0x0] =	wrdreg $0x0  }
0xa8: {  	s5 =	sshll.u32 s28, $0x1;
	[dreg:$0x2] =	wrdreg s3  }
0xa9: {  	[dreg:$0x3] =	wrdreg s5  }
0xaa: {  	[dreg:$0x4] =	wrdreg $0xC0  }
0xab: {  	_ =	task [dreg:s7], $0x5FFFF  }
0xac: {  	[dreg:$0x1] =	wrdreg $0xFFFFFFFF  }
0xad: {  	[dreg:$0x0] =	wrdreg $0x60  }
0xae: {  	[dreg:$0x2] =	wrdreg s24  }
0xaf: {  	[dreg:$0x3] =	wrdreg s2  }
0xb0: {  	[dreg:$0x4] =	wrdreg $0x68000  }
0xb1: {  	[dreg:$0x5] =	wrdreg $0x9  }
0xb2: {  	_ =	task.clear_ibuf [dreg:s7], $0x6FFFF;
	_ =	strace $0x90000046  }
0xb3: {  	s29 =	simm.s32 $0x9;
	_ =	strace $0x80000048  }
0xb4: {  	_ =	swait.ge [sflag:s29], $0x1  }
0xb5: {  	[sflag:s29] =	ssyncadd.s32 $0xFFFFFFFF  }
0xb6: {  	_ =	strace $0x90000048  }
0xb7: {  	_ =	sfence  }
0xb8: {  	s30 =	sld [smem:$0x0];
	_ =	sdelay $0x2  }
0xb9: {  	s31 =	sshll.u32 s1, $0xD;
	s1 =	sshrl.u32 s1, $0x2  }
0xba: {  	s3 =	sand.u32 $0x4000, s31;
	s1 =	sadd.s32 s1, s30  }
0xbb: {  	s0 =	sor.u32 s3, s0;
	s1 =	sshll.u32 s1, $0x11  }
0xbc: {  	s0 =	sor.u32 s1, s0  }
0xbd: {  	s0 =	sadd.s32 $0x8F2B, s0  }
0xbe: {  	[sflag:s0] =	ssyncadd.remote.s32 $0x1  }
0xbf: {  	_ =	sfence.sel $0xFFFF  }
0xc0: {  	[dreg:$0x0] =	wrdreg $0xFFFFFFFF;
	(pc) =	sbr.abs _section_cstart, $3  }
0xc1: {  	[dreg:$0x1] =	wrdreg $0xFFFFFFFF  }
0xc2: {  	_ =	task.clear_ibuf [dreg:s7], $0x2FFFF;
	_ =	strace $0x9FFFFFFF  }
0xc3: {  	(tm) =	ssettm $0x7FFFFFFF  }
tec
execute0_lowered:
.L_overlay_start_1:
0x0: {  	(tag) =	ssettag $0x1  }
0x1: {  	s5 =	rddreg [dreg:$0x0]  }
0x2: {  	s7 =	rddreg [dreg:$0x1]  }
0x3: {  	s0 =	srdreg.scid;
	s2 =	rddreg [dreg:$0x2]  }
0x4: {  	s3 =	simm.s32 $0x0;
	s4 =	sand.u32 $0x1, s0;
	s0 =	stileid.u32  }
0x5: {  	s14 =	simm.s32 $0x1;
	s15 =	simm.s32 $0x0;
	s8 =	smul.u32 $0x2700, s0  }
0x6: {  	[smem:$0x7FF] =	sst s3;
	s1 =	sshll.u32 s4, $0x4;
	s10 =	smul.u32 $0x4E000, s0  }
0x7: {  	s9 =	ssub.s32 $0x2, s4;
	s12 =	smul.u32 $0x27000, s4;
	s4 =	sadd.s32 $0xCC00, s5  }
0x8: {  	s31 =	sshll.u32 s0, $0x6;
	s6 =	sor.u32 s0, s1;
	s1 =	rddreg [dreg:$0x3]  }
0x9: {  	_ =	strace $0x80000047;
	s11 =	sshrl.u32 s9, $0x1;
	s6 =	smul.u32 $0x500, s6  }
0xa: {  	s13 =	sadd.s32 s8, s5;
	s9 =	ssub.s32 s9, s11;
	s29 =	sshrl.u32 s10, $0x2  }
0xb: {  	s8 =	sadd.s32 s8, s12;
	s10 =	simm.s32 $0x2800;
	s11 =	sor.u32 $0x1C02, s31  }
0xc: {  	s30 =	sadd.s32 s29, s2;
	s7 =	sadd.s32 s7, s8;
	s8 =	smax.u32 s9, $0x1  }
0xd: {  	s9 =	simm.s32 $0x2;
	s6 =	sadd.s32 s6, s5;
	s12 =	sshrl.u32 s30, $0x3  }
0xe: {  	s5 =	sadd.s32 $0x2C00, s6;
	s6 =	sadd.s32 $0xD400, s13;
	s13 =	simm.s32 $0x80  }
.LBB2_1:
0xf: {  	[tilespmem:s3], [sflag:$0x2] =	stream.linear.gather [hbm4b:s5+s3], $0x2700, $0x38;
	[tilespmem:$0x1A000] =	vst v63  }
0x10: {  	_ =	swait.ge [sflag:s9], $0x2700  }
0x11: {  	[sflag:s9] =	ssyncset.done $0x0  }
0x12: {  	[sflag:s9] =	ssyncadd.s32 $0xFFFFD900  }
0x13: {  	[tilespmem:s10], [sflag:$0x2] =	stream.linear.gather [hbm4b:s4+s3], $0x4000, $0x38;
	[tilespmem:$0x1A000] =	vst v63  }
0x14: {  	_ =	swait.ge [sflag:s9], $0x4000  }
0x15: {  	[sflag:s9] =	ssyncset.done $0x0  }
0x16: {  	[sflag:s9] =	ssyncadd.s32 $0xFFFFC000  }
0x17: {  	[spmem:s12], [sflag:s11] =	dma.local [hbm:s6], $0x2700  }
0x18: {  	_ =	swait.ge [sflag:s9], $0x2700  }
0x19: {  	[sflag:s9] =	ssyncset.done $0x0  }
0x1a: {  	p0 =	por $0x1, $0x1;
	[sflag:s9] =	ssyncadd.s32 $0xFFFFD900  }
0x1b: {  	s18 =	simm.s32 @!p0 $0x1;
	[bflag:$0x0] =	sbarrier.arrive $0xFFFF  }
0x1c: {  	[spmem:s2] =	stream.indirect.scatter.add.f32 [tilespmem:s10], [sflag:$0x1], $0x80, s3, s13, $0xb8;
	[tilespmem:$0x1A000] =	vst v63  }
0x1d: {  	_ =	swait.ge @!p0 [sflag:s18], $0x4000  }
0x1e: {  	s16 =	simm.s32 $0x1;
	s17 =	simm.s32 $0x0;
	[sflag:s18] =	ssyncset.done @!p0 $0x0  }
.LBB2_2:
0x1f: {  	[sflag:s18] =	ssyncadd.s32 @!p0 $0xFFFFC000  }
0x20: {  	s17 =	sadd.s32 $0x80, s17;
	s18 =	smov.u32 s16;
	s16 =	sadd.s32 $0x1, s16  }
0x21: {  	p1 =	sne.s32 s16, $0x4E  }
0x22: {  	[spmem:s2] =	stream.indirect.scatter.add.f32 [tilespmem:s10], [sflag:$0x1], $0x80, s17, s13, $0xb8;
	[tilespmem:$0x1A000] =	vst v63  }
.Ltmp0:
0x23: {  	_ = 	snop;
	(pc) =	sbr.rel @p1 .LBB2_2-.Ltmp0, $4  }
0x24: {  	p0 =	slt.u32 s18, $0x8  }
0x25: {  	s18 =	simm.s32 @!p0 $0x1  }
0x26: {  	_ =	swait.ge @!p0 [sflag:s18], $0x4000  }
0x27: {  	[sflag:s18] =	ssyncset.done @!p0 $0x0  }
0x28: {  	[sflag:s18] =	ssyncadd.s32 @!p0 $0xFFFFC000  }
0x29: {  	_ =	swait.ge [sflag:s14], $0x4000  }
0x2a: {  	[sflag:s14] =	ssyncset.done $0x0  }
0x2b: {  	[sflag:s14] =	ssyncadd.s32 $0xFFFFC000  }
0x2c: {  	_ =	swait.ge [sflag:s14], $0x4000  }
0x2d: {  	[sflag:s14] =	ssyncset.done $0x0  }
0x2e: {  	[sflag:s14] =	ssyncadd.s32 $0xFFFFC000  }
0x2f: {  	_ =	swait.ge [sflag:s14], $0x4000  }
0x30: {  	[sflag:s14] =	ssyncset.done $0x0  }
0x31: {  	[sflag:s14] =	ssyncadd.s32 $0xFFFFC000  }
0x32: {  	_ =	swait.ge [sflag:s14], $0x4000  }
0x33: {  	[sflag:s14] =	ssyncset.done $0x0  }
0x34: {  	[sflag:s14] =	ssyncadd.s32 $0xFFFFC000  }
0x35: {  	_ =	swait.ge [sflag:s14], $0x4000  }
0x36: {  	[sflag:s14] =	ssyncset.done $0x0  }
0x37: {  	[sflag:s14] =	ssyncadd.s32 $0xFFFFC000  }
0x38: {  	_ =	swait.ge [sflag:s14], $0x4000  }
0x39: {  	[sflag:s14] =	ssyncset.done $0x0  }
0x3a: {  	[sflag:s14] =	ssyncadd.s32 $0xFFFFC000  }
0x3b: {  	_ =	swait.ge [sflag:s14], $0x4000  }
0x3c: {  	[sflag:s14] =	ssyncset.done $0x0  }
0x3d: {  	[sflag:s14] =	ssyncadd.s32 $0xFFFFC000  }
0x3e: {  	_ =	swait.ge [sflag:s14], $0x4000  }
0x3f: {  	s15 =	sadd.s32 $0x1, s15;
	[sflag:s14] =	ssyncset.done $0x0  }
0x40: {  	p0 =	sne.s32 s15, s8;
	[sflag:s14] =	ssyncadd.s32 $0xFFFFC000  }
.Ltmp1:
0x41: {  	[bflag:$0x0] =	sbarrier.arrive $0xFFFF;
	(pc) =	sbr.rel @p0 .LBB2_1-.Ltmp1, $4  }
0x42: {  	[hbm:s7], [sflag:s11] =	dma.local [spmem:s12], $0x2700  }
0x43: {  	_ =	swait.ge [sflag:s9], $0x2700  }
0x44: {  	[sflag:s9] =	ssyncset.done $0x0  }
0x45: {  	[sflag:s9] =	ssyncadd.s32 $0xFFFFD900  }
0x46: {  	_ =	sfence.sel $0x180000  }
0x47: {  	[bflag:$0x0] =	sbarrier.arrive $0xFFFF  }
0x48: {  	p0 =	sne.s32 s0, $0x0;
	_ =	strace $0x90000047  }
0x49: {  	s0 =	sadd.s32 @!p0 $0x100000, s1;
	[bflag:$0x2] =	sbarrier.arrive $0xFFFF  }
0x4a: {  	[sflag:s0] =	ssyncadd.tile.s32 @!p0 $0x1;
	_ =	shalt  }
.Lfunc_end2:
_tile_overlayer_lowered:
.L_overlay_start_2:
0x4b: {  	(tag) =	ssettag $0x2  }
0x4c: {  	s0 =	rddreg [dreg:$0x0];
	s2 =	stileid.u32  }
0x4d: {  	s1 =	rddreg [dreg:$0x1];
	p0 =	sne.s32 s2, $0x0  }
0x4e: {  	s3 =	rddreg [dreg:$0x2];
	[bflag:$0x3] =	sbarrier.arrive $0xFFFF;
	s2 =	simm.s32 @!p0 $0x1C02  }
0x4f: {  	[timem:s3], [sflag:s2] =	dma.local @!p0 [hbm:s0], s1  }
0x50: {  	s0 =	simm.s32 @!p0 $0x2  }
0x51: {  	_ =	swait.ge @!p0 [sflag:s0], s1  }
0x52: {  	s1 =	ssub.s32 @!p0 $0x0, s1;
	[sflag:s0] =	ssyncset.done @!p0 $0x0  }
0x53: {  	[sflag:s0] =	ssyncadd.s32 @!p0 s1  }
0x54: {  	[bflag:$0x3] =	sbarrier.arrive $0xFFFF  }
0x55: {  	_ =	shalt  }

// kernel: kernel.13.cloned.1.call-start
scs
__scs_entry_jumppad:
0x0: {  	(pc) =	sbr.rel $0x88, $3  }
0x1: {  	(tag) =	ssettag $0x0;
	lr =	simm.s32 $0x1  }
0x2: {  	[smem:$0x3F96] =	sst lr;
	_ =	strace $0xD0000000  }
0x3: {  	_ = 	snop  }
0x4: {  	_ = 	snop  }
0x5: {  	_ = 	snop  }
0x6: {  	_ = 	snop  }
0x7: {  	_ = 	snop  }
__scs_overlays_trampoline_lowered:
0x8: {  	[smem:$0x3FA5] =	sst s0  }
0x9: {  	[smem:$0x3FA6] =	sst s1  }
0xa: {  	[smem:$0x3FA7] =	sst s2  }
0xb: {  	[smem:$0x3FA8] =	sst s3  }
0xc: {  	[smem:$0x3FA9] =	sst s4  }
0xd: {  	[smem:$0x3FAA] =	sst s5  }
0xe: {  	[smem:$0x3FAB] =	sst s6  }
0xf: {  	[smem:$0x3FAC] =	sst s7  }
0x10: {  	[smem:$0x3FAD] =	sst s8  }
0x11: {  	[smem:$0x3FAE] =	sst s9;
	s0 =	simm.s32 @!p0 $0x0  }
0x12: {  	s1 =	sld [smem:$0x3F94];
	s0 =	simm.s32 @p0 $0x1  }
0x13: {  	[smem:$0x3FAF] =	sst s0;
	s0 =	simm.s32 @!p1 $0x0  }
0x14: {  	s2 =	sld [smem:$0x3F93];
	s0 =	simm.s32 @p1 $0x1  }
0x15: {  	[smem:$0x3FB0] =	sst s0;
	s0 =	simm.s32 @!p2 $0x0  }
0x16: {  	s3 =	sld [smem:$0x3FDB];
	s0 =	simm.s32 @p2 $0x1  }
0x17: {  	s4 =	simm.s32 $0x1BF5;
	[smem:$0x3FB2] =	sst s0  }
0x18: {  	s0 =	sld [smem:$0x3F95];
	_ =	swait.ge [sflag:s4], $0x0  }
0x19: {  	s7 =	sld [smem:$0x3F96]  }
0x1a: {  	s8 =	sadd.s32 $0xFFFFE003, lr  }
0x1b: {  	s9 =	sadd.s32 $0xFFFFFEF7, lr;
	s5 =	simm.s32 $0xFFFFFFFF;
	p2 =	slt.u32 s8, $0xFFFFF086  }
0x1c: {  	p1 =	slt.u32 s9, $0xF7A;
	s5 =	simm.s32 @!p2 $0x0  }
0x1d: {  	s5 =	simm.s32 @p1 $0x1;
	p0 =	seq.s32 s7, s2  }
0x1e: {  	s7 =	smul.u32 @!p0 $0xF7A, s2;
	p2 =	seq.s32 @!p0 s5, $0x0  }
0x1f: {  	s9 =	smul.u32 $0xF7A, s1;
	s8 =	simm.s32 @!p0 $0x1BF5;
	p2 =	por !p2, p0  }
0x20: {  	[sflag:s8] =	ssyncset.s32 @!p0 $0xFFFFF086;
	s6 =	sadd.s32 @!p0 s3, s7;
	s7 =	simm.s32 @!p0 $0x108  }
0x21: {  	s3 =	sadd.s32 s3, s9;
	s6 =	sadd.s32 @!p0 $0x88, s6;
	s7 =	simm.s32 @p2 $0x1082  }
0x22: {  	[simem:s7], [sflag:s8] =	dma.local @!p0 [hbm:s6], $0xF7A  }
0x23: {  	s9 =	sor.u32 $0xD0000000, s2;
	s6 =	simm.s32 $0x108;
	_ =	swait.ge @!p0 [sflag:s8], $0x0  }
0x24: {  	s3 =	sadd.s32 $0x88, s3;
	s6 =	simm.s32 @!p1 $0x1082;
	[sflag:s4] =	ssyncset.s32 $0xFFFFF086  }
0x25: {  	[simem:s6], [sflag:s4] =	dma.local [hbm:s3], $0xF7A  }
0x26: {  	[smem:$0x3F96] =	sst s1;
	(tag) =	ssettag s2;
	_ =	strace s9  }
0x27: {  	s1 =	sld [smem:$0x3FA6]  }
0x28: {  	s2 =	sld [smem:$0x3FA7]  }
0x29: {  	s4 =	sld [smem:$0x3FA9]  }
0x2a: {  	p0 =	seq.s32 s5, $0x0;
	s5 =	sld [smem:$0x3FAA]  }
0x2b: {  	s6 =	sld [smem:$0x3FAB]  }
0x2c: {  	s7 =	sld [smem:$0x3FAC]  }
0x2d: {  	s3 =	simm.s32 $0x108;
	s8 =	sld [smem:$0x3FAD]  }
0x2e: {  	s3 =	simm.s32 @!p0 $0x1082;
	s9 =	sld [smem:$0x3FAE]  }
0x2f: {  	lr =	sadd.s32 s0, s3;
	s0 =	sld [smem:$0x3FA5]  }
0x30: {  	s3 =	sld [smem:$0x3FA8]  }
0x31: {  	[smem:$0x3FB1] =	sst s10  }
0x32: {  	s10 =	sld [smem:$0x3FAF];
	_ =	sdelay $0x3  }
0x33: {  	p0 =	seq.s32 s10, $0x1;
	s10 =	sld [smem:$0x3FB1];
	_ =	sdelay $0x3  }
0x34: {  	[smem:$0x3FB1] =	sst s10  }
0x35: {  	s10 =	sld [smem:$0x3FB0];
	_ =	sdelay $0x3  }
0x36: {  	p1 =	seq.s32 s10, $0x1;
	s10 =	sld [smem:$0x3FB1];
	_ =	sdelay $0x3  }
0x37: {  	[smem:$0x3FB1] =	sst s10  }
0x38: {  	s10 =	sld [smem:$0x3FB2]  }
0x39: {  	_ = 	snop;
	(pc) =	sbr.ind lr, $3  }
0x3a: {  	_ = 	snop  }
0x3b: {  	_ = 	snop  }
0x3c: {  	p2 =	seq.s32 s10, $0x1;
	s10 =	sld [smem:$0x3FB1]  }
0x3d: {  	_ =	shalt  }
0x3e: {  	_ =	shalt  }
0x3f: {  	_ =	shalt  }
0x40: {  	_ =	shalt  }
0x41: {  	_ =	shalt  }
0x42: {  	_ =	shalt  }
0x43: {  	_ =	shalt  }
0x44: {  	_ =	shalt  }
0x45: {  	_ =	shalt  }
0x46: {  	_ =	shalt  }
0x47: {  	_ =	shalt  }
0x48: {  	_ =	shalt  }
0x49: {  	_ =	shalt  }
0x4a: {  	_ =	shalt  }
0x4b: {  	_ =	shalt  }
0x4c: {  	_ =	shalt  }
0x4d: {  	_ =	shalt  }
0x4e: {  	_ =	shalt  }
0x4f: {  	_ =	shalt  }
0x50: {  	_ =	shalt  }
0x51: {  	_ =	shalt  }
0x52: {  	_ =	shalt  }
0x53: {  	_ =	shalt  }
0x54: {  	_ =	shalt  }
0x55: {  	_ =	shalt  }
0x56: {  	_ =	shalt  }
0x57: {  	_ =	shalt  }
0x58: {  	_ =	shalt  }
0x59: {  	_ =	shalt  }
0x5a: {  	_ =	shalt  }
0x5b: {  	_ =	shalt  }
0x5c: {  	_ =	shalt  }
0x5d: {  	_ =	shalt  }
0x5e: {  	_ =	shalt  }
0x5f: {  	_ =	shalt  }
0x60: {  	_ =	shalt  }
0x61: {  	_ =	shalt  }
0x62: {  	_ =	shalt  }
0x63: {  	_ =	shalt  }
0x64: {  	_ =	shalt  }
0x65: {  	_ =	shalt  }
0x66: {  	_ =	shalt  }
0x67: {  	_ =	shalt  }
0x68: {  	_ =	shalt  }
0x69: {  	_ =	shalt  }
0x6a: {  	_ =	shalt  }
0x6b: {  	_ =	shalt  }
0x6c: {  	_ =	shalt  }
0x6d: {  	_ =	shalt  }
0x6e: {  	_ =	shalt  }
0x6f: {  	_ =	shalt  }
0x70: {  	_ =	shalt  }
0x71: {  	_ =	shalt  }
0x72: {  	_ =	shalt  }
0x73: {  	_ =	shalt  }
0x74: {  	_ =	shalt  }
0x75: {  	_ =	shalt  }
0x76: {  	_ =	shalt  }
0x77: {  	_ =	shalt  }
0x78: {  	_ =	shalt  }
0x79: {  	_ =	shalt  }
0x7a: {  	_ =	shalt  }
0x7b: {  	_ =	shalt  }
0x7c: {  	_ =	shalt  }
0x7d: {  	_ =	shalt  }
0x7e: {  	_ =	shalt  }
0x7f: {  	_ =	shalt  }
0x80: {  	_ =	shalt  }
0x81: {  	_ =	shalt  }
0x82: {  	_ =	shalt  }
0x83: {  	_ =	shalt  }
0x84: {  	_ =	shalt  }
0x85: {  	_ =	shalt  }
0x86: {  	_ =	shalt  }
0x87: {  	_ =	shalt  }
.Lfunc_end0:
.L_simem_size_0:
called_computation.1_lowered:
.L_overlay_start_0:
0x88: {  	s2 =	sld [smem:$0x3FD9]  }
0x89: {  	s3 =	sld [smem:$0x3FFE];
	_ =	sdelay $0x1  }
0x8a: {  	s1 =	srdreg.scid  }
0x8b: {  	s0 =	sand.u32 $0x1, s1  }
0x8c: {  	s17 =	sshll.u32 s0, $0xA;
	s2 =	sadd.s32 s3, s2  }
0x8d: {  	s2 =	sadd.s32 s2, s17  }
0x8e: {  	[smem:$0x3FBD] =	sst s2  }
0x8f: {  	_ = 	snop  }
0x90: {  	s2 =	sld [smem:$0x3FD0];
	(tm) =	ssettm $0x1  }
0x91: {  	s18 =	sld [smem:$0x3FFB];
	_ =	sdelay $0x3  }
0x92: {  	_ =	strace s18  }
0x93: {  	s3 =	sld [smem:$0x3FFC];
	_ =	sdelay $0x3  }
0x94: {  	_ =	strace s3  }
0x95: {  	s3 =	sld [smem:$0x3FFD];
	_ =	sdelay $0x3  }
0x96: {  	_ =	strace s3  }
0x97: {  	_ =	strace $0x8FFFFFFF  }
0x98: {  	s19 =	sld [smem:$0x3FDB];
	_ =	sdelay $0x1  }
0x99: {  	s4 =	simm.s32 $_scs_section_size  }
0x9a: {  	s5 =	simm.s32 $_size__tile_overlayer_lowered;
	s6 =	simm.s32 $_tile_overlayer_lowered  }
0x9b: {  	s22 =	simm.s32 $0x1BFF;
	s21 =	sshll.u32 s6, $0x1;
	s3 =	sadd.s32 s4, s19  }
0x9c: {  	s7 =	simm.s32 $0x0;
	s20 =	sshll.u32 s5, $0x1;
	s5 =	sadd.s32 s21, s3  }
0x9d: {  	[timem:s7], [sflag:s22] =	dma.local [hbm:s5], s20  }
0x9e: {  	_ =	swait.ge [sflag:s22], s20  }
0x9f: {  	s4 =	ssub.s32 $0x0, s20;
	[sflag:s22] =	ssyncset.done $0x0  }
0xa0: {  	[sflag:s22] =	ssyncadd.s32 s4;
	_ =	sdelay $0x1  }
0xa1: {  	s23 =	simm.s32 $0x1B8B  }
0xa2: {  	_ =	swait.ge [sflag:s23], $0x1  }
0xa3: {  	[sflag:s23] =	ssyncset.done $0x0  }
0xa4: {  	s25 =	simm.s32 $0x1B8E;
	s24 =	sld [smem:$0x3FFE];
	[sflag:s23] =	ssyncadd.s32 $0xFFFFFFFF  }
0xa5: {  	s26 =	simm.s32 $execute0_lowered;
	[smem:$0x3FD2] =	sst s25  }
0xa6: {  	s5 =	sshll.u32 s26, $0x1;
	_ =	strace $0x80000049;
	[dreg:$0x1] =	wrdreg $0xFFFFFFFF  }
0xa7: {  	s28 =	simm.s32 $_size_execute0_lowered;
	s3 =	sadd.s32 s3, s5;
	[dreg:$0x0] =	wrdreg $0x0  }
0xa8: {  	s5 =	sshll.u32 s28, $0x1;
	[dreg:$0x2] =	wrdreg s3  }
0xa9: {  	[dreg:$0x3] =	wrdreg s5  }
0xaa: {  	[dreg:$0x4] =	wrdreg $0xC0  }
0xab: {  	_ =	task [dreg:s7], $0x5FFFF  }
0xac: {  	[dreg:$0x1] =	wrdreg $0xFFFFFFFF  }
0xad: {  	[dreg:$0x0] =	wrdreg $0x60  }
0xae: {  	[dreg:$0x2] =	wrdreg s2  }
0xaf: {  	[dreg:$0x3] =	wrdreg s24  }
0xb0: {  	[dreg:$0x4] =	wrdreg $0xB4000  }
0xb1: {  	[dreg:$0x5] =	wrdreg $0x9  }
0xb2: {  	_ =	task.clear_ibuf [dreg:s7], $0x6FFFF;
	_ =	strace $0x90000049  }
0xb3: {  	s29 =	simm.s32 $0x9;
	_ =	strace $0x8000004B  }
0xb4: {  	_ =	swait.ge [sflag:s29], $0x1  }
0xb5: {  	[sflag:s29] =	ssyncadd.s32 $0xFFFFFFFF  }
0xb6: {  	_ =	strace $0x9000004B  }
0xb7: {  	_ =	sfence  }
0xb8: {  	s30 =	sld [smem:$0x0];
	_ =	sdelay $0x2  }
0xb9: {  	s31 =	sshll.u32 s1, $0xD;
	s1 =	sshrl.u32 s1, $0x2  }
0xba: {  	s3 =	sand.u32 $0x4000, s31;
	s1 =	sadd.s32 s1, s30  }
0xbb: {  	s0 =	sor.u32 s3, s0;
	s1 =	sshll.u32 s1, $0x11  }
0xbc: {  	s0 =	sor.u32 s1, s0  }
0xbd: {  	s0 =	sadd.s32 $0x8F2B, s0  }
0xbe: {  	[sflag:s0] =	ssyncadd.remote.s32 $0x1  }
0xbf: {  	_ =	sfence.sel $0xFFFF  }
0xc0: {  	[dreg:$0x0] =	wrdreg $0xFFFFFFFF;
	(pc) =	sbr.abs _section_cstart, $3  }
0xc1: {  	[dreg:$0x1] =	wrdreg $0xFFFFFFFF  }
0xc2: {  	_ =	task.clear_ibuf [dreg:s7], $0x2FFFF;
	_ =	strace $0x9FFFFFFF  }
0xc3: {  	(tm) =	ssettm $0x7FFFFFFF  }
tec
execute0_lowered:
.L_overlay_start_1:
0x0: {  	(tag) =	ssettag $0x1  }
0x1: {  	s0 =	rddreg [dreg:$0x0]  }
0x2: {  	s1 =	rddreg [dreg:$0x1];
	s2 =	srdreg.scid  }
0x3: {  	s3 =	rddreg [dreg:$0x2];
	s13 =	stileid.u32;
	s4 =	simm.s32 $0x0  }
0x4: {  	s19 =	simm.s32 $0x68;
	s20 =	simm.s32 $0x1800;
	s28 =	simm.s32 $0x3  }
0x5: {  	s29 =	simm.s32 $0x5;
	s30 =	simm.s32 $0x6;
	s31 =	simm.s32 $0x0  }
0x6: {  	s2 =	sand.u32 $0x1, s2;
	s6 =	smul.u32 $0x270, s13;
	[smem:$0x7FF] =	sst s4  }
0x7: {  	s7 =	smul.u32 $0x4E000, s13;
	s11 =	sadd.s32 $0x34400, s1;
	s9 =	sshll.u32 s13, $0x10  }
0x8: {  	s23 =	sshll.u32 s13, $0x6;
	s13 =	simm.s32 $0x8;
	s5 =	smul.u32 $0x2700, s2  }
0x9: {  	_ =	strace $0x8000004A;
	s22 =	ssub.s32 $0x2, s2;
	s2 =	sshll.u32 s2, $0x14  }
0xa: {  	s8 =	sshrl.u32 s22, $0x1;
	s7 =	sshrl.u32 s7, $0x2;
	s2 =	sor.u32 s9, s2  }
0xb: {  	s5 =	sadd.s32 s6, s5;
	s10 =	ssub.s32 s22, s8;
	s12 =	sadd.s32 s7, s3  }
0xc: {  	s24 =	sshrl.u32 s2, $0x3;
	s6 =	sor.u32 $0x1C08, s23;
	s2 =	sor.u32 $0x1000, s2  }
0xd: {  	s22 =	simm.s32 $0x4C00;
	s23 =	simm.s32 $0x1;
	s5 =	sshll.u32 s5, $0x4  }
0xe: {  	s7 =	sadd.s32 s11, s24;
	s25 =	sshrl.u32 s2, $0x3;
	s26 =	smax.u32 s10, $0x1  }
.Ltmp0:
0xf: {  	s12 =	sshrl.u32 s12, $0x3;
	s24 =	simm.s32 $0x8000;
	(pc) =	sbr.rel .LBB2_1-.Ltmp0, $4  }
0x10: {  	s1 =	sadd.s32 s5, s1;
	s5 =	sadd.s32 s0, s5;
	s8 =	sadd.s32 $0x100, s7  }
0x11: {  	[dreg:$0x6] =	wrdreg s26;
	s16 =	sadd.s32 s25, s11;
	s14 =	sadd.s32 $0x80, s7  }
0x12: {  	s25 =	simm.s32 $0x2;
	[dreg:$0x4] =	wrdreg s5;
	s1 =	sadd.s32 $0x74400, s1  }
0x13: {  	s26 =	simm.s32 $0x4;
	s17 =	sadd.s32 $0x80, s8;
	[dreg:$0x5] =	wrdreg s1  }
.LBB2_3:
0x14: {  	s1 =	sadd.s32 $0x600, s21  }
0x15: {  	[spmem:s3] =	stream.indirect.scatter.add.f32 [tilespmem:s22], [sflag:$0x5], $0x80, s1, s19, $0xb8;
	[tilespmem:$0x1EC00] =	vst v63  }
0x16: {  	_ =	swait.ge [sflag:s28], $0x3400  }
0x17: {  	[sflag:s28] =	ssyncset.done $0x0  }
0x18: {  	[sflag:s28] =	ssyncadd.s32 $0xFFFFCC00  }
0x19: {  	_ =	swait.ge [sflag:s29], $0x3400  }
0x1a: {  	[sflag:s29] =	ssyncset.done $0x0  }
0x1b: {  	s21 =	sadd.s32 $0x680, s21;
	[sflag:s29] =	ssyncadd.s32 $0xFFFFCC00  }
0x1c: {  	[spmem:s3] =	stream.indirect.scatter.add.f32 [tilespmem:s24], [sflag:$0x6], $0x80, s21, s19, $0xb8;
	[tilespmem:$0x1EC00] =	vst v63  }
.LBB2_5:
0x1d: {  	_ =	swait.ge [sflag:s30], $0x3400  }
0x1e: {  	[sflag:s30] =	ssyncset.done $0x0  }
0x1f: {  	[sflag:s30] =	ssyncadd.s32 $0xFFFFCC00  }
0x20: {  	[bflag:$0x0] =	sbarrier.arrive $0xFFFF  }
0x21: {  	s1 =	rddreg [dreg:$0x5]  }
0x22: {  	[hbm:s1], [sflag:s6] =	dma.local [spmem:s12], $0x2700  }
0x23: {  	_ =	swait.ge [sflag:s13], $0x2700  }
0x24: {  	s31 =	sadd.s32 $0x1, s31;
	s21 =	rddreg [dreg:$0x6]  }
0x25: {  	p0 =	sne.s32 s31, s21  }
.Ltmp1:
0x26: {  	_ = 	snop;
	(pc) =	sbr.rel @!p0 .LBB2_6-.Ltmp1, $3  }
0x27: {  	_ =	sdelay $0x1  }
0x28: {  	[sflag:s13] =	ssyncset.done $0x0  }
0x29: {  	[sflag:s13] =	ssyncadd.s32 $0xFFFFD900  }
.LBB2_1:
0x2a: {  	s1 =	rddreg [dreg:$0x4]  }
0x2b: {  	[spmem:s12], [sflag:s6] =	dma.local [hbm:s1], $0x2700  }
0x2c: {  	_ =	swait.ge [sflag:s13], $0x2700  }
0x2d: {  	[sflag:s13] =	ssyncset.done $0x0  }
0x2e: {  	[sflag:s13] =	ssyncadd.s32 $0xFFFFD900  }
0x2f: {  	[bflag:$0x0] =	sbarrier.arrive $0xFFFF  }
0x30: {  	[tilespmem:s4], [sflag:$0x8] =	stream.linear.gather [hbm4b:s7+s4], $0x300, $0x38;
	[tilespmem:$0x1EC00] =	vst v63  }
0x31: {  	s11 =	simm.s32 $0x400  }
0x32: {  	[tilespmem:s11], [sflag:$0x8] =	stream.linear.gather [hbm4b:s14+s4], $0x300, $0x38;
	[tilespmem:$0x1EC00] =	vst v63  }
0x33: {  	_ =	swait.ge [sflag:s13], $0x600  }
0x34: {  	[sflag:s13] =	ssyncset.done $0x0  }
0x35: {  	s15 =	simm.s32 $0x800;
	[sflag:s13] =	ssyncadd.s32 $0xFFFFFA00  }
0x36: {  	[tilespmem:s15], [sflag:$0x7] =	stream.linear.gather [hbm4b:s8+s4], $0x300, $0x38;
	[tilespmem:$0x1EC00] =	vst v63  }
0x37: {  	s18 =	simm.s32 $0xC00  }
0x38: {  	[tilespmem:s18], [sflag:$0x7] =	stream.linear.gather [hbm4b:s17+s4], $0x300, $0x38;
	[tilespmem:$0x1EC00] =	vst v63  }
0x39: {  	s21 =	simm.s32 $0x80;
	s2 =	simm.s32 $0x0;
	s1 =	simm.s32 $0x1  }
0x3a: {  	[tilespmem:s20], [sflag:$0x1] =	stream.indirect.gather [hbm4b:s0+s19], $0x80, s4, s19, $0xb8;
	[tilespmem:$0x1EC00] =	vst v63  }
0x3b: {  	s11 =	smov.u32 s16;
	s15 =	simm.s32 $0x2;
	s18 =	simm.s32 $0x0  }
0x3c: {  	[tilespmem:s22], [sflag:$0x2] =	stream.indirect.gather [hbm4b:s0+s19], $0x80, s21, s19, $0xb8;
	[tilespmem:$0x1EC00] =	vst v63  }
.LBB2_2:
0x3d: {  	s5 =	sadd.s32 $0xFFFFFFFE, s15;
	p1 =	seq.s32 s2, $0x3E000  }
0x3e: {  	p0 =	sgt.u32 @!p1 s5, $0x1D  }
0x3f: {  	p0 =	por p0, p1  }
0x40: {  	s5 =	smul.u32 @!p0 $0xAB, s15;
	_ =	sdelay $0x1  }
0x41: {  	s5 =	sshrl.u32 @!p0 s5, $0x9  }
0x42: {  	s5 =	sand.u32 @!p0 $0x7F, s5  }
0x43: {  	s5 =	smul.u32 @!p0 $0x3, s5  }
0x44: {  	s21 =	simm.s32 @!p1 $0x7  }
0x45: {  	_ =	swait.ge @!p1 [sflag:s21], $0x600;
	s5 =	ssub.s32 @!p0 s15, s5  }
0x46: {  	[sflag:s21] =	ssyncset.done @!p1 $0x0;
	s5 =	sand.u32 @!p0 $0xFF, s5  }
0x47: {  	[sflag:s21] =	ssyncadd.s32 @!p1 $0xFFFFFA00;
	s21 =	simm.s32 @!p0 $0x0;
	s5 =	sshll.u32 @!p0 s5, $0xB  }
0x48: {  	[tilespmem:s5], [sflag:$0x7] =	stream.linear.gather @!p0 [hbm4b:s11+s21], $0x300, $0x38;
	[tilespmem:$0x1EC00] =	vst v63  }
0x49: {  	s9 =	smulhi.u32 $0xAAAAAAAB, s18;
	s10 =	sadd.s32 @!p0 $0x80, s11;
	s5 =	sor.u32 @!p0 $0x400, s5  }
0x4a: {  	[tilespmem:s5], [sflag:$0x7] =	stream.linear.gather @!p0 [hbm4b:s10+s21], $0x300, $0x38;
	[tilespmem:$0x1EC00] =	vst v63  }
0x4b: {  	s10 =	sshrl.u32 s9, $0x1;
	_ =	swait.ge [sflag:s23], $0x3400  }
0x4c: {  	p0 =	seq.s32 s2, $0x0;
	s5 =	smul.u32 $0xFFFFA000, s10;
	[sflag:s23] =	ssyncset.done $0x0  }
0x4d: {  	s9 =	simm.s32 @!p0 $0x6;
	[sflag:s23] =	ssyncadd.s32 $0xFFFFCC00  }
0x4e: {  	s21 =	sshra.s32 s5, $0x2;
	s5 =	sshra.s32 s2, $0x2;
	_ =	swait.ge @!p0 [sflag:s9], $0x3400  }
0x4f: {  	s21 =	sadd.s32 s5, s21;
	[sflag:s9] =	ssyncset.done @!p0 $0x0  }
0x50: {  	s10 =	sadd.s32 $0x100, s21;
	[sflag:s9] =	ssyncadd.s32 @!p0 $0xFFFFCC00  }
0x51: {  	[tilespmem:s24], [sflag:$0x3] =	stream.indirect.gather [hbm4b:s0+s19], $0x80, s10, s19, $0xb8;
	[tilespmem:$0x1EC00] =	vst v63  }
0x52: {  	s10 =	sadd.s32 $0x400, s21  }
0x53: {  	[spmem:s3] =	stream.indirect.scatter.add.f32 [tilespmem:s20], [sflag:$0x4], $0x80, s10, s19, $0xb8;
	[tilespmem:$0x1EC00] =	vst v63  }
0x54: {  	_ =	swait.ge [sflag:s25], $0x3400  }
0x55: {  	[sflag:s25] =	ssyncset.done $0x0  }
0x56: {  	[sflag:s25] =	ssyncadd.s32 $0xFFFFCC00  }
0x57: {  	_ =	swait.ge [sflag:s26], $0x3400  }
0x58: {  	[sflag:s26] =	ssyncset.done $0x0  }
0x59: {  	s10 =	sadd.s32 $0x180, s21;
	[sflag:s26] =	ssyncadd.s32 $0xFFFFCC00  }
0x5a: {  	[tilespmem:s20], [sflag:$0x1] =	stream.indirect.gather [hbm4b:s0+s19], $0x80, s10, s19, $0xb8;
	[tilespmem:$0x1EC00] =	vst v63  }
0x5b: {  	s10 =	sadd.s32 $0x480, s21  }
0x5c: {  	[spmem:s3] =	stream.indirect.scatter.add.f32 [tilespmem:s22], [sflag:$0x5], $0x80, s10, s19, $0xb8;
	[tilespmem:$0x1EC00] =	vst v63  }
0x5d: {  	_ =	swait.ge [sflag:s28], $0x3400  }
0x5e: {  	[sflag:s28] =	ssyncset.done $0x0  }
0x5f: {  	[sflag:s28] =	ssyncadd.s32 $0xFFFFCC00  }
0x60: {  	_ =	swait.ge [sflag:s29], $0x3400  }
0x61: {  	[sflag:s29] =	ssyncset.done $0x0  }
0x62: {  	s10 =	sadd.s32 $0x200, s21;
	[sflag:s29] =	ssyncadd.s32 $0xFFFFCC00  }
0x63: {  	[tilespmem:s22], [sflag:$0x2] =	stream.indirect.gather [hbm4b:s0+s19], $0x80, s10, s19, $0xb8;
	[tilespmem:$0x1EC00] =	vst v63  }
0x64: {  	s10 =	sadd.s32 $0x500, s21  }
0x65: {  	[spmem:s3] =	stream.indirect.scatter.add.f32 [tilespmem:s24], [sflag:$0x6], $0x80, s10, s19, $0xb8;
	[tilespmem:$0x1EC00] =	vst v63  }
0x66: {  	_ =	swait.ge [sflag:s23], $0x3400  }
0x67: {  	[sflag:s23] =	ssyncset.done $0x0  }
0x68: {  	[sflag:s23] =	ssyncadd.s32 $0xFFFFCC00  }
0x69: {  	_ =	swait.ge [sflag:s30], $0x3400  }
0x6a: {  	[sflag:s30] =	ssyncset.done $0x0  }
0x6b: {  	s10 =	sadd.s32 $0x280, s21;
	[sflag:s30] =	ssyncadd.s32 $0xFFFFCC00  }
0x6c: {  	[tilespmem:s24], [sflag:$0x3] =	stream.indirect.gather [hbm4b:s0+s19], $0x80, s10, s19, $0xb8;
	[tilespmem:$0x1EC00] =	vst v63  }
0x6d: {  	s10 =	sadd.s32 $0x580, s21  }
0x6e: {  	[spmem:s3] =	stream.indirect.scatter.add.f32 [tilespmem:s20], [sflag:$0x4], $0x80, s10, s19, $0xb8;
	[tilespmem:$0x1EC00] =	vst v63  }
0x6f: {  	p0 =	sne.s32 s2, $0x3E000;
	_ =	swait.ge [sflag:s25], $0x3400  }
.Ltmp2:
0x70: {  	[sflag:s25] =	ssyncset.done $0x0;
	(pc) =	sbr.rel @!p0 .LBB2_3-.Ltmp2, $4  }
0x71: {  	[sflag:s25] =	ssyncadd.s32 $0xFFFFCC00  }
0x72: {  	_ =	swait.ge [sflag:s26], $0x3400  }
0x73: {  	[sflag:s26] =	ssyncset.done $0x0  }
0x74: {  	[sflag:s26] =	ssyncadd.s32 $0xFFFFCC00  }
0x75: {  	s9 =	smulhi.u32 $0xAAAAAAAB, s1;
	_ =	sdelay $0x1  }
0x76: {  	s9 =	sshrl.u32 s9, $0x1  }
0x77: {  	s9 =	smul.u32 $0xFFFFA000, s9;
	_ =	sdelay $0x1  }
0x78: {  	s9 =	sshra.s32 s9, $0x2  }
0x79: {  	s5 =	sadd.s32 s5, s9  }
0x7a: {  	s9 =	sadd.s32 $0x800, s5  }
0x7b: {  	[tilespmem:s20], [sflag:$0x1] =	stream.indirect.gather [hbm4b:s0+s19], $0x80, s9, s19, $0xb8;
	[tilespmem:$0x1EC00] =	vst v63  }
0x7c: {  	s10 =	sadd.s32 $0x600, s21  }
0x7d: {  	[spmem:s3] =	stream.indirect.scatter.add.f32 [tilespmem:s22], [sflag:$0x5], $0x80, s10, s19, $0xb8;
	[tilespmem:$0x1EC00] =	vst v63  }
0x7e: {  	_ =	swait.ge [sflag:s28], $0x3400  }
0x7f: {  	[sflag:s28] =	ssyncset.done $0x0  }
0x80: {  	s2 =	sadd.s32 $0x2000, s2;
	[sflag:s28] =	ssyncadd.s32 $0xFFFFCC00  }
0x81: {  	s21 =	sadd.s32 $0x680, s21;
	p0 =	sne.s32 s2, $0x40000;
	_ =	swait.ge [sflag:s29], $0x3400  }
.Ltmp3:
0x82: {  	s11 =	sadd.s32 $0x100, s11;
	[sflag:s29] =	ssyncset.done $0x0;
	(pc) =	sbr.rel @p0 .LBB2_2-.Ltmp3, $4  }
.Ltmp4:
0x83: {  	s5 =	sadd.s32 $0x880, s5;
	[sflag:s29] =	ssyncadd.s32 $0xFFFFCC00;
	(pc) =	sbr.rel @!p0 .LBB2_5-.Ltmp4, $4  }
0x84: {  	[tilespmem:s22], [sflag:$0x2] =	stream.indirect.gather [hbm4b:s0+s19], $0x80, s5, s19, $0xb8;
	[tilespmem:$0x1EC00] =	vst v63  }
0x85: {  	s15 =	sadd.s32 $0x1, s15;
	s1 =	sadd.s32 $0x1, s1;
	s18 =	sadd.s32 $0x1, s18  }
0x86: {  	[spmem:s3] =	stream.indirect.scatter.add.f32 [tilespmem:s24], [sflag:$0x6], $0x80, s21, s19, $0xb8;
	[tilespmem:$0x1EC00] =	vst v63  }
0x87: {  	_ = 	snop  }
.LBB2_6:
0x88: {  	_ =	sfence.sel $0x180000  }
0x89: {  	[bflag:$0x0] =	sbarrier.arrive $0xFFFF  }
0x8a: {  	_ =	strace $0x9000004A  }
0x8b: {  	s0 =	stileid.u32;
	[bflag:$0x2] =	sbarrier.arrive $0xFFFF  }
0x8c: {  	p0 =	sne.s32 s0, $0x0;
	s0 =	rddreg [dreg:$0x3]  }
0x8d: {  	s0 =	sadd.s32 @!p0 $0x100000, s0  }
0x8e: {  	[sflag:s0] =	ssyncadd.tile.s32 @!p0 $0x1;
	_ =	shalt  }
.Lfunc_end2:
_tile_overlayer_lowered:
.L_overlay_start_2:
0x8f: {  	(tag) =	ssettag $0x2  }
0x90: {  	s0 =	rddreg [dreg:$0x0];
	s2 =	stileid.u32  }
0x91: {  	s1 =	rddreg [dreg:$0x1];
	p0 =	sne.s32 s2, $0x0  }
0x92: {  	s3 =	rddreg [dreg:$0x2];
	[bflag:$0x3] =	sbarrier.arrive $0xFFFF;
	s2 =	simm.s32 @!p0 $0x1C08  }
0x93: {  	[timem:s3], [sflag:s2] =	dma.local @!p0 [hbm:s0], s1  }
0x94: {  	s0 =	simm.s32 @!p0 $0x8  }
0x95: {  	_ =	swait.ge @!p0 [sflag:s0], s1  }
0x96: {  	s1 =	ssub.s32 @!p0 $0x0, s1;
	[sflag:s0] =	ssyncset.done @!p0 $0x0  }
0x97: {  	[sflag:s0] =	ssyncadd.s32 @!p0 s1  }
0x98: {  	[bflag:$0x3] =	sbarrier.arrive $0xFFFF  }
0x99: {  	_ =	shalt  }

// kernel: kernel.16.cloned.1.call-start
scs
__scs_entry_jumppad:
0x0: {  	(pc) =	sbr.rel $0x88, $3  }
0x1: {  	(tag) =	ssettag $0x0;
	lr =	simm.s32 $0x1  }
0x2: {  	[smem:$0x3F96] =	sst lr;
	_ =	strace $0xD0000000  }
0x3: {  	_ = 	snop  }
0x4: {  	_ = 	snop  }
0x5: {  	_ = 	snop  }
0x6: {  	_ = 	snop  }
0x7: {  	_ = 	snop  }
__scs_overlays_trampoline_lowered:
0x8: {  	[smem:$0x3FA5] =	sst s0  }
0x9: {  	[smem:$0x3FA6] =	sst s1  }
0xa: {  	[smem:$0x3FA7] =	sst s2  }
0xb: {  	[smem:$0x3FA8] =	sst s3  }
0xc: {  	[smem:$0x3FA9] =	sst s4  }
0xd: {  	[smem:$0x3FAA] =	sst s5  }
0xe: {  	[smem:$0x3FAB] =	sst s6  }
0xf: {  	[smem:$0x3FAC] =	sst s7  }
0x10: {  	[smem:$0x3FAD] =	sst s8  }
0x11: {  	[smem:$0x3FAE] =	sst s9;
	s0 =	simm.s32 @!p0 $0x0  }
0x12: {  	s1 =	sld [smem:$0x3F94];
	s0 =	simm.s32 @p0 $0x1  }
0x13: {  	[smem:$0x3FAF] =	sst s0;
	s0 =	simm.s32 @!p1 $0x0  }
0x14: {  	s2 =	sld [smem:$0x3F93];
	s0 =	simm.s32 @p1 $0x1  }
0x15: {  	[smem:$0x3FB0] =	sst s0;
	s0 =	simm.s32 @!p2 $0x0  }
0x16: {  	s3 =	sld [smem:$0x3FDB];
	s0 =	simm.s32 @p2 $0x1  }
0x17: {  	s4 =	simm.s32 $0x1BF5;
	[smem:$0x3FB2] =	sst s0  }
0x18: {  	s0 =	sld [smem:$0x3F95];
	_ =	swait.ge [sflag:s4], $0x0  }
0x19: {  	s7 =	sld [smem:$0x3F96]  }
0x1a: {  	s8 =	sadd.s32 $0xFFFFE003, lr  }
0x1b: {  	s9 =	sadd.s32 $0xFFFFFEF7, lr;
	s5 =	simm.s32 $0xFFFFFFFF;
	p2 =	slt.u32 s8, $0xFFFFF086  }
0x1c: {  	p1 =	slt.u32 s9, $0xF7A;
	s5 =	simm.s32 @!p2 $0x0  }
0x1d: {  	s5 =	simm.s32 @p1 $0x1;
	p0 =	seq.s32 s7, s2  }
0x1e: {  	s7 =	smul.u32 @!p0 $0xF7A, s2;
	p2 =	seq.s32 @!p0 s5, $0x0  }
0x1f: {  	s9 =	smul.u32 $0xF7A, s1;
	s8 =	simm.s32 @!p0 $0x1BF5;
	p2 =	por !p2, p0  }
0x20: {  	[sflag:s8] =	ssyncset.s32 @!p0 $0xFFFFF086;
	s6 =	sadd.s32 @!p0 s3, s7;
	s7 =	simm.s32 @!p0 $0x108  }
0x21: {  	s3 =	sadd.s32 s3, s9;
	s6 =	sadd.s32 @!p0 $0x88, s6;
	s7 =	simm.s32 @p2 $0x1082  }
0x22: {  	[simem:s7], [sflag:s8] =	dma.local @!p0 [hbm:s6], $0xF7A  }
0x23: {  	s9 =	sor.u32 $0xD0000000, s2;
	s6 =	simm.s32 $0x108;
	_ =	swait.ge @!p0 [sflag:s8], $0x0  }
0x24: {  	s3 =	sadd.s32 $0x88, s3;
	s6 =	simm.s32 @!p1 $0x1082;
	[sflag:s4] =	ssyncset.s32 $0xFFFFF086  }
0x25: {  	[simem:s6], [sflag:s4] =	dma.local [hbm:s3], $0xF7A  }
0x26: {  	[smem:$0x3F96] =	sst s1;
	(tag) =	ssettag s2;
	_ =	strace s9  }
0x27: {  	s1 =	sld [smem:$0x3FA6]  }
0x28: {  	s2 =	sld [smem:$0x3FA7]  }
0x29: {  	s4 =	sld [smem:$0x3FA9]  }
0x2a: {  	p0 =	seq.s32 s5, $0x0;
	s5 =	sld [smem:$0x3FAA]  }
0x2b: {  	s6 =	sld [smem:$0x3FAB]  }
0x2c: {  	s7 =	sld [smem:$0x3FAC]  }
0x2d: {  	s3 =	simm.s32 $0x108;
	s8 =	sld [smem:$0x3FAD]  }
0x2e: {  	s3 =	simm.s32 @!p0 $0x1082;
	s9 =	sld [smem:$0x3FAE]  }
0x2f: {  	lr =	sadd.s32 s0, s3;
	s0 =	sld [smem:$0x3FA5]  }
0x30: {  	s3 =	sld [smem:$0x3FA8]  }
0x31: {  	[smem:$0x3FB1] =	sst s10  }
0x32: {  	s10 =	sld [smem:$0x3FAF];
	_ =	sdelay $0x3  }
0x33: {  	p0 =	seq.s32 s10, $0x1;
	s10 =	sld [smem:$0x3FB1];
	_ =	sdelay $0x3  }
0x34: {  	[smem:$0x3FB1] =	sst s10  }
0x35: {  	s10 =	sld [smem:$0x3FB0];
	_ =	sdelay $0x3  }
0x36: {  	p1 =	seq.s32 s10, $0x1;
	s10 =	sld [smem:$0x3FB1];
	_ =	sdelay $0x3  }
0x37: {  	[smem:$0x3FB1] =	sst s10  }
0x38: {  	s10 =	sld [smem:$0x3FB2]  }
0x39: {  	_ = 	snop;
	(pc) =	sbr.ind lr, $3  }
0x3a: {  	_ = 	snop  }
0x3b: {  	_ = 	snop  }
0x3c: {  	p2 =	seq.s32 s10, $0x1;
	s10 =	sld [smem:$0x3FB1]  }
0x3d: {  	_ =	shalt  }
0x3e: {  	_ =	shalt  }
0x3f: {  	_ =	shalt  }
0x40: {  	_ =	shalt  }
0x41: {  	_ =	shalt  }
0x42: {  	_ =	shalt  }
0x43: {  	_ =	shalt  }
0x44: {  	_ =	shalt  }
0x45: {  	_ =	shalt  }
0x46: {  	_ =	shalt  }
0x47: {  	_ =	shalt  }
0x48: {  	_ =	shalt  }
0x49: {  	_ =	shalt  }
0x4a: {  	_ =	shalt  }
0x4b: {  	_ =	shalt  }
0x4c: {  	_ =	shalt  }
0x4d: {  	_ =	shalt  }
0x4e: {  	_ =	shalt  }
0x4f: {  	_ =	shalt  }
0x50: {  	_ =	shalt  }
0x51: {  	_ =	shalt  }
0x52: {  	_ =	shalt  }
0x53: {  	_ =	shalt  }
0x54: {  	_ =	shalt  }
0x55: {  	_ =	shalt  }
0x56: {  	_ =	shalt  }
0x57: {  	_ =	shalt  }
0x58: {  	_ =	shalt  }
0x59: {  	_ =	shalt  }
0x5a: {  	_ =	shalt  }
0x5b: {  	_ =	shalt  }
0x5c: {  	_ =	shalt  }
0x5d: {  	_ =	shalt  }
0x5e: {  	_ =	shalt  }
0x5f: {  	_ =	shalt  }
0x60: {  	_ =	shalt  }
0x61: {  	_ =	shalt  }
0x62: {  	_ =	shalt  }
0x63: {  	_ =	shalt  }
0x64: {  	_ =	shalt  }
0x65: {  	_ =	shalt  }
0x66: {  	_ =	shalt  }
0x67: {  	_ =	shalt  }
0x68: {  	_ =	shalt  }
0x69: {  	_ =	shalt  }
0x6a: {  	_ =	shalt  }
0x6b: {  	_ =	shalt  }
0x6c: {  	_ =	shalt  }
0x6d: {  	_ =	shalt  }
0x6e: {  	_ =	shalt  }
0x6f: {  	_ =	shalt  }
0x70: {  	_ =	shalt  }
0x71: {  	_ =	shalt  }
0x72: {  	_ =	shalt  }
0x73: {  	_ =	shalt  }
0x74: {  	_ =	shalt  }
0x75: {  	_ =	shalt  }
0x76: {  	_ =	shalt  }
0x77: {  	_ =	shalt  }
0x78: {  	_ =	shalt  }
0x79: {  	_ =	shalt  }
0x7a: {  	_ =	shalt  }
0x7b: {  	_ =	shalt  }
0x7c: {  	_ =	shalt  }
0x7d: {  	_ =	shalt  }
0x7e: {  	_ =	shalt  }
0x7f: {  	_ =	shalt  }
0x80: {  	_ =	shalt  }
0x81: {  	_ =	shalt  }
0x82: {  	_ =	shalt  }
0x83: {  	_ =	shalt  }
0x84: {  	_ =	shalt  }
0x85: {  	_ =	shalt  }
0x86: {  	_ =	shalt  }
0x87: {  	_ =	shalt  }
.Lfunc_end0:
.L_simem_size_0:
called_computation.2_lowered:
.L_overlay_start_0:
0x88: {  	s2 =	sld [smem:$0x3FD9]  }
0x89: {  	s3 =	sld [smem:$0x3FFE];
	_ =	sdelay $0x1  }
0x8a: {  	s1 =	srdreg.scid  }
0x8b: {  	s0 =	sand.u32 $0x1, s1  }
0x8c: {  	s17 =	sshll.u32 s0, $0xA;
	s2 =	sadd.s32 s3, s2  }
0x8d: {  	s2 =	sadd.s32 s2, s17  }
0x8e: {  	[smem:$0x3FBD] =	sst s2  }
0x8f: {  	_ = 	snop  }
0x90: {  	s2 =	sld [smem:$0x3FD0];
	(tm) =	ssettm $0x1  }
0x91: {  	s18 =	sld [smem:$0x3FFB];
	_ =	sdelay $0x3  }
0x92: {  	_ =	strace s18  }
0x93: {  	s3 =	sld [smem:$0x3FFC];
	_ =	sdelay $0x3  }
0x94: {  	_ =	strace s3  }
0x95: {  	s3 =	sld [smem:$0x3FFD];
	_ =	sdelay $0x3  }
0x96: {  	_ =	strace s3  }
0x97: {  	_ =	strace $0x8FFFFFFF  }
0x98: {  	s19 =	sld [smem:$0x3FDB];
	_ =	sdelay $0x1  }
0x99: {  	s4 =	simm.s32 $_scs_section_size  }
0x9a: {  	s5 =	simm.s32 $_size__tile_overlayer_lowered;
	s6 =	simm.s32 $_tile_overlayer_lowered  }
0x9b: {  	s22 =	simm.s32 $0x1BFF;
	s21 =	sshll.u32 s6, $0x1;
	s3 =	sadd.s32 s4, s19  }
0x9c: {  	s7 =	simm.s32 $0x0;
	s20 =	sshll.u32 s5, $0x1;
	s5 =	sadd.s32 s21, s3  }
0x9d: {  	[timem:s7], [sflag:s22] =	dma.local [hbm:s5], s20  }
0x9e: {  	_ =	swait.ge [sflag:s22], s20  }
0x9f: {  	s4 =	ssub.s32 $0x0, s20;
	[sflag:s22] =	ssyncset.done $0x0  }
0xa0: {  	[sflag:s22] =	ssyncadd.s32 s4;
	_ =	sdelay $0x1  }
0xa1: {  	s23 =	simm.s32 $0x1B8B  }
0xa2: {  	_ =	swait.ge [sflag:s23], $0x1  }
0xa3: {  	[sflag:s23] =	ssyncset.done $0x0  }
0xa4: {  	s25 =	simm.s32 $0x1B8E;
	s24 =	sld [smem:$0x3FFE];
	[sflag:s23] =	ssyncadd.s32 $0xFFFFFFFF  }
0xa5: {  	s26 =	simm.s32 $execute0_lowered;
	[smem:$0x3FD2] =	sst s25  }
0xa6: {  	s5 =	sshll.u32 s26, $0x1;
	_ =	strace $0x8000004C;
	[dreg:$0x1] =	wrdreg $0xFFFFFFFF  }
0xa7: {  	s28 =	simm.s32 $_size_execute0_lowered;
	s3 =	sadd.s32 s3, s5;
	[dreg:$0x0] =	wrdreg $0x0  }
0xa8: {  	s5 =	sshll.u32 s28, $0x1;
	[dreg:$0x2] =	wrdreg s3  }
0xa9: {  	[dreg:$0x3] =	wrdreg s5  }
0xaa: {  	[dreg:$0x4] =	wrdreg $0xC0  }
0xab: {  	_ =	task [dreg:s7], $0x5FFFF  }
0xac: {  	[dreg:$0x1] =	wrdreg $0xFFFFFFFF  }
0xad: {  	[dreg:$0x0] =	wrdreg $0x60  }
0xae: {  	[dreg:$0x2] =	wrdreg s2  }
0xaf: {  	[dreg:$0x3] =	wrdreg s24  }
0xb0: {  	[dreg:$0x4] =	wrdreg $0xB4000  }
0xb1: {  	[dreg:$0x5] =	wrdreg $0x9  }
0xb2: {  	_ =	task.clear_ibuf [dreg:s7], $0x6FFFF;
	_ =	strace $0x9000004C  }
0xb3: {  	s29 =	simm.s32 $0x9;
	_ =	strace $0x8000004E  }
0xb4: {  	_ =	swait.ge [sflag:s29], $0x1  }
0xb5: {  	[sflag:s29] =	ssyncadd.s32 $0xFFFFFFFF  }
0xb6: {  	_ =	strace $0x9000004E  }
0xb7: {  	_ =	sfence  }
0xb8: {  	s30 =	sld [smem:$0x0];
	_ =	sdelay $0x2  }
0xb9: {  	s31 =	sshll.u32 s1, $0xD;
	s1 =	sshrl.u32 s1, $0x2  }
0xba: {  	s3 =	sand.u32 $0x4000, s31;
	s1 =	sadd.s32 s1, s30  }
0xbb: {  	s0 =	sor.u32 s3, s0;
	s1 =	sshll.u32 s1, $0x11  }
0xbc: {  	s0 =	sor.u32 s1, s0  }
0xbd: {  	s0 =	sadd.s32 $0x8F2B, s0  }
0xbe: {  	[sflag:s0] =	ssyncadd.remote.s32 $0x1  }
0xbf: {  	_ =	sfence.sel $0xFFFF  }
0xc0: {  	[dreg:$0x0] =	wrdreg $0xFFFFFFFF;
	(pc) =	sbr.abs _section_cstart, $3  }
0xc1: {  	[dreg:$0x1] =	wrdreg $0xFFFFFFFF  }
0xc2: {  	_ =	task.clear_ibuf [dreg:s7], $0x2FFFF;
	_ =	strace $0x9FFFFFFF  }
0xc3: {  	(tm) =	ssettm $0x7FFFFFFF  }
tec
execute0_lowered:
.L_overlay_start_1:
0x0: {  	(tag) =	ssettag $0x1  }
0x1: {  	s0 =	rddreg [dreg:$0x0]  }
0x2: {  	s1 =	rddreg [dreg:$0x1];
	s2 =	srdreg.scid  }
0x3: {  	s3 =	rddreg [dreg:$0x2];
	s13 =	stileid.u32;
	s4 =	simm.s32 $0x0  }
0x4: {  	s19 =	simm.s32 $0x68;
	s20 =	simm.s32 $0x1800;
	s28 =	simm.s32 $0x3  }
0x5: {  	s29 =	simm.s32 $0x5;
	s30 =	simm.s32 $0x6;
	s31 =	simm.s32 $0x0  }
0x6: {  	s2 =	sand.u32 $0x1, s2;
	s6 =	smul.u32 $0x270, s13;
	[smem:$0x7FF] =	sst s4  }
0x7: {  	s7 =	smul.u32 $0x4E000, s13;
	s11 =	sadd.s32 $0x34400, s1;
	s9 =	sshll.u32 s13, $0x10  }
0x8: {  	s23 =	sshll.u32 s13, $0x6;
	s13 =	simm.s32 $0x8;
	s5 =	smul.u32 $0x2700, s2  }
0x9: {  	_ =	strace $0x8000004D;
	s22 =	ssub.s32 $0x2, s2;
	s2 =	sshll.u32 s2, $0x14  }
0xa: {  	s8 =	sshrl.u32 s22, $0x1;
	s7 =	sshrl.u32 s7, $0x2;
	s2 =	sor.u32 s9, s2  }
0xb: {  	s5 =	sadd.s32 s6, s5;
	s10 =	ssub.s32 s22, s8;
	s12 =	sadd.s32 s7, s3  }
0xc: {  	s24 =	sshrl.u32 s2, $0x3;
	s6 =	sor.u32 $0x1C08, s23;
	s2 =	sor.u32 $0x1000, s2  }
0xd: {  	s22 =	simm.s32 $0x4C00;
	s23 =	simm.s32 $0x1;
	s5 =	sshll.u32 s5, $0x4  }
0xe: {  	s7 =	sadd.s32 s11, s24;
	s25 =	sshrl.u32 s2, $0x3;
	s26 =	smax.u32 s10, $0x1  }
.Ltmp0:
0xf: {  	s12 =	sshrl.u32 s12, $0x3;
	s24 =	simm.s32 $0x8000;
	(pc) =	sbr.rel .LBB2_1-.Ltmp0, $4  }
0x10: {  	s1 =	sadd.s32 s5, s1;
	s5 =	sadd.s32 s0, s5;
	s8 =	sadd.s32 $0x100, s7  }
0x11: {  	[dreg:$0x6] =	wrdreg s26;
	s16 =	sadd.s32 s25, s11;
	s14 =	sadd.s32 $0x80, s7  }
0x12: {  	s25 =	simm.s32 $0x2;
	[dreg:$0x4] =	wrdreg s5;
	s1 =	sadd.s32 $0x74400, s1  }
0x13: {  	s26 =	simm.s32 $0x4;
	s17 =	sadd.s32 $0x80, s8;
	[dreg:$0x5] =	wrdreg s1  }
.LBB2_3:
0x14: {  	s1 =	sadd.s32 $0x600, s21  }
0x15: {  	[spmem:s3] =	stream.indirect.scatter.add.f32 [tilespmem:s22], [sflag:$0x5], $0x80, s1, s19, $0xb8;
	[tilespmem:$0x1EC00] =	vst v63  }
0x16: {  	_ =	swait.ge [sflag:s28], $0x3400  }
0x17: {  	[sflag:s28] =	ssyncset.done $0x0  }
0x18: {  	[sflag:s28] =	ssyncadd.s32 $0xFFFFCC00  }
0x19: {  	_ =	swait.ge [sflag:s29], $0x3400  }
0x1a: {  	[sflag:s29] =	ssyncset.done $0x0  }
0x1b: {  	s21 =	sadd.s32 $0x680, s21;
	[sflag:s29] =	ssyncadd.s32 $0xFFFFCC00  }
0x1c: {  	[spmem:s3] =	stream.indirect.scatter.add.f32 [tilespmem:s24], [sflag:$0x6], $0x80, s21, s19, $0xb8;
	[tilespmem:$0x1EC00] =	vst v63  }
.LBB2_5:
0x1d: {  	_ =	swait.ge [sflag:s30], $0x3400  }
0x1e: {  	[sflag:s30] =	ssyncset.done $0x0  }
0x1f: {  	[sflag:s30] =	ssyncadd.s32 $0xFFFFCC00  }
0x20: {  	[bflag:$0x0] =	sbarrier.arrive $0xFFFF  }
0x21: {  	s1 =	rddreg [dreg:$0x5]  }
0x22: {  	[hbm:s1], [sflag:s6] =	dma.local [spmem:s12], $0x2700  }
0x23: {  	_ =	swait.ge [sflag:s13], $0x2700  }
0x24: {  	s31 =	sadd.s32 $0x1, s31;
	s21 =	rddreg [dreg:$0x6]  }
0x25: {  	p0 =	sne.s32 s31, s21  }
.Ltmp1:
0x26: {  	_ = 	snop;
	(pc) =	sbr.rel @!p0 .LBB2_6-.Ltmp1, $3  }
0x27: {  	_ =	sdelay $0x1  }
0x28: {  	[sflag:s13] =	ssyncset.done $0x0  }
0x29: {  	[sflag:s13] =	ssyncadd.s32 $0xFFFFD900  }
.LBB2_1:
0x2a: {  	s1 =	rddreg [dreg:$0x4]  }
0x2b: {  	[spmem:s12], [sflag:s6] =	dma.local [hbm:s1], $0x2700  }
0x2c: {  	_ =	swait.ge [sflag:s13], $0x2700  }
0x2d: {  	[sflag:s13] =	ssyncset.done $0x0  }
0x2e: {  	[sflag:s13] =	ssyncadd.s32 $0xFFFFD900  }
0x2f: {  	[bflag:$0x0] =	sbarrier.arrive $0xFFFF  }
0x30: {  	[tilespmem:s4], [sflag:$0x8] =	stream.linear.gather [hbm4b:s7+s4], $0x300, $0x38;
	[tilespmem:$0x1EC00] =	vst v63  }
0x31: {  	s11 =	simm.s32 $0x400  }
0x32: {  	[tilespmem:s11], [sflag:$0x8] =	stream.linear.gather [hbm4b:s14+s4], $0x300, $0x38;
	[tilespmem:$0x1EC00] =	vst v63  }
0x33: {  	_ =	swait.ge [sflag:s13], $0x600  }
0x34: {  	[sflag:s13] =	ssyncset.done $0x0  }
0x35: {  	s15 =	simm.s32 $0x800;
	[sflag:s13] =	ssyncadd.s32 $0xFFFFFA00  }
0x36: {  	[tilespmem:s15], [sflag:$0x7] =	stream.linear.gather [hbm4b:s8+s4], $0x300, $0x38;
	[tilespmem:$0x1EC00] =	vst v63  }
0x37: {  	s18 =	simm.s32 $0xC00  }
0x38: {  	[tilespmem:s18], [sflag:$0x7] =	stream.linear.gather [hbm4b:s17+s4], $0x300, $0x38;
	[tilespmem:$0x1EC00] =	vst v63  }
0x39: {  	s21 =	simm.s32 $0x80;
	s2 =	simm.s32 $0x0;
	s1 =	simm.s32 $0x1  }
0x3a: {  	[tilespmem:s20], [sflag:$0x1] =	stream.indirect.gather [hbm4b:s0+s19], $0x80, s4, s19, $0xb8;
	[tilespmem:$0x1EC00] =	vst v63  }
0x3b: {  	s11 =	smov.u32 s16;
	s15 =	simm.s32 $0x2;
	s18 =	simm.s32 $0x0  }
0x3c: {  	[tilespmem:s22], [sflag:$0x2] =	stream.indirect.gather [hbm4b:s0+s19], $0x80, s21, s19, $0xb8;
	[tilespmem:$0x1EC00] =	vst v63  }
.LBB2_2:
0x3d: {  	s5 =	sadd.s32 $0xFFFFFFFE, s15;
	p1 =	seq.s32 s2, $0x3E000  }
0x3e: {  	p0 =	sgt.u32 @!p1 s5, $0x1D  }
0x3f: {  	p0 =	por p0, p1  }
0x40: {  	s5 =	smul.u32 @!p0 $0xAB, s15;
	_ =	sdelay $0x1  }
0x41: {  	s5 =	sshrl.u32 @!p0 s5, $0x9  }
0x42: {  	s5 =	sand.u32 @!p0 $0x7F, s5  }
0x43: {  	s5 =	smul.u32 @!p0 $0x3, s5  }
0x44: {  	s21 =	simm.s32 @!p1 $0x7  }
0x45: {  	_ =	swait.ge @!p1 [sflag:s21], $0x600;
	s5 =	ssub.s32 @!p0 s15, s5  }
0x46: {  	[sflag:s21] =	ssyncset.done @!p1 $0x0;
	s5 =	sand.u32 @!p0 $0xFF, s5  }
0x47: {  	[sflag:s21] =	ssyncadd.s32 @!p1 $0xFFFFFA00;
	s21 =	simm.s32 @!p0 $0x0;
	s5 =	sshll.u32 @!p0 s5, $0xB  }
0x48: {  	[tilespmem:s5], [sflag:$0x7] =	stream.linear.gather @!p0 [hbm4b:s11+s21], $0x300, $0x38;
	[tilespmem:$0x1EC00] =	vst v63  }
0x49: {  	s9 =	smulhi.u32 $0xAAAAAAAB, s18;
	s10 =	sadd.s32 @!p0 $0x80, s11;
	s5 =	sor.u32 @!p0 $0x400, s5  }
0x4a: {  	[tilespmem:s5], [sflag:$0x7] =	stream.linear.gather @!p0 [hbm4b:s10+s21], $0x300, $0x38;
	[tilespmem:$0x1EC00] =	vst v63  }
0x4b: {  	s10 =	sshrl.u32 s9, $0x1;
	_ =	swait.ge [sflag:s23], $0x3400  }
0x4c: {  	p0 =	seq.s32 s2, $0x0;
	s5 =	smul.u32 $0xFFFFA000, s10;
	[sflag:s23] =	ssyncset.done $0x0  }
0x4d: {  	s9 =	simm.s32 @!p0 $0x6;
	[sflag:s23] =	ssyncadd.s32 $0xFFFFCC00  }
0x4e: {  	s21 =	sshra.s32 s5, $0x2;
	s5 =	sshra.s32 s2, $0x2;
	_ =	swait.ge @!p0 [sflag:s9], $0x3400  }
0x4f: {  	s21 =	sadd.s32 s5, s21;
	[sflag:s9] =	ssyncset.done @!p0 $0x0  }
0x50: {  	s10 =	sadd.s32 $0x100, s21;
	[sflag:s9] =	ssyncadd.s32 @!p0 $0xFFFFCC00  }
0x51: {  	[tilespmem:s24], [sflag:$0x3] =	stream.indirect.gather [hbm4b:s0+s19], $0x80, s10, s19, $0xb8;
	[tilespmem:$0x1EC00] =	vst v63  }
0x52: {  	s10 =	sadd.s32 $0x400, s21  }
0x53: {  	[spmem:s3] =	stream.indirect.scatter.add.f32 [tilespmem:s20], [sflag:$0x4], $0x80, s10, s19, $0xb8;
	[tilespmem:$0x1EC00] =	vst v63  }
0x54: {  	_ =	swait.ge [sflag:s25], $0x3400  }
0x55: {  	[sflag:s25] =	ssyncset.done $0x0  }
0x56: {  	[sflag:s25] =	ssyncadd.s32 $0xFFFFCC00  }
0x57: {  	_ =	swait.ge [sflag:s26], $0x3400  }
0x58: {  	[sflag:s26] =	ssyncset.done $0x0  }
0x59: {  	s10 =	sadd.s32 $0x180, s21;
	[sflag:s26] =	ssyncadd.s32 $0xFFFFCC00  }
0x5a: {  	[tilespmem:s20], [sflag:$0x1] =	stream.indirect.gather [hbm4b:s0+s19], $0x80, s10, s19, $0xb8;
	[tilespmem:$0x1EC00] =	vst v63  }
0x5b: {  	s10 =	sadd.s32 $0x480, s21  }
0x5c: {  	[spmem:s3] =	stream.indirect.scatter.add.f32 [tilespmem:s22], [sflag:$0x5], $0x80, s10, s19, $0xb8;
	[tilespmem:$0x1EC00] =	vst v63  }
0x5d: {  	_ =	swait.ge [sflag:s28], $0x3400  }
0x5e: {  	[sflag:s28] =	ssyncset.done $0x0  }
0x5f: {  	[sflag:s28] =	ssyncadd.s32 $0xFFFFCC00  }
0x60: {  	_ =	swait.ge [sflag:s29], $0x3400  }
0x61: {  	[sflag:s29] =	ssyncset.done $0x0  }
0x62: {  	s10 =	sadd.s32 $0x200, s21;
	[sflag:s29] =	ssyncadd.s32 $0xFFFFCC00  }
0x63: {  	[tilespmem:s22], [sflag:$0x2] =	stream.indirect.gather [hbm4b:s0+s19], $0x80, s10, s19, $0xb8;
	[tilespmem:$0x1EC00] =	vst v63  }
0x64: {  	s10 =	sadd.s32 $0x500, s21  }
0x65: {  	[spmem:s3] =	stream.indirect.scatter.add.f32 [tilespmem:s24], [sflag:$0x6], $0x80, s10, s19, $0xb8;
	[tilespmem:$0x1EC00] =	vst v63  }
0x66: {  	_ =	swait.ge [sflag:s23], $0x3400  }
0x67: {  	[sflag:s23] =	ssyncset.done $0x0  }
0x68: {  	[sflag:s23] =	ssyncadd.s32 $0xFFFFCC00  }
0x69: {  	_ =	swait.ge [sflag:s30], $0x3400  }
0x6a: {  	[sflag:s30] =	ssyncset.done $0x0  }
0x6b: {  	s10 =	sadd.s32 $0x280, s21;
	[sflag:s30] =	ssyncadd.s32 $0xFFFFCC00  }
0x6c: {  	[tilespmem:s24], [sflag:$0x3] =	stream.indirect.gather [hbm4b:s0+s19], $0x80, s10, s19, $0xb8;
	[tilespmem:$0x1EC00] =	vst v63  }
0x6d: {  	s10 =	sadd.s32 $0x580, s21  }
0x6e: {  	[spmem:s3] =	stream.indirect.scatter.add.f32 [tilespmem:s20], [sflag:$0x4], $0x80, s10, s19, $0xb8;
	[tilespmem:$0x1EC00] =	vst v63  }
0x6f: {  	p0 =	sne.s32 s2, $0x3E000;
	_ =	swait.ge [sflag:s25], $0x3400  }
.Ltmp2:
0x70: {  	[sflag:s25] =	ssyncset.done $0x0;
	(pc) =	sbr.rel @!p0 .LBB2_3-.Ltmp2, $4  }
0x71: {  	[sflag:s25] =	ssyncadd.s32 $0xFFFFCC00  }
0x72: {  	_ =	swait.ge [sflag:s26], $0x3400  }
0x73: {  	[sflag:s26] =	ssyncset.done $0x0  }
0x74: {  	[sflag:s26] =	ssyncadd.s32 $0xFFFFCC00  }
0x75: {  	s9 =	smulhi.u32 $0xAAAAAAAB, s1;
	_ =	sdelay $0x1  }
0x76: {  	s9 =	sshrl.u32 s9, $0x1  }
0x77: {  	s9 =	smul.u32 $0xFFFFA000, s9;
	_ =	sdelay $0x1  }
0x78: {  	s9 =	sshra.s32 s9, $0x2  }
0x79: {  	s5 =	sadd.s32 s5, s9  }
0x7a: {  	s9 =	sadd.s32 $0x800, s5  }
0x7b: {  	[tilespmem:s20], [sflag:$0x1] =	stream.indirect.gather [hbm4b:s0+s19], $0x80, s9, s19, $0xb8;
	[tilespmem:$0x1EC00] =	vst v63  }
0x7c: {  	s10 =	sadd.s32 $0x600, s21  }
0x7d: {  	[spmem:s3] =	stream.indirect.scatter.add.f32 [tilespmem:s22], [sflag:$0x5], $0x80, s10, s19, $0xb8;
	[tilespmem:$0x1EC00] =	vst v63  }
0x7e: {  	_ =	swait.ge [sflag:s28], $0x3400  }
0x7f: {  	[sflag:s28] =	ssyncset.done $0x0  }
0x80: {  	s2 =	sadd.s32 $0x2000, s2;
	[sflag:s28] =	ssyncadd.s32 $0xFFFFCC00  }
0x81: {  	s21 =	sadd.s32 $0x680, s21;
	p0 =	sne.s32 s2, $0x40000;
	_ =	swait.ge [sflag:s29], $0x3400  }
.Ltmp3:
0x82: {  	s11 =	sadd.s32 $0x100, s11;
	[sflag:s29] =	ssyncset.done $0x0;
	(pc) =	sbr.rel @p0 .LBB2_2-.Ltmp3, $4  }
.Ltmp4:
0x83: {  	s5 =	sadd.s32 $0x880, s5;
	[sflag:s29] =	ssyncadd.s32 $0xFFFFCC00;
	(pc) =	sbr.rel @!p0 .LBB2_5-.Ltmp4, $4  }
0x84: {  	[tilespmem:s22], [sflag:$0x2] =	stream.indirect.gather [hbm4b:s0+s19], $0x80, s5, s19, $0xb8;
	[tilespmem:$0x1EC00] =	vst v63  }
0x85: {  	s15 =	sadd.s32 $0x1, s15;
	s1 =	sadd.s32 $0x1, s1;
	s18 =	sadd.s32 $0x1, s18  }
0x86: {  	[spmem:s3] =	stream.indirect.scatter.add.f32 [tilespmem:s24], [sflag:$0x6], $0x80, s21, s19, $0xb8;
	[tilespmem:$0x1EC00] =	vst v63  }
0x87: {  	_ = 	snop  }
.LBB2_6:
0x88: {  	_ =	sfence.sel $0x180000  }
0x89: {  	[bflag:$0x0] =	sbarrier.arrive $0xFFFF  }
0x8a: {  	_ =	strace $0x9000004D  }
0x8b: {  	s0 =	stileid.u32;
	[bflag:$0x2] =	sbarrier.arrive $0xFFFF  }
0x8c: {  	p0 =	sne.s32 s0, $0x0;
	s0 =	rddreg [dreg:$0x3]  }
0x8d: {  	s0 =	sadd.s32 @!p0 $0x100000, s0  }
0x8e: {  	[sflag:s0] =	ssyncadd.tile.s32 @!p0 $0x1;
	_ =	shalt  }
.Lfunc_end2:
_tile_overlayer_lowered:
.L_overlay_start_2:
0x8f: {  	(tag) =	ssettag $0x2  }
0x90: {  	s0 =	rddreg [dreg:$0x0];
	s2 =	stileid.u32  }
0x91: {  	s1 =	rddreg [dreg:$0x1];
	p0 =	sne.s32 s2, $0x0  }
0x92: {  	s3 =	rddreg [dreg:$0x2];
	[bflag:$0x3] =	sbarrier.arrive $0xFFFF;
	s2 =	simm.s32 @!p0 $0x1C08  }
0x93: {  	[timem:s3], [sflag:s2] =	dma.local @!p0 [hbm:s0], s1  }
0x94: {  	s0 =	simm.s32 @!p0 $0x8  }
0x95: {  	_ =	swait.ge @!p0 [sflag:s0], s1  }
0x96: {  	s1 =	ssub.s32 @!p0 $0x0, s1;
	[sflag:s0] =	ssyncset.done @!p0 $0x0  }
0x97: {  	[sflag:s0] =	ssyncadd.s32 @!p0 s1  }
0x98: {  	[bflag:$0x3] =	sbarrier.arrive $0xFFFF  }
0x99: {  	_ =	shalt  }

// kernel: kernel.19.cloned.1.call-start
scs
__scs_entry_jumppad:
0x0: {  	(pc) =	sbr.rel $0x88, $3  }
0x1: {  	(tag) =	ssettag $0x0;
	lr =	simm.s32 $0x1  }
0x2: {  	[smem:$0x3F96] =	sst lr;
	_ =	strace $0xD0000000  }
0x3: {  	_ = 	snop  }
0x4: {  	_ = 	snop  }
0x5: {  	_ = 	snop  }
0x6: {  	_ = 	snop  }
0x7: {  	_ = 	snop  }
__scs_overlays_trampoline_lowered:
0x8: {  	[smem:$0x3FA5] =	sst s0  }
0x9: {  	[smem:$0x3FA6] =	sst s1  }
0xa: {  	[smem:$0x3FA7] =	sst s2  }
0xb: {  	[smem:$0x3FA8] =	sst s3  }
0xc: {  	[smem:$0x3FA9] =	sst s4  }
0xd: {  	[smem:$0x3FAA] =	sst s5  }
0xe: {  	[smem:$0x3FAB] =	sst s6  }
0xf: {  	[smem:$0x3FAC] =	sst s7  }
0x10: {  	[smem:$0x3FAD] =	sst s8  }
0x11: {  	[smem:$0x3FAE] =	sst s9;
	s0 =	simm.s32 @!p0 $0x0  }
0x12: {  	s1 =	sld [smem:$0x3F94];
	s0 =	simm.s32 @p0 $0x1  }
0x13: {  	[smem:$0x3FAF] =	sst s0;
	s0 =	simm.s32 @!p1 $0x0  }
0x14: {  	s2 =	sld [smem:$0x3F93];
	s0 =	simm.s32 @p1 $0x1  }
0x15: {  	[smem:$0x3FB0] =	sst s0;
	s0 =	simm.s32 @!p2 $0x0  }
0x16: {  	s3 =	sld [smem:$0x3FDB];
	s0 =	simm.s32 @p2 $0x1  }
0x17: {  	s4 =	simm.s32 $0x1BF5;
	[smem:$0x3FB2] =	sst s0  }
0x18: {  	s0 =	sld [smem:$0x3F95];
	_ =	swait.ge [sflag:s4], $0x0  }
0x19: {  	s7 =	sld [smem:$0x3F96]  }
0x1a: {  	s8 =	sadd.s32 $0xFFFFE003, lr  }
0x1b: {  	s9 =	sadd.s32 $0xFFFFFEF7, lr;
	s5 =	simm.s32 $0xFFFFFFFF;
	p2 =	slt.u32 s8, $0xFFFFF086  }
0x1c: {  	p1 =	slt.u32 s9, $0xF7A;
	s5 =	simm.s32 @!p2 $0x0  }
0x1d: {  	s5 =	simm.s32 @p1 $0x1;
	p0 =	seq.s32 s7, s2  }
0x1e: {  	s7 =	smul.u32 @!p0 $0xF7A, s2;
	p2 =	seq.s32 @!p0 s5, $0x0  }
0x1f: {  	s9 =	smul.u32 $0xF7A, s1;
	s8 =	simm.s32 @!p0 $0x1BF5;
	p2 =	por !p2, p0  }
0x20: {  	[sflag:s8] =	ssyncset.s32 @!p0 $0xFFFFF086;
	s6 =	sadd.s32 @!p0 s3, s7;
	s7 =	simm.s32 @!p0 $0x108  }
0x21: {  	s3 =	sadd.s32 s3, s9;
	s6 =	sadd.s32 @!p0 $0x88, s6;
	s7 =	simm.s32 @p2 $0x1082  }
0x22: {  	[simem:s7], [sflag:s8] =	dma.local @!p0 [hbm:s6], $0xF7A  }
0x23: {  	s9 =	sor.u32 $0xD0000000, s2;
	s6 =	simm.s32 $0x108;
	_ =	swait.ge @!p0 [sflag:s8], $0x0  }
0x24: {  	s3 =	sadd.s32 $0x88, s3;
	s6 =	simm.s32 @!p1 $0x1082;
	[sflag:s4] =	ssyncset.s32 $0xFFFFF086  }
0x25: {  	[simem:s6], [sflag:s4] =	dma.local [hbm:s3], $0xF7A  }
0x26: {  	[smem:$0x3F96] =	sst s1;
	(tag) =	ssettag s2;
	_ =	strace s9  }
0x27: {  	s1 =	sld [smem:$0x3FA6]  }
0x28: {  	s2 =	sld [smem:$0x3FA7]  }
0x29: {  	s4 =	sld [smem:$0x3FA9]  }
0x2a: {  	p0 =	seq.s32 s5, $0x0;
	s5 =	sld [smem:$0x3FAA]  }
0x2b: {  	s6 =	sld [smem:$0x3FAB]  }
0x2c: {  	s7 =	sld [smem:$0x3FAC]  }
0x2d: {  	s3 =	simm.s32 $0x108;
	s8 =	sld [smem:$0x3FAD]  }
0x2e: {  	s3 =	simm.s32 @!p0 $0x1082;
	s9 =	sld [smem:$0x3FAE]  }
0x2f: {  	lr =	sadd.s32 s0, s3;
	s0 =	sld [smem:$0x3FA5]  }
0x30: {  	s3 =	sld [smem:$0x3FA8]  }
0x31: {  	[smem:$0x3FB1] =	sst s10  }
0x32: {  	s10 =	sld [smem:$0x3FAF];
	_ =	sdelay $0x3  }
0x33: {  	p0 =	seq.s32 s10, $0x1;
	s10 =	sld [smem:$0x3FB1];
	_ =	sdelay $0x3  }
0x34: {  	[smem:$0x3FB1] =	sst s10  }
0x35: {  	s10 =	sld [smem:$0x3FB0];
	_ =	sdelay $0x3  }
0x36: {  	p1 =	seq.s32 s10, $0x1;
	s10 =	sld [smem:$0x3FB1];
	_ =	sdelay $0x3  }
0x37: {  	[smem:$0x3FB1] =	sst s10  }
0x38: {  	s10 =	sld [smem:$0x3FB2]  }
0x39: {  	_ = 	snop;
	(pc) =	sbr.ind lr, $3  }
0x3a: {  	_ = 	snop  }
0x3b: {  	_ = 	snop  }
0x3c: {  	p2 =	seq.s32 s10, $0x1;
	s10 =	sld [smem:$0x3FB1]  }
0x3d: {  	_ =	shalt  }
0x3e: {  	_ =	shalt  }
0x3f: {  	_ =	shalt  }
0x40: {  	_ =	shalt  }
0x41: {  	_ =	shalt  }
0x42: {  	_ =	shalt  }
0x43: {  	_ =	shalt  }
0x44: {  	_ =	shalt  }
0x45: {  	_ =	shalt  }
0x46: {  	_ =	shalt  }
0x47: {  	_ =	shalt  }
0x48: {  	_ =	shalt  }
0x49: {  	_ =	shalt  }
0x4a: {  	_ =	shalt  }
0x4b: {  	_ =	shalt  }
0x4c: {  	_ =	shalt  }
0x4d: {  	_ =	shalt  }
0x4e: {  	_ =	shalt  }
0x4f: {  	_ =	shalt  }
0x50: {  	_ =	shalt  }
0x51: {  	_ =	shalt  }
0x52: {  	_ =	shalt  }
0x53: {  	_ =	shalt  }
0x54: {  	_ =	shalt  }
0x55: {  	_ =	shalt  }
0x56: {  	_ =	shalt  }
0x57: {  	_ =	shalt  }
0x58: {  	_ =	shalt  }
0x59: {  	_ =	shalt  }
0x5a: {  	_ =	shalt  }
0x5b: {  	_ =	shalt  }
0x5c: {  	_ =	shalt  }
0x5d: {  	_ =	shalt  }
0x5e: {  	_ =	shalt  }
0x5f: {  	_ =	shalt  }
0x60: {  	_ =	shalt  }
0x61: {  	_ =	shalt  }
0x62: {  	_ =	shalt  }
0x63: {  	_ =	shalt  }
0x64: {  	_ =	shalt  }
0x65: {  	_ =	shalt  }
0x66: {  	_ =	shalt  }
0x67: {  	_ =	shalt  }
0x68: {  	_ =	shalt  }
0x69: {  	_ =	shalt  }
0x6a: {  	_ =	shalt  }
0x6b: {  	_ =	shalt  }
0x6c: {  	_ =	shalt  }
0x6d: {  	_ =	shalt  }
0x6e: {  	_ =	shalt  }
0x6f: {  	_ =	shalt  }
0x70: {  	_ =	shalt  }
0x71: {  	_ =	shalt  }
0x72: {  	_ =	shalt  }
0x73: {  	_ =	shalt  }
0x74: {  	_ =	shalt  }
0x75: {  	_ =	shalt  }
0x76: {  	_ =	shalt  }
0x77: {  	_ =	shalt  }
0x78: {  	_ =	shalt  }
0x79: {  	_ =	shalt  }
0x7a: {  	_ =	shalt  }
0x7b: {  	_ =	shalt  }
0x7c: {  	_ =	shalt  }
0x7d: {  	_ =	shalt  }
0x7e: {  	_ =	shalt  }
0x7f: {  	_ =	shalt  }
0x80: {  	_ =	shalt  }
0x81: {  	_ =	shalt  }
0x82: {  	_ =	shalt  }
0x83: {  	_ =	shalt  }
0x84: {  	_ =	shalt  }
0x85: {  	_ =	shalt  }
0x86: {  	_ =	shalt  }
0x87: {  	_ =	shalt  }
.Lfunc_end0:
.L_simem_size_0:
called_computation.3_lowered:
.L_overlay_start_0:
0x88: {  	s2 =	sld [smem:$0x3FD9]  }
0x89: {  	s3 =	sld [smem:$0x3FFE];
	_ =	sdelay $0x1  }
0x8a: {  	s1 =	srdreg.scid  }
0x8b: {  	s0 =	sand.u32 $0x1, s1  }
0x8c: {  	s17 =	sshll.u32 s0, $0xA;
	s2 =	sadd.s32 s3, s2  }
0x8d: {  	s2 =	sadd.s32 s2, s17  }
0x8e: {  	[smem:$0x3FBD] =	sst s2  }
0x8f: {  	_ = 	snop  }
0x90: {  	s2 =	sld [smem:$0x3FD0];
	(tm) =	ssettm $0x1  }
0x91: {  	s18 =	sld [smem:$0x3FFB];
	_ =	sdelay $0x3  }
0x92: {  	_ =	strace s18  }
0x93: {  	s3 =	sld [smem:$0x3FFC];
	_ =	sdelay $0x3  }
0x94: {  	_ =	strace s3  }
0x95: {  	s3 =	sld [smem:$0x3FFD];
	_ =	sdelay $0x3  }
0x96: {  	_ =	strace s3  }
0x97: {  	_ =	strace $0x8FFFFFFF  }
0x98: {  	s19 =	sld [smem:$0x3FDB];
	_ =	sdelay $0x1  }
0x99: {  	s4 =	simm.s32 $_scs_section_size  }
0x9a: {  	s5 =	simm.s32 $_size__tile_overlayer_lowered;
	s6 =	simm.s32 $_tile_overlayer_lowered  }
0x9b: {  	s22 =	simm.s32 $0x1BFF;
	s21 =	sshll.u32 s6, $0x1;
	s3 =	sadd.s32 s4, s19  }
0x9c: {  	s7 =	simm.s32 $0x0;
	s20 =	sshll.u32 s5, $0x1;
	s5 =	sadd.s32 s21, s3  }
0x9d: {  	[timem:s7], [sflag:s22] =	dma.local [hbm:s5], s20  }
0x9e: {  	_ =	swait.ge [sflag:s22], s20  }
0x9f: {  	s4 =	ssub.s32 $0x0, s20;
	[sflag:s22] =	ssyncset.done $0x0  }
0xa0: {  	[sflag:s22] =	ssyncadd.s32 s4;
	_ =	sdelay $0x1  }
0xa1: {  	s23 =	simm.s32 $0x1B8B  }
0xa2: {  	_ =	swait.ge [sflag:s23], $0x1  }
0xa3: {  	[sflag:s23] =	ssyncset.done $0x0  }
0xa4: {  	s25 =	simm.s32 $0x1B8E;
	s24 =	sld [smem:$0x3FFE];
	[sflag:s23] =	ssyncadd.s32 $0xFFFFFFFF  }
0xa5: {  	s26 =	simm.s32 $execute0_lowered;
	[smem:$0x3FD2] =	sst s25  }
0xa6: {  	s5 =	sshll.u32 s26, $0x1;
	_ =	strace $0x8000004F;
	[dreg:$0x1] =	wrdreg $0xFFFFFFFF  }
0xa7: {  	s28 =	simm.s32 $_size_execute0_lowered;
	s3 =	sadd.s32 s3, s5;
	[dreg:$0x0] =	wrdreg $0x0  }
0xa8: {  	s5 =	sshll.u32 s28, $0x1;
	[dreg:$0x2] =	wrdreg s3  }
0xa9: {  	[dreg:$0x3] =	wrdreg s5  }
0xaa: {  	[dreg:$0x4] =	wrdreg $0xC0  }
0xab: {  	_ =	task [dreg:s7], $0x5FFFF  }
0xac: {  	[dreg:$0x1] =	wrdreg $0xFFFFFFFF  }
0xad: {  	[dreg:$0x0] =	wrdreg $0x60  }
0xae: {  	[dreg:$0x2] =	wrdreg s2  }
0xaf: {  	[dreg:$0x3] =	wrdreg s24  }
0xb0: {  	[dreg:$0x4] =	wrdreg $0xB4000  }
0xb1: {  	[dreg:$0x5] =	wrdreg $0x9  }
0xb2: {  	_ =	task.clear_ibuf [dreg:s7], $0x6FFFF;
	_ =	strace $0x9000004F  }
0xb3: {  	s29 =	simm.s32 $0x9;
	_ =	strace $0x80000051  }
0xb4: {  	_ =	swait.ge [sflag:s29], $0x1  }
0xb5: {  	[sflag:s29] =	ssyncadd.s32 $0xFFFFFFFF  }
0xb6: {  	_ =	strace $0x90000051  }
0xb7: {  	_ =	sfence  }
0xb8: {  	s30 =	sld [smem:$0x0];
	_ =	sdelay $0x2  }
0xb9: {  	s31 =	sshll.u32 s1, $0xD;
	s1 =	sshrl.u32 s1, $0x2  }
0xba: {  	s3 =	sand.u32 $0x4000, s31;
	s1 =	sadd.s32 s1, s30  }
0xbb: {  	s0 =	sor.u32 s3, s0;
	s1 =	sshll.u32 s1, $0x11  }
0xbc: {  	s0 =	sor.u32 s1, s0  }
0xbd: {  	s0 =	sadd.s32 $0x8F2B, s0  }
0xbe: {  	[sflag:s0] =	ssyncadd.remote.s32 $0x1  }
0xbf: {  	_ =	sfence.sel $0xFFFF  }
0xc0: {  	[dreg:$0x0] =	wrdreg $0xFFFFFFFF;
	(pc) =	sbr.abs _section_cstart, $3  }
0xc1: {  	[dreg:$0x1] =	wrdreg $0xFFFFFFFF  }
0xc2: {  	_ =	task.clear_ibuf [dreg:s7], $0x2FFFF;
	_ =	strace $0x9FFFFFFF  }
0xc3: {  	(tm) =	ssettm $0x7FFFFFFF  }
tec
execute0_lowered:
.L_overlay_start_1:
0x0: {  	(tag) =	ssettag $0x1  }
0x1: {  	s0 =	rddreg [dreg:$0x0]  }
0x2: {  	s1 =	rddreg [dreg:$0x1];
	s2 =	srdreg.scid  }
0x3: {  	s3 =	rddreg [dreg:$0x2];
	s13 =	stileid.u32;
	s4 =	simm.s32 $0x0  }
0x4: {  	s19 =	simm.s32 $0x68;
	s20 =	simm.s32 $0x1800;
	s28 =	simm.s32 $0x3  }
0x5: {  	s29 =	simm.s32 $0x5;
	s30 =	simm.s32 $0x6;
	s31 =	simm.s32 $0x0  }
0x6: {  	s2 =	sand.u32 $0x1, s2;
	s6 =	smul.u32 $0x270, s13;
	[smem:$0x7FF] =	sst s4  }
0x7: {  	s7 =	smul.u32 $0x4E000, s13;
	s11 =	sadd.s32 $0x34400, s1;
	s9 =	sshll.u32 s13, $0x10  }
0x8: {  	s23 =	sshll.u32 s13, $0x6;
	s13 =	simm.s32 $0x8;
	s5 =	smul.u32 $0x2700, s2  }
0x9: {  	_ =	strace $0x80000050;
	s22 =	ssub.s32 $0x2, s2;
	s2 =	sshll.u32 s2, $0x14  }
0xa: {  	s8 =	sshrl.u32 s22, $0x1;
	s7 =	sshrl.u32 s7, $0x2;
	s2 =	sor.u32 s9, s2  }
0xb: {  	s5 =	sadd.s32 s6, s5;
	s10 =	ssub.s32 s22, s8;
	s12 =	sadd.s32 s7, s3  }
0xc: {  	s24 =	sshrl.u32 s2, $0x3;
	s6 =	sor.u32 $0x1C08, s23;
	s2 =	sor.u32 $0x1000, s2  }
0xd: {  	s22 =	simm.s32 $0x4C00;
	s23 =	simm.s32 $0x1;
	s5 =	sshll.u32 s5, $0x4  }
0xe: {  	s7 =	sadd.s32 s11, s24;
	s25 =	sshrl.u32 s2, $0x3;
	s26 =	smax.u32 s10, $0x1  }
.Ltmp0:
0xf: {  	s12 =	sshrl.u32 s12, $0x3;
	s24 =	simm.s32 $0x8000;
	(pc) =	sbr.rel .LBB2_1-.Ltmp0, $4  }
0x10: {  	s1 =	sadd.s32 s5, s1;
	s5 =	sadd.s32 s0, s5;
	s8 =	sadd.s32 $0x100, s7  }
0x11: {  	[dreg:$0x6] =	wrdreg s26;
	s16 =	sadd.s32 s25, s11;
	s14 =	sadd.s32 $0x80, s7  }
0x12: {  	s25 =	simm.s32 $0x2;
	[dreg:$0x4] =	wrdreg s5;
	s1 =	sadd.s32 $0x74400, s1  }
0x13: {  	s26 =	simm.s32 $0x4;
	s17 =	sadd.s32 $0x80, s8;
	[dreg:$0x5] =	wrdreg s1  }
.LBB2_3:
0x14: {  	s1 =	sadd.s32 $0x600, s21  }
0x15: {  	[spmem:s3] =	stream.indirect.scatter.add.f32 [tilespmem:s22], [sflag:$0x5], $0x80, s1, s19, $0xb8;
	[tilespmem:$0x1EC00] =	vst v63  }
0x16: {  	_ =	swait.ge [sflag:s28], $0x3400  }
0x17: {  	[sflag:s28] =	ssyncset.done $0x0  }
0x18: {  	[sflag:s28] =	ssyncadd.s32 $0xFFFFCC00  }
0x19: {  	_ =	swait.ge [sflag:s29], $0x3400  }
0x1a: {  	[sflag:s29] =	ssyncset.done $0x0  }
0x1b: {  	s21 =	sadd.s32 $0x680, s21;
	[sflag:s29] =	ssyncadd.s32 $0xFFFFCC00  }
0x1c: {  	[spmem:s3] =	stream.indirect.scatter.add.f32 [tilespmem:s24], [sflag:$0x6], $0x80, s21, s19, $0xb8;
	[tilespmem:$0x1EC00] =	vst v63  }
.LBB2_5:
0x1d: {  	_ =	swait.ge [sflag:s30], $0x3400  }
0x1e: {  	[sflag:s30] =	ssyncset.done $0x0  }
0x1f: {  	[sflag:s30] =	ssyncadd.s32 $0xFFFFCC00  }
0x20: {  	[bflag:$0x0] =	sbarrier.arrive $0xFFFF  }
0x21: {  	s1 =	rddreg [dreg:$0x5]  }
0x22: {  	[hbm:s1], [sflag:s6] =	dma.local [spmem:s12], $0x2700  }
0x23: {  	_ =	swait.ge [sflag:s13], $0x2700  }
0x24: {  	s31 =	sadd.s32 $0x1, s31;
	s21 =	rddreg [dreg:$0x6]  }
0x25: {  	p0 =	sne.s32 s31, s21  }
.Ltmp1:
0x26: {  	_ = 	snop;
	(pc) =	sbr.rel @!p0 .LBB2_6-.Ltmp1, $3  }
0x27: {  	_ =	sdelay $0x1  }
0x28: {  	[sflag:s13] =	ssyncset.done $0x0  }
0x29: {  	[sflag:s13] =	ssyncadd.s32 $0xFFFFD900  }
.LBB2_1:
0x2a: {  	s1 =	rddreg [dreg:$0x4]  }
0x2b: {  	[spmem:s12], [sflag:s6] =	dma.local [hbm:s1], $0x2700  }
0x2c: {  	_ =	swait.ge [sflag:s13], $0x2700  }
0x2d: {  	[sflag:s13] =	ssyncset.done $0x0  }
0x2e: {  	[sflag:s13] =	ssyncadd.s32 $0xFFFFD900  }
0x2f: {  	[bflag:$0x0] =	sbarrier.arrive $0xFFFF  }
0x30: {  	[tilespmem:s4], [sflag:$0x8] =	stream.linear.gather [hbm4b:s7+s4], $0x300, $0x38;
	[tilespmem:$0x1EC00] =	vst v63  }
0x31: {  	s11 =	simm.s32 $0x400  }
0x32: {  	[tilespmem:s11], [sflag:$0x8] =	stream.linear.gather [hbm4b:s14+s4], $0x300, $0x38;
	[tilespmem:$0x1EC00] =	vst v63  }
0x33: {  	_ =	swait.ge [sflag:s13], $0x600  }
0x34: {  	[sflag:s13] =	ssyncset.done $0x0  }
0x35: {  	s15 =	simm.s32 $0x800;
	[sflag:s13] =	ssyncadd.s32 $0xFFFFFA00  }
0x36: {  	[tilespmem:s15], [sflag:$0x7] =	stream.linear.gather [hbm4b:s8+s4], $0x300, $0x38;
	[tilespmem:$0x1EC00] =	vst v63  }
0x37: {  	s18 =	simm.s32 $0xC00  }
0x38: {  	[tilespmem:s18], [sflag:$0x7] =	stream.linear.gather [hbm4b:s17+s4], $0x300, $0x38;
	[tilespmem:$0x1EC00] =	vst v63  }
0x39: {  	s21 =	simm.s32 $0x80;
	s2 =	simm.s32 $0x0;
	s1 =	simm.s32 $0x1  }
0x3a: {  	[tilespmem:s20], [sflag:$0x1] =	stream.indirect.gather [hbm4b:s0+s19], $0x80, s4, s19, $0xb8;
	[tilespmem:$0x1EC00] =	vst v63  }
0x3b: {  	s11 =	smov.u32 s16;
	s15 =	simm.s32 $0x2;
	s18 =	simm.s32 $0x0  }
0x3c: {  	[tilespmem:s22], [sflag:$0x2] =	stream.indirect.gather [hbm4b:s0+s19], $0x80, s21, s19, $0xb8;
	[tilespmem:$0x1EC00] =	vst v63  }
.LBB2_2:
0x3d: {  	s5 =	sadd.s32 $0xFFFFFFFE, s15;
	p1 =	seq.s32 s2, $0x3E000  }
0x3e: {  	p0 =	sgt.u32 @!p1 s5, $0x1D  }
0x3f: {  	p0 =	por p0, p1  }
0x40: {  	s5 =	smul.u32 @!p0 $0xAB, s15;
	_ =	sdelay $0x1  }
0x41: {  	s5 =	sshrl.u32 @!p0 s5, $0x9  }
0x42: {  	s5 =	sand.u32 @!p0 $0x7F, s5  }
0x43: {  	s5 =	smul.u32 @!p0 $0x3, s5  }
0x44: {  	s21 =	simm.s32 @!p1 $0x7  }
0x45: {  	_ =	swait.ge @!p1 [sflag:s21], $0x600;
	s5 =	ssub.s32 @!p0 s15, s5  }
0x46: {  	[sflag:s21] =	ssyncset.done @!p1 $0x0;
	s5 =	sand.u32 @!p0 $0xFF, s5  }
0x47: {  	[sflag:s21] =	ssyncadd.s32 @!p1 $0xFFFFFA00;
	s21 =	simm.s32 @!p0 $0x0;
	s5 =	sshll.u32 @!p0 s5, $0xB  }
0x48: {  	[tilespmem:s5], [sflag:$0x7] =	stream.linear.gather @!p0 [hbm4b:s11+s21], $0x300, $0x38;
	[tilespmem:$0x1EC00] =	vst v63  }
0x49: {  	s9 =	smulhi.u32 $0xAAAAAAAB, s18;
	s10 =	sadd.s32 @!p0 $0x80, s11;
	s5 =	sor.u32 @!p0 $0x400, s5  }
0x4a: {  	[tilespmem:s5], [sflag:$0x7] =	stream.linear.gather @!p0 [hbm4b:s10+s21], $0x300, $0x38;
	[tilespmem:$0x1EC00] =	vst v63  }
0x4b: {  	s10 =	sshrl.u32 s9, $0x1;
	_ =	swait.ge [sflag:s23], $0x3400  }
0x4c: {  	p0 =	seq.s32 s2, $0x0;
	s5 =	smul.u32 $0xFFFFA000, s10;
	[sflag:s23] =	ssyncset.done $0x0  }
0x4d: {  	s9 =	simm.s32 @!p0 $0x6;
	[sflag:s23] =	ssyncadd.s32 $0xFFFFCC00  }
0x4e: {  	s21 =	sshra.s32 s5, $0x2;
	s5 =	sshra.s32 s2, $0x2;
	_ =	swait.ge @!p0 [sflag:s9], $0x3400  }
0x4f: {  	s21 =	sadd.s32 s5, s21;
	[sflag:s9] =	ssyncset.done @!p0 $0x0  }
0x50: {  	s10 =	sadd.s32 $0x100, s21;
	[sflag:s9] =	ssyncadd.s32 @!p0 $0xFFFFCC00  }
0x51: {  	[tilespmem:s24], [sflag:$0x3] =	stream.indirect.gather [hbm4b:s0+s19], $0x80, s10, s19, $0xb8;
	[tilespmem:$0x1EC00] =	vst v63  }
0x52: {  	s10 =	sadd.s32 $0x400, s21  }
0x53: {  	[spmem:s3] =	stream.indirect.scatter.add.f32 [tilespmem:s20], [sflag:$0x4], $0x80, s10, s19, $0xb8;
	[tilespmem:$0x1EC00] =	vst v63  }
0x54: {  	_ =	swait.ge [sflag:s25], $0x3400  }
0x55: {  	[sflag:s25] =	ssyncset.done $0x0  }
0x56: {  	[sflag:s25] =	ssyncadd.s32 $0xFFFFCC00  }
0x57: {  	_ =	swait.ge [sflag:s26], $0x3400  }
0x58: {  	[sflag:s26] =	ssyncset.done $0x0  }
0x59: {  	s10 =	sadd.s32 $0x180, s21;
	[sflag:s26] =	ssyncadd.s32 $0xFFFFCC00  }
0x5a: {  	[tilespmem:s20], [sflag:$0x1] =	stream.indirect.gather [hbm4b:s0+s19], $0x80, s10, s19, $0xb8;
	[tilespmem:$0x1EC00] =	vst v63  }
0x5b: {  	s10 =	sadd.s32 $0x480, s21  }
0x5c: {  	[spmem:s3] =	stream.indirect.scatter.add.f32 [tilespmem:s22], [sflag:$0x5], $0x80, s10, s19, $0xb8;
	[tilespmem:$0x1EC00] =	vst v63  }
0x5d: {  	_ =	swait.ge [sflag:s28], $0x3400  }
0x5e: {  	[sflag:s28] =	ssyncset.done $0x0  }
0x5f: {  	[sflag:s28] =	ssyncadd.s32 $0xFFFFCC00  }
0x60: {  	_ =	swait.ge [sflag:s29], $0x3400  }
0x61: {  	[sflag:s29] =	ssyncset.done $0x0  }
0x62: {  	s10 =	sadd.s32 $0x200, s21;
	[sflag:s29] =	ssyncadd.s32 $0xFFFFCC00  }
0x63: {  	[tilespmem:s22], [sflag:$0x2] =	stream.indirect.gather [hbm4b:s0+s19], $0x80, s10, s19, $0xb8;
	[tilespmem:$0x1EC00] =	vst v63  }
0x64: {  	s10 =	sadd.s32 $0x500, s21  }
0x65: {  	[spmem:s3] =	stream.indirect.scatter.add.f32 [tilespmem:s24], [sflag:$0x6], $0x80, s10, s19, $0xb8;
	[tilespmem:$0x1EC00] =	vst v63  }
0x66: {  	_ =	swait.ge [sflag:s23], $0x3400  }
0x67: {  	[sflag:s23] =	ssyncset.done $0x0  }
0x68: {  	[sflag:s23] =	ssyncadd.s32 $0xFFFFCC00  }
0x69: {  	_ =	swait.ge [sflag:s30], $0x3400  }
0x6a: {  	[sflag:s30] =	ssyncset.done $0x0  }
0x6b: {  	s10 =	sadd.s32 $0x280, s21;
	[sflag:s30] =	ssyncadd.s32 $0xFFFFCC00  }
0x6c: {  	[tilespmem:s24], [sflag:$0x3] =	stream.indirect.gather [hbm4b:s0+s19], $0x80, s10, s19, $0xb8;
	[tilespmem:$0x1EC00] =	vst v63  }
0x6d: {  	s10 =	sadd.s32 $0x580, s21  }
0x6e: {  	[spmem:s3] =	stream.indirect.scatter.add.f32 [tilespmem:s20], [sflag:$0x4], $0x80, s10, s19, $0xb8;
	[tilespmem:$0x1EC00] =	vst v63  }
0x6f: {  	p0 =	sne.s32 s2, $0x3E000;
	_ =	swait.ge [sflag:s25], $0x3400  }
.Ltmp2:
0x70: {  	[sflag:s25] =	ssyncset.done $0x0;
	(pc) =	sbr.rel @!p0 .LBB2_3-.Ltmp2, $4  }
0x71: {  	[sflag:s25] =	ssyncadd.s32 $0xFFFFCC00  }
0x72: {  	_ =	swait.ge [sflag:s26], $0x3400  }
0x73: {  	[sflag:s26] =	ssyncset.done $0x0  }
0x74: {  	[sflag:s26] =	ssyncadd.s32 $0xFFFFCC00  }
0x75: {  	s9 =	smulhi.u32 $0xAAAAAAAB, s1;
	_ =	sdelay $0x1  }
0x76: {  	s9 =	sshrl.u32 s9, $0x1  }
0x77: {  	s9 =	smul.u32 $0xFFFFA000, s9;
	_ =	sdelay $0x1  }
0x78: {  	s9 =	sshra.s32 s9, $0x2  }
0x79: {  	s5 =	sadd.s32 s5, s9  }
0x7a: {  	s9 =	sadd.s32 $0x800, s5  }
0x7b: {  	[tilespmem:s20], [sflag:$0x1] =	stream.indirect.gather [hbm4b:s0+s19], $0x80, s9, s19, $0xb8;
	[tilespmem:$0x1EC00] =	vst v63  }
0x7c: {  	s10 =	sadd.s32 $0x600, s21  }
0x7d: {  	[spmem:s3] =	stream.indirect.scatter.add.f32 [tilespmem:s22], [sflag:$0x5], $0x80, s10, s19, $0xb8;
	[tilespmem:$0x1EC00] =	vst v63  }
0x7e: {  	_ =	swait.ge [sflag:s28], $0x3400  }
0x7f: {  	[sflag:s28] =	ssyncset.done $0x0  }
0x80: {  	s2 =	sadd.s32 $0x2000, s2;
	[sflag:s28] =	ssyncadd.s32 $0xFFFFCC00  }
0x81: {  	s21 =	sadd.s32 $0x680, s21;
	p0 =	sne.s32 s2, $0x40000;
	_ =	swait.ge [sflag:s29], $0x3400  }
.Ltmp3:
0x82: {  	s11 =	sadd.s32 $0x100, s11;
	[sflag:s29] =	ssyncset.done $0x0;
	(pc) =	sbr.rel @p0 .LBB2_2-.Ltmp3, $4  }
.Ltmp4:
0x83: {  	s5 =	sadd.s32 $0x880, s5;
	[sflag:s29] =	ssyncadd.s32 $0xFFFFCC00;
	(pc) =	sbr.rel @!p0 .LBB2_5-.Ltmp4, $4  }
0x84: {  	[tilespmem:s22], [sflag:$0x2] =	stream.indirect.gather [hbm4b:s0+s19], $0x80, s5, s19, $0xb8;
	[tilespmem:$0x1EC00] =	vst v63  }
0x85: {  	s15 =	sadd.s32 $0x1, s15;
	s1 =	sadd.s32 $0x1, s1;
	s18 =	sadd.s32 $0x1, s18  }
0x86: {  	[spmem:s3] =	stream.indirect.scatter.add.f32 [tilespmem:s24], [sflag:$0x6], $0x80, s21, s19, $0xb8;
	[tilespmem:$0x1EC00] =	vst v63  }
0x87: {  	_ = 	snop  }
.LBB2_6:
0x88: {  	_ =	sfence.sel $0x180000  }
0x89: {  	[bflag:$0x0] =	sbarrier.arrive $0xFFFF  }
0x8a: {  	_ =	strace $0x90000050  }
0x8b: {  	s0 =	stileid.u32;
	[bflag:$0x2] =	sbarrier.arrive $0xFFFF  }
0x8c: {  	p0 =	sne.s32 s0, $0x0;
	s0 =	rddreg [dreg:$0x3]  }
0x8d: {  	s0 =	sadd.s32 @!p0 $0x100000, s0  }
0x8e: {  	[sflag:s0] =	ssyncadd.tile.s32 @!p0 $0x1;
	_ =	shalt  }
.Lfunc_end2:
_tile_overlayer_lowered:
.L_overlay_start_2:
0x8f: {  	(tag) =	ssettag $0x2  }
0x90: {  	s0 =	rddreg [dreg:$0x0];
	s2 =	stileid.u32  }
0x91: {  	s1 =	rddreg [dreg:$0x1];
	p0 =	sne.s32 s2, $0x0  }
0x92: {  	s3 =	rddreg [dreg:$0x2];
	[bflag:$0x3] =	sbarrier.arrive $0xFFFF;
	s2 =	simm.s32 @!p0 $0x1C08  }
0x93: {  	[timem:s3], [sflag:s2] =	dma.local @!p0 [hbm:s0], s1  }
0x94: {  	s0 =	simm.s32 @!p0 $0x8  }
0x95: {  	_ =	swait.ge @!p0 [sflag:s0], s1  }
0x96: {  	s1 =	ssub.s32 @!p0 $0x0, s1;
	[sflag:s0] =	ssyncset.done @!p0 $0x0  }
0x97: {  	[sflag:s0] =	ssyncadd.s32 @!p0 s1  }
0x98: {  	[bflag:$0x3] =	sbarrier.arrive $0xFFFF  }
0x99: {  	_ =	shalt  }

</sc_bundles>
